<compile_context>
chip_gen: v7x
topology: tpu7x:2x2x1
jax: 0.10.2.dev20260603
libtpu: 0.0.44.dev20260713+nightly
codegen_flags: <defaults>
</compile_context>

<pallas_src>
import functools

import jax
import jax.numpy as jnp
from jax import lax
from jax.experimental import pallas as pl
from jax.experimental.pallas import tpu as pltpu
from jax.experimental.pallas import tpu_sc as plsc

N = 10000
E = 320000
D = 128
G = 64

NC = 2
NS = 16
NW = NC * NS
EPW = E // NW
CHUNK = 80
NCH = EPW // CHUNK
QCH = 32
STAGES = [32, 32, 32, 29]
RPW = 624
TAIL = N - NS * RPW
TAIL_OFF = NS * RPW


def _sc_aggregate(h, src_r, dst_r):
    mesh = plsc.VectorSubcoreMesh(core_axis_name="c", subcore_axis_name="s")

    @functools.partial(
        pl.kernel,
        out_type=jax.ShapeDtypeStruct((NC, N, D), jnp.float32),
        mesh=mesh,
        scratch_types=[
            pltpu.VMEM_SHARED((N, D), jnp.float32),
            pltpu.VMEM((QCH, CHUNK), jnp.int32),
            pltpu.VMEM((QCH, CHUNK), jnp.int32),
            pltpu.VMEM((CHUNK, D), jnp.float32),
            pltpu.VMEM((CHUNK, D), jnp.float32),
            pltpu.SemaphoreType.DMA,
            pltpu.SemaphoreType.DMA,
        ],
    )
    def k(h_hbm, src_hbm, dst_hbm, out_hbm, acc_sh, src_v, dst_v,
          rows_a, rows_b, sem_a, sem_b):
        c = lax.axis_index("c")
        s = lax.axis_index("s")
        wid = c * NS + s
        base = s * RPW
        pltpu.sync_copy(h_hbm.at[pl.ds(base, RPW)], acc_sh.at[pl.ds(base, RPW)])

        @pl.when(s == 0)
        def _():
            pltpu.sync_copy(h_hbm.at[pl.ds(TAIL_OFF, TAIL)],
                            acc_sh.at[pl.ds(TAIL_OFF, TAIL)])

        plsc.subcore_barrier()

        off = 0
        for n in STAGES:
            pltpu.sync_copy(src_hbm.at[wid, pl.ds(off, n)],
                            src_v.at[pl.ds(0, n)])
            pltpu.sync_copy(dst_hbm.at[wid, pl.ds(off, n)],
                            dst_v.at[pl.ds(0, n)])
            pltpu.async_copy(h_hbm.at[src_v.at[0]], rows_a, sem_a)

            def pair(i, carry, n=n):
                j = 2 * i
                pltpu.async_copy(h_hbm.at[src_v.at[j + 1]], rows_b, sem_b)
                pltpu.make_async_copy(h_hbm.at[src_v.at[j]], rows_a,
                                      sem_a).wait()
                pltpu.sync_copy(rows_a, acc_sh.at[dst_v.at[j]], add=True)

                @pl.when(j + 2 < n)
                def _():
                    pltpu.async_copy(h_hbm.at[src_v.at[j + 2]], rows_a, sem_a)

                pltpu.make_async_copy(h_hbm.at[src_v.at[j + 1]], rows_b,
                                      sem_b).wait()
                pltpu.sync_copy(rows_b, acc_sh.at[dst_v.at[j + 1]], add=True)
                return carry

            lax.fori_loop(0, n // 2, pair, 0)
            if n % 2:
                pltpu.make_async_copy(h_hbm.at[src_v.at[n - 1]], rows_a,
                                      sem_a).wait()
                pltpu.sync_copy(rows_a, acc_sh.at[dst_v.at[n - 1]], add=True)
            off += n
        plsc.subcore_barrier()
        pltpu.sync_copy(acc_sh.at[pl.ds(base, RPW)],
                        out_hbm.at[c, pl.ds(base, RPW)])

        @pl.when(s == 0)
        def _():
            pltpu.sync_copy(acc_sh.at[pl.ds(TAIL_OFF, TAIL)],
                            out_hbm.at[c, pl.ds(TAIL_OFF, TAIL)])

    return k(h, src_r, dst_r)


MLP_BLK = 400


def _mlp_pass(a, h, w1, b1, w2, b2):

    def kern(a_ref, h_ref, w1_ref, b1_ref, w2_ref, b2_ref, t_ref, st_ref):
        i = pl.program_id(0)
        m = a_ref[0] + a_ref[1] - h_ref[...]
        t = jnp.maximum(
            jnp.dot(m.astype(jnp.bfloat16),
                    w1_ref[...].astype(jnp.bfloat16),
                    preferred_element_type=jnp.float32)
            + b1_ref[...], 0.0)
        t = (jnp.dot(t.astype(jnp.bfloat16),
                     w2_ref[...].astype(jnp.bfloat16),
                     preferred_element_type=jnp.float32)
             + b2_ref[...])
        t_ref[...] = t

        @pl.when(i == 0)
        def _():
            st_ref[...] = jnp.zeros_like(st_ref)

        su = jnp.sum(t, axis=0, keepdims=True)
        sq = jnp.sum(t * t, axis=0, keepdims=True)
        st_ref[...] += jnp.concatenate([su, sq], axis=0)

    grid = N // MLP_BLK
    return pl.pallas_call(
        kern,
        grid=(grid,),
        in_specs=[
            pl.BlockSpec((NC, MLP_BLK, D), lambda i: (0, i, 0)),
            pl.BlockSpec((MLP_BLK, D), lambda i: (i, 0)),
            pl.BlockSpec((D, D), lambda i: (0, 0)),
            pl.BlockSpec((1, D), lambda i: (0, 0)),
            pl.BlockSpec((D, D), lambda i: (0, 0)),
            pl.BlockSpec((1, D), lambda i: (0, 0)),
        ],
        out_specs=[
            pl.BlockSpec((MLP_BLK, D), lambda i: (i, 0)),
            pl.BlockSpec((2, D), lambda i: (0, 0)),
        ],
        out_shape=[
            jax.ShapeDtypeStruct((N, D), jnp.float32),
            jax.ShapeDtypeStruct((2, D), jnp.float32),
        ],
    )(a, h, w1, b1.reshape(1, D), w2, b2.reshape(1, D))


BN_BLK = 2000


def _bn_relu(t, st, gamma, beta):

    def kern(t_ref, st_ref, g_ref, b_ref, o_ref):
        mean = st_ref[0:1, :] * (1.0 / N)
        var = st_ref[1:2, :] * (1.0 / N) - mean * mean
        scale = g_ref[...] * lax.rsqrt(var + 1e-5)
        shift = b_ref[...] - mean * scale
        o_ref[...] = jnp.maximum(t_ref[...] * scale + shift, 0.0)

    return pl.pallas_call(
        kern,
        grid=(N // BN_BLK,),
        in_specs=[
            pl.BlockSpec((BN_BLK, D), lambda i: (i, 0)),
            pl.BlockSpec((2, D), lambda i: (0, 0)),
            pl.BlockSpec((1, D), lambda i: (0, 0)),
            pl.BlockSpec((1, D), lambda i: (0, 0)),
        ],
        out_specs=pl.BlockSpec((BN_BLK, D), lambda i: (i, 0)),
        out_shape=jax.ShapeDtypeStruct((N, D), jnp.float32),
    )(t, st, gamma.reshape(1, D), beta.reshape(1, D))


POOL_BLK = 400


def _pool(h, batch3d):

    def kern(b_ref, h_ref, s_ref, c_ref):
        i = pl.program_id(0)

        @pl.when(i == 0)
        def _():
            s_ref[...] = jnp.zeros_like(s_ref)
            c_ref[...] = jnp.zeros_like(c_ref)

        seg = b_ref[0]
        onehot = (lax.broadcasted_iota(jnp.int32, (G, POOL_BLK), 0) == seg
                  ).astype(jnp.float32)
        s_ref[...] += jnp.dot(onehot, h_ref[...],
                              preferred_element_type=jnp.float32,
                              precision=lax.Precision.HIGHEST)
        c_ref[...] += jnp.broadcast_to(
            jnp.sum(onehot, axis=1, keepdims=True), (G, D))

    grid = N // POOL_BLK
    return pl.pallas_call(
        kern,
        grid=(grid,),
        in_specs=[
            pl.BlockSpec((1, 1, POOL_BLK), lambda i: (i, 0, 0)),
            pl.BlockSpec((POOL_BLK, D), lambda i: (i, 0)),
        ],
        out_specs=[
            pl.BlockSpec((G, D), lambda i: (0, 0)),
            pl.BlockSpec((G, D), lambda i: (0, 0)),
        ],
        out_shape=[
            jax.ShapeDtypeStruct((G, D), jnp.float32),
            jax.ShapeDtypeStruct((G, D), jnp.float32),
        ],
    )(batch3d, h)


def _head(s, cnt, h1_w, h1_b, h1_gamma, h1_beta,
          h2_w, h2_b, h2_gamma, h2_beta, out_w, out_b):
    C = out_w.shape[1]
    H2 = h2_w.shape[1]

    def kern(s_ref, c_ref, w1_ref, b1_ref, g1_ref, be1_ref,
             w2_ref, b2_ref, g2_ref, be2_ref, wo_ref, bo_ref, o_ref):
        p = s_ref[...] / jnp.maximum(c_ref[...], 1.0)
        p = jnp.dot(p.astype(jnp.bfloat16),
                    w1_ref[...].astype(jnp.bfloat16),
                    preferred_element_type=jnp.float32) + b1_ref[...]
        mean = jnp.mean(p, axis=0, keepdims=True)
        var = jnp.mean(p * p, axis=0, keepdims=True) - mean * mean
        p = jnp.maximum(
            g1_ref[...] * (p - mean) * lax.rsqrt(var + 1e-5) + be1_ref[...],
            0.0)
        p = jnp.dot(p.astype(jnp.bfloat16),
                    w2_ref[...].astype(jnp.bfloat16),
                    preferred_element_type=jnp.float32) + b2_ref[...]
        mean = jnp.mean(p, axis=0, keepdims=True)
        var = jnp.mean(p * p, axis=0, keepdims=True) - mean * mean
        p = jnp.maximum(
            g2_ref[...] * (p - mean) * lax.rsqrt(var + 1e-5) + be2_ref[...],
            0.0)
        o_ref[...] = jnp.dot(p.astype(jnp.bfloat16),
                             wo_ref[...].astype(jnp.bfloat16),
                             preferred_element_type=jnp.float32) + bo_ref[...]

    return pl.pallas_call(
        kern,
        out_shape=jax.ShapeDtypeStruct((G, C), jnp.float32),
    )(s, cnt, h1_w, h1_b.reshape(1, D), h1_gamma.reshape(1, D),
      h1_beta.reshape(1, D), h2_w, h2_b.reshape(1, H2),
      h2_gamma.reshape(1, H2), h2_beta.reshape(1, H2), out_w,
      out_b.reshape(1, C))


def kernel(x, edge_index, batch,
           g0_w1, g0_b1, g0_w2, g0_b2, g0_gamma, g0_beta,
           g1_w1, g1_b1, g1_w2, g1_b2, g1_gamma, g1_beta,
           g2_w1, g2_b1, g2_w2, g2_b2, g2_gamma, g2_beta,
           h1_w, h1_b, h1_gamma, h1_beta,
           h2_w, h2_b, h2_gamma, h2_beta,
           out_w, out_b):
    src_r = edge_index[0].reshape(NW, NCH, CHUNK)
    dst_r = edge_index[1].reshape(NW, NCH, CHUNK)
    batch3d = batch.reshape(N // POOL_BLK, 1, POOL_BLK)

    h = x
    for (w1, b1, w2, b2, gamma, beta) in (
            (g0_w1, g0_b1, g0_w2, g0_b2, g0_gamma, g0_beta),
            (g1_w1, g1_b1, g1_w2, g1_b2, g1_gamma, g1_beta),
            (g2_w1, g2_b1, g2_w2, g2_b2, g2_gamma, g2_beta)):
        a = _sc_aggregate(h, src_r, dst_r)
        t, st = _mlp_pass(a, h, w1, b1, w2, b2)
        h = _bn_relu(t, st, gamma, beta)

    s, cnt = _pool(h, batch3d)
    return _head(s, cnt, h1_w, h1_b, h1_gamma, h1_beta,
                 h2_w, h2_b, h2_gamma, h2_beta, out_w, out_b)

# --- scband reference (transcript-rebuilt; emitter-appended) ---
"""Pipeline reference for scband-gin-4681514352775 (READ-ONLY COPY).

The authoritative reference and input builder live on the scoring server;
editing this copy changes nothing except your own understanding.
"""

import jax, jax.numpy as jnp
import numpy as np

N = 10000
E = 320000
D = 128
H = 128
C = 10
G = 64


def setup_inputs(seed: int = 0) -> dict:
    key = jax.random.key(seed)
    ks = jax.random.split(key, 32)
    inp = {}
    inp["x"] = jax.random.normal(ks[0], (N, D), dtype=jnp.float32)
    inp["edge_index"] = jax.random.randint(ks[1], (2, E), 0, N, dtype=jnp.int32)
    inp["batch"] = jnp.sort(jax.random.randint(ks[2], (N,), 0, G, dtype=jnp.int32))
    s = 0.05
    i = 3
    for l, (di, do) in enumerate([(D, H), (H, H), (H, H)]):
        inp[f"g{l}_w1"] = jax.random.normal(ks[i], (di, do), dtype=jnp.float32) * s; i += 1
        inp[f"g{l}_b1"] = jnp.zeros((do,), dtype=jnp.float32)
        inp[f"g{l}_w2"] = jax.random.normal(ks[i], (do, do), dtype=jnp.float32) * s; i += 1
        inp[f"g{l}_b2"] = jnp.zeros((do,), dtype=jnp.float32)
        inp[f"g{l}_gamma"] = jnp.ones((do,), dtype=jnp.float32)
        inp[f"g{l}_beta"] = jnp.zeros((do,), dtype=jnp.float32)
    inp["h1_w"] = jax.random.normal(ks[i], (H, H), dtype=jnp.float32) * s; i += 1
    inp["h1_b"] = jnp.zeros((H,), jnp.float32)
    inp["h1_gamma"] = jnp.ones((H,), jnp.float32)
    inp["h1_beta"] = jnp.zeros((H,), jnp.float32)
    inp["h2_w"] = jax.random.normal(ks[i], (H, H // 2), dtype=jnp.float32) * s; i += 1
    inp["h2_b"] = jnp.zeros((H // 2,), jnp.float32)
    inp["h2_gamma"] = jnp.ones((H // 2,), jnp.float32)
    inp["h2_beta"] = jnp.zeros((H // 2,), jnp.float32)
    inp["out_w"] = jax.random.normal(ks[i], (H // 2, C), dtype=jnp.float32) * s; i += 1
    inp["out_b"] = jnp.zeros((C,), jnp.float32)
    return inp


def _bn(h, gamma, beta):
    m = jnp.mean(h, axis=0)
    v = jnp.var(h, axis=0)
    return gamma * (h - m) * jax.lax.rsqrt(v + 1e-5) + beta


def reference(x, edge_index, batch,
              g0_w1, g0_b1, g0_w2, g0_b2, g0_gamma, g0_beta,
              g1_w1, g1_b1, g1_w2, g1_b2, g1_gamma, g1_beta,
              g2_w1, g2_b1, g2_w2, g2_b2, g2_gamma, g2_beta,
              h1_w, h1_b, h1_gamma, h1_beta,
              h2_w, h2_b, h2_gamma, h2_beta,
              out_w, out_b):
    src = edge_index[0]
    dst = edge_index[1]
    layers = [
        (g0_w1, g0_b1, g0_w2, g0_b2, g0_gamma, g0_beta),
        (g1_w1, g1_b1, g1_w2, g1_b2, g1_gamma, g1_beta),
        (g2_w1, g2_b1, g2_w2, g2_b2, g2_gamma, g2_beta),
    ]
    h = x
    for w1, b1, w2, b2, gamma, beta in layers:
        # GINConv with eps=0: mlp((1+eps)*x + sum_{j in N(i)} x_j)
        aggr = jax.ops.segment_sum(h[src], dst, num_segments=N)
        m = h + aggr
        m = jnp.maximum(m @ w1 + b1, 0.0)
        m = m @ w2 + b2
        h = jnp.maximum(_bn(m, gamma, beta), 0.0)
        # dropout is identity in eval mode
    sums = jax.ops.segment_sum(h, batch, num_segments=G)
    cnt = jax.ops.segment_sum(jnp.ones((N, 1), jnp.float32), batch, num_segments=G)
    p = sums / jnp.maximum(cnt, 1.0)
    p = p @ h1_w + h1_b
    p = jnp.maximum(_bn(p, h1_gamma, h1_beta), 0.0)
    p = p @ h2_w + h2_b
    p = jnp.maximum(_bn(p, h2_gamma, h2_beta), 0.0)
    return p @ out_w + out_b

if __name__ == "__main__":
    import jax
    _d = setup_inputs()
    print(jax.jit(kernel)(*tuple(_d.values())))

</pallas_src>

<mosaic_0001>
#map = affine_map<(d0, d1) -> (0, 0)>
#map1 = affine_map<(d0, d1) -> (0, 0, 0)>
module attributes {stable_mosaic.version = 14 : i64} {
  func.func @k(%arg0: i32, %arg1: i32, %arg2: memref<10000x128xf32, #tpu.memory_space<hbm>>, %arg3: memref<32x125x80xi32, #tpu.memory_space<hbm>>, %arg4: memref<32x125x80xi32, #tpu.memory_space<hbm>>, %arg5: memref<2x10000x128xf32, #tpu.memory_space<hbm>>, %arg6: memref<10000x128xf32, #tpu.memory_space<vmem_shared>>, %arg7: memref<32x80xi32, #tpu.memory_space<vmem>>, %arg8: memref<32x80xi32, #tpu.memory_space<vmem>>, %arg9: memref<80x128xf32, #tpu.memory_space<vmem>>, %arg10: memref<80x128xf32, #tpu.memory_space<vmem>>, %arg11: memref<!tpu.dma_semaphore, #tpu.memory_space<semaphore_mem>>, %arg12: memref<!tpu.dma_semaphore, #tpu.memory_space<semaphore_mem>>) attributes {dimension_semantics = [#tpu.dimension_semantics<core_parallel>, #tpu.dimension_semantics<subcore_parallel>], iteration_bounds = array<i64: 2, 16>, scalar_prefetch = 0 : i64, scratch_operands = 7 : i64, tpu.core_type = #tpu.core_type<sc_vector_subcore>, window_params = [{transform_indices = #map}, {transform_indices = #map1}, {transform_indices = #map1}, {transform_indices = #map1}]} {
    %mul3A = arith.constant 16 : i32
    %mul3A_0 = arith.muli %arg0, %mul3A : i32
    %add3A = arith.addi %mul3A_0, %arg1 : i32
    %mul3A_1 = arith.constant 624 : i32
    %mul3A_2 = arith.muli %arg1, %mul3A_1 : i32
    "tpu.region"() ({
      %run_scoped3A_67 = tpu.sem_alloc : memref<!tpu.dma_semaphore, #tpu.memory_space<semaphore_mem>>
      %dma_start3A_68 = arith.constant 0 : i32
      %dma_start3A_69 = tpu.memref_slice %arg6[%mul3A_2, %dma_start3A_68] : memref<10000x128xf32, #tpu.memory_space<vmem_shared>> -> memref<624x128xf32, #tpu.memory_space<vmem_shared>>
      %dma_start3A_70 = arith.constant 0 : i32
      %dma_start3A_71 = tpu.memref_slice %arg2[%mul3A_2, %dma_start3A_70] : memref<10000x128xf32, #tpu.memory_space<hbm>> -> memref<624x128xf32, #tpu.memory_space<hbm>>
      tpu.enqueue_dma source(%dma_start3A_71 : memref<624x128xf32, #tpu.memory_space<hbm>>) target(%dma_start3A_69 : memref<624x128xf32, #tpu.memory_space<vmem_shared>>) target_semaphore(%run_scoped3A_67 : memref<!tpu.dma_semaphore, #tpu.memory_space<semaphore_mem>>)
      %dma_wait3A_72 = arith.constant 0 : i32
      %dma_wait3A_73 = tpu.memref_slice %arg6[%mul3A_2, %dma_wait3A_72] : memref<10000x128xf32, #tpu.memory_space<vmem_shared>> -> memref<624x128xf32, #tpu.memory_space<vmem_shared>>
      %dma_wait3A_74 = arith.constant 0 : i32
      %dma_wait3A_75 = tpu.memref_slice %arg2[%mul3A_2, %dma_wait3A_74] : memref<10000x128xf32, #tpu.memory_space<hbm>> -> memref<624x128xf32, #tpu.memory_space<hbm>>
      tpu.wait_dma2 semaphore(%run_scoped3A_67 : memref<!tpu.dma_semaphore, #tpu.memory_space<semaphore_mem>>) src(%dma_wait3A_75 : memref<624x128xf32, #tpu.memory_space<hbm>>) dst(%dma_wait3A_73 : memref<624x128xf32, #tpu.memory_space<vmem_shared>>)
      tpu.yield
    }) : () -> ()
    %eq3A = arith.constant 0 : i32
    %eq3A_3 = arith.cmpi eq, %arg1, %eq3A : i32
    %convert_element_type3A = arith.extui %eq3A_3 : i1 to i32
    %cond3A = arith.constant 0 : i32
    %cond3A_4 = arith.cmpi ne, %convert_element_type3A, %cond3A : i32
    scf.if %cond3A_4 {
      "tpu.region"() ({
        %run_scoped3A_67 = tpu.sem_alloc : memref<!tpu.dma_semaphore, #tpu.memory_space<semaphore_mem>>
        %dma_start3A_68 = arith.constant 9984 : i32
        %dma_start3A_69 = arith.constant 0 : i32
        %dma_start3A_70 = tpu.memref_slice %arg6[%dma_start3A_68, %dma_start3A_69] : memref<10000x128xf32, #tpu.memory_space<vmem_shared>> -> memref<16x128xf32, #tpu.memory_space<vmem_shared>>
        %dma_start3A_71 = arith.constant 9984 : i32
        %dma_start3A_72 = arith.constant 0 : i32
        %dma_start3A_73 = tpu.memref_slice %arg2[%dma_start3A_71, %dma_start3A_72] : memref<10000x128xf32, #tpu.memory_space<hbm>> -> memref<16x128xf32, #tpu.memory_space<hbm>>
        tpu.enqueue_dma source(%dma_start3A_73 : memref<16x128xf32, #tpu.memory_space<hbm>>) target(%dma_start3A_70 : memref<16x128xf32, #tpu.memory_space<vmem_shared>>) target_semaphore(%run_scoped3A_67 : memref<!tpu.dma_semaphore, #tpu.memory_space<semaphore_mem>>)
        %dma_wait3A_74 = arith.constant 9984 : i32
        %dma_wait3A_75 = arith.constant 0 : i32
        %dma_wait3A_76 = tpu.memref_slice %arg6[%dma_wait3A_74, %dma_wait3A_75] : memref<10000x128xf32, #tpu.memory_space<vmem_shared>> -> memref<16x128xf32, #tpu.memory_space<vmem_shared>>
        %dma_wait3A_77 = arith.constant 9984 : i32
        %dma_wait3A_78 = arith.constant 0 : i32
        %dma_wait3A_79 = tpu.memref_slice %arg2[%dma_wait3A_77, %dma_wait3A_78] : memref<10000x128xf32, #tpu.memory_space<hbm>> -> memref<16x128xf32, #tpu.memory_space<hbm>>
        tpu.wait_dma2 semaphore(%run_scoped3A_67 : memref<!tpu.dma_semaphore, #tpu.memory_space<semaphore_mem>>) src(%dma_wait3A_79 : memref<16x128xf32, #tpu.memory_space<hbm>>) dst(%dma_wait3A_76 : memref<16x128xf32, #tpu.memory_space<vmem_shared>>)
        tpu.yield
      }) : () -> ()
    } else {
    }
    %barrier3A = arith.constant 0 : index
    tpu.barrier barrier_id(%barrier3A)
    "tpu.region"() ({
      %run_scoped3A_67 = tpu.sem_alloc : memref<!tpu.dma_semaphore, #tpu.memory_space<semaphore_mem>>
      %dma_start3A_68 = arith.constant 0 : i32
      %dma_start3A_69 = arith.constant 0 : i32
      %dma_start3A_70 = tpu.memref_slice %arg7[%dma_start3A_68, %dma_start3A_69] : memref<32x80xi32, #tpu.memory_space<vmem>> -> memref<32x80xi32, #tpu.memory_space<vmem>>
      %dma_start3A_71 = arith.constant 0 : i32
      %dma_start3A_72 = arith.constant 0 : i32
      %dma_start3A_73 = tpu.memref_slice %arg3[%add3A, %dma_start3A_71, %dma_start3A_72] : memref<32x125x80xi32, #tpu.memory_space<hbm>> -> memref<1x32x80xi32, #tpu.memory_space<hbm>>
      %dma_start3A_74 = tpu.memref_squeeze %dma_start3A_73 : memref<1x32x80xi32, #tpu.memory_space<hbm>> -> memref<32x80xi32, #tpu.memory_space<hbm>>
      %dma_start3A_75 = arith.constant 0 : i32
      %dma_start3A_76 = arith.constant 0 : i32
      %dma_start3A_77 = tpu.memref_slice %arg7[%dma_start3A_75, %dma_start3A_76] : memref<32x80xi32, #tpu.memory_space<vmem>> -> memref<32x80xi32, #tpu.memory_space<vmem>>
      %dma_start3A_78 = arith.constant 0 : i32
      %dma_start3A_79 = arith.constant 0 : i32
      %dma_start3A_80 = tpu.memref_slice %arg3[%add3A, %dma_start3A_78, %dma_start3A_79] : memref<32x125x80xi32, #tpu.memory_space<hbm>> -> memref<1x32x80xi32, #tpu.memory_space<hbm>>
      %dma_start3A_81 = tpu.memref_squeeze %dma_start3A_80 : memref<1x32x80xi32, #tpu.memory_space<hbm>> -> memref<32x80xi32, #tpu.memory_space<hbm>>
      tpu.enqueue_dma source(%dma_start3A_81 : memref<32x80xi32, #tpu.memory_space<hbm>>) target(%dma_start3A_77 : memref<32x80xi32, #tpu.memory_space<vmem>>) target_semaphore(%run_scoped3A_67 : memref<!tpu.dma_semaphore, #tpu.memory_space<semaphore_mem>>)
      %dma_wait3A_82 = arith.constant 0 : i32
      %dma_wait3A_83 = arith.constant 0 : i32
      %dma_wait3A_84 = tpu.memref_slice %arg7[%dma_wait3A_82, %dma_wait3A_83] : memref<32x80xi32, #tpu.memory_space<vmem>> -> memref<32x80xi32, #tpu.memory_space<vmem>>
      %dma_wait3A_85 = arith.constant 0 : i32
      %dma_wait3A_86 = arith.constant 0 : i32
      %dma_wait3A_87 = tpu.memref_slice %arg3[%add3A, %dma_wait3A_85, %dma_wait3A_86] : memref<32x125x80xi32, #tpu.memory_space<hbm>> -> memref<1x32x80xi32, #tpu.memory_space<hbm>>
      %dma_wait3A_88 = tpu.memref_squeeze %dma_wait3A_87 : memref<1x32x80xi32, #tpu.memory_space<hbm>> -> memref<32x80xi32, #tpu.memory_space<hbm>>
      %dma_wait3A_89 = arith.constant 0 : i32
      %dma_wait3A_90 = arith.constant 0 : i32
      %dma_wait3A_91 = tpu.memref_slice %arg7[%dma_wait3A_89, %dma_wait3A_90] : memref<32x80xi32, #tpu.memory_space<vmem>> -> memref<32x80xi32, #tpu.memory_space<vmem>>
      %dma_wait3A_92 = arith.constant 0 : i32
      %dma_wait3A_93 = arith.constant 0 : i32
      %dma_wait3A_94 = tpu.memref_slice %arg3[%add3A, %dma_wait3A_92, %dma_wait3A_93] : memref<32x125x80xi32, #tpu.memory_space<hbm>> -> memref<1x32x80xi32, #tpu.memory_space<hbm>>
      %dma_wait3A_95 = tpu.memref_squeeze %dma_wait3A_94 : memref<1x32x80xi32, #tpu.memory_space<hbm>> -> memref<32x80xi32, #tpu.memory_space<hbm>>
      tpu.wait_dma2 semaphore(%run_scoped3A_67 : memref<!tpu.dma_semaphore, #tpu.memory_space<semaphore_mem>>) src(%dma_wait3A_95 : memref<32x80xi32, #tpu.memory_space<hbm>>) dst(%dma_wait3A_91 : memref<32x80xi32, #tpu.memory_space<vmem>>)
      tpu.yield
    }) : () -> ()
    "tpu.region"() ({
      %run_scoped3A_67 = tpu.sem_alloc : memref<!tpu.dma_semaphore, #tpu.memory_space<semaphore_mem>>
      %dma_start3A_68 = arith.constant 0 : i32
      %dma_start3A_69 = arith.constant 0 : i32
      %dma_start3A_70 = tpu.memref_slice %arg8[%dma_start3A_68, %dma_start3A_69] : memref<32x80xi32, #tpu.memory_space<vmem>> -> memref<32x80xi32, #tpu.memory_space<vmem>>
      %dma_start3A_71 = arith.constant 0 : i32
      %dma_start3A_72 = arith.constant 0 : i32
      %dma_start3A_73 = tpu.memref_slice %arg4[%add3A, %dma_start3A_71, %dma_start3A_72] : memref<32x125x80xi32, #tpu.memory_space<hbm>> -> memref<1x32x80xi32, #tpu.memory_space<hbm>>
      %dma_start3A_74 = tpu.memref_squeeze %dma_start3A_73 : memref<1x32x80xi32, #tpu.memory_space<hbm>> -> memref<32x80xi32, #tpu.memory_space<hbm>>
      %dma_start3A_75 = arith.constant 0 : i32
      %dma_start3A_76 = arith.constant 0 : i32
      %dma_start3A_77 = tpu.memref_slice %arg8[%dma_start3A_75, %dma_start3A_76] : memref<32x80xi32, #tpu.memory_space<vmem>> -> memref<32x80xi32, #tpu.memory_space<vmem>>
      %dma_start3A_78 = arith.constant 0 : i32
      %dma_start3A_79 = arith.constant 0 : i32
      %dma_start3A_80 = tpu.memref_slice %arg4[%add3A, %dma_start3A_78, %dma_start3A_79] : memref<32x125x80xi32, #tpu.memory_space<hbm>> -> memref<1x32x80xi32, #tpu.memory_space<hbm>>
      %dma_start3A_81 = tpu.memref_squeeze %dma_start3A_80 : memref<1x32x80xi32, #tpu.memory_space<hbm>> -> memref<32x80xi32, #tpu.memory_space<hbm>>
      tpu.enqueue_dma source(%dma_start3A_81 : memref<32x80xi32, #tpu.memory_space<hbm>>) target(%dma_start3A_77 : memref<32x80xi32, #tpu.memory_space<vmem>>) target_semaphore(%run_scoped3A_67 : memref<!tpu.dma_semaphore, #tpu.memory_space<semaphore_mem>>)
      %dma_wait3A_82 = arith.constant 0 : i32
      %dma_wait3A_83 = arith.constant 0 : i32
      %dma_wait3A_84 = tpu.memref_slice %arg8[%dma_wait3A_82, %dma_wait3A_83] : memref<32x80xi32, #tpu.memory_space<vmem>> -> memref<32x80xi32, #tpu.memory_space<vmem>>
      %dma_wait3A_85 = arith.constant 0 : i32
      %dma_wait3A_86 = arith.constant 0 : i32
      %dma_wait3A_87 = tpu.memref_slice %arg4[%add3A, %dma_wait3A_85, %dma_wait3A_86] : memref<32x125x80xi32, #tpu.memory_space<hbm>> -> memref<1x32x80xi32, #tpu.memory_space<hbm>>
      %dma_wait3A_88 = tpu.memref_squeeze %dma_wait3A_87 : memref<1x32x80xi32, #tpu.memory_space<hbm>> -> memref<32x80xi32, #tpu.memory_space<hbm>>
      %dma_wait3A_89 = arith.constant 0 : i32
      %dma_wait3A_90 = arith.constant 0 : i32
      %dma_wait3A_91 = tpu.memref_slice %arg8[%dma_wait3A_89, %dma_wait3A_90] : memref<32x80xi32, #tpu.memory_space<vmem>> -> memref<32x80xi32, #tpu.memory_space<vmem>>
      %dma_wait3A_92 = arith.constant 0 : i32
      %dma_wait3A_93 = arith.constant 0 : i32
      %dma_wait3A_94 = tpu.memref_slice %arg4[%add3A, %dma_wait3A_92, %dma_wait3A_93] : memref<32x125x80xi32, #tpu.memory_space<hbm>> -> memref<1x32x80xi32, #tpu.memory_space<hbm>>
      %dma_wait3A_95 = tpu.memref_squeeze %dma_wait3A_94 : memref<1x32x80xi32, #tpu.memory_space<hbm>> -> memref<32x80xi32, #tpu.memory_space<hbm>>
      tpu.wait_dma2 semaphore(%run_scoped3A_67 : memref<!tpu.dma_semaphore, #tpu.memory_space<semaphore_mem>>) src(%dma_wait3A_95 : memref<32x80xi32, #tpu.memory_space<hbm>>) dst(%dma_wait3A_91 : memref<32x80xi32, #tpu.memory_space<vmem>>)
      tpu.yield
    }) : () -> ()
    %dma_start3A = arith.constant 0 : i32
    %dma_start3A_5 = arith.constant 0 : i32
    %dma_start3A_6 = tpu.memref_slice %arg7[%dma_start3A, %dma_start3A_5] : memref<32x80xi32, #tpu.memory_space<vmem>> -> memref<1x80xi32, #tpu.memory_space<vmem>>
    %dma_start3A_7 = tpu.memref_squeeze %dma_start3A_6 : memref<1x80xi32, #tpu.memory_space<vmem>> -> memref<80xi32, #tpu.memory_space<vmem>>
    %dma_start3A_8 = arith.constant 0 : i32
    %dma_start3A_9 = arith.constant 0 : i32
    %dma_start3A_10 = tpu.memref_slice %arg2[%dma_start3A_8, %dma_start3A_9] : memref<10000x128xf32, #tpu.memory_space<hbm>> -> memref<10000x128xf32, #tpu.memory_space<hbm>>
    tpu.enqueue_indirect_dma source(%dma_start3A_10 : memref<10000x128xf32, #tpu.memory_space<hbm>>) target(%arg9 : memref<80x128xf32, #tpu.memory_space<vmem>>) offsets(%dma_start3A_7 : memref<80xi32, #tpu.memory_space<vmem>>) semaphore(%arg11 : memref<!tpu.dma_semaphore, #tpu.memory_space<semaphore_mem>>)
    %scan3A = arith.constant 0 : i32
    %scan3A_11 = arith.constant 0 : i32
    %scan3A_12 = arith.constant 16 : i32
    %scan3A_13 = arith.addi %scan3A_11, %scan3A_12 : i32
    %scan3A_14 = arith.constant 1 : i32
    scf.for %scan3A_67 = %scan3A_11 to %scan3A_13 step %scan3A_14  : i32 {
      %mul3A_68 = arith.constant 2 : i32
      %mul3A_69 = arith.muli %mul3A_68, %scan3A_67 : i32
      %add3A_70 = arith.constant 1 : i32
      %add3A_71 = arith.addi %mul3A_69, %add3A_70 : i32
      %dma_start3A_72 = arith.constant 0 : i32
      %dma_start3A_73 = tpu.memref_slice %arg7[%add3A_71, %dma_start3A_72] : memref<32x80xi32, #tpu.memory_space<vmem>> -> memref<1x80xi32, #tpu.memory_space<vmem>>
      %dma_start3A_74 = tpu.memref_squeeze %dma_start3A_73 : memref<1x80xi32, #tpu.memory_space<vmem>> -> memref<80xi32, #tpu.memory_space<vmem>>
      %dma_start3A_75 = arith.constant 0 : i32
      %dma_start3A_76 = arith.constant 0 : i32
      %dma_start3A_77 = tpu.memref_slice %arg2[%dma_start3A_75, %dma_start3A_76] : memref<10000x128xf32, #tpu.memory_space<hbm>> -> memref<10000x128xf32, #tpu.memory_space<hbm>>
      tpu.enqueue_indirect_dma source(%dma_start3A_77 : memref<10000x128xf32, #tpu.memory_space<hbm>>) target(%arg10 : memref<80x128xf32, #tpu.memory_space<vmem>>) offsets(%dma_start3A_74 : memref<80xi32, #tpu.memory_space<vmem>>) semaphore(%arg12 : memref<!tpu.dma_semaphore, #tpu.memory_space<semaphore_mem>>)
      %dma_wait3A_78 = arith.constant 0 : i32
      %dma_wait3A_79 = tpu.memref_slice %arg7[%mul3A_69, %dma_wait3A_78] : memref<32x80xi32, #tpu.memory_space<vmem>> -> memref<1x80xi32, #tpu.memory_space<vmem>>
      %dma_wait3A_80 = tpu.memref_squeeze %dma_wait3A_79 : memref<1x80xi32, #tpu.memory_space<vmem>> -> memref<80xi32, #tpu.memory_space<vmem>>
      %dma_wait3A_81 = arith.constant 0 : i32
      %dma_wait3A_82 = arith.constant 0 : i32
      %dma_wait3A_83 = tpu.memref_slice %arg2[%dma_wait3A_81, %dma_wait3A_82] : memref<10000x128xf32, #tpu.memory_space<hbm>> -> memref<10000x128xf32, #tpu.memory_space<hbm>>
      tpu.wait_indirect_dma semaphore(%arg11 : memref<!tpu.dma_semaphore, #tpu.memory_space<semaphore_mem>>) src(%dma_wait3A_83 : memref<10000x128xf32, #tpu.memory_space<hbm>>) dst(%arg9 : memref<80x128xf32, #tpu.memory_space<vmem>>)
      "tpu.region"() ({
        %run_scoped3A_100 = tpu.sem_alloc : memref<!tpu.dma_semaphore, #tpu.memory_space<semaphore_mem>>
        %dma_start3A_101 = arith.constant 0 : i32
        %dma_start3A_102 = tpu.memref_slice %arg8[%mul3A_69, %dma_start3A_101] : memref<32x80xi32, #tpu.memory_space<vmem>> -> memref<1x80xi32, #tpu.memory_space<vmem>>
        %dma_start3A_103 = tpu.memref_squeeze %dma_start3A_102 : memref<1x80xi32, #tpu.memory_space<vmem>> -> memref<80xi32, #tpu.memory_space<vmem>>
        %dma_start3A_104 = arith.constant 0 : i32
        %dma_start3A_105 = arith.constant 0 : i32
        %dma_start3A_106 = tpu.memref_slice %arg6[%dma_start3A_104, %dma_start3A_105] : memref<10000x128xf32, #tpu.memory_space<vmem_shared>> -> memref<10000x128xf32, #tpu.memory_space<vmem_shared>>
        tpu.enqueue_indirect_dma source(%arg9 : memref<80x128xf32, #tpu.memory_space<vmem>>) target(%dma_start3A_106 : memref<10000x128xf32, #tpu.memory_space<vmem_shared>>) offsets(%dma_start3A_103 : memref<80xi32, #tpu.memory_space<vmem>>) semaphore(%run_scoped3A_100 : memref<!tpu.dma_semaphore, #tpu.memory_space<semaphore_mem>>) {add = true}
        %dma_wait3A_107 = arith.constant 0 : i32
        %dma_wait3A_108 = tpu.memref_slice %arg8[%mul3A_69, %dma_wait3A_107] : memref<32x80xi32, #tpu.memory_space<vmem>> -> memref<1x80xi32, #tpu.memory_space<vmem>>
        %dma_wait3A_109 = tpu.memref_squeeze %dma_wait3A_108 : memref<1x80xi32, #tpu.memory_space<vmem>> -> memref<80xi32, #tpu.memory_space<vmem>>
        %dma_wait3A_110 = arith.constant 0 : i32
        %dma_wait3A_111 = arith.constant 0 : i32
        %dma_wait3A_112 = tpu.memref_slice %arg6[%dma_wait3A_110, %dma_wait3A_111] : memref<10000x128xf32, #tpu.memory_space<vmem_shared>> -> memref<10000x128xf32, #tpu.memory_space<vmem_shared>>
        tpu.wait_indirect_dma semaphore(%run_scoped3A_100 : memref<!tpu.dma_semaphore, #tpu.memory_space<semaphore_mem>>) src(%arg9 : memref<80x128xf32, #tpu.memory_space<vmem>>) dst(%dma_wait3A_112 : memref<10000x128xf32, #tpu.memory_space<vmem_shared>>)
        tpu.yield
      }) : () -> ()
      %add3A_84 = arith.constant 2 : i32
      %add3A_85 = arith.addi %mul3A_69, %add3A_84 : i32
      %lt3A = arith.constant 32 : i32
      %lt3A_86 = arith.cmpi slt, %add3A_85, %lt3A : i32
      %convert_element_type3A_87 = arith.extui %lt3A_86 : i1 to i32
      %cond3A_88 = arith.constant 0 : i32
      %cond3A_89 = arith.cmpi ne, %convert_element_type3A_87, %cond3A_88 : i32
      scf.if %cond3A_89 {
        %add3A_100 = arith.constant 2 : i32
        %add3A_101 = arith.addi %mul3A_69, %add3A_100 : i32
        %dma_start3A_102 = arith.constant 0 : i32
        %dma_start3A_103 = tpu.memref_slice %arg7[%add3A_101, %dma_start3A_102] : memref<32x80xi32, #tpu.memory_space<vmem>> -> memref<1x80xi32, #tpu.memory_space<vmem>>
        %dma_start3A_104 = tpu.memref_squeeze %dma_start3A_103 : memref<1x80xi32, #tpu.memory_space<vmem>> -> memref<80xi32, #tpu.memory_space<vmem>>
        %dma_start3A_105 = arith.constant 0 : i32
        %dma_start3A_106 = arith.constant 0 : i32
        %dma_start3A_107 = tpu.memref_slice %arg2[%dma_start3A_105, %dma_start3A_106] : memref<10000x128xf32, #tpu.memory_space<hbm>> -> memref<10000x128xf32, #tpu.memory_space<hbm>>
        tpu.enqueue_indirect_dma source(%dma_start3A_107 : memref<10000x128xf32, #tpu.memory_space<hbm>>) target(%arg9 : memref<80x128xf32, #tpu.memory_space<vmem>>) offsets(%dma_start3A_104 : memref<80xi32, #tpu.memory_space<vmem>>) semaphore(%arg11 : memref<!tpu.dma_semaphore, #tpu.memory_space<semaphore_mem>>)
      } else {
      }
      %add3A_90 = arith.constant 1 : i32
      %add3A_91 = arith.addi %mul3A_69, %add3A_90 : i32
      %dma_wait3A_92 = arith.constant 0 : i32
      %dma_wait3A_93 = tpu.memref_slice %arg7[%add3A_91, %dma_wait3A_92] : memref<32x80xi32, #tpu.memory_space<vmem>> -> memref<1x80xi32, #tpu.memory_space<vmem>>
      %dma_wait3A_94 = tpu.memref_squeeze %dma_wait3A_93 : memref<1x80xi32, #tpu.memory_space<vmem>> -> memref<80xi32, #tpu.memory_space<vmem>>
      %dma_wait3A_95 = arith.constant 0 : i32
      %dma_wait3A_96 = arith.constant 0 : i32
      %dma_wait3A_97 = tpu.memref_slice %arg2[%dma_wait3A_95, %dma_wait3A_96] : memref<10000x128xf32, #tpu.memory_space<hbm>> -> memref<10000x128xf32, #tpu.memory_space<hbm>>
      tpu.wait_indirect_dma semaphore(%arg12 : memref<!tpu.dma_semaphore, #tpu.memory_space<semaphore_mem>>) src(%dma_wait3A_97 : memref<10000x128xf32, #tpu.memory_space<hbm>>) dst(%arg10 : memref<80x128xf32, #tpu.memory_space<vmem>>)
      %add3A_98 = arith.constant 1 : i32
      %add3A_99 = arith.addi %mul3A_69, %add3A_98 : i32
      "tpu.region"() ({
        %run_scoped3A_100 = tpu.sem_alloc : memref<!tpu.dma_semaphore, #tpu.memory_space<semaphore_mem>>
        %dma_start3A_101 = arith.constant 0 : i32
        %dma_start3A_102 = tpu.memref_slice %arg8[%add3A_99, %dma_start3A_101] : memref<32x80xi32, #tpu.memory_space<vmem>> -> memref<1x80xi32, #tpu.memory_space<vmem>>
        %dma_start3A_103 = tpu.memref_squeeze %dma_start3A_102 : memref<1x80xi32, #tpu.memory_space<vmem>> -> memref<80xi32, #tpu.memory_space<vmem>>
        %dma_start3A_104 = arith.constant 0 : i32
        %dma_start3A_105 = arith.constant 0 : i32
        %dma_start3A_106 = tpu.memref_slice %arg6[%dma_start3A_104, %dma_start3A_105] : memref<10000x128xf32, #tpu.memory_space<vmem_shared>> -> memref<10000x128xf32, #tpu.memory_space<vmem_shared>>
        tpu.enqueue_indirect_dma source(%arg10 : memref<80x128xf32, #tpu.memory_space<vmem>>) target(%dma_start3A_106 : memref<10000x128xf32, #tpu.memory_space<vmem_shared>>) offsets(%dma_start3A_103 : memref<80xi32, #tpu.memory_space<vmem>>) semaphore(%run_scoped3A_100 : memref<!tpu.dma_semaphore, #tpu.memory_space<semaphore_mem>>) {add = true}
        %dma_wait3A_107 = arith.constant 0 : i32
        %dma_wait3A_108 = tpu.memref_slice %arg8[%add3A_99, %dma_wait3A_107] : memref<32x80xi32, #tpu.memory_space<vmem>> -> memref<1x80xi32, #tpu.memory_space<vmem>>
        %dma_wait3A_109 = tpu.memref_squeeze %dma_wait3A_108 : memref<1x80xi32, #tpu.memory_space<vmem>> -> memref<80xi32, #tpu.memory_space<vmem>>
        %dma_wait3A_110 = arith.constant 0 : i32
        %dma_wait3A_111 = arith.constant 0 : i32
        %dma_wait3A_112 = tpu.memref_slice %arg6[%dma_wait3A_110, %dma_wait3A_111] : memref<10000x128xf32, #tpu.memory_space<vmem_shared>> -> memref<10000x128xf32, #tpu.memory_space<vmem_shared>>
        tpu.wait_indirect_dma semaphore(%run_scoped3A_100 : memref<!tpu.dma_semaphore, #tpu.memory_space<semaphore_mem>>) src(%arg10 : memref<80x128xf32, #tpu.memory_space<vmem>>) dst(%dma_wait3A_112 : memref<10000x128xf32, #tpu.memory_space<vmem_shared>>)
        tpu.yield
      }) : () -> ()
    }
    %scan3A_15 = arith.constant 16 : i32
    "tpu.region"() ({
      %run_scoped3A_67 = tpu.sem_alloc : memref<!tpu.dma_semaphore, #tpu.memory_space<semaphore_mem>>
      %dma_start3A_68 = arith.constant 0 : i32
      %dma_start3A_69 = arith.constant 0 : i32
      %dma_start3A_70 = tpu.memref_slice %arg7[%dma_start3A_68, %dma_start3A_69] : memref<32x80xi32, #tpu.memory_space<vmem>> -> memref<32x80xi32, #tpu.memory_space<vmem>>
      %dma_start3A_71 = arith.constant 32 : i32
      %dma_start3A_72 = arith.constant 0 : i32
      %dma_start3A_73 = tpu.memref_slice %arg3[%add3A, %dma_start3A_71, %dma_start3A_72] : memref<32x125x80xi32, #tpu.memory_space<hbm>> -> memref<1x32x80xi32, #tpu.memory_space<hbm>>
      %dma_start3A_74 = tpu.memref_squeeze %dma_start3A_73 : memref<1x32x80xi32, #tpu.memory_space<hbm>> -> memref<32x80xi32, #tpu.memory_space<hbm>>
      %dma_start3A_75 = arith.constant 0 : i32
      %dma_start3A_76 = arith.constant 0 : i32
      %dma_start3A_77 = tpu.memref_slice %arg7[%dma_start3A_75, %dma_start3A_76] : memref<32x80xi32, #tpu.memory_space<vmem>> -> memref<32x80xi32, #tpu.memory_space<vmem>>
      %dma_start3A_78 = arith.constant 32 : i32
      %dma_start3A_79 = arith.constant 0 : i32
      %dma_start3A_80 = tpu.memref_slice %arg3[%add3A, %dma_start3A_78, %dma_start3A_79] : memref<32x125x80xi32, #tpu.memory_space<hbm>> -> memref<1x32x80xi32, #tpu.memory_space<hbm>>
      %dma_start3A_81 = tpu.memref_squeeze %dma_start3A_80 : memref<1x32x80xi32, #tpu.memory_space<hbm>> -> memref<32x80xi32, #tpu.memory_space<hbm>>
      tpu.enqueue_dma source(%dma_start3A_81 : memref<32x80xi32, #tpu.memory_space<hbm>>) target(%dma_start3A_77 : memref<32x80xi32, #tpu.memory_space<vmem>>) target_semaphore(%run_scoped3A_67 : memref<!tpu.dma_semaphore, #tpu.memory_space<semaphore_mem>>)
      %dma_wait3A_82 = arith.constant 0 : i32
      %dma_wait3A_83 = arith.constant 0 : i32
      %dma_wait3A_84 = tpu.memref_slice %arg7[%dma_wait3A_82, %dma_wait3A_83] : memref<32x80xi32, #tpu.memory_space<vmem>> -> memref<32x80xi32, #tpu.memory_space<vmem>>
      %dma_wait3A_85 = arith.constant 32 : i32
      %dma_wait3A_86 = arith.constant 0 : i32
      %dma_wait3A_87 = tpu.memref_slice %arg3[%add3A, %dma_wait3A_85, %dma_wait3A_86] : memref<32x125x80xi32, #tpu.memory_space<hbm>> -> memref<1x32x80xi32, #tpu.memory_space<hbm>>
      %dma_wait3A_88 = tpu.memref_squeeze %dma_wait3A_87 : memref<1x32x80xi32, #tpu.memory_space<hbm>> -> memref<32x80xi32, #tpu.memory_space<hbm>>
      %dma_wait3A_89 = arith.constant 0 : i32
      %dma_wait3A_90 = arith.constant 0 : i32
      %dma_wait3A_91 = tpu.memref_slice %arg7[%dma_wait3A_89, %dma_wait3A_90] : memref<32x80xi32, #tpu.memory_space<vmem>> -> memref<32x80xi32, #tpu.memory_space<vmem>>
      %dma_wait3A_92 = arith.constant 32 : i32
      %dma_wait3A_93 = arith.constant 0 : i32
      %dma_wait3A_94 = tpu.memref_slice %arg3[%add3A, %dma_wait3A_92, %dma_wait3A_93] : memref<32x125x80xi32, #tpu.memory_space<hbm>> -> memref<1x32x80xi32, #tpu.memory_space<hbm>>
      %dma_wait3A_95 = tpu.memref_squeeze %dma_wait3A_94 : memref<1x32x80xi32, #tpu.memory_space<hbm>> -> memref<32x80xi32, #tpu.memory_space<hbm>>
      tpu.wait_dma2 semaphore(%run_scoped3A_67 : memref<!tpu.dma_semaphore, #tpu.memory_space<semaphore_mem>>) src(%dma_wait3A_95 : memref<32x80xi32, #tpu.memory_space<hbm>>) dst(%dma_wait3A_91 : memref<32x80xi32, #tpu.memory_space<vmem>>)
      tpu.yield
    }) : () -> ()
    "tpu.region"() ({
      %run_scoped3A_67 = tpu.sem_alloc : memref<!tpu.dma_semaphore, #tpu.memory_space<semaphore_mem>>
      %dma_start3A_68 = arith.constant 0 : i32
      %dma_start3A_69 = arith.constant 0 : i32
      %dma_start3A_70 = tpu.memref_slice %arg8[%dma_start3A_68, %dma_start3A_69] : memref<32x80xi32, #tpu.memory_space<vmem>> -> memref<32x80xi32, #tpu.memory_space<vmem>>
      %dma_start3A_71 = arith.constant 32 : i32
      %dma_start3A_72 = arith.constant 0 : i32
      %dma_start3A_73 = tpu.memref_slice %arg4[%add3A, %dma_start3A_71, %dma_start3A_72] : memref<32x125x80xi32, #tpu.memory_space<hbm>> -> memref<1x32x80xi32, #tpu.memory_space<hbm>>
      %dma_start3A_74 = tpu.memref_squeeze %dma_start3A_73 : memref<1x32x80xi32, #tpu.memory_space<hbm>> -> memref<32x80xi32, #tpu.memory_space<hbm>>
      %dma_start3A_75 = arith.constant 0 : i32
      %dma_start3A_76 = arith.constant 0 : i32
      %dma_start3A_77 = tpu.memref_slice %arg8[%dma_start3A_75, %dma_start3A_76] : memref<32x80xi32, #tpu.memory_space<vmem>> -> memref<32x80xi32, #tpu.memory_space<vmem>>
      %dma_start3A_78 = arith.constant 32 : i32
      %dma_start3A_79 = arith.constant 0 : i32
      %dma_start3A_80 = tpu.memref_slice %arg4[%add3A, %dma_start3A_78, %dma_start3A_79] : memref<32x125x80xi32, #tpu.memory_space<hbm>> -> memref<1x32x80xi32, #tpu.memory_space<hbm>>
      %dma_start3A_81 = tpu.memref_squeeze %dma_start3A_80 : memref<1x32x80xi32, #tpu.memory_space<hbm>> -> memref<32x80xi32, #tpu.memory_space<hbm>>
      tpu.enqueue_dma source(%dma_start3A_81 : memref<32x80xi32, #tpu.memory_space<hbm>>) target(%dma_start3A_77 : memref<32x80xi32, #tpu.memory_space<vmem>>) target_semaphore(%run_scoped3A_67 : memref<!tpu.dma_semaphore, #tpu.memory_space<semaphore_mem>>)
      %dma_wait3A_82 = arith.constant 0 : i32
      %dma_wait3A_83 = arith.constant 0 : i32
      %dma_wait3A_84 = tpu.memref_slice %arg8[%dma_wait3A_82, %dma_wait3A_83] : memref<32x80xi32, #tpu.memory_space<vmem>> -> memref<32x80xi32, #tpu.memory_space<vmem>>
      %dma_wait3A_85 = arith.constant 32 : i32
      %dma_wait3A_86 = arith.constant 0 : i32
      %dma_wait3A_87 = tpu.memref_slice %arg4[%add3A, %dma_wait3A_85, %dma_wait3A_86] : memref<32x125x80xi32, #tpu.memory_space<hbm>> -> memref<1x32x80xi32, #tpu.memory_space<hbm>>
      %dma_wait3A_88 = tpu.memref_squeeze %dma_wait3A_87 : memref<1x32x80xi32, #tpu.memory_space<hbm>> -> memref<32x80xi32, #tpu.memory_space<hbm>>
      %dma_wait3A_89 = arith.constant 0 : i32
      %dma_wait3A_90 = arith.constant 0 : i32
      %dma_wait3A_91 = tpu.memref_slice %arg8[%dma_wait3A_89, %dma_wait3A_90] : memref<32x80xi32, #tpu.memory_space<vmem>> -> memref<32x80xi32, #tpu.memory_space<vmem>>
      %dma_wait3A_92 = arith.constant 32 : i32
      %dma_wait3A_93 = arith.constant 0 : i32
      %dma_wait3A_94 = tpu.memref_slice %arg4[%add3A, %dma_wait3A_92, %dma_wait3A_93] : memref<32x125x80xi32, #tpu.memory_space<hbm>> -> memref<1x32x80xi32, #tpu.memory_space<hbm>>
      %dma_wait3A_95 = tpu.memref_squeeze %dma_wait3A_94 : memref<1x32x80xi32, #tpu.memory_space<hbm>> -> memref<32x80xi32, #tpu.memory_space<hbm>>
      tpu.wait_dma2 semaphore(%run_scoped3A_67 : memref<!tpu.dma_semaphore, #tpu.memory_space<semaphore_mem>>) src(%dma_wait3A_95 : memref<32x80xi32, #tpu.memory_space<hbm>>) dst(%dma_wait3A_91 : memref<32x80xi32, #tpu.memory_space<vmem>>)
      tpu.yield
    }) : () -> ()
    %dma_start3A_16 = arith.constant 0 : i32
    %dma_start3A_17 = arith.constant 0 : i32
    %dma_start3A_18 = tpu.memref_slice %arg7[%dma_start3A_16, %dma_start3A_17] : memref<32x80xi32, #tpu.memory_space<vmem>> -> memref<1x80xi32, #tpu.memory_space<vmem>>
    %dma_start3A_19 = tpu.memref_squeeze %dma_start3A_18 : memref<1x80xi32, #tpu.memory_space<vmem>> -> memref<80xi32, #tpu.memory_space<vmem>>
    %dma_start3A_20 = arith.constant 0 : i32
    %dma_start3A_21 = arith.constant 0 : i32
    %dma_start3A_22 = tpu.memref_slice %arg2[%dma_start3A_20, %dma_start3A_21] : memref<10000x128xf32, #tpu.memory_space<hbm>> -> memref<10000x128xf32, #tpu.memory_space<hbm>>
    tpu.enqueue_indirect_dma source(%dma_start3A_22 : memref<10000x128xf32, #tpu.memory_space<hbm>>) target(%arg9 : memref<80x128xf32, #tpu.memory_space<vmem>>) offsets(%dma_start3A_19 : memref<80xi32, #tpu.memory_space<vmem>>) semaphore(%arg11 : memref<!tpu.dma_semaphore, #tpu.memory_space<semaphore_mem>>)
    %scan3A_23 = arith.constant 0 : i32
    %scan3A_24 = arith.constant 0 : i32
    %scan3A_25 = arith.constant 16 : i32
    %scan3A_26 = arith.addi %scan3A_24, %scan3A_25 : i32
    %scan3A_27 = arith.constant 1 : i32
    scf.for %scan3A_67 = %scan3A_24 to %scan3A_26 step %scan3A_27  : i32 {
      %mul3A_68 = arith.constant 2 : i32
      %mul3A_69 = arith.muli %mul3A_68, %scan3A_67 : i32
      %add3A_70 = arith.constant 1 : i32
      %add3A_71 = arith.addi %mul3A_69, %add3A_70 : i32
      %dma_start3A_72 = arith.constant 0 : i32
      %dma_start3A_73 = tpu.memref_slice %arg7[%add3A_71, %dma_start3A_72] : memref<32x80xi32, #tpu.memory_space<vmem>> -> memref<1x80xi32, #tpu.memory_space<vmem>>
      %dma_start3A_74 = tpu.memref_squeeze %dma_start3A_73 : memref<1x80xi32, #tpu.memory_space<vmem>> -> memref<80xi32, #tpu.memory_space<vmem>>
      %dma_start3A_75 = arith.constant 0 : i32
      %dma_start3A_76 = arith.constant 0 : i32
      %dma_start3A_77 = tpu.memref_slice %arg2[%dma_start3A_75, %dma_start3A_76] : memref<10000x128xf32, #tpu.memory_space<hbm>> -> memref<10000x128xf32, #tpu.memory_space<hbm>>
      tpu.enqueue_indirect_dma source(%dma_start3A_77 : memref<10000x128xf32, #tpu.memory_space<hbm>>) target(%arg10 : memref<80x128xf32, #tpu.memory_space<vmem>>) offsets(%dma_start3A_74 : memref<80xi32, #tpu.memory_space<vmem>>) semaphore(%arg12 : memref<!tpu.dma_semaphore, #tpu.memory_space<semaphore_mem>>)
      %dma_wait3A_78 = arith.constant 0 : i32
      %dma_wait3A_79 = tpu.memref_slice %arg7[%mul3A_69, %dma_wait3A_78] : memref<32x80xi32, #tpu.memory_space<vmem>> -> memref<1x80xi32, #tpu.memory_space<vmem>>
      %dma_wait3A_80 = tpu.memref_squeeze %dma_wait3A_79 : memref<1x80xi32, #tpu.memory_space<vmem>> -> memref<80xi32, #tpu.memory_space<vmem>>
      %dma_wait3A_81 = arith.constant 0 : i32
      %dma_wait3A_82 = arith.constant 0 : i32
      %dma_wait3A_83 = tpu.memref_slice %arg2[%dma_wait3A_81, %dma_wait3A_82] : memref<10000x128xf32, #tpu.memory_space<hbm>> -> memref<10000x128xf32, #tpu.memory_space<hbm>>
      tpu.wait_indirect_dma semaphore(%arg11 : memref<!tpu.dma_semaphore, #tpu.memory_space<semaphore_mem>>) src(%dma_wait3A_83 : memref<10000x128xf32, #tpu.memory_space<hbm>>) dst(%arg9 : memref<80x128xf32, #tpu.memory_space<vmem>>)
      "tpu.region"() ({
        %run_scoped3A_100 = tpu.sem_alloc : memref<!tpu.dma_semaphore, #tpu.memory_space<semaphore_mem>>
        %dma_start3A_101 = arith.constant 0 : i32
        %dma_start3A_102 = tpu.memref_slice %arg8[%mul3A_69, %dma_start3A_101] : memref<32x80xi32, #tpu.memory_space<vmem>> -> memref<1x80xi32, #tpu.memory_space<vmem>>
        %dma_start3A_103 = tpu.memref_squeeze %dma_start3A_102 : memref<1x80xi32, #tpu.memory_space<vmem>> -> memref<80xi32, #tpu.memory_space<vmem>>
        %dma_start3A_104 = arith.constant 0 : i32
        %dma_start3A_105 = arith.constant 0 : i32
        %dma_start3A_106 = tpu.memref_slice %arg6[%dma_start3A_104, %dma_start3A_105] : memref<10000x128xf32, #tpu.memory_space<vmem_shared>> -> memref<10000x128xf32, #tpu.memory_space<vmem_shared>>
        tpu.enqueue_indirect_dma source(%arg9 : memref<80x128xf32, #tpu.memory_space<vmem>>) target(%dma_start3A_106 : memref<10000x128xf32, #tpu.memory_space<vmem_shared>>) offsets(%dma_start3A_103 : memref<80xi32, #tpu.memory_space<vmem>>) semaphore(%run_scoped3A_100 : memref<!tpu.dma_semaphore, #tpu.memory_space<semaphore_mem>>) {add = true}
        %dma_wait3A_107 = arith.constant 0 : i32
        %dma_wait3A_108 = tpu.memref_slice %arg8[%mul3A_69, %dma_wait3A_107] : memref<32x80xi32, #tpu.memory_space<vmem>> -> memref<1x80xi32, #tpu.memory_space<vmem>>
        %dma_wait3A_109 = tpu.memref_squeeze %dma_wait3A_108 : memref<1x80xi32, #tpu.memory_space<vmem>> -> memref<80xi32, #tpu.memory_space<vmem>>
        %dma_wait3A_110 = arith.constant 0 : i32
        %dma_wait3A_111 = arith.constant 0 : i32
        %dma_wait3A_112 = tpu.memref_slice %arg6[%dma_wait3A_110, %dma_wait3A_111] : memref<10000x128xf32, #tpu.memory_space<vmem_shared>> -> memref<10000x128xf32, #tpu.memory_space<vmem_shared>>
        tpu.wait_indirect_dma semaphore(%run_scoped3A_100 : memref<!tpu.dma_semaphore, #tpu.memory_space<semaphore_mem>>) src(%arg9 : memref<80x128xf32, #tpu.memory_space<vmem>>) dst(%dma_wait3A_112 : memref<10000x128xf32, #tpu.memory_space<vmem_shared>>)
        tpu.yield
      }) : () -> ()
      %add3A_84 = arith.constant 2 : i32
      %add3A_85 = arith.addi %mul3A_69, %add3A_84 : i32
      %lt3A = arith.constant 32 : i32
      %lt3A_86 = arith.cmpi slt, %add3A_85, %lt3A : i32
      %convert_element_type3A_87 = arith.extui %lt3A_86 : i1 to i32
      %cond3A_88 = arith.constant 0 : i32
      %cond3A_89 = arith.cmpi ne, %convert_element_type3A_87, %cond3A_88 : i32
      scf.if %cond3A_89 {
        %add3A_100 = arith.constant 2 : i32
        %add3A_101 = arith.addi %mul3A_69, %add3A_100 : i32
        %dma_start3A_102 = arith.constant 0 : i32
        %dma_start3A_103 = tpu.memref_slice %arg7[%add3A_101, %dma_start3A_102] : memref<32x80xi32, #tpu.memory_space<vmem>> -> memref<1x80xi32, #tpu.memory_space<vmem>>
        %dma_start3A_104 = tpu.memref_squeeze %dma_start3A_103 : memref<1x80xi32, #tpu.memory_space<vmem>> -> memref<80xi32, #tpu.memory_space<vmem>>
        %dma_start3A_105 = arith.constant 0 : i32
        %dma_start3A_106 = arith.constant 0 : i32
        %dma_start3A_107 = tpu.memref_slice %arg2[%dma_start3A_105, %dma_start3A_106] : memref<10000x128xf32, #tpu.memory_space<hbm>> -> memref<10000x128xf32, #tpu.memory_space<hbm>>
        tpu.enqueue_indirect_dma source(%dma_start3A_107 : memref<10000x128xf32, #tpu.memory_space<hbm>>) target(%arg9 : memref<80x128xf32, #tpu.memory_space<vmem>>) offsets(%dma_start3A_104 : memref<80xi32, #tpu.memory_space<vmem>>) semaphore(%arg11 : memref<!tpu.dma_semaphore, #tpu.memory_space<semaphore_mem>>)
      } else {
      }
      %add3A_90 = arith.constant 1 : i32
      %add3A_91 = arith.addi %mul3A_69, %add3A_90 : i32
      %dma_wait3A_92 = arith.constant 0 : i32
      %dma_wait3A_93 = tpu.memref_slice %arg7[%add3A_91, %dma_wait3A_92] : memref<32x80xi32, #tpu.memory_space<vmem>> -> memref<1x80xi32, #tpu.memory_space<vmem>>
      %dma_wait3A_94 = tpu.memref_squeeze %dma_wait3A_93 : memref<1x80xi32, #tpu.memory_space<vmem>> -> memref<80xi32, #tpu.memory_space<vmem>>
      %dma_wait3A_95 = arith.constant 0 : i32
      %dma_wait3A_96 = arith.constant 0 : i32
      %dma_wait3A_97 = tpu.memref_slice %arg2[%dma_wait3A_95, %dma_wait3A_96] : memref<10000x128xf32, #tpu.memory_space<hbm>> -> memref<10000x128xf32, #tpu.memory_space<hbm>>
      tpu.wait_indirect_dma semaphore(%arg12 : memref<!tpu.dma_semaphore, #tpu.memory_space<semaphore_mem>>) src(%dma_wait3A_97 : memref<10000x128xf32, #tpu.memory_space<hbm>>) dst(%arg10 : memref<80x128xf32, #tpu.memory_space<vmem>>)
      %add3A_98 = arith.constant 1 : i32
      %add3A_99 = arith.addi %mul3A_69, %add3A_98 : i32
      "tpu.region"() ({
        %run_scoped3A_100 = tpu.sem_alloc : memref<!tpu.dma_semaphore, #tpu.memory_space<semaphore_mem>>
        %dma_start3A_101 = arith.constant 0 : i32
        %dma_start3A_102 = tpu.memref_slice %arg8[%add3A_99, %dma_start3A_101] : memref<32x80xi32, #tpu.memory_space<vmem>> -> memref<1x80xi32, #tpu.memory_space<vmem>>
        %dma_start3A_103 = tpu.memref_squeeze %dma_start3A_102 : memref<1x80xi32, #tpu.memory_space<vmem>> -> memref<80xi32, #tpu.memory_space<vmem>>
        %dma_start3A_104 = arith.constant 0 : i32
        %dma_start3A_105 = arith.constant 0 : i32
        %dma_start3A_106 = tpu.memref_slice %arg6[%dma_start3A_104, %dma_start3A_105] : memref<10000x128xf32, #tpu.memory_space<vmem_shared>> -> memref<10000x128xf32, #tpu.memory_space<vmem_shared>>
        tpu.enqueue_indirect_dma source(%arg10 : memref<80x128xf32, #tpu.memory_space<vmem>>) target(%dma_start3A_106 : memref<10000x128xf32, #tpu.memory_space<vmem_shared>>) offsets(%dma_start3A_103 : memref<80xi32, #tpu.memory_space<vmem>>) semaphore(%run_scoped3A_100 : memref<!tpu.dma_semaphore, #tpu.memory_space<semaphore_mem>>) {add = true}
        %dma_wait3A_107 = arith.constant 0 : i32
        %dma_wait3A_108 = tpu.memref_slice %arg8[%add3A_99, %dma_wait3A_107] : memref<32x80xi32, #tpu.memory_space<vmem>> -> memref<1x80xi32, #tpu.memory_space<vmem>>
        %dma_wait3A_109 = tpu.memref_squeeze %dma_wait3A_108 : memref<1x80xi32, #tpu.memory_space<vmem>> -> memref<80xi32, #tpu.memory_space<vmem>>
        %dma_wait3A_110 = arith.constant 0 : i32
        %dma_wait3A_111 = arith.constant 0 : i32
        %dma_wait3A_112 = tpu.memref_slice %arg6[%dma_wait3A_110, %dma_wait3A_111] : memref<10000x128xf32, #tpu.memory_space<vmem_shared>> -> memref<10000x128xf32, #tpu.memory_space<vmem_shared>>
        tpu.wait_indirect_dma semaphore(%run_scoped3A_100 : memref<!tpu.dma_semaphore, #tpu.memory_space<semaphore_mem>>) src(%arg10 : memref<80x128xf32, #tpu.memory_space<vmem>>) dst(%dma_wait3A_112 : memref<10000x128xf32, #tpu.memory_space<vmem_shared>>)
        tpu.yield
      }) : () -> ()
    }
    %scan3A_28 = arith.constant 16 : i32
    "tpu.region"() ({
      %run_scoped3A_67 = tpu.sem_alloc : memref<!tpu.dma_semaphore, #tpu.memory_space<semaphore_mem>>
      %dma_start3A_68 = arith.constant 0 : i32
      %dma_start3A_69 = arith.constant 0 : i32
      %dma_start3A_70 = tpu.memref_slice %arg7[%dma_start3A_68, %dma_start3A_69] : memref<32x80xi32, #tpu.memory_space<vmem>> -> memref<32x80xi32, #tpu.memory_space<vmem>>
      %dma_start3A_71 = arith.constant 64 : i32
      %dma_start3A_72 = arith.constant 0 : i32
      %dma_start3A_73 = tpu.memref_slice %arg3[%add3A, %dma_start3A_71, %dma_start3A_72] : memref<32x125x80xi32, #tpu.memory_space<hbm>> -> memref<1x32x80xi32, #tpu.memory_space<hbm>>
      %dma_start3A_74 = tpu.memref_squeeze %dma_start3A_73 : memref<1x32x80xi32, #tpu.memory_space<hbm>> -> memref<32x80xi32, #tpu.memory_space<hbm>>
      %dma_start3A_75 = arith.constant 0 : i32
      %dma_start3A_76 = arith.constant 0 : i32
      %dma_start3A_77 = tpu.memref_slice %arg7[%dma_start3A_75, %dma_start3A_76] : memref<32x80xi32, #tpu.memory_space<vmem>> -> memref<32x80xi32, #tpu.memory_space<vmem>>
      %dma_start3A_78 = arith.constant 64 : i32
      %dma_start3A_79 = arith.constant 0 : i32
      %dma_start3A_80 = tpu.memref_slice %arg3[%add3A, %dma_start3A_78, %dma_start3A_79] : memref<32x125x80xi32, #tpu.memory_space<hbm>> -> memref<1x32x80xi32, #tpu.memory_space<hbm>>
      %dma_start3A_81 = tpu.memref_squeeze %dma_start3A_80 : memref<1x32x80xi32, #tpu.memory_space<hbm>> -> memref<32x80xi32, #tpu.memory_space<hbm>>
      tpu.enqueue_dma source(%dma_start3A_81 : memref<32x80xi32, #tpu.memory_space<hbm>>) target(%dma_start3A_77 : memref<32x80xi32, #tpu.memory_space<vmem>>) target_semaphore(%run_scoped3A_67 : memref<!tpu.dma_semaphore, #tpu.memory_space<semaphore_mem>>)
      %dma_wait3A_82 = arith.constant 0 : i32
      %dma_wait3A_83 = arith.constant 0 : i32
      %dma_wait3A_84 = tpu.memref_slice %arg7[%dma_wait3A_82, %dma_wait3A_83] : memref<32x80xi32, #tpu.memory_space<vmem>> -> memref<32x80xi32, #tpu.memory_space<vmem>>
      %dma_wait3A_85 = arith.constant 64 : i32
      %dma_wait3A_86 = arith.constant 0 : i32
      %dma_wait3A_87 = tpu.memref_slice %arg3[%add3A, %dma_wait3A_85, %dma_wait3A_86] : memref<32x125x80xi32, #tpu.memory_space<hbm>> -> memref<1x32x80xi32, #tpu.memory_space<hbm>>
      %dma_wait3A_88 = tpu.memref_squeeze %dma_wait3A_87 : memref<1x32x80xi32, #tpu.memory_space<hbm>> -> memref<32x80xi32, #tpu.memory_space<hbm>>
      %dma_wait3A_89 = arith.constant 0 : i32
      %dma_wait3A_90 = arith.constant 0 : i32
      %dma_wait3A_91 = tpu.memref_slice %arg7[%dma_wait3A_89, %dma_wait3A_90] : memref<32x80xi32, #tpu.memory_space<vmem>> -> memref<32x80xi32, #tpu.memory_space<vmem>>
      %dma_wait3A_92 = arith.constant 64 : i32
      %dma_wait3A_93 = arith.constant 0 : i32
      %dma_wait3A_94 = tpu.memref_slice %arg3[%add3A, %dma_wait3A_92, %dma_wait3A_93] : memref<32x125x80xi32, #tpu.memory_space<hbm>> -> memref<1x32x80xi32, #tpu.memory_space<hbm>>
      %dma_wait3A_95 = tpu.memref_squeeze %dma_wait3A_94 : memref<1x32x80xi32, #tpu.memory_space<hbm>> -> memref<32x80xi32, #tpu.memory_space<hbm>>
      tpu.wait_dma2 semaphore(%run_scoped3A_67 : memref<!tpu.dma_semaphore, #tpu.memory_space<semaphore_mem>>) src(%dma_wait3A_95 : memref<32x80xi32, #tpu.memory_space<hbm>>) dst(%dma_wait3A_91 : memref<32x80xi32, #tpu.memory_space<vmem>>)
      tpu.yield
    }) : () -> ()
    "tpu.region"() ({
      %run_scoped3A_67 = tpu.sem_alloc : memref<!tpu.dma_semaphore, #tpu.memory_space<semaphore_mem>>
      %dma_start3A_68 = arith.constant 0 : i32
      %dma_start3A_69 = arith.constant 0 : i32
      %dma_start3A_70 = tpu.memref_slice %arg8[%dma_start3A_68, %dma_start3A_69] : memref<32x80xi32, #tpu.memory_space<vmem>> -> memref<32x80xi32, #tpu.memory_space<vmem>>
      %dma_start3A_71 = arith.constant 64 : i32
      %dma_start3A_72 = arith.constant 0 : i32
      %dma_start3A_73 = tpu.memref_slice %arg4[%add3A, %dma_start3A_71, %dma_start3A_72] : memref<32x125x80xi32, #tpu.memory_space<hbm>> -> memref<1x32x80xi32, #tpu.memory_space<hbm>>
      %dma_start3A_74 = tpu.memref_squeeze %dma_start3A_73 : memref<1x32x80xi32, #tpu.memory_space<hbm>> -> memref<32x80xi32, #tpu.memory_space<hbm>>
      %dma_start3A_75 = arith.constant 0 : i32
      %dma_start3A_76 = arith.constant 0 : i32
      %dma_start3A_77 = tpu.memref_slice %arg8[%dma_start3A_75, %dma_start3A_76] : memref<32x80xi32, #tpu.memory_space<vmem>> -> memref<32x80xi32, #tpu.memory_space<vmem>>
      %dma_start3A_78 = arith.constant 64 : i32
      %dma_start3A_79 = arith.constant 0 : i32
      %dma_start3A_80 = tpu.memref_slice %arg4[%add3A, %dma_start3A_78, %dma_start3A_79] : memref<32x125x80xi32, #tpu.memory_space<hbm>> -> memref<1x32x80xi32, #tpu.memory_space<hbm>>
      %dma_start3A_81 = tpu.memref_squeeze %dma_start3A_80 : memref<1x32x80xi32, #tpu.memory_space<hbm>> -> memref<32x80xi32, #tpu.memory_space<hbm>>
      tpu.enqueue_dma source(%dma_start3A_81 : memref<32x80xi32, #tpu.memory_space<hbm>>) target(%dma_start3A_77 : memref<32x80xi32, #tpu.memory_space<vmem>>) target_semaphore(%run_scoped3A_67 : memref<!tpu.dma_semaphore, #tpu.memory_space<semaphore_mem>>)
      %dma_wait3A_82 = arith.constant 0 : i32
      %dma_wait3A_83 = arith.constant 0 : i32
      %dma_wait3A_84 = tpu.memref_slice %arg8[%dma_wait3A_82, %dma_wait3A_83] : memref<32x80xi32, #tpu.memory_space<vmem>> -> memref<32x80xi32, #tpu.memory_space<vmem>>
      %dma_wait3A_85 = arith.constant 64 : i32
      %dma_wait3A_86 = arith.constant 0 : i32
      %dma_wait3A_87 = tpu.memref_slice %arg4[%add3A, %dma_wait3A_85, %dma_wait3A_86] : memref<32x125x80xi32, #tpu.memory_space<hbm>> -> memref<1x32x80xi32, #tpu.memory_space<hbm>>
      %dma_wait3A_88 = tpu.memref_squeeze %dma_wait3A_87 : memref<1x32x80xi32, #tpu.memory_space<hbm>> -> memref<32x80xi32, #tpu.memory_space<hbm>>
      %dma_wait3A_89 = arith.constant 0 : i32
      %dma_wait3A_90 = arith.constant 0 : i32
      %dma_wait3A_91 = tpu.memref_slice %arg8[%dma_wait3A_89, %dma_wait3A_90] : memref<32x80xi32, #tpu.memory_space<vmem>> -> memref<32x80xi32, #tpu.memory_space<vmem>>
      %dma_wait3A_92 = arith.constant 64 : i32
      %dma_wait3A_93 = arith.constant 0 : i32
      %dma_wait3A_94 = tpu.memref_slice %arg4[%add3A, %dma_wait3A_92, %dma_wait3A_93] : memref<32x125x80xi32, #tpu.memory_space<hbm>> -> memref<1x32x80xi32, #tpu.memory_space<hbm>>
      %dma_wait3A_95 = tpu.memref_squeeze %dma_wait3A_94 : memref<1x32x80xi32, #tpu.memory_space<hbm>> -> memref<32x80xi32, #tpu.memory_space<hbm>>
      tpu.wait_dma2 semaphore(%run_scoped3A_67 : memref<!tpu.dma_semaphore, #tpu.memory_space<semaphore_mem>>) src(%dma_wait3A_95 : memref<32x80xi32, #tpu.memory_space<hbm>>) dst(%dma_wait3A_91 : memref<32x80xi32, #tpu.memory_space<vmem>>)
      tpu.yield
    }) : () -> ()
    %dma_start3A_29 = arith.constant 0 : i32
    %dma_start3A_30 = arith.constant 0 : i32
    %dma_start3A_31 = tpu.memref_slice %arg7[%dma_start3A_29, %dma_start3A_30] : memref<32x80xi32, #tpu.memory_space<vmem>> -> memref<1x80xi32, #tpu.memory_space<vmem>>
    %dma_start3A_32 = tpu.memref_squeeze %dma_start3A_31 : memref<1x80xi32, #tpu.memory_space<vmem>> -> memref<80xi32, #tpu.memory_space<vmem>>
    %dma_start3A_33 = arith.constant 0 : i32
    %dma_start3A_34 = arith.constant 0 : i32
    %dma_start3A_35 = tpu.memref_slice %arg2[%dma_start3A_33, %dma_start3A_34] : memref<10000x128xf32, #tpu.memory_space<hbm>> -> memref<10000x128xf32, #tpu.memory_space<hbm>>
    tpu.enqueue_indirect_dma source(%dma_start3A_35 : memref<10000x128xf32, #tpu.memory_space<hbm>>) target(%arg9 : memref<80x128xf32, #tpu.memory_space<vmem>>) offsets(%dma_start3A_32 : memref<80xi32, #tpu.memory_space<vmem>>) semaphore(%arg11 : memref<!tpu.dma_semaphore, #tpu.memory_space<semaphore_mem>>)
    %scan3A_36 = arith.constant 0 : i32
    %scan3A_37 = arith.constant 0 : i32
    %scan3A_38 = arith.constant 16 : i32
    %scan3A_39 = arith.addi %scan3A_37, %scan3A_38 : i32
    %scan3A_40 = arith.constant 1 : i32
    scf.for %scan3A_67 = %scan3A_37 to %scan3A_39 step %scan3A_40  : i32 {
      %mul3A_68 = arith.constant 2 : i32
      %mul3A_69 = arith.muli %mul3A_68, %scan3A_67 : i32
      %add3A_70 = arith.constant 1 : i32
      %add3A_71 = arith.addi %mul3A_69, %add3A_70 : i32
      %dma_start3A_72 = arith.constant 0 : i32
      %dma_start3A_73 = tpu.memref_slice %arg7[%add3A_71, %dma_start3A_72] : memref<32x80xi32, #tpu.memory_space<vmem>> -> memref<1x80xi32, #tpu.memory_space<vmem>>
      %dma_start3A_74 = tpu.memref_squeeze %dma_start3A_73 : memref<1x80xi32, #tpu.memory_space<vmem>> -> memref<80xi32, #tpu.memory_space<vmem>>
      %dma_start3A_75 = arith.constant 0 : i32
      %dma_start3A_76 = arith.constant 0 : i32
      %dma_start3A_77 = tpu.memref_slice %arg2[%dma_start3A_75, %dma_start3A_76] : memref<10000x128xf32, #tpu.memory_space<hbm>> -> memref<10000x128xf32, #tpu.memory_space<hbm>>
      tpu.enqueue_indirect_dma source(%dma_start3A_77 : memref<10000x128xf32, #tpu.memory_space<hbm>>) target(%arg10 : memref<80x128xf32, #tpu.memory_space<vmem>>) offsets(%dma_start3A_74 : memref<80xi32, #tpu.memory_space<vmem>>) semaphore(%arg12 : memref<!tpu.dma_semaphore, #tpu.memory_space<semaphore_mem>>)
      %dma_wait3A_78 = arith.constant 0 : i32
      %dma_wait3A_79 = tpu.memref_slice %arg7[%mul3A_69, %dma_wait3A_78] : memref<32x80xi32, #tpu.memory_space<vmem>> -> memref<1x80xi32, #tpu.memory_space<vmem>>
      %dma_wait3A_80 = tpu.memref_squeeze %dma_wait3A_79 : memref<1x80xi32, #tpu.memory_space<vmem>> -> memref<80xi32, #tpu.memory_space<vmem>>
      %dma_wait3A_81 = arith.constant 0 : i32
      %dma_wait3A_82 = arith.constant 0 : i32
      %dma_wait3A_83 = tpu.memref_slice %arg2[%dma_wait3A_81, %dma_wait3A_82] : memref<10000x128xf32, #tpu.memory_space<hbm>> -> memref<10000x128xf32, #tpu.memory_space<hbm>>
      tpu.wait_indirect_dma semaphore(%arg11 : memref<!tpu.dma_semaphore, #tpu.memory_space<semaphore_mem>>) src(%dma_wait3A_83 : memref<10000x128xf32, #tpu.memory_space<hbm>>) dst(%arg9 : memref<80x128xf32, #tpu.memory_space<vmem>>)
      "tpu.region"() ({
        %run_scoped3A_100 = tpu.sem_alloc : memref<!tpu.dma_semaphore, #tpu.memory_space<semaphore_mem>>
        %dma_start3A_101 = arith.constant 0 : i32
        %dma_start3A_102 = tpu.memref_slice %arg8[%mul3A_69, %dma_start3A_101] : memref<32x80xi32, #tpu.memory_space<vmem>> -> memref<1x80xi32, #tpu.memory_space<vmem>>
        %dma_start3A_103 = tpu.memref_squeeze %dma_start3A_102 : memref<1x80xi32, #tpu.memory_space<vmem>> -> memref<80xi32, #tpu.memory_space<vmem>>
        %dma_start3A_104 = arith.constant 0 : i32
        %dma_start3A_105 = arith.constant 0 : i32
        %dma_start3A_106 = tpu.memref_slice %arg6[%dma_start3A_104, %dma_start3A_105] : memref<10000x128xf32, #tpu.memory_space<vmem_shared>> -> memref<10000x128xf32, #tpu.memory_space<vmem_shared>>
        tpu.enqueue_indirect_dma source(%arg9 : memref<80x128xf32, #tpu.memory_space<vmem>>) target(%dma_start3A_106 : memref<10000x128xf32, #tpu.memory_space<vmem_shared>>) offsets(%dma_start3A_103 : memref<80xi32, #tpu.memory_space<vmem>>) semaphore(%run_scoped3A_100 : memref<!tpu.dma_semaphore, #tpu.memory_space<semaphore_mem>>) {add = true}
        %dma_wait3A_107 = arith.constant 0 : i32
        %dma_wait3A_108 = tpu.memref_slice %arg8[%mul3A_69, %dma_wait3A_107] : memref<32x80xi32, #tpu.memory_space<vmem>> -> memref<1x80xi32, #tpu.memory_space<vmem>>
        %dma_wait3A_109 = tpu.memref_squeeze %dma_wait3A_108 : memref<1x80xi32, #tpu.memory_space<vmem>> -> memref<80xi32, #tpu.memory_space<vmem>>
        %dma_wait3A_110 = arith.constant 0 : i32
        %dma_wait3A_111 = arith.constant 0 : i32
        %dma_wait3A_112 = tpu.memref_slice %arg6[%dma_wait3A_110, %dma_wait3A_111] : memref<10000x128xf32, #tpu.memory_space<vmem_shared>> -> memref<10000x128xf32, #tpu.memory_space<vmem_shared>>
        tpu.wait_indirect_dma semaphore(%run_scoped3A_100 : memref<!tpu.dma_semaphore, #tpu.memory_space<semaphore_mem>>) src(%arg9 : memref<80x128xf32, #tpu.memory_space<vmem>>) dst(%dma_wait3A_112 : memref<10000x128xf32, #tpu.memory_space<vmem_shared>>)
        tpu.yield
      }) : () -> ()
      %add3A_84 = arith.constant 2 : i32
      %add3A_85 = arith.addi %mul3A_69, %add3A_84 : i32
      %lt3A = arith.constant 32 : i32
      %lt3A_86 = arith.cmpi slt, %add3A_85, %lt3A : i32
      %convert_element_type3A_87 = arith.extui %lt3A_86 : i1 to i32
      %cond3A_88 = arith.constant 0 : i32
      %cond3A_89 = arith.cmpi ne, %convert_element_type3A_87, %cond3A_88 : i32
      scf.if %cond3A_89 {
        %add3A_100 = arith.constant 2 : i32
        %add3A_101 = arith.addi %mul3A_69, %add3A_100 : i32
        %dma_start3A_102 = arith.constant 0 : i32
        %dma_start3A_103 = tpu.memref_slice %arg7[%add3A_101, %dma_start3A_102] : memref<32x80xi32, #tpu.memory_space<vmem>> -> memref<1x80xi32, #tpu.memory_space<vmem>>
        %dma_start3A_104 = tpu.memref_squeeze %dma_start3A_103 : memref<1x80xi32, #tpu.memory_space<vmem>> -> memref<80xi32, #tpu.memory_space<vmem>>
        %dma_start3A_105 = arith.constant 0 : i32
        %dma_start3A_106 = arith.constant 0 : i32
        %dma_start3A_107 = tpu.memref_slice %arg2[%dma_start3A_105, %dma_start3A_106] : memref<10000x128xf32, #tpu.memory_space<hbm>> -> memref<10000x128xf32, #tpu.memory_space<hbm>>
        tpu.enqueue_indirect_dma source(%dma_start3A_107 : memref<10000x128xf32, #tpu.memory_space<hbm>>) target(%arg9 : memref<80x128xf32, #tpu.memory_space<vmem>>) offsets(%dma_start3A_104 : memref<80xi32, #tpu.memory_space<vmem>>) semaphore(%arg11 : memref<!tpu.dma_semaphore, #tpu.memory_space<semaphore_mem>>)
      } else {
      }
      %add3A_90 = arith.constant 1 : i32
      %add3A_91 = arith.addi %mul3A_69, %add3A_90 : i32
      %dma_wait3A_92 = arith.constant 0 : i32
      %dma_wait3A_93 = tpu.memref_slice %arg7[%add3A_91, %dma_wait3A_92] : memref<32x80xi32, #tpu.memory_space<vmem>> -> memref<1x80xi32, #tpu.memory_space<vmem>>
      %dma_wait3A_94 = tpu.memref_squeeze %dma_wait3A_93 : memref<1x80xi32, #tpu.memory_space<vmem>> -> memref<80xi32, #tpu.memory_space<vmem>>
      %dma_wait3A_95 = arith.constant 0 : i32
      %dma_wait3A_96 = arith.constant 0 : i32
      %dma_wait3A_97 = tpu.memref_slice %arg2[%dma_wait3A_95, %dma_wait3A_96] : memref<10000x128xf32, #tpu.memory_space<hbm>> -> memref<10000x128xf32, #tpu.memory_space<hbm>>
      tpu.wait_indirect_dma semaphore(%arg12 : memref<!tpu.dma_semaphore, #tpu.memory_space<semaphore_mem>>) src(%dma_wait3A_97 : memref<10000x128xf32, #tpu.memory_space<hbm>>) dst(%arg10 : memref<80x128xf32, #tpu.memory_space<vmem>>)
      %add3A_98 = arith.constant 1 : i32
      %add3A_99 = arith.addi %mul3A_69, %add3A_98 : i32
      "tpu.region"() ({
        %run_scoped3A_100 = tpu.sem_alloc : memref<!tpu.dma_semaphore, #tpu.memory_space<semaphore_mem>>
        %dma_start3A_101 = arith.constant 0 : i32
        %dma_start3A_102 = tpu.memref_slice %arg8[%add3A_99, %dma_start3A_101] : memref<32x80xi32, #tpu.memory_space<vmem>> -> memref<1x80xi32, #tpu.memory_space<vmem>>
        %dma_start3A_103 = tpu.memref_squeeze %dma_start3A_102 : memref<1x80xi32, #tpu.memory_space<vmem>> -> memref<80xi32, #tpu.memory_space<vmem>>
        %dma_start3A_104 = arith.constant 0 : i32
        %dma_start3A_105 = arith.constant 0 : i32
        %dma_start3A_106 = tpu.memref_slice %arg6[%dma_start3A_104, %dma_start3A_105] : memref<10000x128xf32, #tpu.memory_space<vmem_shared>> -> memref<10000x128xf32, #tpu.memory_space<vmem_shared>>
        tpu.enqueue_indirect_dma source(%arg10 : memref<80x128xf32, #tpu.memory_space<vmem>>) target(%dma_start3A_106 : memref<10000x128xf32, #tpu.memory_space<vmem_shared>>) offsets(%dma_start3A_103 : memref<80xi32, #tpu.memory_space<vmem>>) semaphore(%run_scoped3A_100 : memref<!tpu.dma_semaphore, #tpu.memory_space<semaphore_mem>>) {add = true}
        %dma_wait3A_107 = arith.constant 0 : i32
        %dma_wait3A_108 = tpu.memref_slice %arg8[%add3A_99, %dma_wait3A_107] : memref<32x80xi32, #tpu.memory_space<vmem>> -> memref<1x80xi32, #tpu.memory_space<vmem>>
        %dma_wait3A_109 = tpu.memref_squeeze %dma_wait3A_108 : memref<1x80xi32, #tpu.memory_space<vmem>> -> memref<80xi32, #tpu.memory_space<vmem>>
        %dma_wait3A_110 = arith.constant 0 : i32
        %dma_wait3A_111 = arith.constant 0 : i32
        %dma_wait3A_112 = tpu.memref_slice %arg6[%dma_wait3A_110, %dma_wait3A_111] : memref<10000x128xf32, #tpu.memory_space<vmem_shared>> -> memref<10000x128xf32, #tpu.memory_space<vmem_shared>>
        tpu.wait_indirect_dma semaphore(%run_scoped3A_100 : memref<!tpu.dma_semaphore, #tpu.memory_space<semaphore_mem>>) src(%arg10 : memref<80x128xf32, #tpu.memory_space<vmem>>) dst(%dma_wait3A_112 : memref<10000x128xf32, #tpu.memory_space<vmem_shared>>)
        tpu.yield
      }) : () -> ()
    }
    %scan3A_41 = arith.constant 16 : i32
    "tpu.region"() ({
      %run_scoped3A_67 = tpu.sem_alloc : memref<!tpu.dma_semaphore, #tpu.memory_space<semaphore_mem>>
      %dma_start3A_68 = arith.constant 0 : i32
      %dma_start3A_69 = arith.constant 0 : i32
      %dma_start3A_70 = tpu.memref_slice %arg7[%dma_start3A_68, %dma_start3A_69] : memref<32x80xi32, #tpu.memory_space<vmem>> -> memref<29x80xi32, #tpu.memory_space<vmem>>
      %dma_start3A_71 = arith.constant 96 : i32
      %dma_start3A_72 = arith.constant 0 : i32
      %dma_start3A_73 = tpu.memref_slice %arg3[%add3A, %dma_start3A_71, %dma_start3A_72] : memref<32x125x80xi32, #tpu.memory_space<hbm>> -> memref<1x29x80xi32, #tpu.memory_space<hbm>>
      %dma_start3A_74 = tpu.memref_squeeze %dma_start3A_73 : memref<1x29x80xi32, #tpu.memory_space<hbm>> -> memref<29x80xi32, #tpu.memory_space<hbm>>
      %dma_start3A_75 = arith.constant 0 : i32
      %dma_start3A_76 = arith.constant 0 : i32
      %dma_start3A_77 = tpu.memref_slice %arg7[%dma_start3A_75, %dma_start3A_76] : memref<32x80xi32, #tpu.memory_space<vmem>> -> memref<29x80xi32, #tpu.memory_space<vmem>>
      %dma_start3A_78 = arith.constant 96 : i32
      %dma_start3A_79 = arith.constant 0 : i32
      %dma_start3A_80 = tpu.memref_slice %arg3[%add3A, %dma_start3A_78, %dma_start3A_79] : memref<32x125x80xi32, #tpu.memory_space<hbm>> -> memref<1x29x80xi32, #tpu.memory_space<hbm>>
      %dma_start3A_81 = tpu.memref_squeeze %dma_start3A_80 : memref<1x29x80xi32, #tpu.memory_space<hbm>> -> memref<29x80xi32, #tpu.memory_space<hbm>>
      tpu.enqueue_dma source(%dma_start3A_81 : memref<29x80xi32, #tpu.memory_space<hbm>>) target(%dma_start3A_77 : memref<29x80xi32, #tpu.memory_space<vmem>>) target_semaphore(%run_scoped3A_67 : memref<!tpu.dma_semaphore, #tpu.memory_space<semaphore_mem>>)
      %dma_wait3A_82 = arith.constant 0 : i32
      %dma_wait3A_83 = arith.constant 0 : i32
      %dma_wait3A_84 = tpu.memref_slice %arg7[%dma_wait3A_82, %dma_wait3A_83] : memref<32x80xi32, #tpu.memory_space<vmem>> -> memref<29x80xi32, #tpu.memory_space<vmem>>
      %dma_wait3A_85 = arith.constant 96 : i32
      %dma_wait3A_86 = arith.constant 0 : i32
      %dma_wait3A_87 = tpu.memref_slice %arg3[%add3A, %dma_wait3A_85, %dma_wait3A_86] : memref<32x125x80xi32, #tpu.memory_space<hbm>> -> memref<1x29x80xi32, #tpu.memory_space<hbm>>
      %dma_wait3A_88 = tpu.memref_squeeze %dma_wait3A_87 : memref<1x29x80xi32, #tpu.memory_space<hbm>> -> memref<29x80xi32, #tpu.memory_space<hbm>>
      %dma_wait3A_89 = arith.constant 0 : i32
      %dma_wait3A_90 = arith.constant 0 : i32
      %dma_wait3A_91 = tpu.memref_slice %arg7[%dma_wait3A_89, %dma_wait3A_90] : memref<32x80xi32, #tpu.memory_space<vmem>> -> memref<29x80xi32, #tpu.memory_space<vmem>>
      %dma_wait3A_92 = arith.constant 96 : i32
      %dma_wait3A_93 = arith.constant 0 : i32
      %dma_wait3A_94 = tpu.memref_slice %arg3[%add3A, %dma_wait3A_92, %dma_wait3A_93] : memref<32x125x80xi32, #tpu.memory_space<hbm>> -> memref<1x29x80xi32, #tpu.memory_space<hbm>>
      %dma_wait3A_95 = tpu.memref_squeeze %dma_wait3A_94 : memref<1x29x80xi32, #tpu.memory_space<hbm>> -> memref<29x80xi32, #tpu.memory_space<hbm>>
      tpu.wait_dma2 semaphore(%run_scoped3A_67 : memref<!tpu.dma_semaphore, #tpu.memory_space<semaphore_mem>>) src(%dma_wait3A_95 : memref<29x80xi32, #tpu.memory_space<hbm>>) dst(%dma_wait3A_91 : memref<29x80xi32, #tpu.memory_space<vmem>>)
      tpu.yield
    }) : () -> ()
    "tpu.region"() ({
      %run_scoped3A_67 = tpu.sem_alloc : memref<!tpu.dma_semaphore, #tpu.memory_space<semaphore_mem>>
      %dma_start3A_68 = arith.constant 0 : i32
      %dma_start3A_69 = arith.constant 0 : i32
      %dma_start3A_70 = tpu.memref_slice %arg8[%dma_start3A_68, %dma_start3A_69] : memref<32x80xi32, #tpu.memory_space<vmem>> -> memref<29x80xi32, #tpu.memory_space<vmem>>
      %dma_start3A_71 = arith.constant 96 : i32
      %dma_start3A_72 = arith.constant 0 : i32
      %dma_start3A_73 = tpu.memref_slice %arg4[%add3A, %dma_start3A_71, %dma_start3A_72] : memref<32x125x80xi32, #tpu.memory_space<hbm>> -> memref<1x29x80xi32, #tpu.memory_space<hbm>>
      %dma_start3A_74 = tpu.memref_squeeze %dma_start3A_73 : memref<1x29x80xi32, #tpu.memory_space<hbm>> -> memref<29x80xi32, #tpu.memory_space<hbm>>
      %dma_start3A_75 = arith.constant 0 : i32
      %dma_start3A_76 = arith.constant 0 : i32
      %dma_start3A_77 = tpu.memref_slice %arg8[%dma_start3A_75, %dma_start3A_76] : memref<32x80xi32, #tpu.memory_space<vmem>> -> memref<29x80xi32, #tpu.memory_space<vmem>>
      %dma_start3A_78 = arith.constant 96 : i32
      %dma_start3A_79 = arith.constant 0 : i32
      %dma_start3A_80 = tpu.memref_slice %arg4[%add3A, %dma_start3A_78, %dma_start3A_79] : memref<32x125x80xi32, #tpu.memory_space<hbm>> -> memref<1x29x80xi32, #tpu.memory_space<hbm>>
      %dma_start3A_81 = tpu.memref_squeeze %dma_start3A_80 : memref<1x29x80xi32, #tpu.memory_space<hbm>> -> memref<29x80xi32, #tpu.memory_space<hbm>>
      tpu.enqueue_dma source(%dma_start3A_81 : memref<29x80xi32, #tpu.memory_space<hbm>>) target(%dma_start3A_77 : memref<29x80xi32, #tpu.memory_space<vmem>>) target_semaphore(%run_scoped3A_67 : memref<!tpu.dma_semaphore, #tpu.memory_space<semaphore_mem>>)
      %dma_wait3A_82 = arith.constant 0 : i32
      %dma_wait3A_83 = arith.constant 0 : i32
      %dma_wait3A_84 = tpu.memref_slice %arg8[%dma_wait3A_82, %dma_wait3A_83] : memref<32x80xi32, #tpu.memory_space<vmem>> -> memref<29x80xi32, #tpu.memory_space<vmem>>
      %dma_wait3A_85 = arith.constant 96 : i32
      %dma_wait3A_86 = arith.constant 0 : i32
      %dma_wait3A_87 = tpu.memref_slice %arg4[%add3A, %dma_wait3A_85, %dma_wait3A_86] : memref<32x125x80xi32, #tpu.memory_space<hbm>> -> memref<1x29x80xi32, #tpu.memory_space<hbm>>
      %dma_wait3A_88 = tpu.memref_squeeze %dma_wait3A_87 : memref<1x29x80xi32, #tpu.memory_space<hbm>> -> memref<29x80xi32, #tpu.memory_space<hbm>>
      %dma_wait3A_89 = arith.constant 0 : i32
      %dma_wait3A_90 = arith.constant 0 : i32
      %dma_wait3A_91 = tpu.memref_slice %arg8[%dma_wait3A_89, %dma_wait3A_90] : memref<32x80xi32, #tpu.memory_space<vmem>> -> memref<29x80xi32, #tpu.memory_space<vmem>>
      %dma_wait3A_92 = arith.constant 96 : i32
      %dma_wait3A_93 = arith.constant 0 : i32
      %dma_wait3A_94 = tpu.memref_slice %arg4[%add3A, %dma_wait3A_92, %dma_wait3A_93] : memref<32x125x80xi32, #tpu.memory_space<hbm>> -> memref<1x29x80xi32, #tpu.memory_space<hbm>>
      %dma_wait3A_95 = tpu.memref_squeeze %dma_wait3A_94 : memref<1x29x80xi32, #tpu.memory_space<hbm>> -> memref<29x80xi32, #tpu.memory_space<hbm>>
      tpu.wait_dma2 semaphore(%run_scoped3A_67 : memref<!tpu.dma_semaphore, #tpu.memory_space<semaphore_mem>>) src(%dma_wait3A_95 : memref<29x80xi32, #tpu.memory_space<hbm>>) dst(%dma_wait3A_91 : memref<29x80xi32, #tpu.memory_space<vmem>>)
      tpu.yield
    }) : () -> ()
    %dma_start3A_42 = arith.constant 0 : i32
    %dma_start3A_43 = arith.constant 0 : i32
    %dma_start3A_44 = tpu.memref_slice %arg7[%dma_start3A_42, %dma_start3A_43] : memref<32x80xi32, #tpu.memory_space<vmem>> -> memref<1x80xi32, #tpu.memory_space<vmem>>
    %dma_start3A_45 = tpu.memref_squeeze %dma_start3A_44 : memref<1x80xi32, #tpu.memory_space<vmem>> -> memref<80xi32, #tpu.memory_space<vmem>>
    %dma_start3A_46 = arith.constant 0 : i32
    %dma_start3A_47 = arith.constant 0 : i32
    %dma_start3A_48 = tpu.memref_slice %arg2[%dma_start3A_46, %dma_start3A_47] : memref<10000x128xf32, #tpu.memory_space<hbm>> -> memref<10000x128xf32, #tpu.memory_space<hbm>>
    tpu.enqueue_indirect_dma source(%dma_start3A_48 : memref<10000x128xf32, #tpu.memory_space<hbm>>) target(%arg9 : memref<80x128xf32, #tpu.memory_space<vmem>>) offsets(%dma_start3A_45 : memref<80xi32, #tpu.memory_space<vmem>>) semaphore(%arg11 : memref<!tpu.dma_semaphore, #tpu.memory_space<semaphore_mem>>)
    %scan3A_49 = arith.constant 0 : i32
    %scan3A_50 = arith.constant 0 : i32
    %scan3A_51 = arith.constant 14 : i32
    %scan3A_52 = arith.addi %scan3A_50, %scan3A_51 : i32
    %scan3A_53 = arith.constant 1 : i32
    scf.for %scan3A_67 = %scan3A_50 to %scan3A_52 step %scan3A_53  : i32 {
      %mul3A_68 = arith.constant 2 : i32
      %mul3A_69 = arith.muli %mul3A_68, %scan3A_67 : i32
      %add3A_70 = arith.constant 1 : i32
      %add3A_71 = arith.addi %mul3A_69, %add3A_70 : i32
      %dma_start3A_72 = arith.constant 0 : i32
      %dma_start3A_73 = tpu.memref_slice %arg7[%add3A_71, %dma_start3A_72] : memref<32x80xi32, #tpu.memory_space<vmem>> -> memref<1x80xi32, #tpu.memory_space<vmem>>
      %dma_start3A_74 = tpu.memref_squeeze %dma_start3A_73 : memref<1x80xi32, #tpu.memory_space<vmem>> -> memref<80xi32, #tpu.memory_space<vmem>>
      %dma_start3A_75 = arith.constant 0 : i32
      %dma_start3A_76 = arith.constant 0 : i32
      %dma_start3A_77 = tpu.memref_slice %arg2[%dma_start3A_75, %dma_start3A_76] : memref<10000x128xf32, #tpu.memory_space<hbm>> -> memref<10000x128xf32, #tpu.memory_space<hbm>>
      tpu.enqueue_indirect_dma source(%dma_start3A_77 : memref<10000x128xf32, #tpu.memory_space<hbm>>) target(%arg10 : memref<80x128xf32, #tpu.memory_space<vmem>>) offsets(%dma_start3A_74 : memref<80xi32, #tpu.memory_space<vmem>>) semaphore(%arg12 : memref<!tpu.dma_semaphore, #tpu.memory_space<semaphore_mem>>)
      %dma_wait3A_78 = arith.constant 0 : i32
      %dma_wait3A_79 = tpu.memref_slice %arg7[%mul3A_69, %dma_wait3A_78] : memref<32x80xi32, #tpu.memory_space<vmem>> -> memref<1x80xi32, #tpu.memory_space<vmem>>
      %dma_wait3A_80 = tpu.memref_squeeze %dma_wait3A_79 : memref<1x80xi32, #tpu.memory_space<vmem>> -> memref<80xi32, #tpu.memory_space<vmem>>
      %dma_wait3A_81 = arith.constant 0 : i32
      %dma_wait3A_82 = arith.constant 0 : i32
      %dma_wait3A_83 = tpu.memref_slice %arg2[%dma_wait3A_81, %dma_wait3A_82] : memref<10000x128xf32, #tpu.memory_space<hbm>> -> memref<10000x128xf32, #tpu.memory_space<hbm>>
      tpu.wait_indirect_dma semaphore(%arg11 : memref<!tpu.dma_semaphore, #tpu.memory_space<semaphore_mem>>) src(%dma_wait3A_83 : memref<10000x128xf32, #tpu.memory_space<hbm>>) dst(%arg9 : memref<80x128xf32, #tpu.memory_space<vmem>>)
      "tpu.region"() ({
        %run_scoped3A_100 = tpu.sem_alloc : memref<!tpu.dma_semaphore, #tpu.memory_space<semaphore_mem>>
        %dma_start3A_101 = arith.constant 0 : i32
        %dma_start3A_102 = tpu.memref_slice %arg8[%mul3A_69, %dma_start3A_101] : memref<32x80xi32, #tpu.memory_space<vmem>> -> memref<1x80xi32, #tpu.memory_space<vmem>>
        %dma_start3A_103 = tpu.memref_squeeze %dma_start3A_102 : memref<1x80xi32, #tpu.memory_space<vmem>> -> memref<80xi32, #tpu.memory_space<vmem>>
        %dma_start3A_104 = arith.constant 0 : i32
        %dma_start3A_105 = arith.constant 0 : i32
        %dma_start3A_106 = tpu.memref_slice %arg6[%dma_start3A_104, %dma_start3A_105] : memref<10000x128xf32, #tpu.memory_space<vmem_shared>> -> memref<10000x128xf32, #tpu.memory_space<vmem_shared>>
        tpu.enqueue_indirect_dma source(%arg9 : memref<80x128xf32, #tpu.memory_space<vmem>>) target(%dma_start3A_106 : memref<10000x128xf32, #tpu.memory_space<vmem_shared>>) offsets(%dma_start3A_103 : memref<80xi32, #tpu.memory_space<vmem>>) semaphore(%run_scoped3A_100 : memref<!tpu.dma_semaphore, #tpu.memory_space<semaphore_mem>>) {add = true}
        %dma_wait3A_107 = arith.constant 0 : i32
        %dma_wait3A_108 = tpu.memref_slice %arg8[%mul3A_69, %dma_wait3A_107] : memref<32x80xi32, #tpu.memory_space<vmem>> -> memref<1x80xi32, #tpu.memory_space<vmem>>
        %dma_wait3A_109 = tpu.memref_squeeze %dma_wait3A_108 : memref<1x80xi32, #tpu.memory_space<vmem>> -> memref<80xi32, #tpu.memory_space<vmem>>
        %dma_wait3A_110 = arith.constant 0 : i32
        %dma_wait3A_111 = arith.constant 0 : i32
        %dma_wait3A_112 = tpu.memref_slice %arg6[%dma_wait3A_110, %dma_wait3A_111] : memref<10000x128xf32, #tpu.memory_space<vmem_shared>> -> memref<10000x128xf32, #tpu.memory_space<vmem_shared>>
        tpu.wait_indirect_dma semaphore(%run_scoped3A_100 : memref<!tpu.dma_semaphore, #tpu.memory_space<semaphore_mem>>) src(%arg9 : memref<80x128xf32, #tpu.memory_space<vmem>>) dst(%dma_wait3A_112 : memref<10000x128xf32, #tpu.memory_space<vmem_shared>>)
        tpu.yield
      }) : () -> ()
      %add3A_84 = arith.constant 2 : i32
      %add3A_85 = arith.addi %mul3A_69, %add3A_84 : i32
      %lt3A = arith.constant 29 : i32
      %lt3A_86 = arith.cmpi slt, %add3A_85, %lt3A : i32
      %convert_element_type3A_87 = arith.extui %lt3A_86 : i1 to i32
      %cond3A_88 = arith.constant 0 : i32
      %cond3A_89 = arith.cmpi ne, %convert_element_type3A_87, %cond3A_88 : i32
      scf.if %cond3A_89 {
        %add3A_100 = arith.constant 2 : i32
        %add3A_101 = arith.addi %mul3A_69, %add3A_100 : i32
        %dma_start3A_102 = arith.constant 0 : i32
        %dma_start3A_103 = tpu.memref_slice %arg7[%add3A_101, %dma_start3A_102] : memref<32x80xi32, #tpu.memory_space<vmem>> -> memref<1x80xi32, #tpu.memory_space<vmem>>
        %dma_start3A_104 = tpu.memref_squeeze %dma_start3A_103 : memref<1x80xi32, #tpu.memory_space<vmem>> -> memref<80xi32, #tpu.memory_space<vmem>>
        %dma_start3A_105 = arith.constant 0 : i32
        %dma_start3A_106 = arith.constant 0 : i32
        %dma_start3A_107 = tpu.memref_slice %arg2[%dma_start3A_105, %dma_start3A_106] : memref<10000x128xf32, #tpu.memory_space<hbm>> -> memref<10000x128xf32, #tpu.memory_space<hbm>>
        tpu.enqueue_indirect_dma source(%dma_start3A_107 : memref<10000x128xf32, #tpu.memory_space<hbm>>) target(%arg9 : memref<80x128xf32, #tpu.memory_space<vmem>>) offsets(%dma_start3A_104 : memref<80xi32, #tpu.memory_space<vmem>>) semaphore(%arg11 : memref<!tpu.dma_semaphore, #tpu.memory_space<semaphore_mem>>)
      } else {
      }
      %add3A_90 = arith.constant 1 : i32
      %add3A_91 = arith.addi %mul3A_69, %add3A_90 : i32
      %dma_wait3A_92 = arith.constant 0 : i32
      %dma_wait3A_93 = tpu.memref_slice %arg7[%add3A_91, %dma_wait3A_92] : memref<32x80xi32, #tpu.memory_space<vmem>> -> memref<1x80xi32, #tpu.memory_space<vmem>>
      %dma_wait3A_94 = tpu.memref_squeeze %dma_wait3A_93 : memref<1x80xi32, #tpu.memory_space<vmem>> -> memref<80xi32, #tpu.memory_space<vmem>>
      %dma_wait3A_95 = arith.constant 0 : i32
      %dma_wait3A_96 = arith.constant 0 : i32
      %dma_wait3A_97 = tpu.memref_slice %arg2[%dma_wait3A_95, %dma_wait3A_96] : memref<10000x128xf32, #tpu.memory_space<hbm>> -> memref<10000x128xf32, #tpu.memory_space<hbm>>
      tpu.wait_indirect_dma semaphore(%arg12 : memref<!tpu.dma_semaphore, #tpu.memory_space<semaphore_mem>>) src(%dma_wait3A_97 : memref<10000x128xf32, #tpu.memory_space<hbm>>) dst(%arg10 : memref<80x128xf32, #tpu.memory_space<vmem>>)
      %add3A_98 = arith.constant 1 : i32
      %add3A_99 = arith.addi %mul3A_69, %add3A_98 : i32
      "tpu.region"() ({
        %run_scoped3A_100 = tpu.sem_alloc : memref<!tpu.dma_semaphore, #tpu.memory_space<semaphore_mem>>
        %dma_start3A_101 = arith.constant 0 : i32
        %dma_start3A_102 = tpu.memref_slice %arg8[%add3A_99, %dma_start3A_101] : memref<32x80xi32, #tpu.memory_space<vmem>> -> memref<1x80xi32, #tpu.memory_space<vmem>>
        %dma_start3A_103 = tpu.memref_squeeze %dma_start3A_102 : memref<1x80xi32, #tpu.memory_space<vmem>> -> memref<80xi32, #tpu.memory_space<vmem>>
        %dma_start3A_104 = arith.constant 0 : i32
        %dma_start3A_105 = arith.constant 0 : i32
        %dma_start3A_106 = tpu.memref_slice %arg6[%dma_start3A_104, %dma_start3A_105] : memref<10000x128xf32, #tpu.memory_space<vmem_shared>> -> memref<10000x128xf32, #tpu.memory_space<vmem_shared>>
        tpu.enqueue_indirect_dma source(%arg10 : memref<80x128xf32, #tpu.memory_space<vmem>>) target(%dma_start3A_106 : memref<10000x128xf32, #tpu.memory_space<vmem_shared>>) offsets(%dma_start3A_103 : memref<80xi32, #tpu.memory_space<vmem>>) semaphore(%run_scoped3A_100 : memref<!tpu.dma_semaphore, #tpu.memory_space<semaphore_mem>>) {add = true}
        %dma_wait3A_107 = arith.constant 0 : i32
        %dma_wait3A_108 = tpu.memref_slice %arg8[%add3A_99, %dma_wait3A_107] : memref<32x80xi32, #tpu.memory_space<vmem>> -> memref<1x80xi32, #tpu.memory_space<vmem>>
        %dma_wait3A_109 = tpu.memref_squeeze %dma_wait3A_108 : memref<1x80xi32, #tpu.memory_space<vmem>> -> memref<80xi32, #tpu.memory_space<vmem>>
        %dma_wait3A_110 = arith.constant 0 : i32
        %dma_wait3A_111 = arith.constant 0 : i32
        %dma_wait3A_112 = tpu.memref_slice %arg6[%dma_wait3A_110, %dma_wait3A_111] : memref<10000x128xf32, #tpu.memory_space<vmem_shared>> -> memref<10000x128xf32, #tpu.memory_space<vmem_shared>>
        tpu.wait_indirect_dma semaphore(%run_scoped3A_100 : memref<!tpu.dma_semaphore, #tpu.memory_space<semaphore_mem>>) src(%arg10 : memref<80x128xf32, #tpu.memory_space<vmem>>) dst(%dma_wait3A_112 : memref<10000x128xf32, #tpu.memory_space<vmem_shared>>)
        tpu.yield
      }) : () -> ()
    }
    %scan3A_54 = arith.constant 14 : i32
    %dma_wait3A = arith.constant 28 : i32
    %dma_wait3A_55 = arith.constant 0 : i32
    %dma_wait3A_56 = tpu.memref_slice %arg7[%dma_wait3A, %dma_wait3A_55] : memref<32x80xi32, #tpu.memory_space<vmem>> -> memref<1x80xi32, #tpu.memory_space<vmem>>
    %dma_wait3A_57 = tpu.memref_squeeze %dma_wait3A_56 : memref<1x80xi32, #tpu.memory_space<vmem>> -> memref<80xi32, #tpu.memory_space<vmem>>
    %dma_wait3A_58 = arith.constant 0 : i32
    %dma_wait3A_59 = arith.constant 0 : i32
    %dma_wait3A_60 = tpu.memref_slice %arg2[%dma_wait3A_58, %dma_wait3A_59] : memref<10000x128xf32, #tpu.memory_space<hbm>> -> memref<10000x128xf32, #tpu.memory_space<hbm>>
    tpu.wait_indirect_dma semaphore(%arg11 : memref<!tpu.dma_semaphore, #tpu.memory_space<semaphore_mem>>) src(%dma_wait3A_60 : memref<10000x128xf32, #tpu.memory_space<hbm>>) dst(%arg9 : memref<80x128xf32, #tpu.memory_space<vmem>>)
    %run_scoped3A = arith.constant 28 : i32
    "tpu.region"() ({
      %run_scoped3A_67 = tpu.sem_alloc : memref<!tpu.dma_semaphore, #tpu.memory_space<semaphore_mem>>
      %dma_start3A_68 = arith.constant 0 : i32
      %dma_start3A_69 = tpu.memref_slice %arg8[%run_scoped3A, %dma_start3A_68] : memref<32x80xi32, #tpu.memory_space<vmem>> -> memref<1x80xi32, #tpu.memory_space<vmem>>
      %dma_start3A_70 = tpu.memref_squeeze %dma_start3A_69 : memref<1x80xi32, #tpu.memory_space<vmem>> -> memref<80xi32, #tpu.memory_space<vmem>>
      %dma_start3A_71 = arith.constant 0 : i32
      %dma_start3A_72 = arith.constant 0 : i32
      %dma_start3A_73 = tpu.memref_slice %arg6[%dma_start3A_71, %dma_start3A_72] : memref<10000x128xf32, #tpu.memory_space<vmem_shared>> -> memref<10000x128xf32, #tpu.memory_space<vmem_shared>>
      tpu.enqueue_indirect_dma source(%arg9 : memref<80x128xf32, #tpu.memory_space<vmem>>) target(%dma_start3A_73 : memref<10000x128xf32, #tpu.memory_space<vmem_shared>>) offsets(%dma_start3A_70 : memref<80xi32, #tpu.memory_space<vmem>>) semaphore(%run_scoped3A_67 : memref<!tpu.dma_semaphore, #tpu.memory_space<semaphore_mem>>) {add = true}
      %dma_wait3A_74 = arith.constant 0 : i32
      %dma_wait3A_75 = tpu.memref_slice %arg8[%run_scoped3A, %dma_wait3A_74] : memref<32x80xi32, #tpu.memory_space<vmem>> -> memref<1x80xi32, #tpu.memory_space<vmem>>
      %dma_wait3A_76 = tpu.memref_squeeze %dma_wait3A_75 : memref<1x80xi32, #tpu.memory_space<vmem>> -> memref<80xi32, #tpu.memory_space<vmem>>
      %dma_wait3A_77 = arith.constant 0 : i32
      %dma_wait3A_78 = arith.constant 0 : i32
      %dma_wait3A_79 = tpu.memref_slice %arg6[%dma_wait3A_77, %dma_wait3A_78] : memref<10000x128xf32, #tpu.memory_space<vmem_shared>> -> memref<10000x128xf32, #tpu.memory_space<vmem_shared>>
      tpu.wait_indirect_dma semaphore(%run_scoped3A_67 : memref<!tpu.dma_semaphore, #tpu.memory_space<semaphore_mem>>) src(%arg9 : memref<80x128xf32, #tpu.memory_space<vmem>>) dst(%dma_wait3A_79 : memref<10000x128xf32, #tpu.memory_space<vmem_shared>>)
      tpu.yield
    }) : () -> ()
    %barrier3A_61 = arith.constant 0 : index
    tpu.barrier barrier_id(%barrier3A_61)
    "tpu.region"() ({
      %run_scoped3A_67 = tpu.sem_alloc : memref<!tpu.dma_semaphore, #tpu.memory_space<semaphore_mem>>
      %dma_start3A_68 = arith.constant 0 : i32
      %dma_start3A_69 = tpu.memref_slice %arg5[%arg0, %mul3A_2, %dma_start3A_68] : memref<2x10000x128xf32, #tpu.memory_space<hbm>> -> memref<1x624x128xf32, #tpu.memory_space<hbm>>
      %dma_start3A_70 = tpu.memref_squeeze %dma_start3A_69 : memref<1x624x128xf32, #tpu.memory_space<hbm>> -> memref<624x128xf32, #tpu.memory_space<hbm>>
      %dma_start3A_71 = arith.constant 0 : i32
      %dma_start3A_72 = tpu.memref_slice %arg6[%mul3A_2, %dma_start3A_71] : memref<10000x128xf32, #tpu.memory_space<vmem_shared>> -> memref<624x128xf32, #tpu.memory_space<vmem_shared>>
      tpu.enqueue_dma source(%dma_start3A_72 : memref<624x128xf32, #tpu.memory_space<vmem_shared>>) target(%dma_start3A_70 : memref<624x128xf32, #tpu.memory_space<hbm>>) target_semaphore(%run_scoped3A_67 : memref<!tpu.dma_semaphore, #tpu.memory_space<semaphore_mem>>)
      %dma_wait3A_73 = arith.constant 0 : i32
      %dma_wait3A_74 = tpu.memref_slice %arg5[%arg0, %mul3A_2, %dma_wait3A_73] : memref<2x10000x128xf32, #tpu.memory_space<hbm>> -> memref<1x624x128xf32, #tpu.memory_space<hbm>>
      %dma_wait3A_75 = tpu.memref_squeeze %dma_wait3A_74 : memref<1x624x128xf32, #tpu.memory_space<hbm>> -> memref<624x128xf32, #tpu.memory_space<hbm>>
      %dma_wait3A_76 = arith.constant 0 : i32
      %dma_wait3A_77 = tpu.memref_slice %arg6[%mul3A_2, %dma_wait3A_76] : memref<10000x128xf32, #tpu.memory_space<vmem_shared>> -> memref<624x128xf32, #tpu.memory_space<vmem_shared>>
      tpu.wait_dma2 semaphore(%run_scoped3A_67 : memref<!tpu.dma_semaphore, #tpu.memory_space<semaphore_mem>>) src(%dma_wait3A_77 : memref<624x128xf32, #tpu.memory_space<vmem_shared>>) dst(%dma_wait3A_75 : memref<624x128xf32, #tpu.memory_space<hbm>>)
      tpu.yield
    }) : () -> ()
    %eq3A_62 = arith.constant 0 : i32
    %eq3A_63 = arith.cmpi eq, %arg1, %eq3A_62 : i32
    %convert_element_type3A_64 = arith.extui %eq3A_63 : i1 to i32
    %cond3A_65 = arith.constant 0 : i32
    %cond3A_66 = arith.cmpi ne, %convert_element_type3A_64, %cond3A_65 : i32
    scf.if %cond3A_66 {
      "tpu.region"() ({
        %run_scoped3A_67 = tpu.sem_alloc : memref<!tpu.dma_semaphore, #tpu.memory_space<semaphore_mem>>
        %dma_start3A_68 = arith.constant 9984 : i32
        %dma_start3A_69 = arith.constant 0 : i32
        %dma_start3A_70 = tpu.memref_slice %arg5[%arg0, %dma_start3A_68, %dma_start3A_69] : memref<2x10000x128xf32, #tpu.memory_space<hbm>> -> memref<1x16x128xf32, #tpu.memory_space<hbm>>
        %dma_start3A_71 = tpu.memref_squeeze %dma_start3A_70 : memref<1x16x128xf32, #tpu.memory_space<hbm>> -> memref<16x128xf32, #tpu.memory_space<hbm>>
        %dma_start3A_72 = arith.constant 9984 : i32
        %dma_start3A_73 = arith.constant 0 : i32
        %dma_start3A_74 = tpu.memref_slice %arg6[%dma_start3A_72, %dma_start3A_73] : memref<10000x128xf32, #tpu.memory_space<vmem_shared>> -> memref<16x128xf32, #tpu.memory_space<vmem_shared>>
        tpu.enqueue_dma source(%dma_start3A_74 : memref<16x128xf32, #tpu.memory_space<vmem_shared>>) target(%dma_start3A_71 : memref<16x128xf32, #tpu.memory_space<hbm>>) target_semaphore(%run_scoped3A_67 : memref<!tpu.dma_semaphore, #tpu.memory_space<semaphore_mem>>)
        %dma_wait3A_75 = arith.constant 9984 : i32
        %dma_wait3A_76 = arith.constant 0 : i32
        %dma_wait3A_77 = tpu.memref_slice %arg5[%arg0, %dma_wait3A_75, %dma_wait3A_76] : memref<2x10000x128xf32, #tpu.memory_space<hbm>> -> memref<1x16x128xf32, #tpu.memory_space<hbm>>
        %dma_wait3A_78 = tpu.memref_squeeze %dma_wait3A_77 : memref<1x16x128xf32, #tpu.memory_space<hbm>> -> memref<16x128xf32, #tpu.memory_space<hbm>>
        %dma_wait3A_79 = arith.constant 9984 : i32
        %dma_wait3A_80 = arith.constant 0 : i32
        %dma_wait3A_81 = tpu.memref_slice %arg6[%dma_wait3A_79, %dma_wait3A_80] : memref<10000x128xf32, #tpu.memory_space<vmem_shared>> -> memref<16x128xf32, #tpu.memory_space<vmem_shared>>
        tpu.wait_dma2 semaphore(%run_scoped3A_67 : memref<!tpu.dma_semaphore, #tpu.memory_space<semaphore_mem>>) src(%dma_wait3A_81 : memref<16x128xf32, #tpu.memory_space<vmem_shared>>) dst(%dma_wait3A_78 : memref<16x128xf32, #tpu.memory_space<hbm>>)
        tpu.yield
      }) : () -> ()
    } else {
    }
    return
  }
}

#map = affine_map<(d0, d1) -> (0, 0)>
#map1 = affine_map<(d0, d1) -> (0, 0, 0)>
module attributes {stable_mosaic.version = 14 : i64} {
  func.func @k(%arg0: i32, %arg1: i32, %arg2: memref<10000x128xf32, #tpu.memory_space<hbm>>, %arg3: memref<32x125x80xi32, #tpu.memory_space<hbm>>, %arg4: memref<32x125x80xi32, #tpu.memory_space<hbm>>, %arg5: memref<2x10000x128xf32, #tpu.memory_space<hbm>>, %arg6: memref<10000x128xf32, #tpu.memory_space<vmem_shared>>, %arg7: memref<32x80xi32, #tpu.memory_space<vmem>>, %arg8: memref<32x80xi32, #tpu.memory_space<vmem>>, %arg9: memref<80x128xf32, #tpu.memory_space<vmem>>, %arg10: memref<80x128xf32, #tpu.memory_space<vmem>>, %arg11: memref<!tpu.dma_semaphore, #tpu.memory_space<semaphore_mem>>, %arg12: memref<!tpu.dma_semaphore, #tpu.memory_space<semaphore_mem>>) attributes {dimension_semantics = [#tpu.dimension_semantics<core_parallel>, #tpu.dimension_semantics<subcore_parallel>], iteration_bounds = array<i64: 2, 16>, scalar_prefetch = 0 : i64, scratch_operands = 7 : i64, tpu.core_type = #tpu.core_type<sc_vector_subcore>, window_params = [{transform_indices = #map}, {transform_indices = #map1}, {transform_indices = #map1}, {transform_indices = #map1}]} {
    %mul3A = arith.constant 16 : i32
    %mul3A_0 = arith.muli %arg0, %mul3A : i32
    %add3A = arith.addi %mul3A_0, %arg1 : i32
    %mul3A_1 = arith.constant 624 : i32
    %mul3A_2 = arith.muli %arg1, %mul3A_1 : i32
    "tpu.region"() ({
      %run_scoped3A_67 = tpu.sem_alloc : memref<!tpu.dma_semaphore, #tpu.memory_space<semaphore_mem>>
      %dma_start3A_68 = arith.constant 0 : i32
      %dma_start3A_69 = tpu.memref_slice %arg6[%mul3A_2, %dma_start3A_68] : memref<10000x128xf32, #tpu.memory_space<vmem_shared>> -> memref<624x128xf32, #tpu.memory_space<vmem_shared>>
      %dma_start3A_70 = arith.constant 0 : i32
      %dma_start3A_71 = tpu.memref_slice %arg2[%mul3A_2, %dma_start3A_70] : memref<10000x128xf32, #tpu.memory_space<hbm>> -> memref<624x128xf32, #tpu.memory_space<hbm>>
      tpu.enqueue_dma source(%dma_start3A_71 : memref<624x128xf32, #tpu.memory_space<hbm>>) target(%dma_start3A_69 : memref<624x128xf32, #tpu.memory_space<vmem_shared>>) target_semaphore(%run_scoped3A_67 : memref<!tpu.dma_semaphore, #tpu.memory_space<semaphore_mem>>)
      %dma_wait3A_72 = arith.constant 0 : i32
      %dma_wait3A_73 = tpu.memref_slice %arg6[%mul3A_2, %dma_wait3A_72] : memref<10000x128xf32, #tpu.memory_space<vmem_shared>> -> memref<624x128xf32, #tpu.memory_space<vmem_shared>>
      %dma_wait3A_74 = arith.constant 0 : i32
      %dma_wait3A_75 = tpu.memref_slice %arg2[%mul3A_2, %dma_wait3A_74] : memref<10000x128xf32, #tpu.memory_space<hbm>> -> memref<624x128xf32, #tpu.memory_space<hbm>>
      tpu.wait_dma2 semaphore(%run_scoped3A_67 : memref<!tpu.dma_semaphore, #tpu.memory_space<semaphore_mem>>) src(%dma_wait3A_75 : memref<624x128xf32, #tpu.memory_space<hbm>>) dst(%dma_wait3A_73 : memref<624x128xf32, #tpu.memory_space<vmem_shared>>)
      tpu.yield
    }) : () -> ()
    %eq3A = arith.constant 0 : i32
    %eq3A_3 = arith.cmpi eq, %arg1, %eq3A : i32
    %convert_element_type3A = arith.extui %eq3A_3 : i1 to i32
    %cond3A = arith.constant 0 : i32
    %cond3A_4 = arith.cmpi ne, %convert_element_type3A, %cond3A : i32
    scf.if %cond3A_4 {
      "tpu.region"() ({
        %run_scoped3A_67 = tpu.sem_alloc : memref<!tpu.dma_semaphore, #tpu.memory_space<semaphore_mem>>
        %dma_start3A_68 = arith.constant 9984 : i32
        %dma_start3A_69 = arith.constant 0 : i32
        %dma_start3A_70 = tpu.memref_slice %arg6[%dma_start3A_68, %dma_start3A_69] : memref<10000x128xf32, #tpu.memory_space<vmem_shared>> -> memref<16x128xf32, #tpu.memory_space<vmem_shared>>
        %dma_start3A_71 = arith.constant 9984 : i32
        %dma_start3A_72 = arith.constant 0 : i32
        %dma_start3A_73 = tpu.memref_slice %arg2[%dma_start3A_71, %dma_start3A_72] : memref<10000x128xf32, #tpu.memory_space<hbm>> -> memref<16x128xf32, #tpu.memory_space<hbm>>
        tpu.enqueue_dma source(%dma_start3A_73 : memref<16x128xf32, #tpu.memory_space<hbm>>) target(%dma_start3A_70 : memref<16x128xf32, #tpu.memory_space<vmem_shared>>) target_semaphore(%run_scoped3A_67 : memref<!tpu.dma_semaphore, #tpu.memory_space<semaphore_mem>>)
        %dma_wait3A_74 = arith.constant 9984 : i32
        %dma_wait3A_75 = arith.constant 0 : i32
        %dma_wait3A_76 = tpu.memref_slice %arg6[%dma_wait3A_74, %dma_wait3A_75] : memref<10000x128xf32, #tpu.memory_space<vmem_shared>> -> memref<16x128xf32, #tpu.memory_space<vmem_shared>>
        %dma_wait3A_77 = arith.constant 9984 : i32
        %dma_wait3A_78 = arith.constant 0 : i32
        %dma_wait3A_79 = tpu.memref_slice %arg2[%dma_wait3A_77, %dma_wait3A_78] : memref<10000x128xf32, #tpu.memory_space<hbm>> -> memref<16x128xf32, #tpu.memory_space<hbm>>
        tpu.wait_dma2 semaphore(%run_scoped3A_67 : memref<!tpu.dma_semaphore, #tpu.memory_space<semaphore_mem>>) src(%dma_wait3A_79 : memref<16x128xf32, #tpu.memory_space<hbm>>) dst(%dma_wait3A_76 : memref<16x128xf32, #tpu.memory_space<vmem_shared>>)
        tpu.yield
      }) : () -> ()
    } else {
    }
    %barrier3A = arith.constant 0 : index
    tpu.barrier barrier_id(%barrier3A)
    "tpu.region"() ({
      %run_scoped3A_67 = tpu.sem_alloc : memref<!tpu.dma_semaphore, #tpu.memory_space<semaphore_mem>>
      %dma_start3A_68 = arith.constant 0 : i32
      %dma_start3A_69 = arith.constant 0 : i32
      %dma_start3A_70 = tpu.memref_slice %arg7[%dma_start3A_68, %dma_start3A_69] : memref<32x80xi32, #tpu.memory_space<vmem>> -> memref<32x80xi32, #tpu.memory_space<vmem>>
      %dma_start3A_71 = arith.constant 0 : i32
      %dma_start3A_72 = arith.constant 0 : i32
      %dma_start3A_73 = tpu.memref_slice %arg3[%add3A, %dma_start3A_71, %dma_start3A_72] : memref<32x125x80xi32, #tpu.memory_space<hbm>> -> memref<1x32x80xi32, #tpu.memory_space<hbm>>
      %dma_start3A_74 = tpu.memref_squeeze %dma_start3A_73 : memref<1x32x80xi32, #tpu.memory_space<hbm>> -> memref<32x80xi32, #tpu.memory_space<hbm>>
      %dma_start3A_75 = arith.constant 0 : i32
      %dma_start3A_76 = arith.constant 0 : i32
      %dma_start3A_77 = tpu.memref_slice %arg7[%dma_start3A_75, %dma_start3A_76] : memref<32x80xi32, #tpu.memory_space<vmem>> -> memref<32x80xi32, #tpu.memory_space<vmem>>
      %dma_start3A_78 = arith.constant 0 : i32
      %dma_start3A_79 = arith.constant 0 : i32
      %dma_start3A_80 = tpu.memref_slice %arg3[%add3A, %dma_start3A_78, %dma_start3A_79] : memref<32x125x80xi32, #tpu.memory_space<hbm>> -> memref<1x32x80xi32, #tpu.memory_space<hbm>>
      %dma_start3A_81 = tpu.memref_squeeze %dma_start3A_80 : memref<1x32x80xi32, #tpu.memory_space<hbm>> -> memref<32x80xi32, #tpu.memory_space<hbm>>
      tpu.enqueue_dma source(%dma_start3A_81 : memref<32x80xi32, #tpu.memory_space<hbm>>) target(%dma_start3A_77 : memref<32x80xi32, #tpu.memory_space<vmem>>) target_semaphore(%run_scoped3A_67 : memref<!tpu.dma_semaphore, #tpu.memory_space<semaphore_mem>>)
      %dma_wait3A_82 = arith.constant 0 : i32
      %dma_wait3A_83 = arith.constant 0 : i32
      %dma_wait3A_84 = tpu.memref_slice %arg7[%dma_wait3A_82, %dma_wait3A_83] : memref<32x80xi32, #tpu.memory_space<vmem>> -> memref<32x80xi32, #tpu.memory_space<vmem>>
      %dma_wait3A_85 = arith.constant 0 : i32
      %dma_wait3A_86 = arith.constant 0 : i32
      %dma_wait3A_87 = tpu.memref_slice %arg3[%add3A, %dma_wait3A_85, %dma_wait3A_86] : memref<32x125x80xi32, #tpu.memory_space<hbm>> -> memref<1x32x80xi32, #tpu.memory_space<hbm>>
      %dma_wait3A_88 = tpu.memref_squeeze %dma_wait3A_87 : memref<1x32x80xi32, #tpu.memory_space<hbm>> -> memref<32x80xi32, #tpu.memory_space<hbm>>
      %dma_wait3A_89 = arith.constant 0 : i32
      %dma_wait3A_90 = arith.constant 0 : i32
      %dma_wait3A_91 = tpu.memref_slice %arg7[%dma_wait3A_89, %dma_wait3A_90] : memref<32x80xi32, #tpu.memory_space<vmem>> -> memref<32x80xi32, #tpu.memory_space<vmem>>
      %dma_wait3A_92 = arith.constant 0 : i32
      %dma_wait3A_93 = arith.constant 0 : i32
      %dma_wait3A_94 = tpu.memref_slice %arg3[%add3A, %dma_wait3A_92, %dma_wait3A_93] : memref<32x125x80xi32, #tpu.memory_space<hbm>> -> memref<1x32x80xi32, #tpu.memory_space<hbm>>
      %dma_wait3A_95 = tpu.memref_squeeze %dma_wait3A_94 : memref<1x32x80xi32, #tpu.memory_space<hbm>> -> memref<32x80xi32, #tpu.memory_space<hbm>>
      tpu.wait_dma2 semaphore(%run_scoped3A_67 : memref<!tpu.dma_semaphore, #tpu.memory_space<semaphore_mem>>) src(%dma_wait3A_95 : memref<32x80xi32, #tpu.memory_space<hbm>>) dst(%dma_wait3A_91 : memref<32x80xi32, #tpu.memory_space<vmem>>)
      tpu.yield
    }) : () -> ()
    "tpu.region"() ({
      %run_scoped3A_67 = tpu.sem_alloc : memref<!tpu.dma_semaphore, #tpu.memory_space<semaphore_mem>>
      %dma_start3A_68 = arith.constant 0 : i32
      %dma_start3A_69 = arith.constant 0 : i32
      %dma_start3A_70 = tpu.memref_slice %arg8[%dma_start3A_68, %dma_start3A_69] : memref<32x80xi32, #tpu.memory_space<vmem>> -> memref<32x80xi32, #tpu.memory_space<vmem>>
      %dma_start3A_71 = arith.constant 0 : i32
      %dma_start3A_72 = arith.constant 0 : i32
      %dma_start3A_73 = tpu.memref_slice %arg4[%add3A, %dma_start3A_71, %dma_start3A_72] : memref<32x125x80xi32, #tpu.memory_space<hbm>> -> memref<1x32x80xi32, #tpu.memory_space<hbm>>
      %dma_start3A_74 = tpu.memref_squeeze %dma_start3A_73 : memref<1x32x80xi32, #tpu.memory_space<hbm>> -> memref<32x80xi32, #tpu.memory_space<hbm>>
      %dma_start3A_75 = arith.constant 0 : i32
      %dma_start3A_76 = arith.constant 0 : i32
      %dma_start3A_77 = tpu.memref_slice %arg8[%dma_start3A_75, %dma_start3A_76] : memref<32x80xi32, #tpu.memory_space<vmem>> -> memref<32x80xi32, #tpu.memory_space<vmem>>
      %dma_start3A_78 = arith.constant 0 : i32
      %dma_start3A_79 = arith.constant 0 : i32
      %dma_start3A_80 = tpu.memref_slice %arg4[%add3A, %dma_start3A_78, %dma_start3A_79] : memref<32x125x80xi32, #tpu.memory_space<hbm>> -> memref<1x32x80xi32, #tpu.memory_space<hbm>>
      %dma_start3A_81 = tpu.memref_squeeze %dma_start3A_80 : memref<1x32x80xi32, #tpu.memory_space<hbm>> -> memref<32x80xi32, #tpu.memory_space<hbm>>
      tpu.enqueue_dma source(%dma_start3A_81 : memref<32x80xi32, #tpu.memory_space<hbm>>) target(%dma_start3A_77 : memref<32x80xi32, #tpu.memory_space<vmem>>) target_semaphore(%run_scoped3A_67 : memref<!tpu.dma_semaphore, #tpu.memory_space<semaphore_mem>>)
      %dma_wait3A_82 = arith.constant 0 : i32
      %dma_wait3A_83 = arith.constant 0 : i32
      %dma_wait3A_84 = tpu.memref_slice %arg8[%dma_wait3A_82, %dma_wait3A_83] : memref<32x80xi32, #tpu.memory_space<vmem>> -> memref<32x80xi32, #tpu.memory_space<vmem>>
      %dma_wait3A_85 = arith.constant 0 : i32
      %dma_wait3A_86 = arith.constant 0 : i32
      %dma_wait3A_87 = tpu.memref_slice %arg4[%add3A, %dma_wait3A_85, %dma_wait3A_86] : memref<32x125x80xi32, #tpu.memory_space<hbm>> -> memref<1x32x80xi32, #tpu.memory_space<hbm>>
      %dma_wait3A_88 = tpu.memref_squeeze %dma_wait3A_87 : memref<1x32x80xi32, #tpu.memory_space<hbm>> -> memref<32x80xi32, #tpu.memory_space<hbm>>
      %dma_wait3A_89 = arith.constant 0 : i32
      %dma_wait3A_90 = arith.constant 0 : i32
      %dma_wait3A_91 = tpu.memref_slice %arg8[%dma_wait3A_89, %dma_wait3A_90] : memref<32x80xi32, #tpu.memory_space<vmem>> -> memref<32x80xi32, #tpu.memory_space<vmem>>
      %dma_wait3A_92 = arith.constant 0 : i32
      %dma_wait3A_93 = arith.constant 0 : i32
      %dma_wait3A_94 = tpu.memref_slice %arg4[%add3A, %dma_wait3A_92, %dma_wait3A_93] : memref<32x125x80xi32, #tpu.memory_space<hbm>> -> memref<1x32x80xi32, #tpu.memory_space<hbm>>
      %dma_wait3A_95 = tpu.memref_squeeze %dma_wait3A_94 : memref<1x32x80xi32, #tpu.memory_space<hbm>> -> memref<32x80xi32, #tpu.memory_space<hbm>>
      tpu.wait_dma2 semaphore(%run_scoped3A_67 : memref<!tpu.dma_semaphore, #tpu.memory_space<semaphore_mem>>) src(%dma_wait3A_95 : memref<32x80xi32, #tpu.memory_space<hbm>>) dst(%dma_wait3A_91 : memref<32x80xi32, #tpu.memory_space<vmem>>)
      tpu.yield
    }) : () -> ()
    %dma_start3A = arith.constant 0 : i32
    %dma_start3A_5 = arith.constant 0 : i32
    %dma_start3A_6 = tpu.memref_slice %arg7[%dma_start3A, %dma_start3A_5] : memref<32x80xi32, #tpu.memory_space<vmem>> -> memref<1x80xi32, #tpu.memory_space<vmem>>
    %dma_start3A_7 = tpu.memref_squeeze %dma_start3A_6 : memref<1x80xi32, #tpu.memory_space<vmem>> -> memref<80xi32, #tpu.memory_space<vmem>>
    %dma_start3A_8 = arith.constant 0 : i32
    %dma_start3A_9 = arith.constant 0 : i32
    %dma_start3A_10 = tpu.memref_slice %arg2[%dma_start3A_8, %dma_start3A_9] : memref<10000x128xf32, #tpu.memory_space<hbm>> -> memref<10000x128xf32, #tpu.memory_space<hbm>>
    tpu.enqueue_indirect_dma source(%dma_start3A_10 : memref<10000x128xf32, #tpu.memory_space<hbm>>) target(%arg9 : memref<80x128xf32, #tpu.memory_space<vmem>>) offsets(%dma_start3A_7 : memref<80xi32, #tpu.memory_space<vmem>>) semaphore(%arg11 : memref<!tpu.dma_semaphore, #tpu.memory_space<semaphore_mem>>)
    %scan3A = arith.constant 0 : i32
    %scan3A_11 = arith.constant 0 : i32
    %scan3A_12 = arith.constant 16 : i32
    %scan3A_13 = arith.addi %scan3A_11, %scan3A_12 : i32
    %scan3A_14 = arith.constant 1 : i32
    scf.for %scan3A_67 = %scan3A_11 to %scan3A_13 step %scan3A_14  : i32 {
      %mul3A_68 = arith.constant 2 : i32
      %mul3A_69 = arith.muli %mul3A_68, %scan3A_67 : i32
      %add3A_70 = arith.constant 1 : i32
      %add3A_71 = arith.addi %mul3A_69, %add3A_70 : i32
      %dma_start3A_72 = arith.constant 0 : i32
      %dma_start3A_73 = tpu.memref_slice %arg7[%add3A_71, %dma_start3A_72] : memref<32x80xi32, #tpu.memory_space<vmem>> -> memref<1x80xi32, #tpu.memory_space<vmem>>
      %dma_start3A_74 = tpu.memref_squeeze %dma_start3A_73 : memref<1x80xi32, #tpu.memory_space<vmem>> -> memref<80xi32, #tpu.memory_space<vmem>>
      %dma_start3A_75 = arith.constant 0 : i32
      %dma_start3A_76 = arith.constant 0 : i32
      %dma_start3A_77 = tpu.memref_slice %arg2[%dma_start3A_75, %dma_start3A_76] : memref<10000x128xf32, #tpu.memory_space<hbm>> -> memref<10000x128xf32, #tpu.memory_space<hbm>>
      tpu.enqueue_indirect_dma source(%dma_start3A_77 : memref<10000x128xf32, #tpu.memory_space<hbm>>) target(%arg10 : memref<80x128xf32, #tpu.memory_space<vmem>>) offsets(%dma_start3A_74 : memref<80xi32, #tpu.memory_space<vmem>>) semaphore(%arg12 : memref<!tpu.dma_semaphore, #tpu.memory_space<semaphore_mem>>)
      %dma_wait3A_78 = arith.constant 0 : i32
      %dma_wait3A_79 = tpu.memref_slice %arg7[%mul3A_69, %dma_wait3A_78] : memref<32x80xi32, #tpu.memory_space<vmem>> -> memref<1x80xi32, #tpu.memory_space<vmem>>
      %dma_wait3A_80 = tpu.memref_squeeze %dma_wait3A_79 : memref<1x80xi32, #tpu.memory_space<vmem>> -> memref<80xi32, #tpu.memory_space<vmem>>
      %dma_wait3A_81 = arith.constant 0 : i32
      %dma_wait3A_82 = arith.constant 0 : i32
      %dma_wait3A_83 = tpu.memref_slice %arg2[%dma_wait3A_81, %dma_wait3A_82] : memref<10000x128xf32, #tpu.memory_space<hbm>> -> memref<10000x128xf32, #tpu.memory_space<hbm>>
      tpu.wait_indirect_dma semaphore(%arg11 : memref<!tpu.dma_semaphore, #tpu.memory_space<semaphore_mem>>) src(%dma_wait3A_83 : memref<10000x128xf32, #tpu.memory_space<hbm>>) dst(%arg9 : memref<80x128xf32, #tpu.memory_space<vmem>>)
      "tpu.region"() ({
        %run_scoped3A_100 = tpu.sem_alloc : memref<!tpu.dma_semaphore, #tpu.memory_space<semaphore_mem>>
        %dma_start3A_101 = arith.constant 0 : i32
        %dma_start3A_102 = tpu.memref_slice %arg8[%mul3A_69, %dma_start3A_101] : memref<32x80xi32, #tpu.memory_space<vmem>> -> memref<1x80xi32, #tpu.memory_space<vmem>>
        %dma_start3A_103 = tpu.memref_squeeze %dma_start3A_102 : memref<1x80xi32, #tpu.memory_space<vmem>> -> memref<80xi32, #tpu.memory_space<vmem>>
        %dma_start3A_104 = arith.constant 0 : i32
        %dma_start3A_105 = arith.constant 0 : i32
        %dma_start3A_106 = tpu.memref_slice %arg6[%dma_start3A_104, %dma_start3A_105] : memref<10000x128xf32, #tpu.memory_space<vmem_shared>> -> memref<10000x128xf32, #tpu.memory_space<vmem_shared>>
        tpu.enqueue_indirect_dma source(%arg9 : memref<80x128xf32, #tpu.memory_space<vmem>>) target(%dma_start3A_106 : memref<10000x128xf32, #tpu.memory_space<vmem_shared>>) offsets(%dma_start3A_103 : memref<80xi32, #tpu.memory_space<vmem>>) semaphore(%run_scoped3A_100 : memref<!tpu.dma_semaphore, #tpu.memory_space<semaphore_mem>>) {add = true}
        %dma_wait3A_107 = arith.constant 0 : i32
        %dma_wait3A_108 = tpu.memref_slice %arg8[%mul3A_69, %dma_wait3A_107] : memref<32x80xi32, #tpu.memory_space<vmem>> -> memref<1x80xi32, #tpu.memory_space<vmem>>
        %dma_wait3A_109 = tpu.memref_squeeze %dma_wait3A_108 : memref<1x80xi32, #tpu.memory_space<vmem>> -> memref<80xi32, #tpu.memory_space<vmem>>
        %dma_wait3A_110 = arith.constant 0 : i32
        %dma_wait3A_111 = arith.constant 0 : i32
        %dma_wait3A_112 = tpu.memref_slice %arg6[%dma_wait3A_110, %dma_wait3A_111] : memref<10000x128xf32, #tpu.memory_space<vmem_shared>> -> memref<10000x128xf32, #tpu.memory_space<vmem_shared>>
        tpu.wait_indirect_dma semaphore(%run_scoped3A_100 : memref<!tpu.dma_semaphore, #tpu.memory_space<semaphore_mem>>) src(%arg9 : memref<80x128xf32, #tpu.memory_space<vmem>>) dst(%dma_wait3A_112 : memref<10000x128xf32, #tpu.memory_space<vmem_shared>>)
        tpu.yield
      }) : () -> ()
      %add3A_84 = arith.constant 2 : i32
      %add3A_85 = arith.addi %mul3A_69, %add3A_84 : i32
      %lt3A = arith.constant 32 : i32
      %lt3A_86 = arith.cmpi slt, %add3A_85, %lt3A : i32
      %convert_element_type3A_87 = arith.extui %lt3A_86 : i1 to i32
      %cond3A_88 = arith.constant 0 : i32
      %cond3A_89 = arith.cmpi ne, %convert_element_type3A_87, %cond3A_88 : i32
      scf.if %cond3A_89 {
        %add3A_100 = arith.constant 2 : i32
        %add3A_101 = arith.addi %mul3A_69, %add3A_100 : i32
        %dma_start3A_102 = arith.constant 0 : i32
        %dma_start3A_103 = tpu.memref_slice %arg7[%add3A_101, %dma_start3A_102] : memref<32x80xi32, #tpu.memory_space<vmem>> -> memref<1x80xi32, #tpu.memory_space<vmem>>
        %dma_start3A_104 = tpu.memref_squeeze %dma_start3A_103 : memref<1x80xi32, #tpu.memory_space<vmem>> -> memref<80xi32, #tpu.memory_space<vmem>>
        %dma_start3A_105 = arith.constant 0 : i32
        %dma_start3A_106 = arith.constant 0 : i32
        %dma_start3A_107 = tpu.memref_slice %arg2[%dma_start3A_105, %dma_start3A_106] : memref<10000x128xf32, #tpu.memory_space<hbm>> -> memref<10000x128xf32, #tpu.memory_space<hbm>>
        tpu.enqueue_indirect_dma source(%dma_start3A_107 : memref<10000x128xf32, #tpu.memory_space<hbm>>) target(%arg9 : memref<80x128xf32, #tpu.memory_space<vmem>>) offsets(%dma_start3A_104 : memref<80xi32, #tpu.memory_space<vmem>>) semaphore(%arg11 : memref<!tpu.dma_semaphore, #tpu.memory_space<semaphore_mem>>)
      } else {
      }
      %add3A_90 = arith.constant 1 : i32
      %add3A_91 = arith.addi %mul3A_69, %add3A_90 : i32
      %dma_wait3A_92 = arith.constant 0 : i32
      %dma_wait3A_93 = tpu.memref_slice %arg7[%add3A_91, %dma_wait3A_92] : memref<32x80xi32, #tpu.memory_space<vmem>> -> memref<1x80xi32, #tpu.memory_space<vmem>>
      %dma_wait3A_94 = tpu.memref_squeeze %dma_wait3A_93 : memref<1x80xi32, #tpu.memory_space<vmem>> -> memref<80xi32, #tpu.memory_space<vmem>>
      %dma_wait3A_95 = arith.constant 0 : i32
      %dma_wait3A_96 = arith.constant 0 : i32
      %dma_wait3A_97 = tpu.memref_slice %arg2[%dma_wait3A_95, %dma_wait3A_96] : memref<10000x128xf32, #tpu.memory_space<hbm>> -> memref<10000x128xf32, #tpu.memory_space<hbm>>
      tpu.wait_indirect_dma semaphore(%arg12 : memref<!tpu.dma_semaphore, #tpu.memory_space<semaphore_mem>>) src(%dma_wait3A_97 : memref<10000x128xf32, #tpu.memory_space<hbm>>) dst(%arg10 : memref<80x128xf32, #tpu.memory_space<vmem>>)
      %add3A_98 = arith.constant 1 : i32
      %add3A_99 = arith.addi %mul3A_69, %add3A_98 : i32
      "tpu.region"() ({
        %run_scoped3A_100 = tpu.sem_alloc : memref<!tpu.dma_semaphore, #tpu.memory_space<semaphore_mem>>
        %dma_start3A_101 = arith.constant 0 : i32
        %dma_start3A_102 = tpu.memref_slice %arg8[%add3A_99, %dma_start3A_101] : memref<32x80xi32, #tpu.memory_space<vmem>> -> memref<1x80xi32, #tpu.memory_space<vmem>>
        %dma_start3A_103 = tpu.memref_squeeze %dma_start3A_102 : memref<1x80xi32, #tpu.memory_space<vmem>> -> memref<80xi32, #tpu.memory_space<vmem>>
        %dma_start3A_104 = arith.constant 0 : i32
        %dma_start3A_105 = arith.constant 0 : i32
        %dma_start3A_106 = tpu.memref_slice %arg6[%dma_start3A_104, %dma_start3A_105] : memref<10000x128xf32, #tpu.memory_space<vmem_shared>> -> memref<10000x128xf32, #tpu.memory_space<vmem_shared>>
        tpu.enqueue_indirect_dma source(%arg10 : memref<80x128xf32, #tpu.memory_space<vmem>>) target(%dma_start3A_106 : memref<10000x128xf32, #tpu.memory_space<vmem_shared>>) offsets(%dma_start3A_103 : memref<80xi32, #tpu.memory_space<vmem>>) semaphore(%run_scoped3A_100 : memref<!tpu.dma_semaphore, #tpu.memory_space<semaphore_mem>>) {add = true}
        %dma_wait3A_107 = arith.constant 0 : i32
        %dma_wait3A_108 = tpu.memref_slice %arg8[%add3A_99, %dma_wait3A_107] : memref<32x80xi32, #tpu.memory_space<vmem>> -> memref<1x80xi32, #tpu.memory_space<vmem>>
        %dma_wait3A_109 = tpu.memref_squeeze %dma_wait3A_108 : memref<1x80xi32, #tpu.memory_space<vmem>> -> memref<80xi32, #tpu.memory_space<vmem>>
        %dma_wait3A_110 = arith.constant 0 : i32
        %dma_wait3A_111 = arith.constant 0 : i32
        %dma_wait3A_112 = tpu.memref_slice %arg6[%dma_wait3A_110, %dma_wait3A_111] : memref<10000x128xf32, #tpu.memory_space<vmem_shared>> -> memref<10000x128xf32, #tpu.memory_space<vmem_shared>>
        tpu.wait_indirect_dma semaphore(%run_scoped3A_100 : memref<!tpu.dma_semaphore, #tpu.memory_space<semaphore_mem>>) src(%arg10 : memref<80x128xf32, #tpu.memory_space<vmem>>) dst(%dma_wait3A_112 : memref<10000x128xf32, #tpu.memory_space<vmem_shared>>)
        tpu.yield
      }) : () -> ()
    }
    %scan3A_15 = arith.constant 16 : i32
    "tpu.region"() ({
      %run_scoped3A_67 = tpu.sem_alloc : memref<!tpu.dma_semaphore, #tpu.memory_space<semaphore_mem>>
      %dma_start3A_68 = arith.constant 0 : i32
      %dma_start3A_69 = arith.constant 0 : i32
      %dma_start3A_70 = tpu.memref_slice %arg7[%dma_start3A_68, %dma_start3A_69] : memref<32x80xi32, #tpu.memory_space<vmem>> -> memref<32x80xi32, #tpu.memory_space<vmem>>
      %dma_start3A_71 = arith.constant 32 : i32
      %dma_start3A_72 = arith.constant 0 : i32
      %dma_start3A_73 = tpu.memref_slice %arg3[%add3A, %dma_start3A_71, %dma_start3A_72] : memref<32x125x80xi32, #tpu.memory_space<hbm>> -> memref<1x32x80xi32, #tpu.memory_space<hbm>>
      %dma_start3A_74 = tpu.memref_squeeze %dma_start3A_73 : memref<1x32x80xi32, #tpu.memory_space<hbm>> -> memref<32x80xi32, #tpu.memory_space<hbm>>
      %dma_start3A_75 = arith.constant 0 : i32
      %dma_start3A_76 = arith.constant 0 : i32
      %dma_start3A_77 = tpu.memref_slice %arg7[%dma_start3A_75, %dma_start3A_76] : memref<32x80xi32, #tpu.memory_space<vmem>> -> memref<32x80xi32, #tpu.memory_space<vmem>>
      %dma_start3A_78 = arith.constant 32 : i32
      %dma_start3A_79 = arith.constant 0 : i32
      %dma_start3A_80 = tpu.memref_slice %arg3[%add3A, %dma_start3A_78, %dma_start3A_79] : memref<32x125x80xi32, #tpu.memory_space<hbm>> -> memref<1x32x80xi32, #tpu.memory_space<hbm>>
      %dma_start3A_81 = tpu.memref_squeeze %dma_start3A_80 : memref<1x32x80xi32, #tpu.memory_space<hbm>> -> memref<32x80xi32, #tpu.memory_space<hbm>>
      tpu.enqueue_dma source(%dma_start3A_81 : memref<32x80xi32, #tpu.memory_space<hbm>>) target(%dma_start3A_77 : memref<32x80xi32, #tpu.memory_space<vmem>>) target_semaphore(%run_scoped3A_67 : memref<!tpu.dma_semaphore, #tpu.memory_space<semaphore_mem>>)
      %dma_wait3A_82 = arith.constant 0 : i32
      %dma_wait3A_83 = arith.constant 0 : i32
      %dma_wait3A_84 = tpu.memref_slice %arg7[%dma_wait3A_82, %dma_wait3A_83] : memref<32x80xi32, #tpu.memory_space<vmem>> -> memref<32x80xi32, #tpu.memory_space<vmem>>
      %dma_wait3A_85 = arith.constant 32 : i32
      %dma_wait3A_86 = arith.constant 0 : i32
      %dma_wait3A_87 = tpu.memref_slice %arg3[%add3A, %dma_wait3A_85, %dma_wait3A_86] : memref<32x125x80xi32, #tpu.memory_space<hbm>> -> memref<1x32x80xi32, #tpu.memory_space<hbm>>
      %dma_wait3A_88 = tpu.memref_squeeze %dma_wait3A_87 : memref<1x32x80xi32, #tpu.memory_space<hbm>> -> memref<32x80xi32, #tpu.memory_space<hbm>>
      %dma_wait3A_89 = arith.constant 0 : i32
      %dma_wait3A_90 = arith.constant 0 : i32
      %dma_wait3A_91 = tpu.memref_slice %arg7[%dma_wait3A_89, %dma_wait3A_90] : memref<32x80xi32, #tpu.memory_space<vmem>> -> memref<32x80xi32, #tpu.memory_space<vmem>>
      %dma_wait3A_92 = arith.constant 32 : i32
      %dma_wait3A_93 = arith.constant 0 : i32
      %dma_wait3A_94 = tpu.memref_slice %arg3[%add3A, %dma_wait3A_92, %dma_wait3A_93] : memref<32x125x80xi32, #tpu.memory_space<hbm>> -> memref<1x32x80xi32, #tpu.memory_space<hbm>>
      %dma_wait3A_95 = tpu.memref_squeeze %dma_wait3A_94 : memref<1x32x80xi32, #tpu.memory_space<hbm>> -> memref<32x80xi32, #tpu.memory_space<hbm>>
      tpu.wait_dma2 semaphore(%run_scoped3A_67 : memref<!tpu.dma_semaphore, #tpu.memory_space<semaphore_mem>>) src(%dma_wait3A_95 : memref<32x80xi32, #tpu.memory_space<hbm>>) dst(%dma_wait3A_91 : memref<32x80xi32, #tpu.memory_space<vmem>>)
      tpu.yield
    }) : () -> ()
    "tpu.region"() ({
      %run_scoped3A_67 = tpu.sem_alloc : memref<!tpu.dma_semaphore, #tpu.memory_space<semaphore_mem>>
      %dma_start3A_68 = arith.constant 0 : i32
      %dma_start3A_69 = arith.constant 0 : i32
      %dma_start3A_70 = tpu.memref_slice %arg8[%dma_start3A_68, %dma_start3A_69] : memref<32x80xi32, #tpu.memory_space<vmem>> -> memref<32x80xi32, #tpu.memory_space<vmem>>
      %dma_start3A_71 = arith.constant 32 : i32
      %dma_start3A_72 = arith.constant 0 : i32
      %dma_start3A_73 = tpu.memref_slice %arg4[%add3A, %dma_start3A_71, %dma_start3A_72] : memref<32x125x80xi32, #tpu.memory_space<hbm>> -> memref<1x32x80xi32, #tpu.memory_space<hbm>>
      %dma_start3A_74 = tpu.memref_squeeze %dma_start3A_73 : memref<1x32x80xi32, #tpu.memory_space<hbm>> -> memref<32x80xi32, #tpu.memory_space<hbm>>
      %dma_start3A_75 = arith.constant 0 : i32
      %dma_start3A_76 = arith.constant 0 : i32
      %dma_start3A_77 = tpu.memref_slice %arg8[%dma_start3A_75, %dma_start3A_76] : memref<32x80xi32, #tpu.memory_space<vmem>> -> memref<32x80xi32, #tpu.memory_space<vmem>>
      %dma_start3A_78 = arith.constant 32 : i32
      %dma_start3A_79 = arith.constant 0 : i32
      %dma_start3A_80 = tpu.memref_slice %arg4[%add3A, %dma_start3A_78, %dma_start3A_79] : memref<32x125x80xi32, #tpu.memory_space<hbm>> -> memref<1x32x80xi32, #tpu.memory_space<hbm>>
      %dma_start3A_81 = tpu.memref_squeeze %dma_start3A_80 : memref<1x32x80xi32, #tpu.memory_space<hbm>> -> memref<32x80xi32, #tpu.memory_space<hbm>>
      tpu.enqueue_dma source(%dma_start3A_81 : memref<32x80xi32, #tpu.memory_space<hbm>>) target(%dma_start3A_77 : memref<32x80xi32, #tpu.memory_space<vmem>>) target_semaphore(%run_scoped3A_67 : memref<!tpu.dma_semaphore, #tpu.memory_space<semaphore_mem>>)
      %dma_wait3A_82 = arith.constant 0 : i32
      %dma_wait3A_83 = arith.constant 0 : i32
      %dma_wait3A_84 = tpu.memref_slice %arg8[%dma_wait3A_82, %dma_wait3A_83] : memref<32x80xi32, #tpu.memory_space<vmem>> -> memref<32x80xi32, #tpu.memory_space<vmem>>
      %dma_wait3A_85 = arith.constant 32 : i32
      %dma_wait3A_86 = arith.constant 0 : i32
      %dma_wait3A_87 = tpu.memref_slice %arg4[%add3A, %dma_wait3A_85, %dma_wait3A_86] : memref<32x125x80xi32, #tpu.memory_space<hbm>> -> memref<1x32x80xi32, #tpu.memory_space<hbm>>
      %dma_wait3A_88 = tpu.memref_squeeze %dma_wait3A_87 : memref<1x32x80xi32, #tpu.memory_space<hbm>> -> memref<32x80xi32, #tpu.memory_space<hbm>>
      %dma_wait3A_89 = arith.constant 0 : i32
      %dma_wait3A_90 = arith.constant 0 : i32
      %dma_wait3A_91 = tpu.memref_slice %arg8[%dma_wait3A_89, %dma_wait3A_90] : memref<32x80xi32, #tpu.memory_space<vmem>> -> memref<32x80xi32, #tpu.memory_space<vmem>>
      %dma_wait3A_92 = arith.constant 32 : i32
      %dma_wait3A_93 = arith.constant 0 : i32
      %dma_wait3A_94 = tpu.memref_slice %arg4[%add3A, %dma_wait3A_92, %dma_wait3A_93] : memref<32x125x80xi32, #tpu.memory_space<hbm>> -> memref<1x32x80xi32, #tpu.memory_space<hbm>>
      %dma_wait3A_95 = tpu.memref_squeeze %dma_wait3A_94 : memref<1x32x80xi32, #tpu.memory_space<hbm>> -> memref<32x80xi32, #tpu.memory_space<hbm>>
      tpu.wait_dma2 semaphore(%run_scoped3A_67 : memref<!tpu.dma_semaphore, #tpu.memory_space<semaphore_mem>>) src(%dma_wait3A_95 : memref<32x80xi32, #tpu.memory_space<hbm>>) dst(%dma_wait3A_91 : memref<32x80xi32, #tpu.memory_space<vmem>>)
      tpu.yield
    }) : () -> ()
    %dma_start3A_16 = arith.constant 0 : i32
    %dma_start3A_17 = arith.constant 0 : i32
    %dma_start3A_18 = tpu.memref_slice %arg7[%dma_start3A_16, %dma_start3A_17] : memref<32x80xi32, #tpu.memory_space<vmem>> -> memref<1x80xi32, #tpu.memory_space<vmem>>
    %dma_start3A_19 = tpu.memref_squeeze %dma_start3A_18 : memref<1x80xi32, #tpu.memory_space<vmem>> -> memref<80xi32, #tpu.memory_space<vmem>>
    %dma_start3A_20 = arith.constant 0 : i32
    %dma_start3A_21 = arith.constant 0 : i32
    %dma_start3A_22 = tpu.memref_slice %arg2[%dma_start3A_20, %dma_start3A_21] : memref<10000x128xf32, #tpu.memory_space<hbm>> -> memref<10000x128xf32, #tpu.memory_space<hbm>>
    tpu.enqueue_indirect_dma source(%dma_start3A_22 : memref<10000x128xf32, #tpu.memory_space<hbm>>) target(%arg9 : memref<80x128xf32, #tpu.memory_space<vmem>>) offsets(%dma_start3A_19 : memref<80xi32, #tpu.memory_space<vmem>>) semaphore(%arg11 : memref<!tpu.dma_semaphore, #tpu.memory_space<semaphore_mem>>)
    %scan3A_23 = arith.constant 0 : i32
    %scan3A_24 = arith.constant 0 : i32
    %scan3A_25 = arith.constant 16 : i32
    %scan3A_26 = arith.addi %scan3A_24, %scan3A_25 : i32
    %scan3A_27 = arith.constant 1 : i32
    scf.for %scan3A_67 = %scan3A_24 to %scan3A_26 step %scan3A_27  : i32 {
      %mul3A_68 = arith.constant 2 : i32
      %mul3A_69 = arith.muli %mul3A_68, %scan3A_67 : i32
      %add3A_70 = arith.constant 1 : i32
      %add3A_71 = arith.addi %mul3A_69, %add3A_70 : i32
      %dma_start3A_72 = arith.constant 0 : i32
      %dma_start3A_73 = tpu.memref_slice %arg7[%add3A_71, %dma_start3A_72] : memref<32x80xi32, #tpu.memory_space<vmem>> -> memref<1x80xi32, #tpu.memory_space<vmem>>
      %dma_start3A_74 = tpu.memref_squeeze %dma_start3A_73 : memref<1x80xi32, #tpu.memory_space<vmem>> -> memref<80xi32, #tpu.memory_space<vmem>>
      %dma_start3A_75 = arith.constant 0 : i32
      %dma_start3A_76 = arith.constant 0 : i32
      %dma_start3A_77 = tpu.memref_slice %arg2[%dma_start3A_75, %dma_start3A_76] : memref<10000x128xf32, #tpu.memory_space<hbm>> -> memref<10000x128xf32, #tpu.memory_space<hbm>>
      tpu.enqueue_indirect_dma source(%dma_start3A_77 : memref<10000x128xf32, #tpu.memory_space<hbm>>) target(%arg10 : memref<80x128xf32, #tpu.memory_space<vmem>>) offsets(%dma_start3A_74 : memref<80xi32, #tpu.memory_space<vmem>>) semaphore(%arg12 : memref<!tpu.dma_semaphore, #tpu.memory_space<semaphore_mem>>)
      %dma_wait3A_78 = arith.constant 0 : i32
      %dma_wait3A_79 = tpu.memref_slice %arg7[%mul3A_69, %dma_wait3A_78] : memref<32x80xi32, #tpu.memory_space<vmem>> -> memref<1x80xi32, #tpu.memory_space<vmem>>
      %dma_wait3A_80 = tpu.memref_squeeze %dma_wait3A_79 : memref<1x80xi32, #tpu.memory_space<vmem>> -> memref<80xi32, #tpu.memory_space<vmem>>
      %dma_wait3A_81 = arith.constant 0 : i32
      %dma_wait3A_82 = arith.constant 0 : i32
      %dma_wait3A_83 = tpu.memref_slice %arg2[%dma_wait3A_81, %dma_wait3A_82] : memref<10000x128xf32, #tpu.memory_space<hbm>> -> memref<10000x128xf32, #tpu.memory_space<hbm>>
      tpu.wait_indirect_dma semaphore(%arg11 : memref<!tpu.dma_semaphore, #tpu.memory_space<semaphore_mem>>) src(%dma_wait3A_83 : memref<10000x128xf32, #tpu.memory_space<hbm>>) dst(%arg9 : memref<80x128xf32, #tpu.memory_space<vmem>>)
      "tpu.region"() ({
        %run_scoped3A_100 = tpu.sem_alloc : memref<!tpu.dma_semaphore, #tpu.memory_space<semaphore_mem>>
        %dma_start3A_101 = arith.constant 0 : i32
        %dma_start3A_102 = tpu.memref_slice %arg8[%mul3A_69, %dma_start3A_101] : memref<32x80xi32, #tpu.memory_space<vmem>> -> memref<1x80xi32, #tpu.memory_space<vmem>>
        %dma_start3A_103 = tpu.memref_squeeze %dma_start3A_102 : memref<1x80xi32, #tpu.memory_space<vmem>> -> memref<80xi32, #tpu.memory_space<vmem>>
        %dma_start3A_104 = arith.constant 0 : i32
        %dma_start3A_105 = arith.constant 0 : i32
        %dma_start3A_106 = tpu.memref_slice %arg6[%dma_start3A_104, %dma_start3A_105] : memref<10000x128xf32, #tpu.memory_space<vmem_shared>> -> memref<10000x128xf32, #tpu.memory_space<vmem_shared>>
        tpu.enqueue_indirect_dma source(%arg9 : memref<80x128xf32, #tpu.memory_space<vmem>>) target(%dma_start3A_106 : memref<10000x128xf32, #tpu.memory_space<vmem_shared>>) offsets(%dma_start3A_103 : memref<80xi32, #tpu.memory_space<vmem>>) semaphore(%run_scoped3A_100 : memref<!tpu.dma_semaphore, #tpu.memory_space<semaphore_mem>>) {add = true}
        %dma_wait3A_107 = arith.constant 0 : i32
        %dma_wait3A_108 = tpu.memref_slice %arg8[%mul3A_69, %dma_wait3A_107] : memref<32x80xi32, #tpu.memory_space<vmem>> -> memref<1x80xi32, #tpu.memory_space<vmem>>
        %dma_wait3A_109 = tpu.memref_squeeze %dma_wait3A_108 : memref<1x80xi32, #tpu.memory_space<vmem>> -> memref<80xi32, #tpu.memory_space<vmem>>
        %dma_wait3A_110 = arith.constant 0 : i32
        %dma_wait3A_111 = arith.constant 0 : i32
        %dma_wait3A_112 = tpu.memref_slice %arg6[%dma_wait3A_110, %dma_wait3A_111] : memref<10000x128xf32, #tpu.memory_space<vmem_shared>> -> memref<10000x128xf32, #tpu.memory_space<vmem_shared>>
        tpu.wait_indirect_dma semaphore(%run_scoped3A_100 : memref<!tpu.dma_semaphore, #tpu.memory_space<semaphore_mem>>) src(%arg9 : memref<80x128xf32, #tpu.memory_space<vmem>>) dst(%dma_wait3A_112 : memref<10000x128xf32, #tpu.memory_space<vmem_shared>>)
        tpu.yield
      }) : () -> ()
      %add3A_84 = arith.constant 2 : i32
      %add3A_85 = arith.addi %mul3A_69, %add3A_84 : i32
      %lt3A = arith.constant 32 : i32
      %lt3A_86 = arith.cmpi slt, %add3A_85, %lt3A : i32
      %convert_element_type3A_87 = arith.extui %lt3A_86 : i1 to i32
      %cond3A_88 = arith.constant 0 : i32
      %cond3A_89 = arith.cmpi ne, %convert_element_type3A_87, %cond3A_88 : i32
      scf.if %cond3A_89 {
        %add3A_100 = arith.constant 2 : i32
        %add3A_101 = arith.addi %mul3A_69, %add3A_100 : i32
        %dma_start3A_102 = arith.constant 0 : i32
        %dma_start3A_103 = tpu.memref_slice %arg7[%add3A_101, %dma_start3A_102] : memref<32x80xi32, #tpu.memory_space<vmem>> -> memref<1x80xi32, #tpu.memory_space<vmem>>
        %dma_start3A_104 = tpu.memref_squeeze %dma_start3A_103 : memref<1x80xi32, #tpu.memory_space<vmem>> -> memref<80xi32, #tpu.memory_space<vmem>>
        %dma_start3A_105 = arith.constant 0 : i32
        %dma_start3A_106 = arith.constant 0 : i32
        %dma_start3A_107 = tpu.memref_slice %arg2[%dma_start3A_105, %dma_start3A_106] : memref<10000x128xf32, #tpu.memory_space<hbm>> -> memref<10000x128xf32, #tpu.memory_space<hbm>>
        tpu.enqueue_indirect_dma source(%dma_start3A_107 : memref<10000x128xf32, #tpu.memory_space<hbm>>) target(%arg9 : memref<80x128xf32, #tpu.memory_space<vmem>>) offsets(%dma_start3A_104 : memref<80xi32, #tpu.memory_space<vmem>>) semaphore(%arg11 : memref<!tpu.dma_semaphore, #tpu.memory_space<semaphore_mem>>)
      } else {
      }
      %add3A_90 = arith.constant 1 : i32
      %add3A_91 = arith.addi %mul3A_69, %add3A_90 : i32
      %dma_wait3A_92 = arith.constant 0 : i32
      %dma_wait3A_93 = tpu.memref_slice %arg7[%add3A_91, %dma_wait3A_92] : memref<32x80xi32, #tpu.memory_space<vmem>> -> memref<1x80xi32, #tpu.memory_space<vmem>>
      %dma_wait3A_94 = tpu.memref_squeeze %dma_wait3A_93 : memref<1x80xi32, #tpu.memory_space<vmem>> -> memref<80xi32, #tpu.memory_space<vmem>>
      %dma_wait3A_95 = arith.constant 0 : i32
      %dma_wait3A_96 = arith.constant 0 : i32
      %dma_wait3A_97 = tpu.memref_slice %arg2[%dma_wait3A_95, %dma_wait3A_96] : memref<10000x128xf32, #tpu.memory_space<hbm>> -> memref<10000x128xf32, #tpu.memory_space<hbm>>
      tpu.wait_indirect_dma semaphore(%arg12 : memref<!tpu.dma_semaphore, #tpu.memory_space<semaphore_mem>>) src(%dma_wait3A_97 : memref<10000x128xf32, #tpu.memory_space<hbm>>) dst(%arg10 : memref<80x128xf32, #tpu.memory_space<vmem>>)
      %add3A_98 = arith.constant 1 : i32
      %add3A_99 = arith.addi %mul3A_69, %add3A_98 : i32
      "tpu.region"() ({
        %run_scoped3A_100 = tpu.sem_alloc : memref<!tpu.dma_semaphore, #tpu.memory_space<semaphore_mem>>
        %dma_start3A_101 = arith.constant 0 : i32
        %dma_start3A_102 = tpu.memref_slice %arg8[%add3A_99, %dma_start3A_101] : memref<32x80xi32, #tpu.memory_space<vmem>> -> memref<1x80xi32, #tpu.memory_space<vmem>>
        %dma_start3A_103 = tpu.memref_squeeze %dma_start3A_102 : memref<1x80xi32, #tpu.memory_space<vmem>> -> memref<80xi32, #tpu.memory_space<vmem>>
        %dma_start3A_104 = arith.constant 0 : i32
        %dma_start3A_105 = arith.constant 0 : i32
        %dma_start3A_106 = tpu.memref_slice %arg6[%dma_start3A_104, %dma_start3A_105] : memref<10000x128xf32, #tpu.memory_space<vmem_shared>> -> memref<10000x128xf32, #tpu.memory_space<vmem_shared>>
        tpu.enqueue_indirect_dma source(%arg10 : memref<80x128xf32, #tpu.memory_space<vmem>>) target(%dma_start3A_106 : memref<10000x128xf32, #tpu.memory_space<vmem_shared>>) offsets(%dma_start3A_103 : memref<80xi32, #tpu.memory_space<vmem>>) semaphore(%run_scoped3A_100 : memref<!tpu.dma_semaphore, #tpu.memory_space<semaphore_mem>>) {add = true}
        %dma_wait3A_107 = arith.constant 0 : i32
        %dma_wait3A_108 = tpu.memref_slice %arg8[%add3A_99, %dma_wait3A_107] : memref<32x80xi32, #tpu.memory_space<vmem>> -> memref<1x80xi32, #tpu.memory_space<vmem>>
        %dma_wait3A_109 = tpu.memref_squeeze %dma_wait3A_108 : memref<1x80xi32, #tpu.memory_space<vmem>> -> memref<80xi32, #tpu.memory_space<vmem>>
        %dma_wait3A_110 = arith.constant 0 : i32
        %dma_wait3A_111 = arith.constant 0 : i32
        %dma_wait3A_112 = tpu.memref_slice %arg6[%dma_wait3A_110, %dma_wait3A_111] : memref<10000x128xf32, #tpu.memory_space<vmem_shared>> -> memref<10000x128xf32, #tpu.memory_space<vmem_shared>>
        tpu.wait_indirect_dma semaphore(%run_scoped3A_100 : memref<!tpu.dma_semaphore, #tpu.memory_space<semaphore_mem>>) src(%arg10 : memref<80x128xf32, #tpu.memory_space<vmem>>) dst(%dma_wait3A_112 : memref<10000x128xf32, #tpu.memory_space<vmem_shared>>)
        tpu.yield
      }) : () -> ()
    }
    %scan3A_28 = arith.constant 16 : i32
    "tpu.region"() ({
      %run_scoped3A_67 = tpu.sem_alloc : memref<!tpu.dma_semaphore, #tpu.memory_space<semaphore_mem>>
      %dma_start3A_68 = arith.constant 0 : i32
      %dma_start3A_69 = arith.constant 0 : i32
      %dma_start3A_70 = tpu.memref_slice %arg7[%dma_start3A_68, %dma_start3A_69] : memref<32x80xi32, #tpu.memory_space<vmem>> -> memref<32x80xi32, #tpu.memory_space<vmem>>
      %dma_start3A_71 = arith.constant 64 : i32
      %dma_start3A_72 = arith.constant 0 : i32
      %dma_start3A_73 = tpu.memref_slice %arg3[%add3A, %dma_start3A_71, %dma_start3A_72] : memref<32x125x80xi32, #tpu.memory_space<hbm>> -> memref<1x32x80xi32, #tpu.memory_space<hbm>>
      %dma_start3A_74 = tpu.memref_squeeze %dma_start3A_73 : memref<1x32x80xi32, #tpu.memory_space<hbm>> -> memref<32x80xi32, #tpu.memory_space<hbm>>
      %dma_start3A_75 = arith.constant 0 : i32
      %dma_start3A_76 = arith.constant 0 : i32
      %dma_start3A_77 = tpu.memref_slice %arg7[%dma_start3A_75, %dma_start3A_76] : memref<32x80xi32, #tpu.memory_space<vmem>> -> memref<32x80xi32, #tpu.memory_space<vmem>>
      %dma_start3A_78 = arith.constant 64 : i32
      %dma_start3A_79 = arith.constant 0 : i32
      %dma_start3A_80 = tpu.memref_slice %arg3[%add3A, %dma_start3A_78, %dma_start3A_79] : memref<32x125x80xi32, #tpu.memory_space<hbm>> -> memref<1x32x80xi32, #tpu.memory_space<hbm>>
      %dma_start3A_81 = tpu.memref_squeeze %dma_start3A_80 : memref<1x32x80xi32, #tpu.memory_space<hbm>> -> memref<32x80xi32, #tpu.memory_space<hbm>>
      tpu.enqueue_dma source(%dma_start3A_81 : memref<32x80xi32, #tpu.memory_space<hbm>>) target(%dma_start3A_77 : memref<32x80xi32, #tpu.memory_space<vmem>>) target_semaphore(%run_scoped3A_67 : memref<!tpu.dma_semaphore, #tpu.memory_space<semaphore_mem>>)
      %dma_wait3A_82 = arith.constant 0 : i32
      %dma_wait3A_83 = arith.constant 0 : i32
      %dma_wait3A_84 = tpu.memref_slice %arg7[%dma_wait3A_82, %dma_wait3A_83] : memref<32x80xi32, #tpu.memory_space<vmem>> -> memref<32x80xi32, #tpu.memory_space<vmem>>
      %dma_wait3A_85 = arith.constant 64 : i32
      %dma_wait3A_86 = arith.constant 0 : i32
      %dma_wait3A_87 = tpu.memref_slice %arg3[%add3A, %dma_wait3A_85, %dma_wait3A_86] : memref<32x125x80xi32, #tpu.memory_space<hbm>> -> memref<1x32x80xi32, #tpu.memory_space<hbm>>
      %dma_wait3A_88 = tpu.memref_squeeze %dma_wait3A_87 : memref<1x32x80xi32, #tpu.memory_space<hbm>> -> memref<32x80xi32, #tpu.memory_space<hbm>>
      %dma_wait3A_89 = arith.constant 0 : i32
      %dma_wait3A_90 = arith.constant 0 : i32
      %dma_wait3A_91 = tpu.memref_slice %arg7[%dma_wait3A_89, %dma_wait3A_90] : memref<32x80xi32, #tpu.memory_space<vmem>> -> memref<32x80xi32, #tpu.memory_space<vmem>>
      %dma_wait3A_92 = arith.constant 64 : i32
      %dma_wait3A_93 = arith.constant 0 : i32
      %dma_wait3A_94 = tpu.memref_slice %arg3[%add3A, %dma_wait3A_92, %dma_wait3A_93] : memref<32x125x80xi32, #tpu.memory_space<hbm>> -> memref<1x32x80xi32, #tpu.memory_space<hbm>>
      %dma_wait3A_95 = tpu.memref_squeeze %dma_wait3A_94 : memref<1x32x80xi32, #tpu.memory_space<hbm>> -> memref<32x80xi32, #tpu.memory_space<hbm>>
      tpu.wait_dma2 semaphore(%run_scoped3A_67 : memref<!tpu.dma_semaphore, #tpu.memory_space<semaphore_mem>>) src(%dma_wait3A_95 : memref<32x80xi32, #tpu.memory_space<hbm>>) dst(%dma_wait3A_91 : memref<32x80xi32, #tpu.memory_space<vmem>>)
      tpu.yield
    }) : () -> ()
    "tpu.region"() ({
      %run_scoped3A_67 = tpu.sem_alloc : memref<!tpu.dma_semaphore, #tpu.memory_space<semaphore_mem>>
      %dma_start3A_68 = arith.constant 0 : i32
      %dma_start3A_69 = arith.constant 0 : i32
      %dma_start3A_70 = tpu.memref_slice %arg8[%dma_start3A_68, %dma_start3A_69] : memref<32x80xi32, #tpu.memory_space<vmem>> -> memref<32x80xi32, #tpu.memory_space<vmem>>
      %dma_start3A_71 = arith.constant 64 : i32
      %dma_start3A_72 = arith.constant 0 : i32
      %dma_start3A_73 = tpu.memref_slice %arg4[%add3A, %dma_start3A_71, %dma_start3A_72] : memref<32x125x80xi32, #tpu.memory_space<hbm>> -> memref<1x32x80xi32, #tpu.memory_space<hbm>>
      %dma_start3A_74 = tpu.memref_squeeze %dma_start3A_73 : memref<1x32x80xi32, #tpu.memory_space<hbm>> -> memref<32x80xi32, #tpu.memory_space<hbm>>
      %dma_start3A_75 = arith.constant 0 : i32
      %dma_start3A_76 = arith.constant 0 : i32
      %dma_start3A_77 = tpu.memref_slice %arg8[%dma_start3A_75, %dma_start3A_76] : memref<32x80xi32, #tpu.memory_space<vmem>> -> memref<32x80xi32, #tpu.memory_space<vmem>>
      %dma_start3A_78 = arith.constant 64 : i32
      %dma_start3A_79 = arith.constant 0 : i32
      %dma_start3A_80 = tpu.memref_slice %arg4[%add3A, %dma_start3A_78, %dma_start3A_79] : memref<32x125x80xi32, #tpu.memory_space<hbm>> -> memref<1x32x80xi32, #tpu.memory_space<hbm>>
      %dma_start3A_81 = tpu.memref_squeeze %dma_start3A_80 : memref<1x32x80xi32, #tpu.memory_space<hbm>> -> memref<32x80xi32, #tpu.memory_space<hbm>>
      tpu.enqueue_dma source(%dma_start3A_81 : memref<32x80xi32, #tpu.memory_space<hbm>>) target(%dma_start3A_77 : memref<32x80xi32, #tpu.memory_space<vmem>>) target_semaphore(%run_scoped3A_67 : memref<!tpu.dma_semaphore, #tpu.memory_space<semaphore_mem>>)
      %dma_wait3A_82 = arith.constant 0 : i32
      %dma_wait3A_83 = arith.constant 0 : i32
      %dma_wait3A_84 = tpu.memref_slice %arg8[%dma_wait3A_82, %dma_wait3A_83] : memref<32x80xi32, #tpu.memory_space<vmem>> -> memref<32x80xi32, #tpu.memory_space<vmem>>
      %dma_wait3A_85 = arith.constant 64 : i32
      %dma_wait3A_86 = arith.constant 0 : i32
      %dma_wait3A_87 = tpu.memref_slice %arg4[%add3A, %dma_wait3A_85, %dma_wait3A_86] : memref<32x125x80xi32, #tpu.memory_space<hbm>> -> memref<1x32x80xi32, #tpu.memory_space<hbm>>
      %dma_wait3A_88 = tpu.memref_squeeze %dma_wait3A_87 : memref<1x32x80xi32, #tpu.memory_space<hbm>> -> memref<32x80xi32, #tpu.memory_space<hbm>>
      %dma_wait3A_89 = arith.constant 0 : i32
      %dma_wait3A_90 = arith.constant 0 : i32
      %dma_wait3A_91 = tpu.memref_slice %arg8[%dma_wait3A_89, %dma_wait3A_90] : memref<32x80xi32, #tpu.memory_space<vmem>> -> memref<32x80xi32, #tpu.memory_space<vmem>>
      %dma_wait3A_92 = arith.constant 64 : i32
      %dma_wait3A_93 = arith.constant 0 : i32
      %dma_wait3A_94 = tpu.memref_slice %arg4[%add3A, %dma_wait3A_92, %dma_wait3A_93] : memref<32x125x80xi32, #tpu.memory_space<hbm>> -> memref<1x32x80xi32, #tpu.memory_space<hbm>>
      %dma_wait3A_95 = tpu.memref_squeeze %dma_wait3A_94 : memref<1x32x80xi32, #tpu.memory_space<hbm>> -> memref<32x80xi32, #tpu.memory_space<hbm>>
      tpu.wait_dma2 semaphore(%run_scoped3A_67 : memref<!tpu.dma_semaphore, #tpu.memory_space<semaphore_mem>>) src(%dma_wait3A_95 : memref<32x80xi32, #tpu.memory_space<hbm>>) dst(%dma_wait3A_91 : memref<32x80xi32, #tpu.memory_space<vmem>>)
      tpu.yield
    }) : () -> ()
    %dma_start3A_29 = arith.constant 0 : i32
    %dma_start3A_30 = arith.constant 0 : i32
    %dma_start3A_31 = tpu.memref_slice %arg7[%dma_start3A_29, %dma_start3A_30] : memref<32x80xi32, #tpu.memory_space<vmem>> -> memref<1x80xi32, #tpu.memory_space<vmem>>
    %dma_start3A_32 = tpu.memref_squeeze %dma_start3A_31 : memref<1x80xi32, #tpu.memory_space<vmem>> -> memref<80xi32, #tpu.memory_space<vmem>>
    %dma_start3A_33 = arith.constant 0 : i32
    %dma_start3A_34 = arith.constant 0 : i32
    %dma_start3A_35 = tpu.memref_slice %arg2[%dma_start3A_33, %dma_start3A_34] : memref<10000x128xf32, #tpu.memory_space<hbm>> -> memref<10000x128xf32, #tpu.memory_space<hbm>>
    tpu.enqueue_indirect_dma source(%dma_start3A_35 : memref<10000x128xf32, #tpu.memory_space<hbm>>) target(%arg9 : memref<80x128xf32, #tpu.memory_space<vmem>>) offsets(%dma_start3A_32 : memref<80xi32, #tpu.memory_space<vmem>>) semaphore(%arg11 : memref<!tpu.dma_semaphore, #tpu.memory_space<semaphore_mem>>)
    %scan3A_36 = arith.constant 0 : i32
    %scan3A_37 = arith.constant 0 : i32
    %scan3A_38 = arith.constant 16 : i32
    %scan3A_39 = arith.addi %scan3A_37, %scan3A_38 : i32
    %scan3A_40 = arith.constant 1 : i32
    scf.for %scan3A_67 = %scan3A_37 to %scan3A_39 step %scan3A_40  : i32 {
      %mul3A_68 = arith.constant 2 : i32
      %mul3A_69 = arith.muli %mul3A_68, %scan3A_67 : i32
      %add3A_70 = arith.constant 1 : i32
      %add3A_71 = arith.addi %mul3A_69, %add3A_70 : i32
      %dma_start3A_72 = arith.constant 0 : i32
      %dma_start3A_73 = tpu.memref_slice %arg7[%add3A_71, %dma_start3A_72] : memref<32x80xi32, #tpu.memory_space<vmem>> -> memref<1x80xi32, #tpu.memory_space<vmem>>
      %dma_start3A_74 = tpu.memref_squeeze %dma_start3A_73 : memref<1x80xi32, #tpu.memory_space<vmem>> -> memref<80xi32, #tpu.memory_space<vmem>>
      %dma_start3A_75 = arith.constant 0 : i32
      %dma_start3A_76 = arith.constant 0 : i32
      %dma_start3A_77 = tpu.memref_slice %arg2[%dma_start3A_75, %dma_start3A_76] : memref<10000x128xf32, #tpu.memory_space<hbm>> -> memref<10000x128xf32, #tpu.memory_space<hbm>>
      tpu.enqueue_indirect_dma source(%dma_start3A_77 : memref<10000x128xf32, #tpu.memory_space<hbm>>) target(%arg10 : memref<80x128xf32, #tpu.memory_space<vmem>>) offsets(%dma_start3A_74 : memref<80xi32, #tpu.memory_space<vmem>>) semaphore(%arg12 : memref<!tpu.dma_semaphore, #tpu.memory_space<semaphore_mem>>)
      %dma_wait3A_78 = arith.constant 0 : i32
      %dma_wait3A_79 = tpu.memref_slice %arg7[%mul3A_69, %dma_wait3A_78] : memref<32x80xi32, #tpu.memory_space<vmem>> -> memref<1x80xi32, #tpu.memory_space<vmem>>
      %dma_wait3A_80 = tpu.memref_squeeze %dma_wait3A_79 : memref<1x80xi32, #tpu.memory_space<vmem>> -> memref<80xi32, #tpu.memory_space<vmem>>
      %dma_wait3A_81 = arith.constant 0 : i32
      %dma_wait3A_82 = arith.constant 0 : i32
      %dma_wait3A_83 = tpu.memref_slice %arg2[%dma_wait3A_81, %dma_wait3A_82] : memref<10000x128xf32, #tpu.memory_space<hbm>> -> memref<10000x128xf32, #tpu.memory_space<hbm>>
      tpu.wait_indirect_dma semaphore(%arg11 : memref<!tpu.dma_semaphore, #tpu.memory_space<semaphore_mem>>) src(%dma_wait3A_83 : memref<10000x128xf32, #tpu.memory_space<hbm>>) dst(%arg9 : memref<80x128xf32, #tpu.memory_space<vmem>>)
      "tpu.region"() ({
        %run_scoped3A_100 = tpu.sem_alloc : memref<!tpu.dma_semaphore, #tpu.memory_space<semaphore_mem>>
        %dma_start3A_101 = arith.constant 0 : i32
        %dma_start3A_102 = tpu.memref_slice %arg8[%mul3A_69, %dma_start3A_101] : memref<32x80xi32, #tpu.memory_space<vmem>> -> memref<1x80xi32, #tpu.memory_space<vmem>>
        %dma_start3A_103 = tpu.memref_squeeze %dma_start3A_102 : memref<1x80xi32, #tpu.memory_space<vmem>> -> memref<80xi32, #tpu.memory_space<vmem>>
        %dma_start3A_104 = arith.constant 0 : i32
        %dma_start3A_105 = arith.constant 0 : i32
        %dma_start3A_106 = tpu.memref_slice %arg6[%dma_start3A_104, %dma_start3A_105] : memref<10000x128xf32, #tpu.memory_space<vmem_shared>> -> memref<10000x128xf32, #tpu.memory_space<vmem_shared>>
        tpu.enqueue_indirect_dma source(%arg9 : memref<80x128xf32, #tpu.memory_space<vmem>>) target(%dma_start3A_106 : memref<10000x128xf32, #tpu.memory_space<vmem_shared>>) offsets(%dma_start3A_103 : memref<80xi32, #tpu.memory_space<vmem>>) semaphore(%run_scoped3A_100 : memref<!tpu.dma_semaphore, #tpu.memory_space<semaphore_mem>>) {add = true}
        %dma_wait3A_107 = arith.constant 0 : i32
        %dma_wait3A_108 = tpu.memref_slice %arg8[%mul3A_69, %dma_wait3A_107] : memref<32x80xi32, #tpu.memory_space<vmem>> -> memref<1x80xi32, #tpu.memory_space<vmem>>
        %dma_wait3A_109 = tpu.memref_squeeze %dma_wait3A_108 : memref<1x80xi32, #tpu.memory_space<vmem>> -> memref<80xi32, #tpu.memory_space<vmem>>
        %dma_wait3A_110 = arith.constant 0 : i32
        %dma_wait3A_111 = arith.constant 0 : i32
        %dma_wait3A_112 = tpu.memref_slice %arg6[%dma_wait3A_110, %dma_wait3A_111] : memref<10000x128xf32, #tpu.memory_space<vmem_shared>> -> memref<10000x128xf32, #tpu.memory_space<vmem_shared>>
        tpu.wait_indirect_dma semaphore(%run_scoped3A_100 : memref<!tpu.dma_semaphore, #tpu.memory_space<semaphore_mem>>) src(%arg9 : memref<80x128xf32, #tpu.memory_space<vmem>>) dst(%dma_wait3A_112 : memref<10000x128xf32, #tpu.memory_space<vmem_shared>>)
        tpu.yield
      }) : () -> ()
      %add3A_84 = arith.constant 2 : i32
      %add3A_85 = arith.addi %mul3A_69, %add3A_84 : i32
      %lt3A = arith.constant 32 : i32
      %lt3A_86 = arith.cmpi slt, %add3A_85, %lt3A : i32
      %convert_element_type3A_87 = arith.extui %lt3A_86 : i1 to i32
      %cond3A_88 = arith.constant 0 : i32
      %cond3A_89 = arith.cmpi ne, %convert_element_type3A_87, %cond3A_88 : i32
      scf.if %cond3A_89 {
        %add3A_100 = arith.constant 2 : i32
        %add3A_101 = arith.addi %mul3A_69, %add3A_100 : i32
        %dma_start3A_102 = arith.constant 0 : i32
        %dma_start3A_103 = tpu.memref_slice %arg7[%add3A_101, %dma_start3A_102] : memref<32x80xi32, #tpu.memory_space<vmem>> -> memref<1x80xi32, #tpu.memory_space<vmem>>
        %dma_start3A_104 = tpu.memref_squeeze %dma_start3A_103 : memref<1x80xi32, #tpu.memory_space<vmem>> -> memref<80xi32, #tpu.memory_space<vmem>>
        %dma_start3A_105 = arith.constant 0 : i32
        %dma_start3A_106 = arith.constant 0 : i32
        %dma_start3A_107 = tpu.memref_slice %arg2[%dma_start3A_105, %dma_start3A_106] : memref<10000x128xf32, #tpu.memory_space<hbm>> -> memref<10000x128xf32, #tpu.memory_space<hbm>>
        tpu.enqueue_indirect_dma source(%dma_start3A_107 : memref<10000x128xf32, #tpu.memory_space<hbm>>) target(%arg9 : memref<80x128xf32, #tpu.memory_space<vmem>>) offsets(%dma_start3A_104 : memref<80xi32, #tpu.memory_space<vmem>>) semaphore(%arg11 : memref<!tpu.dma_semaphore, #tpu.memory_space<semaphore_mem>>)
      } else {
      }
      %add3A_90 = arith.constant 1 : i32
      %add3A_91 = arith.addi %mul3A_69, %add3A_90 : i32
      %dma_wait3A_92 = arith.constant 0 : i32
      %dma_wait3A_93 = tpu.memref_slice %arg7[%add3A_91, %dma_wait3A_92] : memref<32x80xi32, #tpu.memory_space<vmem>> -> memref<1x80xi32, #tpu.memory_space<vmem>>
      %dma_wait3A_94 = tpu.memref_squeeze %dma_wait3A_93 : memref<1x80xi32, #tpu.memory_space<vmem>> -> memref<80xi32, #tpu.memory_space<vmem>>
      %dma_wait3A_95 = arith.constant 0 : i32
      %dma_wait3A_96 = arith.constant 0 : i32
      %dma_wait3A_97 = tpu.memref_slice %arg2[%dma_wait3A_95, %dma_wait3A_96] : memref<10000x128xf32, #tpu.memory_space<hbm>> -> memref<10000x128xf32, #tpu.memory_space<hbm>>
      tpu.wait_indirect_dma semaphore(%arg12 : memref<!tpu.dma_semaphore, #tpu.memory_space<semaphore_mem>>) src(%dma_wait3A_97 : memref<10000x128xf32, #tpu.memory_space<hbm>>) dst(%arg10 : memref<80x128xf32, #tpu.memory_space<vmem>>)
      %add3A_98 = arith.constant 1 : i32
      %add3A_99 = arith.addi %mul3A_69, %add3A_98 : i32
      "tpu.region"() ({
        %run_scoped3A_100 = tpu.sem_alloc : memref<!tpu.dma_semaphore, #tpu.memory_space<semaphore_mem>>
        %dma_start3A_101 = arith.constant 0 : i32
        %dma_start3A_102 = tpu.memref_slice %arg8[%add3A_99, %dma_start3A_101] : memref<32x80xi32, #tpu.memory_space<vmem>> -> memref<1x80xi32, #tpu.memory_space<vmem>>
        %dma_start3A_103 = tpu.memref_squeeze %dma_start3A_102 : memref<1x80xi32, #tpu.memory_space<vmem>> -> memref<80xi32, #tpu.memory_space<vmem>>
        %dma_start3A_104 = arith.constant 0 : i32
        %dma_start3A_105 = arith.constant 0 : i32
        %dma_start3A_106 = tpu.memref_slice %arg6[%dma_start3A_104, %dma_start3A_105] : memref<10000x128xf32, #tpu.memory_space<vmem_shared>> -> memref<10000x128xf32, #tpu.memory_space<vmem_shared>>
        tpu.enqueue_indirect_dma source(%arg10 : memref<80x128xf32, #tpu.memory_space<vmem>>) target(%dma_start3A_106 : memref<10000x128xf32, #tpu.memory_space<vmem_shared>>) offsets(%dma_start3A_103 : memref<80xi32, #tpu.memory_space<vmem>>) semaphore(%run_scoped3A_100 : memref<!tpu.dma_semaphore, #tpu.memory_space<semaphore_mem>>) {add = true}
        %dma_wait3A_107 = arith.constant 0 : i32
        %dma_wait3A_108 = tpu.memref_slice %arg8[%add3A_99, %dma_wait3A_107] : memref<32x80xi32, #tpu.memory_space<vmem>> -> memref<1x80xi32, #tpu.memory_space<vmem>>
        %dma_wait3A_109 = tpu.memref_squeeze %dma_wait3A_108 : memref<1x80xi32, #tpu.memory_space<vmem>> -> memref<80xi32, #tpu.memory_space<vmem>>
        %dma_wait3A_110 = arith.constant 0 : i32
        %dma_wait3A_111 = arith.constant 0 : i32
        %dma_wait3A_112 = tpu.memref_slice %arg6[%dma_wait3A_110, %dma_wait3A_111] : memref<10000x128xf32, #tpu.memory_space<vmem_shared>> -> memref<10000x128xf32, #tpu.memory_space<vmem_shared>>
        tpu.wait_indirect_dma semaphore(%run_scoped3A_100 : memref<!tpu.dma_semaphore, #tpu.memory_space<semaphore_mem>>) src(%arg10 : memref<80x128xf32, #tpu.memory_space<vmem>>) dst(%dma_wait3A_112 : memref<10000x128xf32, #tpu.memory_space<vmem_shared>>)
        tpu.yield
      }) : () -> ()
    }
    %scan3A_41 = arith.constant 16 : i32
    "tpu.region"() ({
      %run_scoped3A_67 = tpu.sem_alloc : memref<!tpu.dma_semaphore, #tpu.memory_space<semaphore_mem>>
      %dma_start3A_68 = arith.constant 0 : i32
      %dma_start3A_69 = arith.constant 0 : i32
      %dma_start3A_70 = tpu.memref_slice %arg7[%dma_start3A_68, %dma_start3A_69] : memref<32x80xi32, #tpu.memory_space<vmem>> -> memref<29x80xi32, #tpu.memory_space<vmem>>
      %dma_start3A_71 = arith.constant 96 : i32
      %dma_start3A_72 = arith.constant 0 : i32
      %dma_start3A_73 = tpu.memref_slice %arg3[%add3A, %dma_start3A_71, %dma_start3A_72] : memref<32x125x80xi32, #tpu.memory_space<hbm>> -> memref<1x29x80xi32, #tpu.memory_space<hbm>>
      %dma_start3A_74 = tpu.memref_squeeze %dma_start3A_73 : memref<1x29x80xi32, #tpu.memory_space<hbm>> -> memref<29x80xi32, #tpu.memory_space<hbm>>
      %dma_start3A_75 = arith.constant 0 : i32
      %dma_start3A_76 = arith.constant 0 : i32
      %dma_start3A_77 = tpu.memref_slice %arg7[%dma_start3A_75, %dma_start3A_76] : memref<32x80xi32, #tpu.memory_space<vmem>> -> memref<29x80xi32, #tpu.memory_space<vmem>>
      %dma_start3A_78 = arith.constant 96 : i32
      %dma_start3A_79 = arith.constant 0 : i32
      %dma_start3A_80 = tpu.memref_slice %arg3[%add3A, %dma_start3A_78, %dma_start3A_79] : memref<32x125x80xi32, #tpu.memory_space<hbm>> -> memref<1x29x80xi32, #tpu.memory_space<hbm>>
      %dma_start3A_81 = tpu.memref_squeeze %dma_start3A_80 : memref<1x29x80xi32, #tpu.memory_space<hbm>> -> memref<29x80xi32, #tpu.memory_space<hbm>>
      tpu.enqueue_dma source(%dma_start3A_81 : memref<29x80xi32, #tpu.memory_space<hbm>>) target(%dma_start3A_77 : memref<29x80xi32, #tpu.memory_space<vmem>>) target_semaphore(%run_scoped3A_67 : memref<!tpu.dma_semaphore, #tpu.memory_space<semaphore_mem>>)
      %dma_wait3A_82 = arith.constant 0 : i32
      %dma_wait3A_83 = arith.constant 0 : i32
      %dma_wait3A_84 = tpu.memref_slice %arg7[%dma_wait3A_82, %dma_wait3A_83] : memref<32x80xi32, #tpu.memory_space<vmem>> -> memref<29x80xi32, #tpu.memory_space<vmem>>
      %dma_wait3A_85 = arith.constant 96 : i32
      %dma_wait3A_86 = arith.constant 0 : i32
      %dma_wait3A_87 = tpu.memref_slice %arg3[%add3A, %dma_wait3A_85, %dma_wait3A_86] : memref<32x125x80xi32, #tpu.memory_space<hbm>> -> memref<1x29x80xi32, #tpu.memory_space<hbm>>
      %dma_wait3A_88 = tpu.memref_squeeze %dma_wait3A_87 : memref<1x29x80xi32, #tpu.memory_space<hbm>> -> memref<29x80xi32, #tpu.memory_space<hbm>>
      %dma_wait3A_89 = arith.constant 0 : i32
      %dma_wait3A_90 = arith.constant 0 : i32
      %dma_wait3A_91 = tpu.memref_slice %arg7[%dma_wait3A_89, %dma_wait3A_90] : memref<32x80xi32, #tpu.memory_space<vmem>> -> memref<29x80xi32, #tpu.memory_space<vmem>>
      %dma_wait3A_92 = arith.constant 96 : i32
      %dma_wait3A_93 = arith.constant 0 : i32
      %dma_wait3A_94 = tpu.memref_slice %arg3[%add3A, %dma_wait3A_92, %dma_wait3A_93] : memref<32x125x80xi32, #tpu.memory_space<hbm>> -> memref<1x29x80xi32, #tpu.memory_space<hbm>>
      %dma_wait3A_95 = tpu.memref_squeeze %dma_wait3A_94 : memref<1x29x80xi32, #tpu.memory_space<hbm>> -> memref<29x80xi32, #tpu.memory_space<hbm>>
      tpu.wait_dma2 semaphore(%run_scoped3A_67 : memref<!tpu.dma_semaphore, #tpu.memory_space<semaphore_mem>>) src(%dma_wait3A_95 : memref<29x80xi32, #tpu.memory_space<hbm>>) dst(%dma_wait3A_91 : memref<29x80xi32, #tpu.memory_space<vmem>>)
      tpu.yield
    }) : () -> ()
    "tpu.region"() ({
      %run_scoped3A_67 = tpu.sem_alloc : memref<!tpu.dma_semaphore, #tpu.memory_space<semaphore_mem>>
      %dma_start3A_68 = arith.constant 0 : i32
      %dma_start3A_69 = arith.constant 0 : i32
      %dma_start3A_70 = tpu.memref_slice %arg8[%dma_start3A_68, %dma_start3A_69] : memref<32x80xi32, #tpu.memory_space<vmem>> -> memref<29x80xi32, #tpu.memory_space<vmem>>
      %dma_start3A_71 = arith.constant 96 : i32
      %dma_start3A_72 = arith.constant 0 : i32
      %dma_start3A_73 = tpu.memref_slice %arg4[%add3A, %dma_start3A_71, %dma_start3A_72] : memref<32x125x80xi32, #tpu.memory_space<hbm>> -> memref<1x29x80xi32, #tpu.memory_space<hbm>>
      %dma_start3A_74 = tpu.memref_squeeze %dma_start3A_73 : memref<1x29x80xi32, #tpu.memory_space<hbm>> -> memref<29x80xi32, #tpu.memory_space<hbm>>
      %dma_start3A_75 = arith.constant 0 : i32
      %dma_start3A_76 = arith.constant 0 : i32
      %dma_start3A_77 = tpu.memref_slice %arg8[%dma_start3A_75, %dma_start3A_76] : memref<32x80xi32, #tpu.memory_space<vmem>> -> memref<29x80xi32, #tpu.memory_space<vmem>>
      %dma_start3A_78 = arith.constant 96 : i32
      %dma_start3A_79 = arith.constant 0 : i32
      %dma_start3A_80 = tpu.memref_slice %arg4[%add3A, %dma_start3A_78, %dma_start3A_79] : memref<32x125x80xi32, #tpu.memory_space<hbm>> -> memref<1x29x80xi32, #tpu.memory_space<hbm>>
      %dma_start3A_81 = tpu.memref_squeeze %dma_start3A_80 : memref<1x29x80xi32, #tpu.memory_space<hbm>> -> memref<29x80xi32, #tpu.memory_space<hbm>>
      tpu.enqueue_dma source(%dma_start3A_81 : memref<29x80xi32, #tpu.memory_space<hbm>>) target(%dma_start3A_77 : memref<29x80xi32, #tpu.memory_space<vmem>>) target_semaphore(%run_scoped3A_67 : memref<!tpu.dma_semaphore, #tpu.memory_space<semaphore_mem>>)
      %dma_wait3A_82 = arith.constant 0 : i32
      %dma_wait3A_83 = arith.constant 0 : i32
      %dma_wait3A_84 = tpu.memref_slice %arg8[%dma_wait3A_82, %dma_wait3A_83] : memref<32x80xi32, #tpu.memory_space<vmem>> -> memref<29x80xi32, #tpu.memory_space<vmem>>
      %dma_wait3A_85 = arith.constant 96 : i32
      %dma_wait3A_86 = arith.constant 0 : i32
      %dma_wait3A_87 = tpu.memref_slice %arg4[%add3A, %dma_wait3A_85, %dma_wait3A_86] : memref<32x125x80xi32, #tpu.memory_space<hbm>> -> memref<1x29x80xi32, #tpu.memory_space<hbm>>
      %dma_wait3A_88 = tpu.memref_squeeze %dma_wait3A_87 : memref<1x29x80xi32, #tpu.memory_space<hbm>> -> memref<29x80xi32, #tpu.memory_space<hbm>>
      %dma_wait3A_89 = arith.constant 0 : i32
      %dma_wait3A_90 = arith.constant 0 : i32
      %dma_wait3A_91 = tpu.memref_slice %arg8[%dma_wait3A_89, %dma_wait3A_90] : memref<32x80xi32, #tpu.memory_space<vmem>> -> memref<29x80xi32, #tpu.memory_space<vmem>>
      %dma_wait3A_92 = arith.constant 96 : i32
      %dma_wait3A_93 = arith.constant 0 : i32
      %dma_wait3A_94 = tpu.memref_slice %arg4[%add3A, %dma_wait3A_92, %dma_wait3A_93] : memref<32x125x80xi32, #tpu.memory_space<hbm>> -> memref<1x29x80xi32, #tpu.memory_space<hbm>>
      %dma_wait3A_95 = tpu.memref_squeeze %dma_wait3A_94 : memref<1x29x80xi32, #tpu.memory_space<hbm>> -> memref<29x80xi32, #tpu.memory_space<hbm>>
      tpu.wait_dma2 semaphore(%run_scoped3A_67 : memref<!tpu.dma_semaphore, #tpu.memory_space<semaphore_mem>>) src(%dma_wait3A_95 : memref<29x80xi32, #tpu.memory_space<hbm>>) dst(%dma_wait3A_91 : memref<29x80xi32, #tpu.memory_space<vmem>>)
      tpu.yield
    }) : () -> ()
    %dma_start3A_42 = arith.constant 0 : i32
    %dma_start3A_43 = arith.constant 0 : i32
    %dma_start3A_44 = tpu.memref_slice %arg7[%dma_start3A_42, %dma_start3A_43] : memref<32x80xi32, #tpu.memory_space<vmem>> -> memref<1x80xi32, #tpu.memory_space<vmem>>
    %dma_start3A_45 = tpu.memref_squeeze %dma_start3A_44 : memref<1x80xi32, #tpu.memory_space<vmem>> -> memref<80xi32, #tpu.memory_space<vmem>>
    %dma_start3A_46 = arith.constant 0 : i32
    %dma_start3A_47 = arith.constant 0 : i32
    %dma_start3A_48 = tpu.memref_slice %arg2[%dma_start3A_46, %dma_start3A_47] : memref<10000x128xf32, #tpu.memory_space<hbm>> -> memref<10000x128xf32, #tpu.memory_space<hbm>>
    tpu.enqueue_indirect_dma source(%dma_start3A_48 : memref<10000x128xf32, #tpu.memory_space<hbm>>) target(%arg9 : memref<80x128xf32, #tpu.memory_space<vmem>>) offsets(%dma_start3A_45 : memref<80xi32, #tpu.memory_space<vmem>>) semaphore(%arg11 : memref<!tpu.dma_semaphore, #tpu.memory_space<semaphore_mem>>)
    %scan3A_49 = arith.constant 0 : i32
    %scan3A_50 = arith.constant 0 : i32
    %scan3A_51 = arith.constant 14 : i32
    %scan3A_52 = arith.addi %scan3A_50, %scan3A_51 : i32
    %scan3A_53 = arith.constant 1 : i32
    scf.for %scan3A_67 = %scan3A_50 to %scan3A_52 step %scan3A_53  : i32 {
      %mul3A_68 = arith.constant 2 : i32
      %mul3A_69 = arith.muli %mul3A_68, %scan3A_67 : i32
      %add3A_70 = arith.constant 1 : i32
      %add3A_71 = arith.addi %mul3A_69, %add3A_70 : i32
      %dma_start3A_72 = arith.constant 0 : i32
      %dma_start3A_73 = tpu.memref_slice %arg7[%add3A_71, %dma_start3A_72] : memref<32x80xi32, #tpu.memory_space<vmem>> -> memref<1x80xi32, #tpu.memory_space<vmem>>
      %dma_start3A_74 = tpu.memref_squeeze %dma_start3A_73 : memref<1x80xi32, #tpu.memory_space<vmem>> -> memref<80xi32, #tpu.memory_space<vmem>>
      %dma_start3A_75 = arith.constant 0 : i32
      %dma_start3A_76 = arith.constant 0 : i32
      %dma_start3A_77 = tpu.memref_slice %arg2[%dma_start3A_75, %dma_start3A_76] : memref<10000x128xf32, #tpu.memory_space<hbm>> -> memref<10000x128xf32, #tpu.memory_space<hbm>>
      tpu.enqueue_indirect_dma source(%dma_start3A_77 : memref<10000x128xf32, #tpu.memory_space<hbm>>) target(%arg10 : memref<80x128xf32, #tpu.memory_space<vmem>>) offsets(%dma_start3A_74 : memref<80xi32, #tpu.memory_space<vmem>>) semaphore(%arg12 : memref<!tpu.dma_semaphore, #tpu.memory_space<semaphore_mem>>)
      %dma_wait3A_78 = arith.constant 0 : i32
      %dma_wait3A_79 = tpu.memref_slice %arg7[%mul3A_69, %dma_wait3A_78] : memref<32x80xi32, #tpu.memory_space<vmem>> -> memref<1x80xi32, #tpu.memory_space<vmem>>
      %dma_wait3A_80 = tpu.memref_squeeze %dma_wait3A_79 : memref<1x80xi32, #tpu.memory_space<vmem>> -> memref<80xi32, #tpu.memory_space<vmem>>
      %dma_wait3A_81 = arith.constant 0 : i32
      %dma_wait3A_82 = arith.constant 0 : i32
      %dma_wait3A_83 = tpu.memref_slice %arg2[%dma_wait3A_81, %dma_wait3A_82] : memref<10000x128xf32, #tpu.memory_space<hbm>> -> memref<10000x128xf32, #tpu.memory_space<hbm>>
      tpu.wait_indirect_dma semaphore(%arg11 : memref<!tpu.dma_semaphore, #tpu.memory_space<semaphore_mem>>) src(%dma_wait3A_83 : memref<10000x128xf32, #tpu.memory_space<hbm>>) dst(%arg9 : memref<80x128xf32, #tpu.memory_space<vmem>>)
      "tpu.region"() ({
        %run_scoped3A_100 = tpu.sem_alloc : memref<!tpu.dma_semaphore, #tpu.memory_space<semaphore_mem>>
        %dma_start3A_101 = arith.constant 0 : i32
        %dma_start3A_102 = tpu.memref_slice %arg8[%mul3A_69, %dma_start3A_101] : memref<32x80xi32, #tpu.memory_space<vmem>> -> memref<1x80xi32, #tpu.memory_space<vmem>>
        %dma_start3A_103 = tpu.memref_squeeze %dma_start3A_102 : memref<1x80xi32, #tpu.memory_space<vmem>> -> memref<80xi32, #tpu.memory_space<vmem>>
        %dma_start3A_104 = arith.constant 0 : i32
        %dma_start3A_105 = arith.constant 0 : i32
        %dma_start3A_106 = tpu.memref_slice %arg6[%dma_start3A_104, %dma_start3A_105] : memref<10000x128xf32, #tpu.memory_space<vmem_shared>> -> memref<10000x128xf32, #tpu.memory_space<vmem_shared>>
        tpu.enqueue_indirect_dma source(%arg9 : memref<80x128xf32, #tpu.memory_space<vmem>>) target(%dma_start3A_106 : memref<10000x128xf32, #tpu.memory_space<vmem_shared>>) offsets(%dma_start3A_103 : memref<80xi32, #tpu.memory_space<vmem>>) semaphore(%run_scoped3A_100 : memref<!tpu.dma_semaphore, #tpu.memory_space<semaphore_mem>>) {add = true}
        %dma_wait3A_107 = arith.constant 0 : i32
        %dma_wait3A_108 = tpu.memref_slice %arg8[%mul3A_69, %dma_wait3A_107] : memref<32x80xi32, #tpu.memory_space<vmem>> -> memref<1x80xi32, #tpu.memory_space<vmem>>
        %dma_wait3A_109 = tpu.memref_squeeze %dma_wait3A_108 : memref<1x80xi32, #tpu.memory_space<vmem>> -> memref<80xi32, #tpu.memory_space<vmem>>
        %dma_wait3A_110 = arith.constant 0 : i32
        %dma_wait3A_111 = arith.constant 0 : i32
        %dma_wait3A_112 = tpu.memref_slice %arg6[%dma_wait3A_110, %dma_wait3A_111] : memref<10000x128xf32, #tpu.memory_space<vmem_shared>> -> memref<10000x128xf32, #tpu.memory_space<vmem_shared>>
        tpu.wait_indirect_dma semaphore(%run_scoped3A_100 : memref<!tpu.dma_semaphore, #tpu.memory_space<semaphore_mem>>) src(%arg9 : memref<80x128xf32, #tpu.memory_space<vmem>>) dst(%dma_wait3A_112 : memref<10000x128xf32, #tpu.memory_space<vmem_shared>>)
        tpu.yield
      }) : () -> ()
      %add3A_84 = arith.constant 2 : i32
      %add3A_85 = arith.addi %mul3A_69, %add3A_84 : i32
      %lt3A = arith.constant 29 : i32
      %lt3A_86 = arith.cmpi slt, %add3A_85, %lt3A : i32
      %convert_element_type3A_87 = arith.extui %lt3A_86 : i1 to i32
      %cond3A_88 = arith.constant 0 : i32
      %cond3A_89 = arith.cmpi ne, %convert_element_type3A_87, %cond3A_88 : i32
      scf.if %cond3A_89 {
        %add3A_100 = arith.constant 2 : i32
        %add3A_101 = arith.addi %mul3A_69, %add3A_100 : i32
        %dma_start3A_102 = arith.constant 0 : i32
        %dma_start3A_103 = tpu.memref_slice %arg7[%add3A_101, %dma_start3A_102] : memref<32x80xi32, #tpu.memory_space<vmem>> -> memref<1x80xi32, #tpu.memory_space<vmem>>
        %dma_start3A_104 = tpu.memref_squeeze %dma_start3A_103 : memref<1x80xi32, #tpu.memory_space<vmem>> -> memref<80xi32, #tpu.memory_space<vmem>>
        %dma_start3A_105 = arith.constant 0 : i32
        %dma_start3A_106 = arith.constant 0 : i32
        %dma_start3A_107 = tpu.memref_slice %arg2[%dma_start3A_105, %dma_start3A_106] : memref<10000x128xf32, #tpu.memory_space<hbm>> -> memref<10000x128xf32, #tpu.memory_space<hbm>>
        tpu.enqueue_indirect_dma source(%dma_start3A_107 : memref<10000x128xf32, #tpu.memory_space<hbm>>) target(%arg9 : memref<80x128xf32, #tpu.memory_space<vmem>>) offsets(%dma_start3A_104 : memref<80xi32, #tpu.memory_space<vmem>>) semaphore(%arg11 : memref<!tpu.dma_semaphore, #tpu.memory_space<semaphore_mem>>)
      } else {
      }
      %add3A_90 = arith.constant 1 : i32
      %add3A_91 = arith.addi %mul3A_69, %add3A_90 : i32
      %dma_wait3A_92 = arith.constant 0 : i32
      %dma_wait3A_93 = tpu.memref_slice %arg7[%add3A_91, %dma_wait3A_92] : memref<32x80xi32, #tpu.memory_space<vmem>> -> memref<1x80xi32, #tpu.memory_space<vmem>>
      %dma_wait3A_94 = tpu.memref_squeeze %dma_wait3A_93 : memref<1x80xi32, #tpu.memory_space<vmem>> -> memref<80xi32, #tpu.memory_space<vmem>>
      %dma_wait3A_95 = arith.constant 0 : i32
      %dma_wait3A_96 = arith.constant 0 : i32
      %dma_wait3A_97 = tpu.memref_slice %arg2[%dma_wait3A_95, %dma_wait3A_96] : memref<10000x128xf32, #tpu.memory_space<hbm>> -> memref<10000x128xf32, #tpu.memory_space<hbm>>
      tpu.wait_indirect_dma semaphore(%arg12 : memref<!tpu.dma_semaphore, #tpu.memory_space<semaphore_mem>>) src(%dma_wait3A_97 : memref<10000x128xf32, #tpu.memory_space<hbm>>) dst(%arg10 : memref<80x128xf32, #tpu.memory_space<vmem>>)
      %add3A_98 = arith.constant 1 : i32
      %add3A_99 = arith.addi %mul3A_69, %add3A_98 : i32
      "tpu.region"() ({
        %run_scoped3A_100 = tpu.sem_alloc : memref<!tpu.dma_semaphore, #tpu.memory_space<semaphore_mem>>
        %dma_start3A_101 = arith.constant 0 : i32
        %dma_start3A_102 = tpu.memref_slice %arg8[%add3A_99, %dma_start3A_101] : memref<32x80xi32, #tpu.memory_space<vmem>> -> memref<1x80xi32, #tpu.memory_space<vmem>>
        %dma_start3A_103 = tpu.memref_squeeze %dma_start3A_102 : memref<1x80xi32, #tpu.memory_space<vmem>> -> memref<80xi32, #tpu.memory_space<vmem>>
        %dma_start3A_104 = arith.constant 0 : i32
        %dma_start3A_105 = arith.constant 0 : i32
        %dma_start3A_106 = tpu.memref_slice %arg6[%dma_start3A_104, %dma_start3A_105] : memref<10000x128xf32, #tpu.memory_space<vmem_shared>> -> memref<10000x128xf32, #tpu.memory_space<vmem_shared>>
        tpu.enqueue_indirect_dma source(%arg10 : memref<80x128xf32, #tpu.memory_space<vmem>>) target(%dma_start3A_106 : memref<10000x128xf32, #tpu.memory_space<vmem_shared>>) offsets(%dma_start3A_103 : memref<80xi32, #tpu.memory_space<vmem>>) semaphore(%run_scoped3A_100 : memref<!tpu.dma_semaphore, #tpu.memory_space<semaphore_mem>>) {add = true}
        %dma_wait3A_107 = arith.constant 0 : i32
        %dma_wait3A_108 = tpu.memref_slice %arg8[%add3A_99, %dma_wait3A_107] : memref<32x80xi32, #tpu.memory_space<vmem>> -> memref<1x80xi32, #tpu.memory_space<vmem>>
        %dma_wait3A_109 = tpu.memref_squeeze %dma_wait3A_108 : memref<1x80xi32, #tpu.memory_space<vmem>> -> memref<80xi32, #tpu.memory_space<vmem>>
        %dma_wait3A_110 = arith.constant 0 : i32
        %dma_wait3A_111 = arith.constant 0 : i32
        %dma_wait3A_112 = tpu.memref_slice %arg6[%dma_wait3A_110, %dma_wait3A_111] : memref<10000x128xf32, #tpu.memory_space<vmem_shared>> -> memref<10000x128xf32, #tpu.memory_space<vmem_shared>>
        tpu.wait_indirect_dma semaphore(%run_scoped3A_100 : memref<!tpu.dma_semaphore, #tpu.memory_space<semaphore_mem>>) src(%arg10 : memref<80x128xf32, #tpu.memory_space<vmem>>) dst(%dma_wait3A_112 : memref<10000x128xf32, #tpu.memory_space<vmem_shared>>)
        tpu.yield
      }) : () -> ()
    }
    %scan3A_54 = arith.constant 14 : i32
    %dma_wait3A = arith.constant 28 : i32
    %dma_wait3A_55 = arith.constant 0 : i32
    %dma_wait3A_56 = tpu.memref_slice %arg7[%dma_wait3A, %dma_wait3A_55] : memref<32x80xi32, #tpu.memory_space<vmem>> -> memref<1x80xi32, #tpu.memory_space<vmem>>
    %dma_wait3A_57 = tpu.memref_squeeze %dma_wait3A_56 : memref<1x80xi32, #tpu.memory_space<vmem>> -> memref<80xi32, #tpu.memory_space<vmem>>
    %dma_wait3A_58 = arith.constant 0 : i32
    %dma_wait3A_59 = arith.constant 0 : i32
    %dma_wait3A_60 = tpu.memref_slice %arg2[%dma_wait3A_58, %dma_wait3A_59] : memref<10000x128xf32, #tpu.memory_space<hbm>> -> memref<10000x128xf32, #tpu.memory_space<hbm>>
    tpu.wait_indirect_dma semaphore(%arg11 : memref<!tpu.dma_semaphore, #tpu.memory_space<semaphore_mem>>) src(%dma_wait3A_60 : memref<10000x128xf32, #tpu.memory_space<hbm>>) dst(%arg9 : memref<80x128xf32, #tpu.memory_space<vmem>>)
    %run_scoped3A = arith.constant 28 : i32
    "tpu.region"() ({
      %run_scoped3A_67 = tpu.sem_alloc : memref<!tpu.dma_semaphore, #tpu.memory_space<semaphore_mem>>
      %dma_start3A_68 = arith.constant 0 : i32
      %dma_start3A_69 = tpu.memref_slice %arg8[%run_scoped3A, %dma_start3A_68] : memref<32x80xi32, #tpu.memory_space<vmem>> -> memref<1x80xi32, #tpu.memory_space<vmem>>
      %dma_start3A_70 = tpu.memref_squeeze %dma_start3A_69 : memref<1x80xi32, #tpu.memory_space<vmem>> -> memref<80xi32, #tpu.memory_space<vmem>>
      %dma_start3A_71 = arith.constant 0 : i32
      %dma_start3A_72 = arith.constant 0 : i32
      %dma_start3A_73 = tpu.memref_slice %arg6[%dma_start3A_71, %dma_start3A_72] : memref<10000x128xf32, #tpu.memory_space<vmem_shared>> -> memref<10000x128xf32, #tpu.memory_space<vmem_shared>>
      tpu.enqueue_indirect_dma source(%arg9 : memref<80x128xf32, #tpu.memory_space<vmem>>) target(%dma_start3A_73 : memref<10000x128xf32, #tpu.memory_space<vmem_shared>>) offsets(%dma_start3A_70 : memref<80xi32, #tpu.memory_space<vmem>>) semaphore(%run_scoped3A_67 : memref<!tpu.dma_semaphore, #tpu.memory_space<semaphore_mem>>) {add = true}
      %dma_wait3A_74 = arith.constant 0 : i32
      %dma_wait3A_75 = tpu.memref_slice %arg8[%run_scoped3A, %dma_wait3A_74] : memref<32x80xi32, #tpu.memory_space<vmem>> -> memref<1x80xi32, #tpu.memory_space<vmem>>
      %dma_wait3A_76 = tpu.memref_squeeze %dma_wait3A_75 : memref<1x80xi32, #tpu.memory_space<vmem>> -> memref<80xi32, #tpu.memory_space<vmem>>
      %dma_wait3A_77 = arith.constant 0 : i32
      %dma_wait3A_78 = arith.constant 0 : i32
      %dma_wait3A_79 = tpu.memref_slice %arg6[%dma_wait3A_77, %dma_wait3A_78] : memref<10000x128xf32, #tpu.memory_space<vmem_shared>> -> memref<10000x128xf32, #tpu.memory_space<vmem_shared>>
      tpu.wait_indirect_dma semaphore(%run_scoped3A_67 : memref<!tpu.dma_semaphore, #tpu.memory_space<semaphore_mem>>) src(%arg9 : memref<80x128xf32, #tpu.memory_space<vmem>>) dst(%dma_wait3A_79 : memref<10000x128xf32, #tpu.memory_space<vmem_shared>>)
      tpu.yield
    }) : () -> ()
    %barrier3A_61 = arith.constant 0 : index
    tpu.barrier barrier_id(%barrier3A_61)
    "tpu.region"() ({
      %run_scoped3A_67 = tpu.sem_alloc : memref<!tpu.dma_semaphore, #tpu.memory_space<semaphore_mem>>
      %dma_start3A_68 = arith.constant 0 : i32
      %dma_start3A_69 = tpu.memref_slice %arg5[%arg0, %mul3A_2, %dma_start3A_68] : memref<2x10000x128xf32, #tpu.memory_space<hbm>> -> memref<1x624x128xf32, #tpu.memory_space<hbm>>
      %dma_start3A_70 = tpu.memref_squeeze %dma_start3A_69 : memref<1x624x128xf32, #tpu.memory_space<hbm>> -> memref<624x128xf32, #tpu.memory_space<hbm>>
      %dma_start3A_71 = arith.constant 0 : i32
      %dma_start3A_72 = tpu.memref_slice %arg6[%mul3A_2, %dma_start3A_71] : memref<10000x128xf32, #tpu.memory_space<vmem_shared>> -> memref<624x128xf32, #tpu.memory_space<vmem_shared>>
      tpu.enqueue_dma source(%dma_start3A_72 : memref<624x128xf32, #tpu.memory_space<vmem_shared>>) target(%dma_start3A_70 : memref<624x128xf32, #tpu.memory_space<hbm>>) target_semaphore(%run_scoped3A_67 : memref<!tpu.dma_semaphore, #tpu.memory_space<semaphore_mem>>)
      %dma_wait3A_73 = arith.constant 0 : i32
      %dma_wait3A_74 = tpu.memref_slice %arg5[%arg0, %mul3A_2, %dma_wait3A_73] : memref<2x10000x128xf32, #tpu.memory_space<hbm>> -> memref<1x624x128xf32, #tpu.memory_space<hbm>>
      %dma_wait3A_75 = tpu.memref_squeeze %dma_wait3A_74 : memref<1x624x128xf32, #tpu.memory_space<hbm>> -> memref<624x128xf32, #tpu.memory_space<hbm>>
      %dma_wait3A_76 = arith.constant 0 : i32
      %dma_wait3A_77 = tpu.memref_slice %arg6[%mul3A_2, %dma_wait3A_76] : memref<10000x128xf32, #tpu.memory_space<vmem_shared>> -> memref<624x128xf32, #tpu.memory_space<vmem_shared>>
      tpu.wait_dma2 semaphore(%run_scoped3A_67 : memref<!tpu.dma_semaphore, #tpu.memory_space<semaphore_mem>>) src(%dma_wait3A_77 : memref<624x128xf32, #tpu.memory_space<vmem_shared>>) dst(%dma_wait3A_75 : memref<624x128xf32, #tpu.memory_space<hbm>>)
      tpu.yield
    }) : () -> ()
    %eq3A_62 = arith.constant 0 : i32
    %eq3A_63 = arith.cmpi eq, %arg1, %eq3A_62 : i32
    %convert_element_type3A_64 = arith.extui %eq3A_63 : i1 to i32
    %cond3A_65 = arith.constant 0 : i32
    %cond3A_66 = arith.cmpi ne, %convert_element_type3A_64, %cond3A_65 : i32
    scf.if %cond3A_66 {
      "tpu.region"() ({
        %run_scoped3A_67 = tpu.sem_alloc : memref<!tpu.dma_semaphore, #tpu.memory_space<semaphore_mem>>
        %dma_start3A_68 = arith.constant 9984 : i32
        %dma_start3A_69 = arith.constant 0 : i32
        %dma_start3A_70 = tpu.memref_slice %arg5[%arg0, %dma_start3A_68, %dma_start3A_69] : memref<2x10000x128xf32, #tpu.memory_space<hbm>> -> memref<1x16x128xf32, #tpu.memory_space<hbm>>
        %dma_start3A_71 = tpu.memref_squeeze %dma_start3A_70 : memref<1x16x128xf32, #tpu.memory_space<hbm>> -> memref<16x128xf32, #tpu.memory_space<hbm>>
        %dma_start3A_72 = arith.constant 9984 : i32
        %dma_start3A_73 = arith.constant 0 : i32
        %dma_start3A_74 = tpu.memref_slice %arg6[%dma_start3A_72, %dma_start3A_73] : memref<10000x128xf32, #tpu.memory_space<vmem_shared>> -> memref<16x128xf32, #tpu.memory_space<vmem_shared>>
        tpu.enqueue_dma source(%dma_start3A_74 : memref<16x128xf32, #tpu.memory_space<vmem_shared>>) target(%dma_start3A_71 : memref<16x128xf32, #tpu.memory_space<hbm>>) target_semaphore(%run_scoped3A_67 : memref<!tpu.dma_semaphore, #tpu.memory_space<semaphore_mem>>)
        %dma_wait3A_75 = arith.constant 9984 : i32
        %dma_wait3A_76 = arith.constant 0 : i32
        %dma_wait3A_77 = tpu.memref_slice %arg5[%arg0, %dma_wait3A_75, %dma_wait3A_76] : memref<2x10000x128xf32, #tpu.memory_space<hbm>> -> memref<1x16x128xf32, #tpu.memory_space<hbm>>
        %dma_wait3A_78 = tpu.memref_squeeze %dma_wait3A_77 : memref<1x16x128xf32, #tpu.memory_space<hbm>> -> memref<16x128xf32, #tpu.memory_space<hbm>>
        %dma_wait3A_79 = arith.constant 9984 : i32
        %dma_wait3A_80 = arith.constant 0 : i32
        %dma_wait3A_81 = tpu.memref_slice %arg6[%dma_wait3A_79, %dma_wait3A_80] : memref<10000x128xf32, #tpu.memory_space<vmem_shared>> -> memref<16x128xf32, #tpu.memory_space<vmem_shared>>
        tpu.wait_dma2 semaphore(%run_scoped3A_67 : memref<!tpu.dma_semaphore, #tpu.memory_space<semaphore_mem>>) src(%dma_wait3A_81 : memref<16x128xf32, #tpu.memory_space<vmem_shared>>) dst(%dma_wait3A_78 : memref<16x128xf32, #tpu.memory_space<hbm>>)
        tpu.yield
      }) : () -> ()
    } else {
    }
    return
  }
}

#map = affine_map<(d0, d1) -> (0, 0)>
#map1 = affine_map<(d0, d1) -> (0, 0, 0)>
module attributes {stable_mosaic.version = 14 : i64} {
  func.func @k(%arg0: i32, %arg1: i32, %arg2: memref<10000x128xf32, #tpu.memory_space<hbm>>, %arg3: memref<32x125x80xi32, #tpu.memory_space<hbm>>, %arg4: memref<32x125x80xi32, #tpu.memory_space<hbm>>, %arg5: memref<2x10000x128xf32, #tpu.memory_space<hbm>>, %arg6: memref<10000x128xf32, #tpu.memory_space<vmem_shared>>, %arg7: memref<32x80xi32, #tpu.memory_space<vmem>>, %arg8: memref<32x80xi32, #tpu.memory_space<vmem>>, %arg9: memref<80x128xf32, #tpu.memory_space<vmem>>, %arg10: memref<80x128xf32, #tpu.memory_space<vmem>>, %arg11: memref<!tpu.dma_semaphore, #tpu.memory_space<semaphore_mem>>, %arg12: memref<!tpu.dma_semaphore, #tpu.memory_space<semaphore_mem>>) attributes {dimension_semantics = [#tpu.dimension_semantics<core_parallel>, #tpu.dimension_semantics<subcore_parallel>], iteration_bounds = array<i64: 2, 16>, scalar_prefetch = 0 : i64, scratch_operands = 7 : i64, tpu.core_type = #tpu.core_type<sc_vector_subcore>, window_params = [{transform_indices = #map}, {transform_indices = #map1}, {transform_indices = #map1}, {transform_indices = #map1}]} {
    %mul3A = arith.constant 16 : i32
    %mul3A_0 = arith.muli %arg0, %mul3A : i32
    %add3A = arith.addi %mul3A_0, %arg1 : i32
    %mul3A_1 = arith.constant 624 : i32
    %mul3A_2 = arith.muli %arg1, %mul3A_1 : i32
    "tpu.region"() ({
      %run_scoped3A_67 = tpu.sem_alloc : memref<!tpu.dma_semaphore, #tpu.memory_space<semaphore_mem>>
      %dma_start3A_68 = arith.constant 0 : i32
      %dma_start3A_69 = tpu.memref_slice %arg6[%mul3A_2, %dma_start3A_68] : memref<10000x128xf32, #tpu.memory_space<vmem_shared>> -> memref<624x128xf32, #tpu.memory_space<vmem_shared>>
      %dma_start3A_70 = arith.constant 0 : i32
      %dma_start3A_71 = tpu.memref_slice %arg2[%mul3A_2, %dma_start3A_70] : memref<10000x128xf32, #tpu.memory_space<hbm>> -> memref<624x128xf32, #tpu.memory_space<hbm>>
      tpu.enqueue_dma source(%dma_start3A_71 : memref<624x128xf32, #tpu.memory_space<hbm>>) target(%dma_start3A_69 : memref<624x128xf32, #tpu.memory_space<vmem_shared>>) target_semaphore(%run_scoped3A_67 : memref<!tpu.dma_semaphore, #tpu.memory_space<semaphore_mem>>)
      %dma_wait3A_72 = arith.constant 0 : i32
      %dma_wait3A_73 = tpu.memref_slice %arg6[%mul3A_2, %dma_wait3A_72] : memref<10000x128xf32, #tpu.memory_space<vmem_shared>> -> memref<624x128xf32, #tpu.memory_space<vmem_shared>>
      %dma_wait3A_74 = arith.constant 0 : i32
      %dma_wait3A_75 = tpu.memref_slice %arg2[%mul3A_2, %dma_wait3A_74] : memref<10000x128xf32, #tpu.memory_space<hbm>> -> memref<624x128xf32, #tpu.memory_space<hbm>>
      tpu.wait_dma2 semaphore(%run_scoped3A_67 : memref<!tpu.dma_semaphore, #tpu.memory_space<semaphore_mem>>) src(%dma_wait3A_75 : memref<624x128xf32, #tpu.memory_space<hbm>>) dst(%dma_wait3A_73 : memref<624x128xf32, #tpu.memory_space<vmem_shared>>)
      tpu.yield
    }) : () -> ()
    %eq3A = arith.constant 0 : i32
    %eq3A_3 = arith.cmpi eq, %arg1, %eq3A : i32
    %convert_element_type3A = arith.extui %eq3A_3 : i1 to i32
    %cond3A = arith.constant 0 : i32
    %cond3A_4 = arith.cmpi ne, %convert_element_type3A, %cond3A : i32
    scf.if %cond3A_4 {
      "tpu.region"() ({
        %run_scoped3A_67 = tpu.sem_alloc : memref<!tpu.dma_semaphore, #tpu.memory_space<semaphore_mem>>
        %dma_start3A_68 = arith.constant 9984 : i32
        %dma_start3A_69 = arith.constant 0 : i32
        %dma_start3A_70 = tpu.memref_slice %arg6[%dma_start3A_68, %dma_start3A_69] : memref<10000x128xf32, #tpu.memory_space<vmem_shared>> -> memref<16x128xf32, #tpu.memory_space<vmem_shared>>
        %dma_start3A_71 = arith.constant 9984 : i32
        %dma_start3A_72 = arith.constant 0 : i32
        %dma_start3A_73 = tpu.memref_slice %arg2[%dma_start3A_71, %dma_start3A_72] : memref<10000x128xf32, #tpu.memory_space<hbm>> -> memref<16x128xf32, #tpu.memory_space<hbm>>
        tpu.enqueue_dma source(%dma_start3A_73 : memref<16x128xf32, #tpu.memory_space<hbm>>) target(%dma_start3A_70 : memref<16x128xf32, #tpu.memory_space<vmem_shared>>) target_semaphore(%run_scoped3A_67 : memref<!tpu.dma_semaphore, #tpu.memory_space<semaphore_mem>>)
        %dma_wait3A_74 = arith.constant 9984 : i32
        %dma_wait3A_75 = arith.constant 0 : i32
        %dma_wait3A_76 = tpu.memref_slice %arg6[%dma_wait3A_74, %dma_wait3A_75] : memref<10000x128xf32, #tpu.memory_space<vmem_shared>> -> memref<16x128xf32, #tpu.memory_space<vmem_shared>>
        %dma_wait3A_77 = arith.constant 9984 : i32
        %dma_wait3A_78 = arith.constant 0 : i32
        %dma_wait3A_79 = tpu.memref_slice %arg2[%dma_wait3A_77, %dma_wait3A_78] : memref<10000x128xf32, #tpu.memory_space<hbm>> -> memref<16x128xf32, #tpu.memory_space<hbm>>
        tpu.wait_dma2 semaphore(%run_scoped3A_67 : memref<!tpu.dma_semaphore, #tpu.memory_space<semaphore_mem>>) src(%dma_wait3A_79 : memref<16x128xf32, #tpu.memory_space<hbm>>) dst(%dma_wait3A_76 : memref<16x128xf32, #tpu.memory_space<vmem_shared>>)
        tpu.yield
      }) : () -> ()
    } else {
    }
    %barrier3A = arith.constant 0 : index
    tpu.barrier barrier_id(%barrier3A)
    "tpu.region"() ({
      %run_scoped3A_67 = tpu.sem_alloc : memref<!tpu.dma_semaphore, #tpu.memory_space<semaphore_mem>>
      %dma_start3A_68 = arith.constant 0 : i32
      %dma_start3A_69 = arith.constant 0 : i32
      %dma_start3A_70 = tpu.memref_slice %arg7[%dma_start3A_68, %dma_start3A_69] : memref<32x80xi32, #tpu.memory_space<vmem>> -> memref<32x80xi32, #tpu.memory_space<vmem>>
      %dma_start3A_71 = arith.constant 0 : i32
      %dma_start3A_72 = arith.constant 0 : i32
      %dma_start3A_73 = tpu.memref_slice %arg3[%add3A, %dma_start3A_71, %dma_start3A_72] : memref<32x125x80xi32, #tpu.memory_space<hbm>> -> memref<1x32x80xi32, #tpu.memory_space<hbm>>
      %dma_start3A_74 = tpu.memref_squeeze %dma_start3A_73 : memref<1x32x80xi32, #tpu.memory_space<hbm>> -> memref<32x80xi32, #tpu.memory_space<hbm>>
      %dma_start3A_75 = arith.constant 0 : i32
      %dma_start3A_76 = arith.constant 0 : i32
      %dma_start3A_77 = tpu.memref_slice %arg7[%dma_start3A_75, %dma_start3A_76] : memref<32x80xi32, #tpu.memory_space<vmem>> -> memref<32x80xi32, #tpu.memory_space<vmem>>
      %dma_start3A_78 = arith.constant 0 : i32
      %dma_start3A_79 = arith.constant 0 : i32
      %dma_start3A_80 = tpu.memref_slice %arg3[%add3A, %dma_start3A_78, %dma_start3A_79] : memref<32x125x80xi32, #tpu.memory_space<hbm>> -> memref<1x32x80xi32, #tpu.memory_space<hbm>>
      %dma_start3A_81 = tpu.memref_squeeze %dma_start3A_80 : memref<1x32x80xi32, #tpu.memory_space<hbm>> -> memref<32x80xi32, #tpu.memory_space<hbm>>
      tpu.enqueue_dma source(%dma_start3A_81 : memref<32x80xi32, #tpu.memory_space<hbm>>) target(%dma_start3A_77 : memref<32x80xi32, #tpu.memory_space<vmem>>) target_semaphore(%run_scoped3A_67 : memref<!tpu.dma_semaphore, #tpu.memory_space<semaphore_mem>>)
      %dma_wait3A_82 = arith.constant 0 : i32
      %dma_wait3A_83 = arith.constant 0 : i32
      %dma_wait3A_84 = tpu.memref_slice %arg7[%dma_wait3A_82, %dma_wait3A_83] : memref<32x80xi32, #tpu.memory_space<vmem>> -> memref<32x80xi32, #tpu.memory_space<vmem>>
      %dma_wait3A_85 = arith.constant 0 : i32
      %dma_wait3A_86 = arith.constant 0 : i32
      %dma_wait3A_87 = tpu.memref_slice %arg3[%add3A, %dma_wait3A_85, %dma_wait3A_86] : memref<32x125x80xi32, #tpu.memory_space<hbm>> -> memref<1x32x80xi32, #tpu.memory_space<hbm>>
      %dma_wait3A_88 = tpu.memref_squeeze %dma_wait3A_87 : memref<1x32x80xi32, #tpu.memory_space<hbm>> -> memref<32x80xi32, #tpu.memory_space<hbm>>
      %dma_wait3A_89 = arith.constant 0 : i32
      %dma_wait3A_90 = arith.constant 0 : i32
      %dma_wait3A_91 = tpu.memref_slice %arg7[%dma_wait3A_89, %dma_wait3A_90] : memref<32x80xi32, #tpu.memory_space<vmem>> -> memref<32x80xi32, #tpu.memory_space<vmem>>
      %dma_wait3A_92 = arith.constant 0 : i32
      %dma_wait3A_93 = arith.constant 0 : i32
      %dma_wait3A_94 = tpu.memref_slice %arg3[%add3A, %dma_wait3A_92, %dma_wait3A_93] : memref<32x125x80xi32, #tpu.memory_space<hbm>> -> memref<1x32x80xi32, #tpu.memory_space<hbm>>
      %dma_wait3A_95 = tpu.memref_squeeze %dma_wait3A_94 : memref<1x32x80xi32, #tpu.memory_space<hbm>> -> memref<32x80xi32, #tpu.memory_space<hbm>>
      tpu.wait_dma2 semaphore(%run_scoped3A_67 : memref<!tpu.dma_semaphore, #tpu.memory_space<semaphore_mem>>) src(%dma_wait3A_95 : memref<32x80xi32, #tpu.memory_space<hbm>>) dst(%dma_wait3A_91 : memref<32x80xi32, #tpu.memory_space<vmem>>)
      tpu.yield
    }) : () -> ()
    "tpu.region"() ({
      %run_scoped3A_67 = tpu.sem_alloc : memref<!tpu.dma_semaphore, #tpu.memory_space<semaphore_mem>>
      %dma_start3A_68 = arith.constant 0 : i32
      %dma_start3A_69 = arith.constant 0 : i32
      %dma_start3A_70 = tpu.memref_slice %arg8[%dma_start3A_68, %dma_start3A_69] : memref<32x80xi32, #tpu.memory_space<vmem>> -> memref<32x80xi32, #tpu.memory_space<vmem>>
      %dma_start3A_71 = arith.constant 0 : i32
      %dma_start3A_72 = arith.constant 0 : i32
      %dma_start3A_73 = tpu.memref_slice %arg4[%add3A, %dma_start3A_71, %dma_start3A_72] : memref<32x125x80xi32, #tpu.memory_space<hbm>> -> memref<1x32x80xi32, #tpu.memory_space<hbm>>
      %dma_start3A_74 = tpu.memref_squeeze %dma_start3A_73 : memref<1x32x80xi32, #tpu.memory_space<hbm>> -> memref<32x80xi32, #tpu.memory_space<hbm>>
      %dma_start3A_75 = arith.constant 0 : i32
      %dma_start3A_76 = arith.constant 0 : i32
      %dma_start3A_77 = tpu.memref_slice %arg8[%dma_start3A_75, %dma_start3A_76] : memref<32x80xi32, #tpu.memory_space<vmem>> -> memref<32x80xi32, #tpu.memory_space<vmem>>
      %dma_start3A_78 = arith.constant 0 : i32
      %dma_start3A_79 = arith.constant 0 : i32
      %dma_start3A_80 = tpu.memref_slice %arg4[%add3A, %dma_start3A_78, %dma_start3A_79] : memref<32x125x80xi32, #tpu.memory_space<hbm>> -> memref<1x32x80xi32, #tpu.memory_space<hbm>>
      %dma_start3A_81 = tpu.memref_squeeze %dma_start3A_80 : memref<1x32x80xi32, #tpu.memory_space<hbm>> -> memref<32x80xi32, #tpu.memory_space<hbm>>
      tpu.enqueue_dma source(%dma_start3A_81 : memref<32x80xi32, #tpu.memory_space<hbm>>) target(%dma_start3A_77 : memref<32x80xi32, #tpu.memory_space<vmem>>) target_semaphore(%run_scoped3A_67 : memref<!tpu.dma_semaphore, #tpu.memory_space<semaphore_mem>>)
      %dma_wait3A_82 = arith.constant 0 : i32
      %dma_wait3A_83 = arith.constant 0 : i32
      %dma_wait3A_84 = tpu.memref_slice %arg8[%dma_wait3A_82, %dma_wait3A_83] : memref<32x80xi32, #tpu.memory_space<vmem>> -> memref<32x80xi32, #tpu.memory_space<vmem>>
      %dma_wait3A_85 = arith.constant 0 : i32
      %dma_wait3A_86 = arith.constant 0 : i32
      %dma_wait3A_87 = tpu.memref_slice %arg4[%add3A, %dma_wait3A_85, %dma_wait3A_86] : memref<32x125x80xi32, #tpu.memory_space<hbm>> -> memref<1x32x80xi32, #tpu.memory_space<hbm>>
      %dma_wait3A_88 = tpu.memref_squeeze %dma_wait3A_87 : memref<1x32x80xi32, #tpu.memory_space<hbm>> -> memref<32x80xi32, #tpu.memory_space<hbm>>
      %dma_wait3A_89 = arith.constant 0 : i32
      %dma_wait3A_90 = arith.constant 0 : i32
      %dma_wait3A_91 = tpu.memref_slice %arg8[%dma_wait3A_89, %dma_wait3A_90] : memref<32x80xi32, #tpu.memory_space<vmem>> -> memref<32x80xi32, #tpu.memory_space<vmem>>
      %dma_wait3A_92 = arith.constant 0 : i32
      %dma_wait3A_93 = arith.constant 0 : i32
      %dma_wait3A_94 = tpu.memref_slice %arg4[%add3A, %dma_wait3A_92, %dma_wait3A_93] : memref<32x125x80xi32, #tpu.memory_space<hbm>> -> memref<1x32x80xi32, #tpu.memory_space<hbm>>
      %dma_wait3A_95 = tpu.memref_squeeze %dma_wait3A_94 : memref<1x32x80xi32, #tpu.memory_space<hbm>> -> memref<32x80xi32, #tpu.memory_space<hbm>>
      tpu.wait_dma2 semaphore(%run_scoped3A_67 : memref<!tpu.dma_semaphore, #tpu.memory_space<semaphore_mem>>) src(%dma_wait3A_95 : memref<32x80xi32, #tpu.memory_space<hbm>>) dst(%dma_wait3A_91 : memref<32x80xi32, #tpu.memory_space<vmem>>)
      tpu.yield
    }) : () -> ()
    %dma_start3A = arith.constant 0 : i32
    %dma_start3A_5 = arith.constant 0 : i32
    %dma_start3A_6 = tpu.memref_slice %arg7[%dma_start3A, %dma_start3A_5] : memref<32x80xi32, #tpu.memory_space<vmem>> -> memref<1x80xi32, #tpu.memory_space<vmem>>
    %dma_start3A_7 = tpu.memref_squeeze %dma_start3A_6 : memref<1x80xi32, #tpu.memory_space<vmem>> -> memref<80xi32, #tpu.memory_space<vmem>>
    %dma_start3A_8 = arith.constant 0 : i32
    %dma_start3A_9 = arith.constant 0 : i32
    %dma_start3A_10 = tpu.memref_slice %arg2[%dma_start3A_8, %dma_start3A_9] : memref<10000x128xf32, #tpu.memory_space<hbm>> -> memref<10000x128xf32, #tpu.memory_space<hbm>>
    tpu.enqueue_indirect_dma source(%dma_start3A_10 : memref<10000x128xf32, #tpu.memory_space<hbm>>) target(%arg9 : memref<80x128xf32, #tpu.memory_space<vmem>>) offsets(%dma_start3A_7 : memref<80xi32, #tpu.memory_space<vmem>>) semaphore(%arg11 : memref<!tpu.dma_semaphore, #tpu.memory_space<semaphore_mem>>)
    %scan3A = arith.constant 0 : i32
    %scan3A_11 = arith.constant 0 : i32
    %scan3A_12 = arith.constant 16 : i32
    %scan3A_13 = arith.addi %scan3A_11, %scan3A_12 : i32
    %scan3A_14 = arith.constant 1 : i32
    scf.for %scan3A_67 = %scan3A_11 to %scan3A_13 step %scan3A_14  : i32 {
      %mul3A_68 = arith.constant 2 : i32
      %mul3A_69 = arith.muli %mul3A_68, %scan3A_67 : i32
      %add3A_70 = arith.constant 1 : i32
      %add3A_71 = arith.addi %mul3A_69, %add3A_70 : i32
      %dma_start3A_72 = arith.constant 0 : i32
      %dma_start3A_73 = tpu.memref_slice %arg7[%add3A_71, %dma_start3A_72] : memref<32x80xi32, #tpu.memory_space<vmem>> -> memref<1x80xi32, #tpu.memory_space<vmem>>
      %dma_start3A_74 = tpu.memref_squeeze %dma_start3A_73 : memref<1x80xi32, #tpu.memory_space<vmem>> -> memref<80xi32, #tpu.memory_space<vmem>>
      %dma_start3A_75 = arith.constant 0 : i32
      %dma_start3A_76 = arith.constant 0 : i32
      %dma_start3A_77 = tpu.memref_slice %arg2[%dma_start3A_75, %dma_start3A_76] : memref<10000x128xf32, #tpu.memory_space<hbm>> -> memref<10000x128xf32, #tpu.memory_space<hbm>>
      tpu.enqueue_indirect_dma source(%dma_start3A_77 : memref<10000x128xf32, #tpu.memory_space<hbm>>) target(%arg10 : memref<80x128xf32, #tpu.memory_space<vmem>>) offsets(%dma_start3A_74 : memref<80xi32, #tpu.memory_space<vmem>>) semaphore(%arg12 : memref<!tpu.dma_semaphore, #tpu.memory_space<semaphore_mem>>)
      %dma_wait3A_78 = arith.constant 0 : i32
      %dma_wait3A_79 = tpu.memref_slice %arg7[%mul3A_69, %dma_wait3A_78] : memref<32x80xi32, #tpu.memory_space<vmem>> -> memref<1x80xi32, #tpu.memory_space<vmem>>
      %dma_wait3A_80 = tpu.memref_squeeze %dma_wait3A_79 : memref<1x80xi32, #tpu.memory_space<vmem>> -> memref<80xi32, #tpu.memory_space<vmem>>
      %dma_wait3A_81 = arith.constant 0 : i32
      %dma_wait3A_82 = arith.constant 0 : i32
      %dma_wait3A_83 = tpu.memref_slice %arg2[%dma_wait3A_81, %dma_wait3A_82] : memref<10000x128xf32, #tpu.memory_space<hbm>> -> memref<10000x128xf32, #tpu.memory_space<hbm>>
      tpu.wait_indirect_dma semaphore(%arg11 : memref<!tpu.dma_semaphore, #tpu.memory_space<semaphore_mem>>) src(%dma_wait3A_83 : memref<10000x128xf32, #tpu.memory_space<hbm>>) dst(%arg9 : memref<80x128xf32, #tpu.memory_space<vmem>>)
      "tpu.region"() ({
        %run_scoped3A_100 = tpu.sem_alloc : memref<!tpu.dma_semaphore, #tpu.memory_space<semaphore_mem>>
        %dma_start3A_101 = arith.constant 0 : i32
        %dma_start3A_102 = tpu.memref_slice %arg8[%mul3A_69, %dma_start3A_101] : memref<32x80xi32, #tpu.memory_space<vmem>> -> memref<1x80xi32, #tpu.memory_space<vmem>>
        %dma_start3A_103 = tpu.memref_squeeze %dma_start3A_102 : memref<1x80xi32, #tpu.memory_space<vmem>> -> memref<80xi32, #tpu.memory_space<vmem>>
        %dma_start3A_104 = arith.constant 0 : i32
        %dma_start3A_105 = arith.constant 0 : i32
        %dma_start3A_106 = tpu.memref_slice %arg6[%dma_start3A_104, %dma_start3A_105] : memref<10000x128xf32, #tpu.memory_space<vmem_shared>> -> memref<10000x128xf32, #tpu.memory_space<vmem_shared>>
        tpu.enqueue_indirect_dma source(%arg9 : memref<80x128xf32, #tpu.memory_space<vmem>>) target(%dma_start3A_106 : memref<10000x128xf32, #tpu.memory_space<vmem_shared>>) offsets(%dma_start3A_103 : memref<80xi32, #tpu.memory_space<vmem>>) semaphore(%run_scoped3A_100 : memref<!tpu.dma_semaphore, #tpu.memory_space<semaphore_mem>>) {add = true}
        %dma_wait3A_107 = arith.constant 0 : i32
        %dma_wait3A_108 = tpu.memref_slice %arg8[%mul3A_69, %dma_wait3A_107] : memref<32x80xi32, #tpu.memory_space<vmem>> -> memref<1x80xi32, #tpu.memory_space<vmem>>
        %dma_wait3A_109 = tpu.memref_squeeze %dma_wait3A_108 : memref<1x80xi32, #tpu.memory_space<vmem>> -> memref<80xi32, #tpu.memory_space<vmem>>
        %dma_wait3A_110 = arith.constant 0 : i32
        %dma_wait3A_111 = arith.constant 0 : i32
        %dma_wait3A_112 = tpu.memref_slice %arg6[%dma_wait3A_110, %dma_wait3A_111] : memref<10000x128xf32, #tpu.memory_space<vmem_shared>> -> memref<10000x128xf32, #tpu.memory_space<vmem_shared>>
        tpu.wait_indirect_dma semaphore(%run_scoped3A_100 : memref<!tpu.dma_semaphore, #tpu.memory_space<semaphore_mem>>) src(%arg9 : memref<80x128xf32, #tpu.memory_space<vmem>>) dst(%dma_wait3A_112 : memref<10000x128xf32, #tpu.memory_space<vmem_shared>>)
        tpu.yield
      }) : () -> ()
      %add3A_84 = arith.constant 2 : i32
      %add3A_85 = arith.addi %mul3A_69, %add3A_84 : i32
      %lt3A = arith.constant 32 : i32
      %lt3A_86 = arith.cmpi slt, %add3A_85, %lt3A : i32
      %convert_element_type3A_87 = arith.extui %lt3A_86 : i1 to i32
      %cond3A_88 = arith.constant 0 : i32
      %cond3A_89 = arith.cmpi ne, %convert_element_type3A_87, %cond3A_88 : i32
      scf.if %cond3A_89 {
        %add3A_100 = arith.constant 2 : i32
        %add3A_101 = arith.addi %mul3A_69, %add3A_100 : i32
        %dma_start3A_102 = arith.constant 0 : i32
        %dma_start3A_103 = tpu.memref_slice %arg7[%add3A_101, %dma_start3A_102] : memref<32x80xi32, #tpu.memory_space<vmem>> -> memref<1x80xi32, #tpu.memory_space<vmem>>
        %dma_start3A_104 = tpu.memref_squeeze %dma_start3A_103 : memref<1x80xi32, #tpu.memory_space<vmem>> -> memref<80xi32, #tpu.memory_space<vmem>>
        %dma_start3A_105 = arith.constant 0 : i32
        %dma_start3A_106 = arith.constant 0 : i32
        %dma_start3A_107 = tpu.memref_slice %arg2[%dma_start3A_105, %dma_start3A_106] : memref<10000x128xf32, #tpu.memory_space<hbm>> -> memref<10000x128xf32, #tpu.memory_space<hbm>>
        tpu.enqueue_indirect_dma source(%dma_start3A_107 : memref<10000x128xf32, #tpu.memory_space<hbm>>) target(%arg9 : memref<80x128xf32, #tpu.memory_space<vmem>>) offsets(%dma_start3A_104 : memref<80xi32, #tpu.memory_space<vmem>>) semaphore(%arg11 : memref<!tpu.dma_semaphore, #tpu.memory_space<semaphore_mem>>)
      } else {
      }
      %add3A_90 = arith.constant 1 : i32
      %add3A_91 = arith.addi %mul3A_69, %add3A_90 : i32
      %dma_wait3A_92 = arith.constant 0 : i32
      %dma_wait3A_93 = tpu.memref_slice %arg7[%add3A_91, %dma_wait3A_92] : memref<32x80xi32, #tpu.memory_space<vmem>> -> memref<1x80xi32, #tpu.memory_space<vmem>>
      %dma_wait3A_94 = tpu.memref_squeeze %dma_wait3A_93 : memref<1x80xi32, #tpu.memory_space<vmem>> -> memref<80xi32, #tpu.memory_space<vmem>>
      %dma_wait3A_95 = arith.constant 0 : i32
      %dma_wait3A_96 = arith.constant 0 : i32
      %dma_wait3A_97 = tpu.memref_slice %arg2[%dma_wait3A_95, %dma_wait3A_96] : memref<10000x128xf32, #tpu.memory_space<hbm>> -> memref<10000x128xf32, #tpu.memory_space<hbm>>
      tpu.wait_indirect_dma semaphore(%arg12 : memref<!tpu.dma_semaphore, #tpu.memory_space<semaphore_mem>>) src(%dma_wait3A_97 : memref<10000x128xf32, #tpu.memory_space<hbm>>) dst(%arg10 : memref<80x128xf32, #tpu.memory_space<vmem>>)
      %add3A_98 = arith.constant 1 : i32
      %add3A_99 = arith.addi %mul3A_69, %add3A_98 : i32
      "tpu.region"() ({
        %run_scoped3A_100 = tpu.sem_alloc : memref<!tpu.dma_semaphore, #tpu.memory_space<semaphore_mem>>
        %dma_start3A_101 = arith.constant 0 : i32
        %dma_start3A_102 = tpu.memref_slice %arg8[%add3A_99, %dma_start3A_101] : memref<32x80xi32, #tpu.memory_space<vmem>> -> memref<1x80xi32, #tpu.memory_space<vmem>>
        %dma_start3A_103 = tpu.memref_squeeze %dma_start3A_102 : memref<1x80xi32, #tpu.memory_space<vmem>> -> memref<80xi32, #tpu.memory_space<vmem>>
        %dma_start3A_104 = arith.constant 0 : i32
        %dma_start3A_105 = arith.constant 0 : i32
        %dma_start3A_106 = tpu.memref_slice %arg6[%dma_start3A_104, %dma_start3A_105] : memref<10000x128xf32, #tpu.memory_space<vmem_shared>> -> memref<10000x128xf32, #tpu.memory_space<vmem_shared>>
        tpu.enqueue_indirect_dma source(%arg10 : memref<80x128xf32, #tpu.memory_space<vmem>>) target(%dma_start3A_106 : memref<10000x128xf32, #tpu.memory_space<vmem_shared>>) offsets(%dma_start3A_103 : memref<80xi32, #tpu.memory_space<vmem>>) semaphore(%run_scoped3A_100 : memref<!tpu.dma_semaphore, #tpu.memory_space<semaphore_mem>>) {add = true}
        %dma_wait3A_107 = arith.constant 0 : i32
        %dma_wait3A_108 = tpu.memref_slice %arg8[%add3A_99, %dma_wait3A_107] : memref<32x80xi32, #tpu.memory_space<vmem>> -> memref<1x80xi32, #tpu.memory_space<vmem>>
        %dma_wait3A_109 = tpu.memref_squeeze %dma_wait3A_108 : memref<1x80xi32, #tpu.memory_space<vmem>> -> memref<80xi32, #tpu.memory_space<vmem>>
        %dma_wait3A_110 = arith.constant 0 : i32
        %dma_wait3A_111 = arith.constant 0 : i32
        %dma_wait3A_112 = tpu.memref_slice %arg6[%dma_wait3A_110, %dma_wait3A_111] : memref<10000x128xf32, #tpu.memory_space<vmem_shared>> -> memref<10000x128xf32, #tpu.memory_space<vmem_shared>>
        tpu.wait_indirect_dma semaphore(%run_scoped3A_100 : memref<!tpu.dma_semaphore, #tpu.memory_space<semaphore_mem>>) src(%arg10 : memref<80x128xf32, #tpu.memory_space<vmem>>) dst(%dma_wait3A_112 : memref<10000x128xf32, #tpu.memory_space<vmem_shared>>)
        tpu.yield
      }) : () -> ()
    }
    %scan3A_15 = arith.constant 16 : i32
    "tpu.region"() ({
      %run_scoped3A_67 = tpu.sem_alloc : memref<!tpu.dma_semaphore, #tpu.memory_space<semaphore_mem>>
      %dma_start3A_68 = arith.constant 0 : i32
      %dma_start3A_69 = arith.constant 0 : i32
      %dma_start3A_70 = tpu.memref_slice %arg7[%dma_start3A_68, %dma_start3A_69] : memref<32x80xi32, #tpu.memory_space<vmem>> -> memref<32x80xi32, #tpu.memory_space<vmem>>
      %dma_start3A_71 = arith.constant 32 : i32
      %dma_start3A_72 = arith.constant 0 : i32
      %dma_start3A_73 = tpu.memref_slice %arg3[%add3A, %dma_start3A_71, %dma_start3A_72] : memref<32x125x80xi32, #tpu.memory_space<hbm>> -> memref<1x32x80xi32, #tpu.memory_space<hbm>>
      %dma_start3A_74 = tpu.memref_squeeze %dma_start3A_73 : memref<1x32x80xi32, #tpu.memory_space<hbm>> -> memref<32x80xi32, #tpu.memory_space<hbm>>
      %dma_start3A_75 = arith.constant 0 : i32
      %dma_start3A_76 = arith.constant 0 : i32
      %dma_start3A_77 = tpu.memref_slice %arg7[%dma_start3A_75, %dma_start3A_76] : memref<32x80xi32, #tpu.memory_space<vmem>> -> memref<32x80xi32, #tpu.memory_space<vmem>>
      %dma_start3A_78 = arith.constant 32 : i32
      %dma_start3A_79 = arith.constant 0 : i32
      %dma_start3A_80 = tpu.memref_slice %arg3[%add3A, %dma_start3A_78, %dma_start3A_79] : memref<32x125x80xi32, #tpu.memory_space<hbm>> -> memref<1x32x80xi32, #tpu.memory_space<hbm>>
      %dma_start3A_81 = tpu.memref_squeeze %dma_start3A_80 : memref<1x32x80xi32, #tpu.memory_space<hbm>> -> memref<32x80xi32, #tpu.memory_space<hbm>>
      tpu.enqueue_dma source(%dma_start3A_81 : memref<32x80xi32, #tpu.memory_space<hbm>>) target(%dma_start3A_77 : memref<32x80xi32, #tpu.memory_space<vmem>>) target_semaphore(%run_scoped3A_67 : memref<!tpu.dma_semaphore, #tpu.memory_space<semaphore_mem>>)
      %dma_wait3A_82 = arith.constant 0 : i32
      %dma_wait3A_83 = arith.constant 0 : i32
      %dma_wait3A_84 = tpu.memref_slice %arg7[%dma_wait3A_82, %dma_wait3A_83] : memref<32x80xi32, #tpu.memory_space<vmem>> -> memref<32x80xi32, #tpu.memory_space<vmem>>
      %dma_wait3A_85 = arith.constant 32 : i32
      %dma_wait3A_86 = arith.constant 0 : i32
      %dma_wait3A_87 = tpu.memref_slice %arg3[%add3A, %dma_wait3A_85, %dma_wait3A_86] : memref<32x125x80xi32, #tpu.memory_space<hbm>> -> memref<1x32x80xi32, #tpu.memory_space<hbm>>
      %dma_wait3A_88 = tpu.memref_squeeze %dma_wait3A_87 : memref<1x32x80xi32, #tpu.memory_space<hbm>> -> memref<32x80xi32, #tpu.memory_space<hbm>>
      %dma_wait3A_89 = arith.constant 0 : i32
      %dma_wait3A_90 = arith.constant 0 : i32
      %dma_wait3A_91 = tpu.memref_slice %arg7[%dma_wait3A_89, %dma_wait3A_90] : memref<32x80xi32, #tpu.memory_space<vmem>> -> memref<32x80xi32, #tpu.memory_space<vmem>>
      %dma_wait3A_92 = arith.constant 32 : i32
      %dma_wait3A_93 = arith.constant 0 : i32
      %dma_wait3A_94 = tpu.memref_slice %arg3[%add3A, %dma_wait3A_92, %dma_wait3A_93] : memref<32x125x80xi32, #tpu.memory_space<hbm>> -> memref<1x32x80xi32, #tpu.memory_space<hbm>>
      %dma_wait3A_95 = tpu.memref_squeeze %dma_wait3A_94 : memref<1x32x80xi32, #tpu.memory_space<hbm>> -> memref<32x80xi32, #tpu.memory_space<hbm>>
      tpu.wait_dma2 semaphore(%run_scoped3A_67 : memref<!tpu.dma_semaphore, #tpu.memory_space<semaphore_mem>>) src(%dma_wait3A_95 : memref<32x80xi32, #tpu.memory_space<hbm>>) dst(%dma_wait3A_91 : memref<32x80xi32, #tpu.memory_space<vmem>>)
      tpu.yield
    }) : () -> ()
    "tpu.region"() ({
      %run_scoped3A_67 = tpu.sem_alloc : memref<!tpu.dma_semaphore, #tpu.memory_space<semaphore_mem>>
      %dma_start3A_68 = arith.constant 0 : i32
      %dma_start3A_69 = arith.constant 0 : i32
      %dma_start3A_70 = tpu.memref_slice %arg8[%dma_start3A_68, %dma_start3A_69] : memref<32x80xi32, #tpu.memory_space<vmem>> -> memref<32x80xi32, #tpu.memory_space<vmem>>
      %dma_start3A_71 = arith.constant 32 : i32
      %dma_start3A_72 = arith.constant 0 : i32
      %dma_start3A_73 = tpu.memref_slice %arg4[%add3A, %dma_start3A_71, %dma_start3A_72] : memref<32x125x80xi32, #tpu.memory_space<hbm>> -> memref<1x32x80xi32, #tpu.memory_space<hbm>>
      %dma_start3A_74 = tpu.memref_squeeze %dma_start3A_73 : memref<1x32x80xi32, #tpu.memory_space<hbm>> -> memref<32x80xi32, #tpu.memory_space<hbm>>
      %dma_start3A_75 = arith.constant 0 : i32
      %dma_start3A_76 = arith.constant 0 : i32
      %dma_start3A_77 = tpu.memref_slice %arg8[%dma_start3A_75, %dma_start3A_76] : memref<32x80xi32, #tpu.memory_space<vmem>> -> memref<32x80xi32, #tpu.memory_space<vmem>>
      %dma_start3A_78 = arith.constant 32 : i32
      %dma_start3A_79 = arith.constant 0 : i32
      %dma_start3A_80 = tpu.memref_slice %arg4[%add3A, %dma_start3A_78, %dma_start3A_79] : memref<32x125x80xi32, #tpu.memory_space<hbm>> -> memref<1x32x80xi32, #tpu.memory_space<hbm>>
      %dma_start3A_81 = tpu.memref_squeeze %dma_start3A_80 : memref<1x32x80xi32, #tpu.memory_space<hbm>> -> memref<32x80xi32, #tpu.memory_space<hbm>>
      tpu.enqueue_dma source(%dma_start3A_81 : memref<32x80xi32, #tpu.memory_space<hbm>>) target(%dma_start3A_77 : memref<32x80xi32, #tpu.memory_space<vmem>>) target_semaphore(%run_scoped3A_67 : memref<!tpu.dma_semaphore, #tpu.memory_space<semaphore_mem>>)
      %dma_wait3A_82 = arith.constant 0 : i32
      %dma_wait3A_83 = arith.constant 0 : i32
      %dma_wait3A_84 = tpu.memref_slice %arg8[%dma_wait3A_82, %dma_wait3A_83] : memref<32x80xi32, #tpu.memory_space<vmem>> -> memref<32x80xi32, #tpu.memory_space<vmem>>
      %dma_wait3A_85 = arith.constant 32 : i32
      %dma_wait3A_86 = arith.constant 0 : i32
      %dma_wait3A_87 = tpu.memref_slice %arg4[%add3A, %dma_wait3A_85, %dma_wait3A_86] : memref<32x125x80xi32, #tpu.memory_space<hbm>> -> memref<1x32x80xi32, #tpu.memory_space<hbm>>
      %dma_wait3A_88 = tpu.memref_squeeze %dma_wait3A_87 : memref<1x32x80xi32, #tpu.memory_space<hbm>> -> memref<32x80xi32, #tpu.memory_space<hbm>>
      %dma_wait3A_89 = arith.constant 0 : i32
      %dma_wait3A_90 = arith.constant 0 : i32
      %dma_wait3A_91 = tpu.memref_slice %arg8[%dma_wait3A_89, %dma_wait3A_90] : memref<32x80xi32, #tpu.memory_space<vmem>> -> memref<32x80xi32, #tpu.memory_space<vmem>>
      %dma_wait3A_92 = arith.constant 32 : i32
      %dma_wait3A_93 = arith.constant 0 : i32
      %dma_wait3A_94 = tpu.memref_slice %arg4[%add3A, %dma_wait3A_92, %dma_wait3A_93] : memref<32x125x80xi32, #tpu.memory_space<hbm>> -> memref<1x32x80xi32, #tpu.memory_space<hbm>>
      %dma_wait3A_95 = tpu.memref_squeeze %dma_wait3A_94 : memref<1x32x80xi32, #tpu.memory_space<hbm>> -> memref<32x80xi32, #tpu.memory_space<hbm>>
      tpu.wait_dma2 semaphore(%run_scoped3A_67 : memref<!tpu.dma_semaphore, #tpu.memory_space<semaphore_mem>>) src(%dma_wait3A_95 : memref<32x80xi32, #tpu.memory_space<hbm>>) dst(%dma_wait3A_91 : memref<32x80xi32, #tpu.memory_space<vmem>>)
      tpu.yield
    }) : () -> ()
    %dma_start3A_16 = arith.constant 0 : i32
    %dma_start3A_17 = arith.constant 0 : i32
    %dma_start3A_18 = tpu.memref_slice %arg7[%dma_start3A_16, %dma_start3A_17] : memref<32x80xi32, #tpu.memory_space<vmem>> -> memref<1x80xi32, #tpu.memory_space<vmem>>
    %dma_start3A_19 = tpu.memref_squeeze %dma_start3A_18 : memref<1x80xi32, #tpu.memory_space<vmem>> -> memref<80xi32, #tpu.memory_space<vmem>>
    %dma_start3A_20 = arith.constant 0 : i32
    %dma_start3A_21 = arith.constant 0 : i32
    %dma_start3A_22 = tpu.memref_slice %arg2[%dma_start3A_20, %dma_start3A_21] : memref<10000x128xf32, #tpu.memory_space<hbm>> -> memref<10000x128xf32, #tpu.memory_space<hbm>>
    tpu.enqueue_indirect_dma source(%dma_start3A_22 : memref<10000x128xf32, #tpu.memory_space<hbm>>) target(%arg9 : memref<80x128xf32, #tpu.memory_space<vmem>>) offsets(%dma_start3A_19 : memref<80xi32, #tpu.memory_space<vmem>>) semaphore(%arg11 : memref<!tpu.dma_semaphore, #tpu.memory_space<semaphore_mem>>)
    %scan3A_23 = arith.constant 0 : i32
    %scan3A_24 = arith.constant 0 : i32
    %scan3A_25 = arith.constant 16 : i32
    %scan3A_26 = arith.addi %scan3A_24, %scan3A_25 : i32
    %scan3A_27 = arith.constant 1 : i32
    scf.for %scan3A_67 = %scan3A_24 to %scan3A_26 step %scan3A_27  : i32 {
      %mul3A_68 = arith.constant 2 : i32
      %mul3A_69 = arith.muli %mul3A_68, %scan3A_67 : i32
      %add3A_70 = arith.constant 1 : i32
      %add3A_71 = arith.addi %mul3A_69, %add3A_70 : i32
      %dma_start3A_72 = arith.constant 0 : i32
      %dma_start3A_73 = tpu.memref_slice %arg7[%add3A_71, %dma_start3A_72] : memref<32x80xi32, #tpu.memory_space<vmem>> -> memref<1x80xi32, #tpu.memory_space<vmem>>
      %dma_start3A_74 = tpu.memref_squeeze %dma_start3A_73 : memref<1x80xi32, #tpu.memory_space<vmem>> -> memref<80xi32, #tpu.memory_space<vmem>>
      %dma_start3A_75 = arith.constant 0 : i32
      %dma_start3A_76 = arith.constant 0 : i32
      %dma_start3A_77 = tpu.memref_slice %arg2[%dma_start3A_75, %dma_start3A_76] : memref<10000x128xf32, #tpu.memory_space<hbm>> -> memref<10000x128xf32, #tpu.memory_space<hbm>>
      tpu.enqueue_indirect_dma source(%dma_start3A_77 : memref<10000x128xf32, #tpu.memory_space<hbm>>) target(%arg10 : memref<80x128xf32, #tpu.memory_space<vmem>>) offsets(%dma_start3A_74 : memref<80xi32, #tpu.memory_space<vmem>>) semaphore(%arg12 : memref<!tpu.dma_semaphore, #tpu.memory_space<semaphore_mem>>)
      %dma_wait3A_78 = arith.constant 0 : i32
      %dma_wait3A_79 = tpu.memref_slice %arg7[%mul3A_69, %dma_wait3A_78] : memref<32x80xi32, #tpu.memory_space<vmem>> -> memref<1x80xi32, #tpu.memory_space<vmem>>
      %dma_wait3A_80 = tpu.memref_squeeze %dma_wait3A_79 : memref<1x80xi32, #tpu.memory_space<vmem>> -> memref<80xi32, #tpu.memory_space<vmem>>
      %dma_wait3A_81 = arith.constant 0 : i32
      %dma_wait3A_82 = arith.constant 0 : i32
      %dma_wait3A_83 = tpu.memref_slice %arg2[%dma_wait3A_81, %dma_wait3A_82] : memref<10000x128xf32, #tpu.memory_space<hbm>> -> memref<10000x128xf32, #tpu.memory_space<hbm>>
      tpu.wait_indirect_dma semaphore(%arg11 : memref<!tpu.dma_semaphore, #tpu.memory_space<semaphore_mem>>) src(%dma_wait3A_83 : memref<10000x128xf32, #tpu.memory_space<hbm>>) dst(%arg9 : memref<80x128xf32, #tpu.memory_space<vmem>>)
      "tpu.region"() ({
        %run_scoped3A_100 = tpu.sem_alloc : memref<!tpu.dma_semaphore, #tpu.memory_space<semaphore_mem>>
        %dma_start3A_101 = arith.constant 0 : i32
        %dma_start3A_102 = tpu.memref_slice %arg8[%mul3A_69, %dma_start3A_101] : memref<32x80xi32, #tpu.memory_space<vmem>> -> memref<1x80xi32, #tpu.memory_space<vmem>>
        %dma_start3A_103 = tpu.memref_squeeze %dma_start3A_102 : memref<1x80xi32, #tpu.memory_space<vmem>> -> memref<80xi32, #tpu.memory_space<vmem>>
        %dma_start3A_104 = arith.constant 0 : i32
        %dma_start3A_105 = arith.constant 0 : i32
        %dma_start3A_106 = tpu.memref_slice %arg6[%dma_start3A_104, %dma_start3A_105] : memref<10000x128xf32, #tpu.memory_space<vmem_shared>> -> memref<10000x128xf32, #tpu.memory_space<vmem_shared>>
        tpu.enqueue_indirect_dma source(%arg9 : memref<80x128xf32, #tpu.memory_space<vmem>>) target(%dma_start3A_106 : memref<10000x128xf32, #tpu.memory_space<vmem_shared>>) offsets(%dma_start3A_103 : memref<80xi32, #tpu.memory_space<vmem>>) semaphore(%run_scoped3A_100 : memref<!tpu.dma_semaphore, #tpu.memory_space<semaphore_mem>>) {add = true}
        %dma_wait3A_107 = arith.constant 0 : i32
        %dma_wait3A_108 = tpu.memref_slice %arg8[%mul3A_69, %dma_wait3A_107] : memref<32x80xi32, #tpu.memory_space<vmem>> -> memref<1x80xi32, #tpu.memory_space<vmem>>
        %dma_wait3A_109 = tpu.memref_squeeze %dma_wait3A_108 : memref<1x80xi32, #tpu.memory_space<vmem>> -> memref<80xi32, #tpu.memory_space<vmem>>
        %dma_wait3A_110 = arith.constant 0 : i32
        %dma_wait3A_111 = arith.constant 0 : i32
        %dma_wait3A_112 = tpu.memref_slice %arg6[%dma_wait3A_110, %dma_wait3A_111] : memref<10000x128xf32, #tpu.memory_space<vmem_shared>> -> memref<10000x128xf32, #tpu.memory_space<vmem_shared>>
        tpu.wait_indirect_dma semaphore(%run_scoped3A_100 : memref<!tpu.dma_semaphore, #tpu.memory_space<semaphore_mem>>) src(%arg9 : memref<80x128xf32, #tpu.memory_space<vmem>>) dst(%dma_wait3A_112 : memref<10000x128xf32, #tpu.memory_space<vmem_shared>>)
        tpu.yield
      }) : () -> ()
      %add3A_84 = arith.constant 2 : i32
      %add3A_85 = arith.addi %mul3A_69, %add3A_84 : i32
      %lt3A = arith.constant 32 : i32
      %lt3A_86 = arith.cmpi slt, %add3A_85, %lt3A : i32
      %convert_element_type3A_87 = arith.extui %lt3A_86 : i1 to i32
      %cond3A_88 = arith.constant 0 : i32
      %cond3A_89 = arith.cmpi ne, %convert_element_type3A_87, %cond3A_88 : i32
      scf.if %cond3A_89 {
        %add3A_100 = arith.constant 2 : i32
        %add3A_101 = arith.addi %mul3A_69, %add3A_100 : i32
        %dma_start3A_102 = arith.constant 0 : i32
        %dma_start3A_103 = tpu.memref_slice %arg7[%add3A_101, %dma_start3A_102] : memref<32x80xi32, #tpu.memory_space<vmem>> -> memref<1x80xi32, #tpu.memory_space<vmem>>
        %dma_start3A_104 = tpu.memref_squeeze %dma_start3A_103 : memref<1x80xi32, #tpu.memory_space<vmem>> -> memref<80xi32, #tpu.memory_space<vmem>>
        %dma_start3A_105 = arith.constant 0 : i32
        %dma_start3A_106 = arith.constant 0 : i32
        %dma_start3A_107 = tpu.memref_slice %arg2[%dma_start3A_105, %dma_start3A_106] : memref<10000x128xf32, #tpu.memory_space<hbm>> -> memref<10000x128xf32, #tpu.memory_space<hbm>>
        tpu.enqueue_indirect_dma source(%dma_start3A_107 : memref<10000x128xf32, #tpu.memory_space<hbm>>) target(%arg9 : memref<80x128xf32, #tpu.memory_space<vmem>>) offsets(%dma_start3A_104 : memref<80xi32, #tpu.memory_space<vmem>>) semaphore(%arg11 : memref<!tpu.dma_semaphore, #tpu.memory_space<semaphore_mem>>)
      } else {
      }
      %add3A_90 = arith.constant 1 : i32
      %add3A_91 = arith.addi %mul3A_69, %add3A_90 : i32
      %dma_wait3A_92 = arith.constant 0 : i32
      %dma_wait3A_93 = tpu.memref_slice %arg7[%add3A_91, %dma_wait3A_92] : memref<32x80xi32, #tpu.memory_space<vmem>> -> memref<1x80xi32, #tpu.memory_space<vmem>>
      %dma_wait3A_94 = tpu.memref_squeeze %dma_wait3A_93 : memref<1x80xi32, #tpu.memory_space<vmem>> -> memref<80xi32, #tpu.memory_space<vmem>>
      %dma_wait3A_95 = arith.constant 0 : i32
      %dma_wait3A_96 = arith.constant 0 : i32
      %dma_wait3A_97 = tpu.memref_slice %arg2[%dma_wait3A_95, %dma_wait3A_96] : memref<10000x128xf32, #tpu.memory_space<hbm>> -> memref<10000x128xf32, #tpu.memory_space<hbm>>
      tpu.wait_indirect_dma semaphore(%arg12 : memref<!tpu.dma_semaphore, #tpu.memory_space<semaphore_mem>>) src(%dma_wait3A_97 : memref<10000x128xf32, #tpu.memory_space<hbm>>) dst(%arg10 : memref<80x128xf32, #tpu.memory_space<vmem>>)
      %add3A_98 = arith.constant 1 : i32
      %add3A_99 = arith.addi %mul3A_69, %add3A_98 : i32
      "tpu.region"() ({
        %run_scoped3A_100 = tpu.sem_alloc : memref<!tpu.dma_semaphore, #tpu.memory_space<semaphore_mem>>
        %dma_start3A_101 = arith.constant 0 : i32
        %dma_start3A_102 = tpu.memref_slice %arg8[%add3A_99, %dma_start3A_101] : memref<32x80xi32, #tpu.memory_space<vmem>> -> memref<1x80xi32, #tpu.memory_space<vmem>>
        %dma_start3A_103 = tpu.memref_squeeze %dma_start3A_102 : memref<1x80xi32, #tpu.memory_space<vmem>> -> memref<80xi32, #tpu.memory_space<vmem>>
        %dma_start3A_104 = arith.constant 0 : i32
        %dma_start3A_105 = arith.constant 0 : i32
        %dma_start3A_106 = tpu.memref_slice %arg6[%dma_start3A_104, %dma_start3A_105] : memref<10000x128xf32, #tpu.memory_space<vmem_shared>> -> memref<10000x128xf32, #tpu.memory_space<vmem_shared>>
        tpu.enqueue_indirect_dma source(%arg10 : memref<80x128xf32, #tpu.memory_space<vmem>>) target(%dma_start3A_106 : memref<10000x128xf32, #tpu.memory_space<vmem_shared>>) offsets(%dma_start3A_103 : memref<80xi32, #tpu.memory_space<vmem>>) semaphore(%run_scoped3A_100 : memref<!tpu.dma_semaphore, #tpu.memory_space<semaphore_mem>>) {add = true}
        %dma_wait3A_107 = arith.constant 0 : i32
        %dma_wait3A_108 = tpu.memref_slice %arg8[%add3A_99, %dma_wait3A_107] : memref<32x80xi32, #tpu.memory_space<vmem>> -> memref<1x80xi32, #tpu.memory_space<vmem>>
        %dma_wait3A_109 = tpu.memref_squeeze %dma_wait3A_108 : memref<1x80xi32, #tpu.memory_space<vmem>> -> memref<80xi32, #tpu.memory_space<vmem>>
        %dma_wait3A_110 = arith.constant 0 : i32
        %dma_wait3A_111 = arith.constant 0 : i32
        %dma_wait3A_112 = tpu.memref_slice %arg6[%dma_wait3A_110, %dma_wait3A_111] : memref<10000x128xf32, #tpu.memory_space<vmem_shared>> -> memref<10000x128xf32, #tpu.memory_space<vmem_shared>>
        tpu.wait_indirect_dma semaphore(%run_scoped3A_100 : memref<!tpu.dma_semaphore, #tpu.memory_space<semaphore_mem>>) src(%arg10 : memref<80x128xf32, #tpu.memory_space<vmem>>) dst(%dma_wait3A_112 : memref<10000x128xf32, #tpu.memory_space<vmem_shared>>)
        tpu.yield
      }) : () -> ()
    }
    %scan3A_28 = arith.constant 16 : i32
    "tpu.region"() ({
      %run_scoped3A_67 = tpu.sem_alloc : memref<!tpu.dma_semaphore, #tpu.memory_space<semaphore_mem>>
      %dma_start3A_68 = arith.constant 0 : i32
      %dma_start3A_69 = arith.constant 0 : i32
      %dma_start3A_70 = tpu.memref_slice %arg7[%dma_start3A_68, %dma_start3A_69] : memref<32x80xi32, #tpu.memory_space<vmem>> -> memref<32x80xi32, #tpu.memory_space<vmem>>
      %dma_start3A_71 = arith.constant 64 : i32
      %dma_start3A_72 = arith.constant 0 : i32
      %dma_start3A_73 = tpu.memref_slice %arg3[%add3A, %dma_start3A_71, %dma_start3A_72] : memref<32x125x80xi32, #tpu.memory_space<hbm>> -> memref<1x32x80xi32, #tpu.memory_space<hbm>>
      %dma_start3A_74 = tpu.memref_squeeze %dma_start3A_73 : memref<1x32x80xi32, #tpu.memory_space<hbm>> -> memref<32x80xi32, #tpu.memory_space<hbm>>
      %dma_start3A_75 = arith.constant 0 : i32
      %dma_start3A_76 = arith.constant 0 : i32
      %dma_start3A_77 = tpu.memref_slice %arg7[%dma_start3A_75, %dma_start3A_76] : memref<32x80xi32, #tpu.memory_space<vmem>> -> memref<32x80xi32, #tpu.memory_space<vmem>>
      %dma_start3A_78 = arith.constant 64 : i32
      %dma_start3A_79 = arith.constant 0 : i32
      %dma_start3A_80 = tpu.memref_slice %arg3[%add3A, %dma_start3A_78, %dma_start3A_79] : memref<32x125x80xi32, #tpu.memory_space<hbm>> -> memref<1x32x80xi32, #tpu.memory_space<hbm>>
      %dma_start3A_81 = tpu.memref_squeeze %dma_start3A_80 : memref<1x32x80xi32, #tpu.memory_space<hbm>> -> memref<32x80xi32, #tpu.memory_space<hbm>>
      tpu.enqueue_dma source(%dma_start3A_81 : memref<32x80xi32, #tpu.memory_space<hbm>>) target(%dma_start3A_77 : memref<32x80xi32, #tpu.memory_space<vmem>>) target_semaphore(%run_scoped3A_67 : memref<!tpu.dma_semaphore, #tpu.memory_space<semaphore_mem>>)
      %dma_wait3A_82 = arith.constant 0 : i32
      %dma_wait3A_83 = arith.constant 0 : i32
      %dma_wait3A_84 = tpu.memref_slice %arg7[%dma_wait3A_82, %dma_wait3A_83] : memref<32x80xi32, #tpu.memory_space<vmem>> -> memref<32x80xi32, #tpu.memory_space<vmem>>
      %dma_wait3A_85 = arith.constant 64 : i32
      %dma_wait3A_86 = arith.constant 0 : i32
      %dma_wait3A_87 = tpu.memref_slice %arg3[%add3A, %dma_wait3A_85, %dma_wait3A_86] : memref<32x125x80xi32, #tpu.memory_space<hbm>> -> memref<1x32x80xi32, #tpu.memory_space<hbm>>
      %dma_wait3A_88 = tpu.memref_squeeze %dma_wait3A_87 : memref<1x32x80xi32, #tpu.memory_space<hbm>> -> memref<32x80xi32, #tpu.memory_space<hbm>>
      %dma_wait3A_89 = arith.constant 0 : i32
      %dma_wait3A_90 = arith.constant 0 : i32
      %dma_wait3A_91 = tpu.memref_slice %arg7[%dma_wait3A_89, %dma_wait3A_90] : memref<32x80xi32, #tpu.memory_space<vmem>> -> memref<32x80xi32, #tpu.memory_space<vmem>>
      %dma_wait3A_92 = arith.constant 64 : i32
      %dma_wait3A_93 = arith.constant 0 : i32
      %dma_wait3A_94 = tpu.memref_slice %arg3[%add3A, %dma_wait3A_92, %dma_wait3A_93] : memref<32x125x80xi32, #tpu.memory_space<hbm>> -> memref<1x32x80xi32, #tpu.memory_space<hbm>>
      %dma_wait3A_95 = tpu.memref_squeeze %dma_wait3A_94 : memref<1x32x80xi32, #tpu.memory_space<hbm>> -> memref<32x80xi32, #tpu.memory_space<hbm>>
      tpu.wait_dma2 semaphore(%run_scoped3A_67 : memref<!tpu.dma_semaphore, #tpu.memory_space<semaphore_mem>>) src(%dma_wait3A_95 : memref<32x80xi32, #tpu.memory_space<hbm>>) dst(%dma_wait3A_91 : memref<32x80xi32, #tpu.memory_space<vmem>>)
      tpu.yield
    }) : () -> ()
    "tpu.region"() ({
      %run_scoped3A_67 = tpu.sem_alloc : memref<!tpu.dma_semaphore, #tpu.memory_space<semaphore_mem>>
      %dma_start3A_68 = arith.constant 0 : i32
      %dma_start3A_69 = arith.constant 0 : i32
      %dma_start3A_70 = tpu.memref_slice %arg8[%dma_start3A_68, %dma_start3A_69] : memref<32x80xi32, #tpu.memory_space<vmem>> -> memref<32x80xi32, #tpu.memory_space<vmem>>
      %dma_start3A_71 = arith.constant 64 : i32
      %dma_start3A_72 = arith.constant 0 : i32
      %dma_start3A_73 = tpu.memref_slice %arg4[%add3A, %dma_start3A_71, %dma_start3A_72] : memref<32x125x80xi32, #tpu.memory_space<hbm>> -> memref<1x32x80xi32, #tpu.memory_space<hbm>>
      %dma_start3A_74 = tpu.memref_squeeze %dma_start3A_73 : memref<1x32x80xi32, #tpu.memory_space<hbm>> -> memref<32x80xi32, #tpu.memory_space<hbm>>
      %dma_start3A_75 = arith.constant 0 : i32
      %dma_start3A_76 = arith.constant 0 : i32
      %dma_start3A_77 = tpu.memref_slice %arg8[%dma_start3A_75, %dma_start3A_76] : memref<32x80xi32, #tpu.memory_space<vmem>> -> memref<32x80xi32, #tpu.memory_space<vmem>>
      %dma_start3A_78 = arith.constant 64 : i32
      %dma_start3A_79 = arith.constant 0 : i32
      %dma_start3A_80 = tpu.memref_slice %arg4[%add3A, %dma_start3A_78, %dma_start3A_79] : memref<32x125x80xi32, #tpu.memory_space<hbm>> -> memref<1x32x80xi32, #tpu.memory_space<hbm>>
      %dma_start3A_81 = tpu.memref_squeeze %dma_start3A_80 : memref<1x32x80xi32, #tpu.memory_space<hbm>> -> memref<32x80xi32, #tpu.memory_space<hbm>>
      tpu.enqueue_dma source(%dma_start3A_81 : memref<32x80xi32, #tpu.memory_space<hbm>>) target(%dma_start3A_77 : memref<32x80xi32, #tpu.memory_space<vmem>>) target_semaphore(%run_scoped3A_67 : memref<!tpu.dma_semaphore, #tpu.memory_space<semaphore_mem>>)
      %dma_wait3A_82 = arith.constant 0 : i32
      %dma_wait3A_83 = arith.constant 0 : i32
      %dma_wait3A_84 = tpu.memref_slice %arg8[%dma_wait3A_82, %dma_wait3A_83] : memref<32x80xi32, #tpu.memory_space<vmem>> -> memref<32x80xi32, #tpu.memory_space<vmem>>
      %dma_wait3A_85 = arith.constant 64 : i32
      %dma_wait3A_86 = arith.constant 0 : i32
      %dma_wait3A_87 = tpu.memref_slice %arg4[%add3A, %dma_wait3A_85, %dma_wait3A_86] : memref<32x125x80xi32, #tpu.memory_space<hbm>> -> memref<1x32x80xi32, #tpu.memory_space<hbm>>
      %dma_wait3A_88 = tpu.memref_squeeze %dma_wait3A_87 : memref<1x32x80xi32, #tpu.memory_space<hbm>> -> memref<32x80xi32, #tpu.memory_space<hbm>>
      %dma_wait3A_89 = arith.constant 0 : i32
      %dma_wait3A_90 = arith.constant 0 : i32
      %dma_wait3A_91 = tpu.memref_slice %arg8[%dma_wait3A_89, %dma_wait3A_90] : memref<32x80xi32, #tpu.memory_space<vmem>> -> memref<32x80xi32, #tpu.memory_space<vmem>>
      %dma_wait3A_92 = arith.constant 64 : i32
      %dma_wait3A_93 = arith.constant 0 : i32
      %dma_wait3A_94 = tpu.memref_slice %arg4[%add3A, %dma_wait3A_92, %dma_wait3A_93] : memref<32x125x80xi32, #tpu.memory_space<hbm>> -> memref<1x32x80xi32, #tpu.memory_space<hbm>>
      %dma_wait3A_95 = tpu.memref_squeeze %dma_wait3A_94 : memref<1x32x80xi32, #tpu.memory_space<hbm>> -> memref<32x80xi32, #tpu.memory_space<hbm>>
      tpu.wait_dma2 semaphore(%run_scoped3A_67 : memref<!tpu.dma_semaphore, #tpu.memory_space<semaphore_mem>>) src(%dma_wait3A_95 : memref<32x80xi32, #tpu.memory_space<hbm>>) dst(%dma_wait3A_91 : memref<32x80xi32, #tpu.memory_space<vmem>>)
      tpu.yield
    }) : () -> ()
    %dma_start3A_29 = arith.constant 0 : i32
    %dma_start3A_30 = arith.constant 0 : i32
    %dma_start3A_31 = tpu.memref_slice %arg7[%dma_start3A_29, %dma_start3A_30] : memref<32x80xi32, #tpu.memory_space<vmem>> -> memref<1x80xi32, #tpu.memory_space<vmem>>
    %dma_start3A_32 = tpu.memref_squeeze %dma_start3A_31 : memref<1x80xi32, #tpu.memory_space<vmem>> -> memref<80xi32, #tpu.memory_space<vmem>>
    %dma_start3A_33 = arith.constant 0 : i32
    %dma_start3A_34 = arith.constant 0 : i32
    %dma_start3A_35 = tpu.memref_slice %arg2[%dma_start3A_33, %dma_start3A_34] : memref<10000x128xf32, #tpu.memory_space<hbm>> -> memref<10000x128xf32, #tpu.memory_space<hbm>>
    tpu.enqueue_indirect_dma source(%dma_start3A_35 : memref<10000x128xf32, #tpu.memory_space<hbm>>) target(%arg9 : memref<80x128xf32, #tpu.memory_space<vmem>>) offsets(%dma_start3A_32 : memref<80xi32, #tpu.memory_space<vmem>>) semaphore(%arg11 : memref<!tpu.dma_semaphore, #tpu.memory_space<semaphore_mem>>)
    %scan3A_36 = arith.constant 0 : i32
    %scan3A_37 = arith.constant 0 : i32
    %scan3A_38 = arith.constant 16 : i32
    %scan3A_39 = arith.addi %scan3A_37, %scan3A_38 : i32
    %scan3A_40 = arith.constant 1 : i32
    scf.for %scan3A_67 = %scan3A_37 to %scan3A_39 step %scan3A_40  : i32 {
      %mul3A_68 = arith.constant 2 : i32
      %mul3A_69 = arith.muli %mul3A_68, %scan3A_67 : i32
      %add3A_70 = arith.constant 1 : i32
      %add3A_71 = arith.addi %mul3A_69, %add3A_70 : i32
      %dma_start3A_72 = arith.constant 0 : i32
      %dma_start3A_73 = tpu.memref_slice %arg7[%add3A_71, %dma_start3A_72] : memref<32x80xi32, #tpu.memory_space<vmem>> -> memref<1x80xi32, #tpu.memory_space<vmem>>
      %dma_start3A_74 = tpu.memref_squeeze %dma_start3A_73 : memref<1x80xi32, #tpu.memory_space<vmem>> -> memref<80xi32, #tpu.memory_space<vmem>>
      %dma_start3A_75 = arith.constant 0 : i32
      %dma_start3A_76 = arith.constant 0 : i32
      %dma_start3A_77 = tpu.memref_slice %arg2[%dma_start3A_75, %dma_start3A_76] : memref<10000x128xf32, #tpu.memory_space<hbm>> -> memref<10000x128xf32, #tpu.memory_space<hbm>>
      tpu.enqueue_indirect_dma source(%dma_start3A_77 : memref<10000x128xf32, #tpu.memory_space<hbm>>) target(%arg10 : memref<80x128xf32, #tpu.memory_space<vmem>>) offsets(%dma_start3A_74 : memref<80xi32, #tpu.memory_space<vmem>>) semaphore(%arg12 : memref<!tpu.dma_semaphore, #tpu.memory_space<semaphore_mem>>)
      %dma_wait3A_78 = arith.constant 0 : i32
      %dma_wait3A_79 = tpu.memref_slice %arg7[%mul3A_69, %dma_wait3A_78] : memref<32x80xi32, #tpu.memory_space<vmem>> -> memref<1x80xi32, #tpu.memory_space<vmem>>
      %dma_wait3A_80 = tpu.memref_squeeze %dma_wait3A_79 : memref<1x80xi32, #tpu.memory_space<vmem>> -> memref<80xi32, #tpu.memory_space<vmem>>
      %dma_wait3A_81 = arith.constant 0 : i32
      %dma_wait3A_82 = arith.constant 0 : i32
      %dma_wait3A_83 = tpu.memref_slice %arg2[%dma_wait3A_81, %dma_wait3A_82] : memref<10000x128xf32, #tpu.memory_space<hbm>> -> memref<10000x128xf32, #tpu.memory_space<hbm>>
      tpu.wait_indirect_dma semaphore(%arg11 : memref<!tpu.dma_semaphore, #tpu.memory_space<semaphore_mem>>) src(%dma_wait3A_83 : memref<10000x128xf32, #tpu.memory_space<hbm>>) dst(%arg9 : memref<80x128xf32, #tpu.memory_space<vmem>>)
      "tpu.region"() ({
        %run_scoped3A_100 = tpu.sem_alloc : memref<!tpu.dma_semaphore, #tpu.memory_space<semaphore_mem>>
        %dma_start3A_101 = arith.constant 0 : i32
        %dma_start3A_102 = tpu.memref_slice %arg8[%mul3A_69, %dma_start3A_101] : memref<32x80xi32, #tpu.memory_space<vmem>> -> memref<1x80xi32, #tpu.memory_space<vmem>>
        %dma_start3A_103 = tpu.memref_squeeze %dma_start3A_102 : memref<1x80xi32, #tpu.memory_space<vmem>> -> memref<80xi32, #tpu.memory_space<vmem>>
        %dma_start3A_104 = arith.constant 0 : i32
        %dma_start3A_105 = arith.constant 0 : i32
        %dma_start3A_106 = tpu.memref_slice %arg6[%dma_start3A_104, %dma_start3A_105] : memref<10000x128xf32, #tpu.memory_space<vmem_shared>> -> memref<10000x128xf32, #tpu.memory_space<vmem_shared>>
        tpu.enqueue_indirect_dma source(%arg9 : memref<80x128xf32, #tpu.memory_space<vmem>>) target(%dma_start3A_106 : memref<10000x128xf32, #tpu.memory_space<vmem_shared>>) offsets(%dma_start3A_103 : memref<80xi32, #tpu.memory_space<vmem>>) semaphore(%run_scoped3A_100 : memref<!tpu.dma_semaphore, #tpu.memory_space<semaphore_mem>>) {add = true}
        %dma_wait3A_107 = arith.constant 0 : i32
        %dma_wait3A_108 = tpu.memref_slice %arg8[%mul3A_69, %dma_wait3A_107] : memref<32x80xi32, #tpu.memory_space<vmem>> -> memref<1x80xi32, #tpu.memory_space<vmem>>
        %dma_wait3A_109 = tpu.memref_squeeze %dma_wait3A_108 : memref<1x80xi32, #tpu.memory_space<vmem>> -> memref<80xi32, #tpu.memory_space<vmem>>
        %dma_wait3A_110 = arith.constant 0 : i32
        %dma_wait3A_111 = arith.constant 0 : i32
        %dma_wait3A_112 = tpu.memref_slice %arg6[%dma_wait3A_110, %dma_wait3A_111] : memref<10000x128xf32, #tpu.memory_space<vmem_shared>> -> memref<10000x128xf32, #tpu.memory_space<vmem_shared>>
        tpu.wait_indirect_dma semaphore(%run_scoped3A_100 : memref<!tpu.dma_semaphore, #tpu.memory_space<semaphore_mem>>) src(%arg9 : memref<80x128xf32, #tpu.memory_space<vmem>>) dst(%dma_wait3A_112 : memref<10000x128xf32, #tpu.memory_space<vmem_shared>>)
        tpu.yield
      }) : () -> ()
      %add3A_84 = arith.constant 2 : i32
      %add3A_85 = arith.addi %mul3A_69, %add3A_84 : i32
      %lt3A = arith.constant 32 : i32
      %lt3A_86 = arith.cmpi slt, %add3A_85, %lt3A : i32
      %convert_element_type3A_87 = arith.extui %lt3A_86 : i1 to i32
      %cond3A_88 = arith.constant 0 : i32
      %cond3A_89 = arith.cmpi ne, %convert_element_type3A_87, %cond3A_88 : i32
      scf.if %cond3A_89 {
        %add3A_100 = arith.constant 2 : i32
        %add3A_101 = arith.addi %mul3A_69, %add3A_100 : i32
        %dma_start3A_102 = arith.constant 0 : i32
        %dma_start3A_103 = tpu.memref_slice %arg7[%add3A_101, %dma_start3A_102] : memref<32x80xi32, #tpu.memory_space<vmem>> -> memref<1x80xi32, #tpu.memory_space<vmem>>
        %dma_start3A_104 = tpu.memref_squeeze %dma_start3A_103 : memref<1x80xi32, #tpu.memory_space<vmem>> -> memref<80xi32, #tpu.memory_space<vmem>>
        %dma_start3A_105 = arith.constant 0 : i32
        %dma_start3A_106 = arith.constant 0 : i32
        %dma_start3A_107 = tpu.memref_slice %arg2[%dma_start3A_105, %dma_start3A_106] : memref<10000x128xf32, #tpu.memory_space<hbm>> -> memref<10000x128xf32, #tpu.memory_space<hbm>>
        tpu.enqueue_indirect_dma source(%dma_start3A_107 : memref<10000x128xf32, #tpu.memory_space<hbm>>) target(%arg9 : memref<80x128xf32, #tpu.memory_space<vmem>>) offsets(%dma_start3A_104 : memref<80xi32, #tpu.memory_space<vmem>>) semaphore(%arg11 : memref<!tpu.dma_semaphore, #tpu.memory_space<semaphore_mem>>)
      } else {
      }
      %add3A_90 = arith.constant 1 : i32
      %add3A_91 = arith.addi %mul3A_69, %add3A_90 : i32
      %dma_wait3A_92 = arith.constant 0 : i32
      %dma_wait3A_93 = tpu.memref_slice %arg7[%add3A_91, %dma_wait3A_92] : memref<32x80xi32, #tpu.memory_space<vmem>> -> memref<1x80xi32, #tpu.memory_space<vmem>>
      %dma_wait3A_94 = tpu.memref_squeeze %dma_wait3A_93 : memref<1x80xi32, #tpu.memory_space<vmem>> -> memref<80xi32, #tpu.memory_space<vmem>>
      %dma_wait3A_95 = arith.constant 0 : i32
      %dma_wait3A_96 = arith.constant 0 : i32
      %dma_wait3A_97 = tpu.memref_slice %arg2[%dma_wait3A_95, %dma_wait3A_96] : memref<10000x128xf32, #tpu.memory_space<hbm>> -> memref<10000x128xf32, #tpu.memory_space<hbm>>
      tpu.wait_indirect_dma semaphore(%arg12 : memref<!tpu.dma_semaphore, #tpu.memory_space<semaphore_mem>>) src(%dma_wait3A_97 : memref<10000x128xf32, #tpu.memory_space<hbm>>) dst(%arg10 : memref<80x128xf32, #tpu.memory_space<vmem>>)
      %add3A_98 = arith.constant 1 : i32
      %add3A_99 = arith.addi %mul3A_69, %add3A_98 : i32
      "tpu.region"() ({
        %run_scoped3A_100 = tpu.sem_alloc : memref<!tpu.dma_semaphore, #tpu.memory_space<semaphore_mem>>
        %dma_start3A_101 = arith.constant 0 : i32
        %dma_start3A_102 = tpu.memref_slice %arg8[%add3A_99, %dma_start3A_101] : memref<32x80xi32, #tpu.memory_space<vmem>> -> memref<1x80xi32, #tpu.memory_space<vmem>>
        %dma_start3A_103 = tpu.memref_squeeze %dma_start3A_102 : memref<1x80xi32, #tpu.memory_space<vmem>> -> memref<80xi32, #tpu.memory_space<vmem>>
        %dma_start3A_104 = arith.constant 0 : i32
        %dma_start3A_105 = arith.constant 0 : i32
        %dma_start3A_106 = tpu.memref_slice %arg6[%dma_start3A_104, %dma_start3A_105] : memref<10000x128xf32, #tpu.memory_space<vmem_shared>> -> memref<10000x128xf32, #tpu.memory_space<vmem_shared>>
        tpu.enqueue_indirect_dma source(%arg10 : memref<80x128xf32, #tpu.memory_space<vmem>>) target(%dma_start3A_106 : memref<10000x128xf32, #tpu.memory_space<vmem_shared>>) offsets(%dma_start3A_103 : memref<80xi32, #tpu.memory_space<vmem>>) semaphore(%run_scoped3A_100 : memref<!tpu.dma_semaphore, #tpu.memory_space<semaphore_mem>>) {add = true}
        %dma_wait3A_107 = arith.constant 0 : i32
        %dma_wait3A_108 = tpu.memref_slice %arg8[%add3A_99, %dma_wait3A_107] : memref<32x80xi32, #tpu.memory_space<vmem>> -> memref<1x80xi32, #tpu.memory_space<vmem>>
        %dma_wait3A_109 = tpu.memref_squeeze %dma_wait3A_108 : memref<1x80xi32, #tpu.memory_space<vmem>> -> memref<80xi32, #tpu.memory_space<vmem>>
        %dma_wait3A_110 = arith.constant 0 : i32
        %dma_wait3A_111 = arith.constant 0 : i32
        %dma_wait3A_112 = tpu.memref_slice %arg6[%dma_wait3A_110, %dma_wait3A_111] : memref<10000x128xf32, #tpu.memory_space<vmem_shared>> -> memref<10000x128xf32, #tpu.memory_space<vmem_shared>>
        tpu.wait_indirect_dma semaphore(%run_scoped3A_100 : memref<!tpu.dma_semaphore, #tpu.memory_space<semaphore_mem>>) src(%arg10 : memref<80x128xf32, #tpu.memory_space<vmem>>) dst(%dma_wait3A_112 : memref<10000x128xf32, #tpu.memory_space<vmem_shared>>)
        tpu.yield
      }) : () -> ()
    }
    %scan3A_41 = arith.constant 16 : i32
    "tpu.region"() ({
      %run_scoped3A_67 = tpu.sem_alloc : memref<!tpu.dma_semaphore, #tpu.memory_space<semaphore_mem>>
      %dma_start3A_68 = arith.constant 0 : i32
      %dma_start3A_69 = arith.constant 0 : i32
      %dma_start3A_70 = tpu.memref_slice %arg7[%dma_start3A_68, %dma_start3A_69] : memref<32x80xi32, #tpu.memory_space<vmem>> -> memref<29x80xi32, #tpu.memory_space<vmem>>
      %dma_start3A_71 = arith.constant 96 : i32
      %dma_start3A_72 = arith.constant 0 : i32
      %dma_start3A_73 = tpu.memref_slice %arg3[%add3A, %dma_start3A_71, %dma_start3A_72] : memref<32x125x80xi32, #tpu.memory_space<hbm>> -> memref<1x29x80xi32, #tpu.memory_space<hbm>>
      %dma_start3A_74 = tpu.memref_squeeze %dma_start3A_73 : memref<1x29x80xi32, #tpu.memory_space<hbm>> -> memref<29x80xi32, #tpu.memory_space<hbm>>
      %dma_start3A_75 = arith.constant 0 : i32
      %dma_start3A_76 = arith.constant 0 : i32
      %dma_start3A_77 = tpu.memref_slice %arg7[%dma_start3A_75, %dma_start3A_76] : memref<32x80xi32, #tpu.memory_space<vmem>> -> memref<29x80xi32, #tpu.memory_space<vmem>>
      %dma_start3A_78 = arith.constant 96 : i32
      %dma_start3A_79 = arith.constant 0 : i32
      %dma_start3A_80 = tpu.memref_slice %arg3[%add3A, %dma_start3A_78, %dma_start3A_79] : memref<32x125x80xi32, #tpu.memory_space<hbm>> -> memref<1x29x80xi32, #tpu.memory_space<hbm>>
      %dma_start3A_81 = tpu.memref_squeeze %dma_start3A_80 : memref<1x29x80xi32, #tpu.memory_space<hbm>> -> memref<29x80xi32, #tpu.memory_space<hbm>>
      tpu.enqueue_dma source(%dma_start3A_81 : memref<29x80xi32, #tpu.memory_space<hbm>>) target(%dma_start3A_77 : memref<29x80xi32, #tpu.memory_space<vmem>>) target_semaphore(%run_scoped3A_67 : memref<!tpu.dma_semaphore, #tpu.memory_space<semaphore_mem>>)
      %dma_wait3A_82 = arith.constant 0 : i32
      %dma_wait3A_83 = arith.constant 0 : i32
      %dma_wait3A_84 = tpu.memref_slice %arg7[%dma_wait3A_82, %dma_wait3A_83] : memref<32x80xi32, #tpu.memory_space<vmem>> -> memref<29x80xi32, #tpu.memory_space<vmem>>
      %dma_wait3A_85 = arith.constant 96 : i32
      %dma_wait3A_86 = arith.constant 0 : i32
      %dma_wait3A_87 = tpu.memref_slice %arg3[%add3A, %dma_wait3A_85, %dma_wait3A_86] : memref<32x125x80xi32, #tpu.memory_space<hbm>> -> memref<1x29x80xi32, #tpu.memory_space<hbm>>
      %dma_wait3A_88 = tpu.memref_squeeze %dma_wait3A_87 : memref<1x29x80xi32, #tpu.memory_space<hbm>> -> memref<29x80xi32, #tpu.memory_space<hbm>>
      %dma_wait3A_89 = arith.constant 0 : i32
      %dma_wait3A_90 = arith.constant 0 : i32
      %dma_wait3A_91 = tpu.memref_slice %arg7[%dma_wait3A_89, %dma_wait3A_90] : memref<32x80xi32, #tpu.memory_space<vmem>> -> memref<29x80xi32, #tpu.memory_space<vmem>>
      %dma_wait3A_92 = arith.constant 96 : i32
      %dma_wait3A_93 = arith.constant 0 : i32
      %dma_wait3A_94 = tpu.memref_slice %arg3[%add3A, %dma_wait3A_92, %dma_wait3A_93] : memref<32x125x80xi32, #tpu.memory_space<hbm>> -> memref<1x29x80xi32, #tpu.memory_space<hbm>>
      %dma_wait3A_95 = tpu.memref_squeeze %dma_wait3A_94 : memref<1x29x80xi32, #tpu.memory_space<hbm>> -> memref<29x80xi32, #tpu.memory_space<hbm>>
      tpu.wait_dma2 semaphore(%run_scoped3A_67 : memref<!tpu.dma_semaphore, #tpu.memory_space<semaphore_mem>>) src(%dma_wait3A_95 : memref<29x80xi32, #tpu.memory_space<hbm>>) dst(%dma_wait3A_91 : memref<29x80xi32, #tpu.memory_space<vmem>>)
      tpu.yield
    }) : () -> ()
    "tpu.region"() ({
      %run_scoped3A_67 = tpu.sem_alloc : memref<!tpu.dma_semaphore, #tpu.memory_space<semaphore_mem>>
      %dma_start3A_68 = arith.constant 0 : i32
      %dma_start3A_69 = arith.constant 0 : i32
      %dma_start3A_70 = tpu.memref_slice %arg8[%dma_start3A_68, %dma_start3A_69] : memref<32x80xi32, #tpu.memory_space<vmem>> -> memref<29x80xi32, #tpu.memory_space<vmem>>
      %dma_start3A_71 = arith.constant 96 : i32
      %dma_start3A_72 = arith.constant 0 : i32
      %dma_start3A_73 = tpu.memref_slice %arg4[%add3A, %dma_start3A_71, %dma_start3A_72] : memref<32x125x80xi32, #tpu.memory_space<hbm>> -> memref<1x29x80xi32, #tpu.memory_space<hbm>>
      %dma_start3A_74 = tpu.memref_squeeze %dma_start3A_73 : memref<1x29x80xi32, #tpu.memory_space<hbm>> -> memref<29x80xi32, #tpu.memory_space<hbm>>
      %dma_start3A_75 = arith.constant 0 : i32
      %dma_start3A_76 = arith.constant 0 : i32
      %dma_start3A_77 = tpu.memref_slice %arg8[%dma_start3A_75, %dma_start3A_76] : memref<32x80xi32, #tpu.memory_space<vmem>> -> memref<29x80xi32, #tpu.memory_space<vmem>>
      %dma_start3A_78 = arith.constant 96 : i32
      %dma_start3A_79 = arith.constant 0 : i32
      %dma_start3A_80 = tpu.memref_slice %arg4[%add3A, %dma_start3A_78, %dma_start3A_79] : memref<32x125x80xi32, #tpu.memory_space<hbm>> -> memref<1x29x80xi32, #tpu.memory_space<hbm>>
      %dma_start3A_81 = tpu.memref_squeeze %dma_start3A_80 : memref<1x29x80xi32, #tpu.memory_space<hbm>> -> memref<29x80xi32, #tpu.memory_space<hbm>>
      tpu.enqueue_dma source(%dma_start3A_81 : memref<29x80xi32, #tpu.memory_space<hbm>>) target(%dma_start3A_77 : memref<29x80xi32, #tpu.memory_space<vmem>>) target_semaphore(%run_scoped3A_67 : memref<!tpu.dma_semaphore, #tpu.memory_space<semaphore_mem>>)
      %dma_wait3A_82 = arith.constant 0 : i32
      %dma_wait3A_83 = arith.constant 0 : i32
      %dma_wait3A_84 = tpu.memref_slice %arg8[%dma_wait3A_82, %dma_wait3A_83] : memref<32x80xi32, #tpu.memory_space<vmem>> -> memref<29x80xi32, #tpu.memory_space<vmem>>
      %dma_wait3A_85 = arith.constant 96 : i32
      %dma_wait3A_86 = arith.constant 0 : i32
      %dma_wait3A_87 = tpu.memref_slice %arg4[%add3A, %dma_wait3A_85, %dma_wait3A_86] : memref<32x125x80xi32, #tpu.memory_space<hbm>> -> memref<1x29x80xi32, #tpu.memory_space<hbm>>
      %dma_wait3A_88 = tpu.memref_squeeze %dma_wait3A_87 : memref<1x29x80xi32, #tpu.memory_space<hbm>> -> memref<29x80xi32, #tpu.memory_space<hbm>>
      %dma_wait3A_89 = arith.constant 0 : i32
      %dma_wait3A_90 = arith.constant 0 : i32
      %dma_wait3A_91 = tpu.memref_slice %arg8[%dma_wait3A_89, %dma_wait3A_90] : memref<32x80xi32, #tpu.memory_space<vmem>> -> memref<29x80xi32, #tpu.memory_space<vmem>>
      %dma_wait3A_92 = arith.constant 96 : i32
      %dma_wait3A_93 = arith.constant 0 : i32
      %dma_wait3A_94 = tpu.memref_slice %arg4[%add3A, %dma_wait3A_92, %dma_wait3A_93] : memref<32x125x80xi32, #tpu.memory_space<hbm>> -> memref<1x29x80xi32, #tpu.memory_space<hbm>>
      %dma_wait3A_95 = tpu.memref_squeeze %dma_wait3A_94 : memref<1x29x80xi32, #tpu.memory_space<hbm>> -> memref<29x80xi32, #tpu.memory_space<hbm>>
      tpu.wait_dma2 semaphore(%run_scoped3A_67 : memref<!tpu.dma_semaphore, #tpu.memory_space<semaphore_mem>>) src(%dma_wait3A_95 : memref<29x80xi32, #tpu.memory_space<hbm>>) dst(%dma_wait3A_91 : memref<29x80xi32, #tpu.memory_space<vmem>>)
      tpu.yield
    }) : () -> ()
    %dma_start3A_42 = arith.constant 0 : i32
    %dma_start3A_43 = arith.constant 0 : i32
    %dma_start3A_44 = tpu.memref_slice %arg7[%dma_start3A_42, %dma_start3A_43] : memref<32x80xi32, #tpu.memory_space<vmem>> -> memref<1x80xi32, #tpu.memory_space<vmem>>
    %dma_start3A_45 = tpu.memref_squeeze %dma_start3A_44 : memref<1x80xi32, #tpu.memory_space<vmem>> -> memref<80xi32, #tpu.memory_space<vmem>>
    %dma_start3A_46 = arith.constant 0 : i32
    %dma_start3A_47 = arith.constant 0 : i32
    %dma_start3A_48 = tpu.memref_slice %arg2[%dma_start3A_46, %dma_start3A_47] : memref<10000x128xf32, #tpu.memory_space<hbm>> -> memref<10000x128xf32, #tpu.memory_space<hbm>>
    tpu.enqueue_indirect_dma source(%dma_start3A_48 : memref<10000x128xf32, #tpu.memory_space<hbm>>) target(%arg9 : memref<80x128xf32, #tpu.memory_space<vmem>>) offsets(%dma_start3A_45 : memref<80xi32, #tpu.memory_space<vmem>>) semaphore(%arg11 : memref<!tpu.dma_semaphore, #tpu.memory_space<semaphore_mem>>)
    %scan3A_49 = arith.constant 0 : i32
    %scan3A_50 = arith.constant 0 : i32
    %scan3A_51 = arith.constant 14 : i32
    %scan3A_52 = arith.addi %scan3A_50, %scan3A_51 : i32
    %scan3A_53 = arith.constant 1 : i32
    scf.for %scan3A_67 = %scan3A_50 to %scan3A_52 step %scan3A_53  : i32 {
      %mul3A_68 = arith.constant 2 : i32
      %mul3A_69 = arith.muli %mul3A_68, %scan3A_67 : i32
      %add3A_70 = arith.constant 1 : i32
      %add3A_71 = arith.addi %mul3A_69, %add3A_70 : i32
      %dma_start3A_72 = arith.constant 0 : i32
      %dma_start3A_73 = tpu.memref_slice %arg7[%add3A_71, %dma_start3A_72] : memref<32x80xi32, #tpu.memory_space<vmem>> -> memref<1x80xi32, #tpu.memory_space<vmem>>
      %dma_start3A_74 = tpu.memref_squeeze %dma_start3A_73 : memref<1x80xi32, #tpu.memory_space<vmem>> -> memref<80xi32, #tpu.memory_space<vmem>>
      %dma_start3A_75 = arith.constant 0 : i32
      %dma_start3A_76 = arith.constant 0 : i32
      %dma_start3A_77 = tpu.memref_slice %arg2[%dma_start3A_75, %dma_start3A_76] : memref<10000x128xf32, #tpu.memory_space<hbm>> -> memref<10000x128xf32, #tpu.memory_space<hbm>>
      tpu.enqueue_indirect_dma source(%dma_start3A_77 : memref<10000x128xf32, #tpu.memory_space<hbm>>) target(%arg10 : memref<80x128xf32, #tpu.memory_space<vmem>>) offsets(%dma_start3A_74 : memref<80xi32, #tpu.memory_space<vmem>>) semaphore(%arg12 : memref<!tpu.dma_semaphore, #tpu.memory_space<semaphore_mem>>)
      %dma_wait3A_78 = arith.constant 0 : i32
      %dma_wait3A_79 = tpu.memref_slice %arg7[%mul3A_69, %dma_wait3A_78] : memref<32x80xi32, #tpu.memory_space<vmem>> -> memref<1x80xi32, #tpu.memory_space<vmem>>
      %dma_wait3A_80 = tpu.memref_squeeze %dma_wait3A_79 : memref<1x80xi32, #tpu.memory_space<vmem>> -> memref<80xi32, #tpu.memory_space<vmem>>
      %dma_wait3A_81 = arith.constant 0 : i32
      %dma_wait3A_82 = arith.constant 0 : i32
      %dma_wait3A_83 = tpu.memref_slice %arg2[%dma_wait3A_81, %dma_wait3A_82] : memref<10000x128xf32, #tpu.memory_space<hbm>> -> memref<10000x128xf32, #tpu.memory_space<hbm>>
      tpu.wait_indirect_dma semaphore(%arg11 : memref<!tpu.dma_semaphore, #tpu.memory_space<semaphore_mem>>) src(%dma_wait3A_83 : memref<10000x128xf32, #tpu.memory_space<hbm>>) dst(%arg9 : memref<80x128xf32, #tpu.memory_space<vmem>>)
      "tpu.region"() ({
        %run_scoped3A_100 = tpu.sem_alloc : memref<!tpu.dma_semaphore, #tpu.memory_space<semaphore_mem>>
        %dma_start3A_101 = arith.constant 0 : i32
        %dma_start3A_102 = tpu.memref_slice %arg8[%mul3A_69, %dma_start3A_101] : memref<32x80xi32, #tpu.memory_space<vmem>> -> memref<1x80xi32, #tpu.memory_space<vmem>>
        %dma_start3A_103 = tpu.memref_squeeze %dma_start3A_102 : memref<1x80xi32, #tpu.memory_space<vmem>> -> memref<80xi32, #tpu.memory_space<vmem>>
        %dma_start3A_104 = arith.constant 0 : i32
        %dma_start3A_105 = arith.constant 0 : i32
        %dma_start3A_106 = tpu.memref_slice %arg6[%dma_start3A_104, %dma_start3A_105] : memref<10000x128xf32, #tpu.memory_space<vmem_shared>> -> memref<10000x128xf32, #tpu.memory_space<vmem_shared>>
        tpu.enqueue_indirect_dma source(%arg9 : memref<80x128xf32, #tpu.memory_space<vmem>>) target(%dma_start3A_106 : memref<10000x128xf32, #tpu.memory_space<vmem_shared>>) offsets(%dma_start3A_103 : memref<80xi32, #tpu.memory_space<vmem>>) semaphore(%run_scoped3A_100 : memref<!tpu.dma_semaphore, #tpu.memory_space<semaphore_mem>>) {add = true}
        %dma_wait3A_107 = arith.constant 0 : i32
        %dma_wait3A_108 = tpu.memref_slice %arg8[%mul3A_69, %dma_wait3A_107] : memref<32x80xi32, #tpu.memory_space<vmem>> -> memref<1x80xi32, #tpu.memory_space<vmem>>
        %dma_wait3A_109 = tpu.memref_squeeze %dma_wait3A_108 : memref<1x80xi32, #tpu.memory_space<vmem>> -> memref<80xi32, #tpu.memory_space<vmem>>
        %dma_wait3A_110 = arith.constant 0 : i32
        %dma_wait3A_111 = arith.constant 0 : i32
        %dma_wait3A_112 = tpu.memref_slice %arg6[%dma_wait3A_110, %dma_wait3A_111] : memref<10000x128xf32, #tpu.memory_space<vmem_shared>> -> memref<10000x128xf32, #tpu.memory_space<vmem_shared>>
        tpu.wait_indirect_dma semaphore(%run_scoped3A_100 : memref<!tpu.dma_semaphore, #tpu.memory_space<semaphore_mem>>) src(%arg9 : memref<80x128xf32, #tpu.memory_space<vmem>>) dst(%dma_wait3A_112 : memref<10000x128xf32, #tpu.memory_space<vmem_shared>>)
        tpu.yield
      }) : () -> ()
      %add3A_84 = arith.constant 2 : i32
      %add3A_85 = arith.addi %mul3A_69, %add3A_84 : i32
      %lt3A = arith.constant 29 : i32
      %lt3A_86 = arith.cmpi slt, %add3A_85, %lt3A : i32
      %convert_element_type3A_87 = arith.extui %lt3A_86 : i1 to i32
      %cond3A_88 = arith.constant 0 : i32
      %cond3A_89 = arith.cmpi ne, %convert_element_type3A_87, %cond3A_88 : i32
      scf.if %cond3A_89 {
        %add3A_100 = arith.constant 2 : i32
        %add3A_101 = arith.addi %mul3A_69, %add3A_100 : i32
        %dma_start3A_102 = arith.constant 0 : i32
        %dma_start3A_103 = tpu.memref_slice %arg7[%add3A_101, %dma_start3A_102] : memref<32x80xi32, #tpu.memory_space<vmem>> -> memref<1x80xi32, #tpu.memory_space<vmem>>
        %dma_start3A_104 = tpu.memref_squeeze %dma_start3A_103 : memref<1x80xi32, #tpu.memory_space<vmem>> -> memref<80xi32, #tpu.memory_space<vmem>>
        %dma_start3A_105 = arith.constant 0 : i32
        %dma_start3A_106 = arith.constant 0 : i32
        %dma_start3A_107 = tpu.memref_slice %arg2[%dma_start3A_105, %dma_start3A_106] : memref<10000x128xf32, #tpu.memory_space<hbm>> -> memref<10000x128xf32, #tpu.memory_space<hbm>>
        tpu.enqueue_indirect_dma source(%dma_start3A_107 : memref<10000x128xf32, #tpu.memory_space<hbm>>) target(%arg9 : memref<80x128xf32, #tpu.memory_space<vmem>>) offsets(%dma_start3A_104 : memref<80xi32, #tpu.memory_space<vmem>>) semaphore(%arg11 : memref<!tpu.dma_semaphore, #tpu.memory_space<semaphore_mem>>)
      } else {
      }
      %add3A_90 = arith.constant 1 : i32
      %add3A_91 = arith.addi %mul3A_69, %add3A_90 : i32
      %dma_wait3A_92 = arith.constant 0 : i32
      %dma_wait3A_93 = tpu.memref_slice %arg7[%add3A_91, %dma_wait3A_92] : memref<32x80xi32, #tpu.memory_space<vmem>> -> memref<1x80xi32, #tpu.memory_space<vmem>>
      %dma_wait3A_94 = tpu.memref_squeeze %dma_wait3A_93 : memref<1x80xi32, #tpu.memory_space<vmem>> -> memref<80xi32, #tpu.memory_space<vmem>>
      %dma_wait3A_95 = arith.constant 0 : i32
      %dma_wait3A_96 = arith.constant 0 : i32
      %dma_wait3A_97 = tpu.memref_slice %arg2[%dma_wait3A_95, %dma_wait3A_96] : memref<10000x128xf32, #tpu.memory_space<hbm>> -> memref<10000x128xf32, #tpu.memory_space<hbm>>
      tpu.wait_indirect_dma semaphore(%arg12 : memref<!tpu.dma_semaphore, #tpu.memory_space<semaphore_mem>>) src(%dma_wait3A_97 : memref<10000x128xf32, #tpu.memory_space<hbm>>) dst(%arg10 : memref<80x128xf32, #tpu.memory_space<vmem>>)
      %add3A_98 = arith.constant 1 : i32
      %add3A_99 = arith.addi %mul3A_69, %add3A_98 : i32
      "tpu.region"() ({
        %run_scoped3A_100 = tpu.sem_alloc : memref<!tpu.dma_semaphore, #tpu.memory_space<semaphore_mem>>
        %dma_start3A_101 = arith.constant 0 : i32
        %dma_start3A_102 = tpu.memref_slice %arg8[%add3A_99, %dma_start3A_101] : memref<32x80xi32, #tpu.memory_space<vmem>> -> memref<1x80xi32, #tpu.memory_space<vmem>>
        %dma_start3A_103 = tpu.memref_squeeze %dma_start3A_102 : memref<1x80xi32, #tpu.memory_space<vmem>> -> memref<80xi32, #tpu.memory_space<vmem>>
        %dma_start3A_104 = arith.constant 0 : i32
        %dma_start3A_105 = arith.constant 0 : i32
        %dma_start3A_106 = tpu.memref_slice %arg6[%dma_start3A_104, %dma_start3A_105] : memref<10000x128xf32, #tpu.memory_space<vmem_shared>> -> memref<10000x128xf32, #tpu.memory_space<vmem_shared>>
        tpu.enqueue_indirect_dma source(%arg10 : memref<80x128xf32, #tpu.memory_space<vmem>>) target(%dma_start3A_106 : memref<10000x128xf32, #tpu.memory_space<vmem_shared>>) offsets(%dma_start3A_103 : memref<80xi32, #tpu.memory_space<vmem>>) semaphore(%run_scoped3A_100 : memref<!tpu.dma_semaphore, #tpu.memory_space<semaphore_mem>>) {add = true}
        %dma_wait3A_107 = arith.constant 0 : i32
        %dma_wait3A_108 = tpu.memref_slice %arg8[%add3A_99, %dma_wait3A_107] : memref<32x80xi32, #tpu.memory_space<vmem>> -> memref<1x80xi32, #tpu.memory_space<vmem>>
        %dma_wait3A_109 = tpu.memref_squeeze %dma_wait3A_108 : memref<1x80xi32, #tpu.memory_space<vmem>> -> memref<80xi32, #tpu.memory_space<vmem>>
        %dma_wait3A_110 = arith.constant 0 : i32
        %dma_wait3A_111 = arith.constant 0 : i32
        %dma_wait3A_112 = tpu.memref_slice %arg6[%dma_wait3A_110, %dma_wait3A_111] : memref<10000x128xf32, #tpu.memory_space<vmem_shared>> -> memref<10000x128xf32, #tpu.memory_space<vmem_shared>>
        tpu.wait_indirect_dma semaphore(%run_scoped3A_100 : memref<!tpu.dma_semaphore, #tpu.memory_space<semaphore_mem>>) src(%arg10 : memref<80x128xf32, #tpu.memory_space<vmem>>) dst(%dma_wait3A_112 : memref<10000x128xf32, #tpu.memory_space<vmem_shared>>)
        tpu.yield
      }) : () -> ()
    }
    %scan3A_54 = arith.constant 14 : i32
    %dma_wait3A = arith.constant 28 : i32
    %dma_wait3A_55 = arith.constant 0 : i32
    %dma_wait3A_56 = tpu.memref_slice %arg7[%dma_wait3A, %dma_wait3A_55] : memref<32x80xi32, #tpu.memory_space<vmem>> -> memref<1x80xi32, #tpu.memory_space<vmem>>
    %dma_wait3A_57 = tpu.memref_squeeze %dma_wait3A_56 : memref<1x80xi32, #tpu.memory_space<vmem>> -> memref<80xi32, #tpu.memory_space<vmem>>
    %dma_wait3A_58 = arith.constant 0 : i32
    %dma_wait3A_59 = arith.constant 0 : i32
    %dma_wait3A_60 = tpu.memref_slice %arg2[%dma_wait3A_58, %dma_wait3A_59] : memref<10000x128xf32, #tpu.memory_space<hbm>> -> memref<10000x128xf32, #tpu.memory_space<hbm>>
    tpu.wait_indirect_dma semaphore(%arg11 : memref<!tpu.dma_semaphore, #tpu.memory_space<semaphore_mem>>) src(%dma_wait3A_60 : memref<10000x128xf32, #tpu.memory_space<hbm>>) dst(%arg9 : memref<80x128xf32, #tpu.memory_space<vmem>>)
    %run_scoped3A = arith.constant 28 : i32
    "tpu.region"() ({
      %run_scoped3A_67 = tpu.sem_alloc : memref<!tpu.dma_semaphore, #tpu.memory_space<semaphore_mem>>
      %dma_start3A_68 = arith.constant 0 : i32
      %dma_start3A_69 = tpu.memref_slice %arg8[%run_scoped3A, %dma_start3A_68] : memref<32x80xi32, #tpu.memory_space<vmem>> -> memref<1x80xi32, #tpu.memory_space<vmem>>
      %dma_start3A_70 = tpu.memref_squeeze %dma_start3A_69 : memref<1x80xi32, #tpu.memory_space<vmem>> -> memref<80xi32, #tpu.memory_space<vmem>>
      %dma_start3A_71 = arith.constant 0 : i32
      %dma_start3A_72 = arith.constant 0 : i32
      %dma_start3A_73 = tpu.memref_slice %arg6[%dma_start3A_71, %dma_start3A_72] : memref<10000x128xf32, #tpu.memory_space<vmem_shared>> -> memref<10000x128xf32, #tpu.memory_space<vmem_shared>>
      tpu.enqueue_indirect_dma source(%arg9 : memref<80x128xf32, #tpu.memory_space<vmem>>) target(%dma_start3A_73 : memref<10000x128xf32, #tpu.memory_space<vmem_shared>>) offsets(%dma_start3A_70 : memref<80xi32, #tpu.memory_space<vmem>>) semaphore(%run_scoped3A_67 : memref<!tpu.dma_semaphore, #tpu.memory_space<semaphore_mem>>) {add = true}
      %dma_wait3A_74 = arith.constant 0 : i32
      %dma_wait3A_75 = tpu.memref_slice %arg8[%run_scoped3A, %dma_wait3A_74] : memref<32x80xi32, #tpu.memory_space<vmem>> -> memref<1x80xi32, #tpu.memory_space<vmem>>
      %dma_wait3A_76 = tpu.memref_squeeze %dma_wait3A_75 : memref<1x80xi32, #tpu.memory_space<vmem>> -> memref<80xi32, #tpu.memory_space<vmem>>
      %dma_wait3A_77 = arith.constant 0 : i32
      %dma_wait3A_78 = arith.constant 0 : i32
      %dma_wait3A_79 = tpu.memref_slice %arg6[%dma_wait3A_77, %dma_wait3A_78] : memref<10000x128xf32, #tpu.memory_space<vmem_shared>> -> memref<10000x128xf32, #tpu.memory_space<vmem_shared>>
      tpu.wait_indirect_dma semaphore(%run_scoped3A_67 : memref<!tpu.dma_semaphore, #tpu.memory_space<semaphore_mem>>) src(%arg9 : memref<80x128xf32, #tpu.memory_space<vmem>>) dst(%dma_wait3A_79 : memref<10000x128xf32, #tpu.memory_space<vmem_shared>>)
      tpu.yield
    }) : () -> ()
    %barrier3A_61 = arith.constant 0 : index
    tpu.barrier barrier_id(%barrier3A_61)
    "tpu.region"() ({
      %run_scoped3A_67 = tpu.sem_alloc : memref<!tpu.dma_semaphore, #tpu.memory_space<semaphore_mem>>
      %dma_start3A_68 = arith.constant 0 : i32
      %dma_start3A_69 = tpu.memref_slice %arg5[%arg0, %mul3A_2, %dma_start3A_68] : memref<2x10000x128xf32, #tpu.memory_space<hbm>> -> memref<1x624x128xf32, #tpu.memory_space<hbm>>
      %dma_start3A_70 = tpu.memref_squeeze %dma_start3A_69 : memref<1x624x128xf32, #tpu.memory_space<hbm>> -> memref<624x128xf32, #tpu.memory_space<hbm>>
      %dma_start3A_71 = arith.constant 0 : i32
      %dma_start3A_72 = tpu.memref_slice %arg6[%mul3A_2, %dma_start3A_71] : memref<10000x128xf32, #tpu.memory_space<vmem_shared>> -> memref<624x128xf32, #tpu.memory_space<vmem_shared>>
      tpu.enqueue_dma source(%dma_start3A_72 : memref<624x128xf32, #tpu.memory_space<vmem_shared>>) target(%dma_start3A_70 : memref<624x128xf32, #tpu.memory_space<hbm>>) target_semaphore(%run_scoped3A_67 : memref<!tpu.dma_semaphore, #tpu.memory_space<semaphore_mem>>)
      %dma_wait3A_73 = arith.constant 0 : i32
      %dma_wait3A_74 = tpu.memref_slice %arg5[%arg0, %mul3A_2, %dma_wait3A_73] : memref<2x10000x128xf32, #tpu.memory_space<hbm>> -> memref<1x624x128xf32, #tpu.memory_space<hbm>>
      %dma_wait3A_75 = tpu.memref_squeeze %dma_wait3A_74 : memref<1x624x128xf32, #tpu.memory_space<hbm>> -> memref<624x128xf32, #tpu.memory_space<hbm>>
      %dma_wait3A_76 = arith.constant 0 : i32
      %dma_wait3A_77 = tpu.memref_slice %arg6[%mul3A_2, %dma_wait3A_76] : memref<10000x128xf32, #tpu.memory_space<vmem_shared>> -> memref<624x128xf32, #tpu.memory_space<vmem_shared>>
      tpu.wait_dma2 semaphore(%run_scoped3A_67 : memref<!tpu.dma_semaphore, #tpu.memory_space<semaphore_mem>>) src(%dma_wait3A_77 : memref<624x128xf32, #tpu.memory_space<vmem_shared>>) dst(%dma_wait3A_75 : memref<624x128xf32, #tpu.memory_space<hbm>>)
      tpu.yield
    }) : () -> ()
    %eq3A_62 = arith.constant 0 : i32
    %eq3A_63 = arith.cmpi eq, %arg1, %eq3A_62 : i32
    %convert_element_type3A_64 = arith.extui %eq3A_63 : i1 to i32
    %cond3A_65 = arith.constant 0 : i32
    %cond3A_66 = arith.cmpi ne, %convert_element_type3A_64, %cond3A_65 : i32
    scf.if %cond3A_66 {
      "tpu.region"() ({
        %run_scoped3A_67 = tpu.sem_alloc : memref<!tpu.dma_semaphore, #tpu.memory_space<semaphore_mem>>
        %dma_start3A_68 = arith.constant 9984 : i32
        %dma_start3A_69 = arith.constant 0 : i32
        %dma_start3A_70 = tpu.memref_slice %arg5[%arg0, %dma_start3A_68, %dma_start3A_69] : memref<2x10000x128xf32, #tpu.memory_space<hbm>> -> memref<1x16x128xf32, #tpu.memory_space<hbm>>
        %dma_start3A_71 = tpu.memref_squeeze %dma_start3A_70 : memref<1x16x128xf32, #tpu.memory_space<hbm>> -> memref<16x128xf32, #tpu.memory_space<hbm>>
        %dma_start3A_72 = arith.constant 9984 : i32
        %dma_start3A_73 = arith.constant 0 : i32
        %dma_start3A_74 = tpu.memref_slice %arg6[%dma_start3A_72, %dma_start3A_73] : memref<10000x128xf32, #tpu.memory_space<vmem_shared>> -> memref<16x128xf32, #tpu.memory_space<vmem_shared>>
        tpu.enqueue_dma source(%dma_start3A_74 : memref<16x128xf32, #tpu.memory_space<vmem_shared>>) target(%dma_start3A_71 : memref<16x128xf32, #tpu.memory_space<hbm>>) target_semaphore(%run_scoped3A_67 : memref<!tpu.dma_semaphore, #tpu.memory_space<semaphore_mem>>)
        %dma_wait3A_75 = arith.constant 9984 : i32
        %dma_wait3A_76 = arith.constant 0 : i32
        %dma_wait3A_77 = tpu.memref_slice %arg5[%arg0, %dma_wait3A_75, %dma_wait3A_76] : memref<2x10000x128xf32, #tpu.memory_space<hbm>> -> memref<1x16x128xf32, #tpu.memory_space<hbm>>
        %dma_wait3A_78 = tpu.memref_squeeze %dma_wait3A_77 : memref<1x16x128xf32, #tpu.memory_space<hbm>> -> memref<16x128xf32, #tpu.memory_space<hbm>>
        %dma_wait3A_79 = arith.constant 9984 : i32
        %dma_wait3A_80 = arith.constant 0 : i32
        %dma_wait3A_81 = tpu.memref_slice %arg6[%dma_wait3A_79, %dma_wait3A_80] : memref<10000x128xf32, #tpu.memory_space<vmem_shared>> -> memref<16x128xf32, #tpu.memory_space<vmem_shared>>
        tpu.wait_dma2 semaphore(%run_scoped3A_67 : memref<!tpu.dma_semaphore, #tpu.memory_space<semaphore_mem>>) src(%dma_wait3A_81 : memref<16x128xf32, #tpu.memory_space<vmem_shared>>) dst(%dma_wait3A_78 : memref<16x128xf32, #tpu.memory_space<hbm>>)
        tpu.yield
      }) : () -> ()
    } else {
    }
    return
  }
}

module attributes {stable_mosaic.version = 14 : i64} {
  func.func @kern(%arg0: i32, %arg1: memref<2x400x128xf32, #tpu.memory_space<vmem>>, %arg2: memref<400x128xf32, #tpu.memory_space<vmem>>, %arg3: memref<128x128xf32, #tpu.memory_space<vmem>>, %arg4: memref<1x128xf32, #tpu.memory_space<vmem>>, %arg5: memref<128x128xf32, #tpu.memory_space<vmem>>, %arg6: memref<1x128xf32, #tpu.memory_space<vmem>>, %arg7: memref<400x128xf32, #tpu.memory_space<vmem>>, %arg8: memref<2x128xf32, #tpu.memory_space<vmem>>) attributes {dimension_semantics = [#tpu.dimension_semantics<arbitrary>], iteration_bounds = array<i64: 25>, scalar_prefetch = 0 : i64, scratch_operands = 0 : i64, tpu.core_type = #tpu.core_type<tc>, window_params = [{transform_indices = @transform_0, window_bounds = array<i64: 2, 400, 128>}, {transform_indices = @transform_1, window_bounds = array<i64: 400, 128>}, {pipeline_mode = #tpu.pipeline_mode<synchronous>, transform_indices = @transform_2, window_bounds = array<i64: 128, 128>}, {pipeline_mode = #tpu.pipeline_mode<synchronous>, transform_indices = @transform_3, window_bounds = array<i64: 1, 128>}, {pipeline_mode = #tpu.pipeline_mode<synchronous>, transform_indices = @transform_4, window_bounds = array<i64: 128, 128>}, {pipeline_mode = #tpu.pipeline_mode<synchronous>, transform_indices = @transform_5, window_bounds = array<i64: 1, 128>}, {transform_indices = @transform_6, window_bounds = array<i64: 400, 128>}, {pipeline_mode = #tpu.pipeline_mode<synchronous>, transform_indices = @transform_7, window_bounds = array<i64: 2, 128>}]} {
    %get3A = arith.constant 0 : index
    %get3A_0 = arith.constant 0 : index
    %get3A_1 = arith.constant 0 : index
    %get3A_2 = vector.load %arg1[%get3A, %get3A_0, %get3A_1] : memref<2x400x128xf32, #tpu.memory_space<vmem>>, vector<1x400x128xf32>
    %get3A_3 = vector.shape_cast %get3A_2 : vector<1x400x128xf32> to vector<400x128xf32>
    %get3A_4 = arith.constant 1 : index
    %get3A_5 = arith.constant 0 : index
    %get3A_6 = arith.constant 0 : index
    %get3A_7 = vector.load %arg1[%get3A_4, %get3A_5, %get3A_6] : memref<2x400x128xf32, #tpu.memory_space<vmem>>, vector<1x400x128xf32>
    %get3A_8 = vector.shape_cast %get3A_7 : vector<1x400x128xf32> to vector<400x128xf32>
    %add3A = arith.addf %get3A_3, %get3A_8 : vector<400x128xf32>
    %get3A_9 = arith.constant 0 : index
    %get3A_10 = arith.constant 0 : index
    %get3A_11 = vector.load %arg2[%get3A_9, %get3A_10] : memref<400x128xf32, #tpu.memory_space<vmem>>, vector<400x128xf32>
    %sub3A = arith.subf %add3A, %get3A_11 : vector<400x128xf32>
    %convert_element_type3A = arith.truncf %sub3A : vector<400x128xf32> to vector<400x128xbf16>
    %get3A_12 = arith.constant 0 : index
    %get3A_13 = arith.constant 0 : index
    %get3A_14 = vector.load %arg3[%get3A_12, %get3A_13] : memref<128x128xf32, #tpu.memory_space<vmem>>, vector<128x128xf32>
    %convert_element_type3A_15 = arith.truncf %get3A_14 : vector<128x128xf32> to vector<128x128xbf16>
    %dot_general3A = arith.constant dense<0.000000e+00> : vector<400x128xf32>
    %dot_general3A_16 = tpu.matmul %convert_element_type3A, %convert_element_type3A_15, %dot_general3A {dimension_numbers = #tpu.dot_dimension_numbers<[1], [0], [0], [1], [0, 0, 1, 1], [], []>, transpose_lhs_hint = false} : vector<400x128xbf16>, vector<128x128xbf16>, vector<400x128xf32> -> vector<400x128xf32>
    %get3A_17 = arith.constant 0 : index
    %get3A_18 = arith.constant 0 : index
    %get3A_19 = vector.load %arg4[%get3A_17, %get3A_18] : memref<1x128xf32, #tpu.memory_space<vmem>>, vector<1x128xf32>
    %add3A_20 = vector.broadcast %get3A_19 : vector<1x128xf32> to vector<400x128xf32>
    %add3A_21 = arith.addf %dot_general3A_16, %add3A_20 : vector<400x128xf32>
    %max3A = arith.constant 0.000000e+00 : f32
    %max3A_22 = vector.broadcast %max3A : f32 to vector<400x128xf32>
    %max3A_23 = arith.maximumf %add3A_21, %max3A_22 : vector<400x128xf32>
    %convert_element_type3A_24 = arith.truncf %max3A_23 : vector<400x128xf32> to vector<400x128xbf16>
    %get3A_25 = arith.constant 0 : index
    %get3A_26 = arith.constant 0 : index
    %get3A_27 = vector.load %arg5[%get3A_25, %get3A_26] : memref<128x128xf32, #tpu.memory_space<vmem>>, vector<128x128xf32>
    %convert_element_type3A_28 = arith.truncf %get3A_27 : vector<128x128xf32> to vector<128x128xbf16>
    %dot_general3A_29 = arith.constant dense<0.000000e+00> : vector<400x128xf32>
    %dot_general3A_30 = tpu.matmul %convert_element_type3A_24, %convert_element_type3A_28, %dot_general3A_29 {dimension_numbers = #tpu.dot_dimension_numbers<[1], [0], [0], [1], [0, 0, 1, 1], [], []>, transpose_lhs_hint = false} : vector<400x128xbf16>, vector<128x128xbf16>, vector<400x128xf32> -> vector<400x128xf32>
    %get3A_31 = arith.constant 0 : index
    %get3A_32 = arith.constant 0 : index
    %get3A_33 = vector.load %arg6[%get3A_31, %get3A_32] : memref<1x128xf32, #tpu.memory_space<vmem>>, vector<1x128xf32>
    %add3A_34 = vector.broadcast %get3A_33 : vector<1x128xf32> to vector<400x128xf32>
    %add3A_35 = arith.addf %dot_general3A_30, %add3A_34 : vector<400x128xf32>
    %swap3A = arith.constant 0 : index
    %swap3A_36 = arith.constant 0 : index
    %swap3A_37 = vector.load %arg7[%swap3A, %swap3A_36] : memref<400x128xf32, #tpu.memory_space<vmem>>, vector<400x128xf32>
    tpu.vector_store %arg7[%swap3A, %swap3A_36], %add3A_35 {strides = array<i32>} : memref<400x128xf32, #tpu.memory_space<vmem>>, vector<400x128xf32>,
    %eq3A = arith.constant 0 : i32
    %eq3A_38 = arith.cmpi eq, %arg0, %eq3A : i32
    %convert_element_type3A_39 = arith.extui %eq3A_38 : i1 to i32
    %cond3A = arith.constant 0 : i32
    %cond3A_40 = arith.cmpi ne, %convert_element_type3A_39, %cond3A : i32
    scf.if %cond3A_40 {
      %broadcast_in_dim3A_52 = arith.constant 0.000000e+00 : f32
      %broadcast_in_dim3A_53 = vector.broadcast %broadcast_in_dim3A_52 : f32 to vector<2x128xf32>
      %swap3A_54 = arith.constant 0 : index
      %swap3A_55 = arith.constant 0 : index
      %swap3A_56 = vector.load %arg8[%swap3A_54, %swap3A_55] : memref<2x128xf32, #tpu.memory_space<vmem>>, vector<2x128xf32>
      tpu.vector_store %arg8[%swap3A_54, %swap3A_55], %broadcast_in_dim3A_53 {strides = array<i32>} : memref<2x128xf32, #tpu.memory_space<vmem>>, vector<2x128xf32>,
    } else {
    }
    %reduce_sum3A = arith.constant dense<0.000000e+00> : vector<128xf32>
    %reduce_sum3A_41 = vector.multi_reduction <add>, %add3A_35, %reduce_sum3A [0] : vector<400x128xf32> to vector<128xf32>
    %broadcast_in_dim3A = vector.shape_cast %reduce_sum3A_41 : vector<128xf32> to vector<1x128xf32>
    %mul3A = arith.mulf %add3A_35, %add3A_35 : vector<400x128xf32>
    %reduce_sum3A_42 = arith.constant dense<0.000000e+00> : vector<128xf32>
    %reduce_sum3A_43 = vector.multi_reduction <add>, %mul3A, %reduce_sum3A_42 [0] : vector<400x128xf32> to vector<128xf32>
    %broadcast_in_dim3A_44 = vector.shape_cast %reduce_sum3A_43 : vector<128xf32> to vector<1x128xf32>
    %get3A_45 = arith.constant 0 : index
    %get3A_46 = arith.constant 0 : index
    %get3A_47 = vector.load %arg8[%get3A_45, %get3A_46] : memref<2x128xf32, #tpu.memory_space<vmem>>, vector<2x128xf32>
    %concatenate3A = tpu.concatenate %broadcast_in_dim3A, %broadcast_in_dim3A_44 in 0 : vector<1x128xf32>, vector<1x128xf32> -> vector<2x128xf32>
    %add3A_48 = arith.addf %get3A_47, %concatenate3A : vector<2x128xf32>
    %swap3A_49 = arith.constant 0 : index
    %swap3A_50 = arith.constant 0 : index
    %swap3A_51 = vector.load %arg8[%swap3A_49, %swap3A_50] : memref<2x128xf32, #tpu.memory_space<vmem>>, vector<2x128xf32>
    tpu.vector_store %arg8[%swap3A_49, %swap3A_50], %add3A_48 {strides = array<i32>} : memref<2x128xf32, #tpu.memory_space<vmem>>, vector<2x128xf32>,
    return
  }
  func.func @transform_0(%arg0: i32) -> (i32, i32, i32) {
    %c0_i32 = arith.constant 0 : i32
    %c0_i32_0 = arith.constant 0 : i32
    %c0_i32_1 = arith.constant 0 : i32
    return %c0_i32, %arg0, %c0_i32_0 : i32, i32, i32
  }
  func.func @transform_1(%arg0: i32) -> (i32, i32) {
    %c0_i32 = arith.constant 0 : i32
    %c0_i32_0 = arith.constant 0 : i32
    return %arg0, %c0_i32 : i32, i32
  }
  func.func @transform_2(%arg0: i32) -> (i32, i32) {
    %c0_i32 = arith.constant 0 : i32
    %c0_i32_0 = arith.constant 0 : i32
    %c0_i32_1 = arith.constant 0 : i32
    return %c0_i32, %c0_i32_0 : i32, i32
  }
  func.func @transform_3(%arg0: i32) -> (i32, i32) {
    %c0_i32 = arith.constant 0 : i32
    %c0_i32_0 = arith.constant 0 : i32
    %c0_i32_1 = arith.constant 0 : i32
    return %c0_i32, %c0_i32_0 : i32, i32
  }
  func.func @transform_4(%arg0: i32) -> (i32, i32) {
    %c0_i32 = arith.constant 0 : i32
    %c0_i32_0 = arith.constant 0 : i32
    %c0_i32_1 = arith.constant 0 : i32
    return %c0_i32, %c0_i32_0 : i32, i32
  }
  func.func @transform_5(%arg0: i32) -> (i32, i32) {
    %c0_i32 = arith.constant 0 : i32
    %c0_i32_0 = arith.constant 0 : i32
    %c0_i32_1 = arith.constant 0 : i32
    return %c0_i32, %c0_i32_0 : i32, i32
  }
  func.func @transform_6(%arg0: i32) -> (i32, i32) {
    %c0_i32 = arith.constant 0 : i32
    %c0_i32_0 = arith.constant 0 : i32
    return %arg0, %c0_i32 : i32, i32
  }
  func.func @transform_7(%arg0: i32) -> (i32, i32) {
    %c0_i32 = arith.constant 0 : i32
    %c0_i32_0 = arith.constant 0 : i32
    %c0_i32_1 = arith.constant 0 : i32
    return %c0_i32, %c0_i32_0 : i32, i32
  }
}

module attributes {stable_mosaic.version = 14 : i64} {
  func.func @kern(%arg0: i32, %arg1: memref<2000x128xf32, #tpu.memory_space<vmem>>, %arg2: memref<2x128xf32, #tpu.memory_space<vmem>>, %arg3: memref<1x128xf32, #tpu.memory_space<vmem>>, %arg4: memref<1x128xf32, #tpu.memory_space<vmem>>, %arg5: memref<2000x128xf32, #tpu.memory_space<vmem>>) attributes {dimension_semantics = [#tpu.dimension_semantics<arbitrary>], iteration_bounds = array<i64: 5>, scalar_prefetch = 0 : i64, scratch_operands = 0 : i64, tpu.core_type = #tpu.core_type<tc>, window_params = [{transform_indices = @transform_0, window_bounds = array<i64: 2000, 128>}, {pipeline_mode = #tpu.pipeline_mode<synchronous>, transform_indices = @transform_1, window_bounds = array<i64: 2, 128>}, {pipeline_mode = #tpu.pipeline_mode<synchronous>, transform_indices = @transform_2, window_bounds = array<i64: 1, 128>}, {pipeline_mode = #tpu.pipeline_mode<synchronous>, transform_indices = @transform_3, window_bounds = array<i64: 1, 128>}, {transform_indices = @transform_4, window_bounds = array<i64: 2000, 128>}]} {
    %get3A = arith.constant 0 : index
    %get3A_0 = arith.constant 0 : index
    %get3A_1 = vector.load %arg2[%get3A, %get3A_0] : memref<2x128xf32, #tpu.memory_space<vmem>>, vector<1x128xf32>
    %mul3A = arith.constant 9.99999974E-5 : f32
    %mul3A_2 = vector.broadcast %mul3A : f32 to vector<1x128xf32>
    %mul3A_3 = arith.mulf %get3A_1, %mul3A_2 : vector<1x128xf32>
    %get3A_4 = arith.constant 1 : index
    %get3A_5 = arith.constant 0 : index
    %get3A_6 = vector.load %arg2[%get3A_4, %get3A_5] : memref<2x128xf32, #tpu.memory_space<vmem>>, vector<1x128xf32>
    %mul3A_7 = arith.constant 9.99999974E-5 : f32
    %mul3A_8 = vector.broadcast %mul3A_7 : f32 to vector<1x128xf32>
    %mul3A_9 = arith.mulf %get3A_6, %mul3A_8 : vector<1x128xf32>
    %mul3A_10 = arith.mulf %mul3A_3, %mul3A_3 : vector<1x128xf32>
    %sub3A = arith.subf %mul3A_9, %mul3A_10 : vector<1x128xf32>
    %get3A_11 = arith.constant 0 : index
    %get3A_12 = arith.constant 0 : index
    %get3A_13 = vector.load %arg3[%get3A_11, %get3A_12] : memref<1x128xf32, #tpu.memory_space<vmem>>, vector<1x128xf32>
    %add3A = arith.constant 9.99999974E-6 : f32
    %add3A_14 = vector.broadcast %add3A : f32 to vector<1x128xf32>
    %add3A_15 = arith.addf %sub3A, %add3A_14 : vector<1x128xf32>
    %rsqrt3A = math.rsqrt %add3A_15 : vector<1x128xf32>
    %mul3A_16 = arith.mulf %get3A_13, %rsqrt3A : vector<1x128xf32>
    %get3A_17 = arith.constant 0 : index
    %get3A_18 = arith.constant 0 : index
    %get3A_19 = vector.load %arg4[%get3A_17, %get3A_18] : memref<1x128xf32, #tpu.memory_space<vmem>>, vector<1x128xf32>
    %mul3A_20 = arith.mulf %mul3A_3, %mul3A_16 : vector<1x128xf32>
    %sub3A_21 = arith.subf %get3A_19, %mul3A_20 : vector<1x128xf32>
    %get3A_22 = arith.constant 0 : index
    %get3A_23 = arith.constant 0 : index
    %get3A_24 = vector.load %arg1[%get3A_22, %get3A_23] : memref<2000x128xf32, #tpu.memory_space<vmem>>, vector<2000x128xf32>
    %mul3A_25 = vector.broadcast %mul3A_16 : vector<1x128xf32> to vector<2000x128xf32>
    %mul3A_26 = arith.mulf %get3A_24, %mul3A_25 : vector<2000x128xf32>
    %add3A_27 = vector.broadcast %sub3A_21 : vector<1x128xf32> to vector<2000x128xf32>
    %add3A_28 = arith.addf %mul3A_26, %add3A_27 : vector<2000x128xf32>
    %max3A = arith.constant 0.000000e+00 : f32
    %max3A_29 = vector.broadcast %max3A : f32 to vector<2000x128xf32>
    %max3A_30 = arith.maximumf %add3A_28, %max3A_29 : vector<2000x128xf32>
    %swap3A = arith.constant 0 : index
    %swap3A_31 = arith.constant 0 : index
    %swap3A_32 = vector.load %arg5[%swap3A, %swap3A_31] : memref<2000x128xf32, #tpu.memory_space<vmem>>, vector<2000x128xf32>
    tpu.vector_store %arg5[%swap3A, %swap3A_31], %max3A_30 {strides = array<i32>} : memref<2000x128xf32, #tpu.memory_space<vmem>>, vector<2000x128xf32>,
    return
  }
  func.func @transform_0(%arg0: i32) -> (i32, i32) {
    %c0_i32 = arith.constant 0 : i32
    %c0_i32_0 = arith.constant 0 : i32
    return %arg0, %c0_i32 : i32, i32
  }
  func.func @transform_1(%arg0: i32) -> (i32, i32) {
    %c0_i32 = arith.constant 0 : i32
    %c0_i32_0 = arith.constant 0 : i32
    %c0_i32_1 = arith.constant 0 : i32
    return %c0_i32, %c0_i32_0 : i32, i32
  }
  func.func @transform_2(%arg0: i32) -> (i32, i32) {
    %c0_i32 = arith.constant 0 : i32
    %c0_i32_0 = arith.constant 0 : i32
    %c0_i32_1 = arith.constant 0 : i32
    return %c0_i32, %c0_i32_0 : i32, i32
  }
  func.func @transform_3(%arg0: i32) -> (i32, i32) {
    %c0_i32 = arith.constant 0 : i32
    %c0_i32_0 = arith.constant 0 : i32
    %c0_i32_1 = arith.constant 0 : i32
    return %c0_i32, %c0_i32_0 : i32, i32
  }
  func.func @transform_4(%arg0: i32) -> (i32, i32) {
    %c0_i32 = arith.constant 0 : i32
    %c0_i32_0 = arith.constant 0 : i32
    return %arg0, %c0_i32 : i32, i32
  }
}

module attributes {stable_mosaic.version = 14 : i64} {
  func.func @kern(%arg0: i32, %arg1: memref<1x1x400xi32, #tpu.memory_space<vmem>>, %arg2: memref<400x128xf32, #tpu.memory_space<vmem>>, %arg3: memref<64x128xf32, #tpu.memory_space<vmem>>, %arg4: memref<64x128xf32, #tpu.memory_space<vmem>>) attributes {dimension_semantics = [#tpu.dimension_semantics<arbitrary>], iteration_bounds = array<i64: 25>, scalar_prefetch = 0 : i64, scratch_operands = 0 : i64, tpu.core_type = #tpu.core_type<tc>, window_params = [{transform_indices = @transform_0, window_bounds = array<i64: 1, 1, 400>}, {transform_indices = @transform_1, window_bounds = array<i64: 400, 128>}, {pipeline_mode = #tpu.pipeline_mode<synchronous>, transform_indices = @transform_2, window_bounds = array<i64: 64, 128>}, {pipeline_mode = #tpu.pipeline_mode<synchronous>, transform_indices = @transform_3, window_bounds = array<i64: 64, 128>}]} {
    %eq3A = arith.constant 0 : i32
    %eq3A_0 = arith.cmpi eq, %arg0, %eq3A : i32
    %convert_element_type3A = arith.extui %eq3A_0 : i1 to i32
    %cond3A = arith.constant 0 : i32
    %cond3A_1 = arith.cmpi ne, %convert_element_type3A, %cond3A : i32
    scf.if %cond3A_1 {
      %broadcast_in_dim3A_29 = arith.constant 0.000000e+00 : f32
      %broadcast_in_dim3A_30 = vector.broadcast %broadcast_in_dim3A_29 : f32 to vector<64x128xf32>
      %swap3A_31 = arith.constant 0 : index
      %swap3A_32 = arith.constant 0 : index
      %swap3A_33 = vector.load %arg3[%swap3A_31, %swap3A_32] : memref<64x128xf32, #tpu.memory_space<vmem>>, vector<64x128xf32>
      tpu.vector_store %arg3[%swap3A_31, %swap3A_32], %broadcast_in_dim3A_30 {strides = array<i32>} : memref<64x128xf32, #tpu.memory_space<vmem>>, vector<64x128xf32>,
      %broadcast_in_dim3A_34 = arith.constant 0.000000e+00 : f32
      %broadcast_in_dim3A_35 = vector.broadcast %broadcast_in_dim3A_34 : f32 to vector<64x128xf32>
      %swap3A_36 = arith.constant 0 : index
      %swap3A_37 = arith.constant 0 : index
      %swap3A_38 = vector.load %arg4[%swap3A_36, %swap3A_37] : memref<64x128xf32, #tpu.memory_space<vmem>>, vector<64x128xf32>
      tpu.vector_store %arg4[%swap3A_36, %swap3A_37], %broadcast_in_dim3A_35 {strides = array<i32>} : memref<64x128xf32, #tpu.memory_space<vmem>>, vector<64x128xf32>,
    } else {
    }
    %get3A = arith.constant 0 : index
    %get3A_2 = arith.constant 0 : index
    %get3A_3 = arith.constant 0 : index
    %get3A_4 = vector.load %arg1[%get3A, %get3A_2, %get3A_3] : memref<1x1x400xi32, #tpu.memory_space<vmem>>, vector<1x1x400xi32>
    %get3A_5 = vector.shape_cast %get3A_4 : vector<1x1x400xi32> to vector<1x400xi32>
    %iota3A = tpu.iota {dimensions = array<i32: 0>} : vector<64x400xi32>
    %eq3A_6 = vector.broadcast %get3A_5 : vector<1x400xi32> to vector<64x400xi32>
    %eq3A_7 = arith.cmpi eq, %iota3A, %eq3A_6 : vector<64x400xi32>
    %convert_element_type3A_8 = arith.extui %eq3A_7 : vector<64x400xi1> to vector<64x400xi32>
    %convert_element_type3A_9 = arith.sitofp %convert_element_type3A_8 : vector<64x400xi32> to vector<64x400xf32>
    %get3A_10 = arith.constant 0 : index
    %get3A_11 = arith.constant 0 : index
    %get3A_12 = vector.load %arg3[%get3A_10, %get3A_11] : memref<64x128xf32, #tpu.memory_space<vmem>>, vector<64x128xf32>
    %get3A_13 = arith.constant 0 : index
    %get3A_14 = arith.constant 0 : index
    %get3A_15 = vector.load %arg2[%get3A_13, %get3A_14] : memref<400x128xf32, #tpu.memory_space<vmem>>, vector<400x128xf32>
    %dot_general3A = arith.constant dense<0.000000e+00> : vector<64x128xf32>
    %dot_general3A_16 = tpu.matmul %convert_element_type3A_9, %get3A_15, %dot_general3A {dimension_numbers = #tpu.dot_dimension_numbers<[1], [0], [0], [1], [0, 0, 1, 1], [], []>, precision = #tpu.contract_precision<fp32>, transpose_lhs_hint = false} : vector<64x400xf32>, vector<400x128xf32>, vector<64x128xf32> -> vector<64x128xf32>
    %add3A = arith.addf %get3A_12, %dot_general3A_16 : vector<64x128xf32>
    %swap3A = arith.constant 0 : index
    %swap3A_17 = arith.constant 0 : index
    %swap3A_18 = vector.load %arg3[%swap3A, %swap3A_17] : memref<64x128xf32, #tpu.memory_space<vmem>>, vector<64x128xf32>
    tpu.vector_store %arg3[%swap3A, %swap3A_17], %add3A {strides = array<i32>} : memref<64x128xf32, #tpu.memory_space<vmem>>, vector<64x128xf32>,
    %get3A_19 = arith.constant 0 : index
    %get3A_20 = arith.constant 0 : index
    %get3A_21 = vector.load %arg4[%get3A_19, %get3A_20] : memref<64x128xf32, #tpu.memory_space<vmem>>, vector<64x128xf32>
    %reduce_sum3A = arith.constant dense<0.000000e+00> : vector<64xf32>
    %reduce_sum3A_22 = vector.multi_reduction <add>, %convert_element_type3A_9, %reduce_sum3A [1] : vector<64x400xf32> to vector<64xf32>
    %broadcast_in_dim3A = vector.shape_cast %reduce_sum3A_22 : vector<64xf32> to vector<64x1xf32>
    %broadcast_in_dim3A_23 = vector.shape_cast %broadcast_in_dim3A : vector<64x1xf32> to vector<64x1xf32>
    %broadcast_in_dim3A_24 = vector.broadcast %broadcast_in_dim3A_23 : vector<64x1xf32> to vector<64x128xf32>
    %add3A_25 = arith.addf %get3A_21, %broadcast_in_dim3A_24 : vector<64x128xf32>
    %swap3A_26 = arith.constant 0 : index
    %swap3A_27 = arith.constant 0 : index
    %swap3A_28 = vector.load %arg4[%swap3A_26, %swap3A_27] : memref<64x128xf32, #tpu.memory_space<vmem>>, vector<64x128xf32>
    tpu.vector_store %arg4[%swap3A_26, %swap3A_27], %add3A_25 {strides = array<i32>} : memref<64x128xf32, #tpu.memory_space<vmem>>, vector<64x128xf32>,
    return
  }
  func.func @transform_0(%arg0: i32) -> (i32, i32, i32) {
    %c0_i32 = arith.constant 0 : i32
    %c0_i32_0 = arith.constant 0 : i32
    %c0_i32_1 = arith.constant 0 : i32
    return %arg0, %c0_i32, %c0_i32_0 : i32, i32, i32
  }
  func.func @transform_1(%arg0: i32) -> (i32, i32) {
    %c0_i32 = arith.constant 0 : i32
    %c0_i32_0 = arith.constant 0 : i32
    return %arg0, %c0_i32 : i32, i32
  }
  func.func @transform_2(%arg0: i32) -> (i32, i32) {
    %c0_i32 = arith.constant 0 : i32
    %c0_i32_0 = arith.constant 0 : i32
    %c0_i32_1 = arith.constant 0 : i32
    return %c0_i32, %c0_i32_0 : i32, i32
  }
  func.func @transform_3(%arg0: i32) -> (i32, i32) {
    %c0_i32 = arith.constant 0 : i32
    %c0_i32_0 = arith.constant 0 : i32
    %c0_i32_1 = arith.constant 0 : i32
    return %c0_i32, %c0_i32_0 : i32, i32
  }
}

module attributes {stable_mosaic.version = 14 : i64} {
  func.func @kern(%arg0: memref<64x128xf32, #tpu.memory_space<vmem>>, %arg1: memref<64x128xf32, #tpu.memory_space<vmem>>, %arg2: memref<128x128xf32, #tpu.memory_space<vmem>>, %arg3: memref<1x128xf32, #tpu.memory_space<vmem>>, %arg4: memref<1x128xf32, #tpu.memory_space<vmem>>, %arg5: memref<1x128xf32, #tpu.memory_space<vmem>>, %arg6: memref<128x64xf32, #tpu.memory_space<vmem>>, %arg7: memref<1x64xf32, #tpu.memory_space<vmem>>, %arg8: memref<1x64xf32, #tpu.memory_space<vmem>>, %arg9: memref<1x64xf32, #tpu.memory_space<vmem>>, %arg10: memref<64x10xf32, #tpu.memory_space<vmem>>, %arg11: memref<1x10xf32, #tpu.memory_space<vmem>>, %arg12: memref<64x10xf32, #tpu.memory_space<vmem>>) attributes {dimension_semantics = [], scalar_prefetch = 0 : i64, scratch_operands = 0 : i64, tpu.core_type = #tpu.core_type<tc>} {
    %get3A = arith.constant 0 : index
    %get3A_0 = arith.constant 0 : index
    %get3A_1 = vector.load %arg0[%get3A, %get3A_0] : memref<64x128xf32, #tpu.memory_space<vmem>>, vector<64x128xf32>
    %get3A_2 = arith.constant 0 : index
    %get3A_3 = arith.constant 0 : index
    %get3A_4 = vector.load %arg1[%get3A_2, %get3A_3] : memref<64x128xf32, #tpu.memory_space<vmem>>, vector<64x128xf32>
    %max3A = arith.constant 1.000000e+00 : f32
    %max3A_5 = vector.broadcast %max3A : f32 to vector<64x128xf32>
    %max3A_6 = arith.maximumf %get3A_4, %max3A_5 : vector<64x128xf32>
    %div3A = arith.divf %get3A_1, %max3A_6 : vector<64x128xf32>
    %convert_element_type3A = arith.truncf %div3A : vector<64x128xf32> to vector<64x128xbf16>
    %get3A_7 = arith.constant 0 : index
    %get3A_8 = arith.constant 0 : index
    %get3A_9 = vector.load %arg2[%get3A_7, %get3A_8] : memref<128x128xf32, #tpu.memory_space<vmem>>, vector<128x128xf32>
    %convert_element_type3A_10 = arith.truncf %get3A_9 : vector<128x128xf32> to vector<128x128xbf16>
    %dot_general3A = arith.constant dense<0.000000e+00> : vector<64x128xf32>
    %dot_general3A_11 = tpu.matmul %convert_element_type3A, %convert_element_type3A_10, %dot_general3A {dimension_numbers = #tpu.dot_dimension_numbers<[1], [0], [0], [1], [0, 0, 1, 1], [], []>, transpose_lhs_hint = false} : vector<64x128xbf16>, vector<128x128xbf16>, vector<64x128xf32> -> vector<64x128xf32>
    %get3A_12 = arith.constant 0 : index
    %get3A_13 = arith.constant 0 : index
    %get3A_14 = vector.load %arg3[%get3A_12, %get3A_13] : memref<1x128xf32, #tpu.memory_space<vmem>>, vector<1x128xf32>
    %add3A = vector.broadcast %get3A_14 : vector<1x128xf32> to vector<64x128xf32>
    %add3A_15 = arith.addf %dot_general3A_11, %add3A : vector<64x128xf32>
    %reduce_sum3A = arith.constant dense<0.000000e+00> : vector<128xf32>
    %reduce_sum3A_16 = vector.multi_reduction <add>, %add3A_15, %reduce_sum3A [0] : vector<64x128xf32> to vector<128xf32>
    %broadcast_in_dim3A = vector.shape_cast %reduce_sum3A_16 : vector<128xf32> to vector<1x128xf32>
    %div3A_17 = arith.constant 6.400000e+01 : f32
    %div3A_18 = vector.broadcast %div3A_17 : f32 to vector<1x128xf32>
    %div3A_19 = arith.divf %broadcast_in_dim3A, %div3A_18 : vector<1x128xf32>
    %mul3A = arith.mulf %add3A_15, %add3A_15 : vector<64x128xf32>
    %reduce_sum3A_20 = arith.constant dense<0.000000e+00> : vector<128xf32>
    %reduce_sum3A_21 = vector.multi_reduction <add>, %mul3A, %reduce_sum3A_20 [0] : vector<64x128xf32> to vector<128xf32>
    %broadcast_in_dim3A_22 = vector.shape_cast %reduce_sum3A_21 : vector<128xf32> to vector<1x128xf32>
    %div3A_23 = arith.constant 6.400000e+01 : f32
    %div3A_24 = vector.broadcast %div3A_23 : f32 to vector<1x128xf32>
    %div3A_25 = arith.divf %broadcast_in_dim3A_22, %div3A_24 : vector<1x128xf32>
    %mul3A_26 = arith.mulf %div3A_19, %div3A_19 : vector<1x128xf32>
    %sub3A = arith.subf %div3A_25, %mul3A_26 : vector<1x128xf32>
    %get3A_27 = arith.constant 0 : index
    %get3A_28 = arith.constant 0 : index
    %get3A_29 = vector.load %arg4[%get3A_27, %get3A_28] : memref<1x128xf32, #tpu.memory_space<vmem>>, vector<1x128xf32>
    %sub3A_30 = vector.broadcast %div3A_19 : vector<1x128xf32> to vector<64x128xf32>
    %sub3A_31 = arith.subf %add3A_15, %sub3A_30 : vector<64x128xf32>
    %mul3A_32 = vector.broadcast %get3A_29 : vector<1x128xf32> to vector<64x128xf32>
    %mul3A_33 = arith.mulf %mul3A_32, %sub3A_31 : vector<64x128xf32>
    %add3A_34 = arith.constant 9.99999974E-6 : f32
    %add3A_35 = vector.broadcast %add3A_34 : f32 to vector<1x128xf32>
    %add3A_36 = arith.addf %sub3A, %add3A_35 : vector<1x128xf32>
    %rsqrt3A = math.rsqrt %add3A_36 : vector<1x128xf32>
    %mul3A_37 = vector.broadcast %rsqrt3A : vector<1x128xf32> to vector<64x128xf32>
    %mul3A_38 = arith.mulf %mul3A_33, %mul3A_37 : vector<64x128xf32>
    %get3A_39 = arith.constant 0 : index
    %get3A_40 = arith.constant 0 : index
    %get3A_41 = vector.load %arg5[%get3A_39, %get3A_40] : memref<1x128xf32, #tpu.memory_space<vmem>>, vector<1x128xf32>
    %add3A_42 = vector.broadcast %get3A_41 : vector<1x128xf32> to vector<64x128xf32>
    %add3A_43 = arith.addf %mul3A_38, %add3A_42 : vector<64x128xf32>
    %max3A_44 = arith.constant 0.000000e+00 : f32
    %max3A_45 = vector.broadcast %max3A_44 : f32 to vector<64x128xf32>
    %max3A_46 = arith.maximumf %add3A_43, %max3A_45 : vector<64x128xf32>
    %convert_element_type3A_47 = arith.truncf %max3A_46 : vector<64x128xf32> to vector<64x128xbf16>
    %get3A_48 = arith.constant 0 : index
    %get3A_49 = arith.constant 0 : index
    %get3A_50 = vector.load %arg6[%get3A_48, %get3A_49] : memref<128x64xf32, #tpu.memory_space<vmem>>, vector<128x64xf32>
    %convert_element_type3A_51 = arith.truncf %get3A_50 : vector<128x64xf32> to vector<128x64xbf16>
    %dot_general3A_52 = arith.constant dense<0.000000e+00> : vector<64x64xf32>
    %dot_general3A_53 = tpu.matmul %convert_element_type3A_47, %convert_element_type3A_51, %dot_general3A_52 {dimension_numbers = #tpu.dot_dimension_numbers<[1], [0], [0], [1], [0, 0, 1, 1], [], []>, transpose_lhs_hint = false} : vector<64x128xbf16>, vector<128x64xbf16>, vector<64x64xf32> -> vector<64x64xf32>
    %get3A_54 = arith.constant 0 : index
    %get3A_55 = arith.constant 0 : index
    %get3A_56 = vector.load %arg7[%get3A_54, %get3A_55] : memref<1x64xf32, #tpu.memory_space<vmem>>, vector<1x64xf32>
    %add3A_57 = vector.broadcast %get3A_56 : vector<1x64xf32> to vector<64x64xf32>
    %add3A_58 = arith.addf %dot_general3A_53, %add3A_57 : vector<64x64xf32>
    %reduce_sum3A_59 = arith.constant dense<0.000000e+00> : vector<64xf32>
    %reduce_sum3A_60 = vector.multi_reduction <add>, %add3A_58, %reduce_sum3A_59 [0] : vector<64x64xf32> to vector<64xf32>
    %broadcast_in_dim3A_61 = vector.shape_cast %reduce_sum3A_60 : vector<64xf32> to vector<1x64xf32>
    %div3A_62 = arith.constant 6.400000e+01 : f32
    %div3A_63 = vector.broadcast %div3A_62 : f32 to vector<1x64xf32>
    %div3A_64 = arith.divf %broadcast_in_dim3A_61, %div3A_63 : vector<1x64xf32>
    %mul3A_65 = arith.mulf %add3A_58, %add3A_58 : vector<64x64xf32>
    %reduce_sum3A_66 = arith.constant dense<0.000000e+00> : vector<64xf32>
    %reduce_sum3A_67 = vector.multi_reduction <add>, %mul3A_65, %reduce_sum3A_66 [0] : vector<64x64xf32> to vector<64xf32>
    %broadcast_in_dim3A_68 = vector.shape_cast %reduce_sum3A_67 : vector<64xf32> to vector<1x64xf32>
    %div3A_69 = arith.constant 6.400000e+01 : f32
    %div3A_70 = vector.broadcast %div3A_69 : f32 to vector<1x64xf32>
    %div3A_71 = arith.divf %broadcast_in_dim3A_68, %div3A_70 : vector<1x64xf32>
    %mul3A_72 = arith.mulf %div3A_64, %div3A_64 : vector<1x64xf32>
    %sub3A_73 = arith.subf %div3A_71, %mul3A_72 : vector<1x64xf32>
    %get3A_74 = arith.constant 0 : index
    %get3A_75 = arith.constant 0 : index
    %get3A_76 = vector.load %arg8[%get3A_74, %get3A_75] : memref<1x64xf32, #tpu.memory_space<vmem>>, vector<1x64xf32>
    %sub3A_77 = vector.broadcast %div3A_64 : vector<1x64xf32> to vector<64x64xf32>
    %sub3A_78 = arith.subf %add3A_58, %sub3A_77 : vector<64x64xf32>
    %mul3A_79 = vector.broadcast %get3A_76 : vector<1x64xf32> to vector<64x64xf32>
    %mul3A_80 = arith.mulf %mul3A_79, %sub3A_78 : vector<64x64xf32>
    %add3A_81 = arith.constant 9.99999974E-6 : f32
    %add3A_82 = vector.broadcast %add3A_81 : f32 to vector<1x64xf32>
    %add3A_83 = arith.addf %sub3A_73, %add3A_82 : vector<1x64xf32>
    %rsqrt3A_84 = math.rsqrt %add3A_83 : vector<1x64xf32>
    %mul3A_85 = vector.broadcast %rsqrt3A_84 : vector<1x64xf32> to vector<64x64xf32>
    %mul3A_86 = arith.mulf %mul3A_80, %mul3A_85 : vector<64x64xf32>
    %get3A_87 = arith.constant 0 : index
    %get3A_88 = arith.constant 0 : index
    %get3A_89 = vector.load %arg9[%get3A_87, %get3A_88] : memref<1x64xf32, #tpu.memory_space<vmem>>, vector<1x64xf32>
    %add3A_90 = vector.broadcast %get3A_89 : vector<1x64xf32> to vector<64x64xf32>
    %add3A_91 = arith.addf %mul3A_86, %add3A_90 : vector<64x64xf32>
    %max3A_92 = arith.constant 0.000000e+00 : f32
    %max3A_93 = vector.broadcast %max3A_92 : f32 to vector<64x64xf32>
    %max3A_94 = arith.maximumf %add3A_91, %max3A_93 : vector<64x64xf32>
    %convert_element_type3A_95 = arith.truncf %max3A_94 : vector<64x64xf32> to vector<64x64xbf16>
    %get3A_96 = arith.constant 0 : index
    %get3A_97 = arith.constant 0 : index
    %get3A_98 = vector.load %arg10[%get3A_96, %get3A_97] : memref<64x10xf32, #tpu.memory_space<vmem>>, vector<64x10xf32>
    %convert_element_type3A_99 = arith.truncf %get3A_98 : vector<64x10xf32> to vector<64x10xbf16>
    %dot_general3A_100 = arith.constant dense<0.000000e+00> : vector<64x10xf32>
    %dot_general3A_101 = tpu.matmul %convert_element_type3A_95, %convert_element_type3A_99, %dot_general3A_100 {dimension_numbers = #tpu.dot_dimension_numbers<[1], [0], [0], [1], [0, 0, 1, 1], [], []>, transpose_lhs_hint = false} : vector<64x64xbf16>, vector<64x10xbf16>, vector<64x10xf32> -> vector<64x10xf32>
    %get3A_102 = arith.constant 0 : index
    %get3A_103 = arith.constant 0 : index
    %get3A_104 = vector.load %arg11[%get3A_102, %get3A_103] : memref<1x10xf32, #tpu.memory_space<vmem>>, vector<1x10xf32>
    %add3A_105 = vector.broadcast %get3A_104 : vector<1x10xf32> to vector<64x10xf32>
    %add3A_106 = arith.addf %dot_general3A_101, %add3A_105 : vector<64x10xf32>
    %swap3A = arith.constant 0 : index
    %swap3A_107 = arith.constant 0 : index
    %swap3A_108 = vector.load %arg12[%swap3A, %swap3A_107] : memref<64x10xf32, #tpu.memory_space<vmem>>, vector<64x10xf32>
    tpu.vector_store %arg12[%swap3A, %swap3A_107], %add3A_106 {strides = array<i32>} : memref<64x10xf32, #tpu.memory_space<vmem>>, vector<64x10xf32>,
    return
  }
}

</mosaic_0001>

<sc_bundles>
// kernel: kernel.13.cloned.1.call-start
scs
__scs_entry_jumppad:
0x0: {  	(pc) =	sbr.rel $0x88, $3  }
0x1: {  	(tag) =	ssettag $0x0;
	lr =	simm.s32 $0x1  }
0x2: {  	[smem:$0x3F82] =	sst lr;
	_ =	strace $0xD0000000  }
0x3: {  	_ = 	snop  }
0x4: {  	_ = 	snop  }
0x5: {  	_ = 	snop  }
0x6: {  	_ = 	snop  }
0x7: {  	_ = 	snop  }
__scs_overlays_trampoline_lowered:
0x8: {  	[smem:$0x3F91] =	sst s0  }
0x9: {  	[smem:$0x3F92] =	sst s1  }
0xa: {  	[smem:$0x3F93] =	sst s2  }
0xb: {  	[smem:$0x3F94] =	sst s3  }
0xc: {  	[smem:$0x3F95] =	sst s4  }
0xd: {  	[smem:$0x3F96] =	sst s5  }
0xe: {  	[smem:$0x3F97] =	sst s6  }
0xf: {  	[smem:$0x3F98] =	sst s7  }
0x10: {  	[smem:$0x3F99] =	sst s8  }
0x11: {  	[smem:$0x3F9A] =	sst s9;
	s0 =	simm.s32 @!p0 $0x0  }
0x12: {  	s1 =	sld [smem:$0x3F80];
	s0 =	simm.s32 @p0 $0x1  }
0x13: {  	[smem:$0x3F9B] =	sst s0;
	s0 =	simm.s32 @!p1 $0x0  }
0x14: {  	s2 =	sld [smem:$0x3F7F];
	s0 =	simm.s32 @p1 $0x1  }
0x15: {  	[smem:$0x3F9C] =	sst s0;
	s0 =	simm.s32 @!p2 $0x0  }
0x16: {  	s3 =	sld [smem:$0x3FDB];
	s0 =	simm.s32 @p2 $0x1  }
0x17: {  	s4 =	simm.s32 $0x1BF5;
	[smem:$0x3F9E] =	sst s0  }
0x18: {  	s0 =	sld [smem:$0x3F81];
	_ =	swait.ge [sflag:s4], $0x0  }
0x19: {  	s7 =	sld [smem:$0x3F82]  }
0x1a: {  	s8 =	sadd.s32 $0xFFFFE003, lr  }
0x1b: {  	s9 =	sadd.s32 $0xFFFFFEF7, lr;
	s5 =	simm.s32 $0xFFFFFFFF;
	p2 =	slt.u32 s8, $0xFFFFF086  }
0x1c: {  	p1 =	slt.u32 s9, $0xF7A;
	s5 =	simm.s32 @!p2 $0x0  }
0x1d: {  	s5 =	simm.s32 @p1 $0x1;
	p0 =	seq.s32 s7, s2  }
0x1e: {  	s7 =	smul.u32 @!p0 $0xF7A, s2;
	p2 =	seq.s32 @!p0 s5, $0x0  }
0x1f: {  	s9 =	smul.u32 $0xF7A, s1;
	s8 =	simm.s32 @!p0 $0x1BF5;
	p2 =	por !p2, p0  }
0x20: {  	[sflag:s8] =	ssyncset.s32 @!p0 $0xFFFFF086;
	s6 =	sadd.s32 @!p0 s3, s7;
	s7 =	simm.s32 @!p0 $0x108  }
0x21: {  	s3 =	sadd.s32 s3, s9;
	s6 =	sadd.s32 @!p0 $0x88, s6;
	s7 =	simm.s32 @p2 $0x1082  }
0x22: {  	[simem:s7], [sflag:s8] =	dma.local @!p0 [hbm:s6], $0xF7A  }
0x23: {  	s9 =	sor.u32 $0xD0000000, s2;
	s6 =	simm.s32 $0x108;
	_ =	swait.ge @!p0 [sflag:s8], $0x0  }
0x24: {  	s3 =	sadd.s32 $0x88, s3;
	s6 =	simm.s32 @!p1 $0x1082;
	[sflag:s4] =	ssyncset.s32 $0xFFFFF086  }
0x25: {  	[simem:s6], [sflag:s4] =	dma.local [hbm:s3], $0xF7A  }
0x26: {  	[smem:$0x3F82] =	sst s1;
	(tag) =	ssettag s2;
	_ =	strace s9  }
0x27: {  	s1 =	sld [smem:$0x3F92]  }
0x28: {  	s2 =	sld [smem:$0x3F93]  }
0x29: {  	s4 =	sld [smem:$0x3F95]  }
0x2a: {  	p0 =	seq.s32 s5, $0x0;
	s5 =	sld [smem:$0x3F96]  }
0x2b: {  	s6 =	sld [smem:$0x3F97]  }
0x2c: {  	s7 =	sld [smem:$0x3F98]  }
0x2d: {  	s3 =	simm.s32 $0x108;
	s8 =	sld [smem:$0x3F99]  }
0x2e: {  	s3 =	simm.s32 @!p0 $0x1082;
	s9 =	sld [smem:$0x3F9A]  }
0x2f: {  	lr =	sadd.s32 s0, s3;
	s0 =	sld [smem:$0x3F91]  }
0x30: {  	s3 =	sld [smem:$0x3F94]  }
0x31: {  	[smem:$0x3F9D] =	sst s10  }
0x32: {  	s10 =	sld [smem:$0x3F9B];
	_ =	sdelay $0x3  }
0x33: {  	p0 =	seq.s32 s10, $0x1;
	s10 =	sld [smem:$0x3F9D];
	_ =	sdelay $0x3  }
0x34: {  	[smem:$0x3F9D] =	sst s10  }
0x35: {  	s10 =	sld [smem:$0x3F9C];
	_ =	sdelay $0x3  }
0x36: {  	p1 =	seq.s32 s10, $0x1;
	s10 =	sld [smem:$0x3F9D];
	_ =	sdelay $0x3  }
0x37: {  	[smem:$0x3F9D] =	sst s10  }
0x38: {  	s10 =	sld [smem:$0x3F9E]  }
0x39: {  	_ = 	snop;
	(pc) =	sbr.ind lr, $3  }
0x3a: {  	_ = 	snop  }
0x3b: {  	_ = 	snop  }
0x3c: {  	p2 =	seq.s32 s10, $0x1;
	s10 =	sld [smem:$0x3F9D]  }
0x3d: {  	_ =	shalt  }
0x3e: {  	_ =	shalt  }
0x3f: {  	_ =	shalt  }
0x40: {  	_ =	shalt  }
0x41: {  	_ =	shalt  }
0x42: {  	_ =	shalt  }
0x43: {  	_ =	shalt  }
0x44: {  	_ =	shalt  }
0x45: {  	_ =	shalt  }
0x46: {  	_ =	shalt  }
0x47: {  	_ =	shalt  }
0x48: {  	_ =	shalt  }
0x49: {  	_ =	shalt  }
0x4a: {  	_ =	shalt  }
0x4b: {  	_ =	shalt  }
0x4c: {  	_ =	shalt  }
0x4d: {  	_ =	shalt  }
0x4e: {  	_ =	shalt  }
0x4f: {  	_ =	shalt  }
0x50: {  	_ =	shalt  }
0x51: {  	_ =	shalt  }
0x52: {  	_ =	shalt  }
0x53: {  	_ =	shalt  }
0x54: {  	_ =	shalt  }
0x55: {  	_ =	shalt  }
0x56: {  	_ =	shalt  }
0x57: {  	_ =	shalt  }
0x58: {  	_ =	shalt  }
0x59: {  	_ =	shalt  }
0x5a: {  	_ =	shalt  }
0x5b: {  	_ =	shalt  }
0x5c: {  	_ =	shalt  }
0x5d: {  	_ =	shalt  }
0x5e: {  	_ =	shalt  }
0x5f: {  	_ =	shalt  }
0x60: {  	_ =	shalt  }
0x61: {  	_ =	shalt  }
0x62: {  	_ =	shalt  }
0x63: {  	_ =	shalt  }
0x64: {  	_ =	shalt  }
0x65: {  	_ =	shalt  }
0x66: {  	_ =	shalt  }
0x67: {  	_ =	shalt  }
0x68: {  	_ =	shalt  }
0x69: {  	_ =	shalt  }
0x6a: {  	_ =	shalt  }
0x6b: {  	_ =	shalt  }
0x6c: {  	_ =	shalt  }
0x6d: {  	_ =	shalt  }
0x6e: {  	_ =	shalt  }
0x6f: {  	_ =	shalt  }
0x70: {  	_ =	shalt  }
0x71: {  	_ =	shalt  }
0x72: {  	_ =	shalt  }
0x73: {  	_ =	shalt  }
0x74: {  	_ =	shalt  }
0x75: {  	_ =	shalt  }
0x76: {  	_ =	shalt  }
0x77: {  	_ =	shalt  }
0x78: {  	_ =	shalt  }
0x79: {  	_ =	shalt  }
0x7a: {  	_ =	shalt  }
0x7b: {  	_ =	shalt  }
0x7c: {  	_ =	shalt  }
0x7d: {  	_ =	shalt  }
0x7e: {  	_ =	shalt  }
0x7f: {  	_ =	shalt  }
0x80: {  	_ =	shalt  }
0x81: {  	_ =	shalt  }
0x82: {  	_ =	shalt  }
0x83: {  	_ =	shalt  }
0x84: {  	_ =	shalt  }
0x85: {  	_ =	shalt  }
0x86: {  	_ =	shalt  }
0x87: {  	_ =	shalt  }
.Lfunc_end0:
.L_simem_size_0:
called_computation_lowered:
.L_overlay_start_0:
0x88: {  	s2 =	sld [smem:$0x3FD9]  }
0x89: {  	s3 =	sld [smem:$0x3FFE];
	_ =	sdelay $0x1  }
0x8a: {  	s1 =	srdreg.scid  }
0x8b: {  	s0 =	sand.u32 $0x1, s1  }
0x8c: {  	s17 =	sshll.u32 s0, $0xA;
	s2 =	sadd.s32 s3, s2  }
0x8d: {  	s2 =	sadd.s32 s2, s17  }
0x8e: {  	[smem:$0x3FA9] =	sst s2  }
0x8f: {  	_ = 	snop  }
0x90: {  	s2 =	sld [smem:$0x3FC9];
	(tm) =	ssettm $0x1  }
0x91: {  	s18 =	sld [smem:$0x3FFB];
	_ =	sdelay $0x3  }
0x92: {  	_ =	strace s18  }
0x93: {  	s3 =	sld [smem:$0x3FFC];
	_ =	sdelay $0x3  }
0x94: {  	_ =	strace s3  }
0x95: {  	s3 =	sld [smem:$0x3FFD];
	_ =	sdelay $0x3  }
0x96: {  	_ =	strace s3  }
0x97: {  	_ =	strace $0x8FFFFFFF  }
0x98: {  	s19 =	sld [smem:$0x3FDB];
	_ =	sdelay $0x1  }
0x99: {  	s4 =	simm.s32 $_scs_section_size  }
0x9a: {  	s5 =	simm.s32 $_size__tile_overlayer_lowered;
	s6 =	simm.s32 $_tile_overlayer_lowered  }
0x9b: {  	s22 =	simm.s32 $0x1BFF;
	s21 =	sshll.u32 s6, $0x1;
	s3 =	sadd.s32 s4, s19  }
0x9c: {  	s7 =	simm.s32 $0x0;
	s20 =	sshll.u32 s5, $0x1;
	s5 =	sadd.s32 s21, s3  }
0x9d: {  	[timem:s7], [sflag:s22] =	dma.local [hbm:s5], s20  }
0x9e: {  	_ =	swait.ge [sflag:s22], s20  }
0x9f: {  	s4 =	ssub.s32 $0x0, s20;
	[sflag:s22] =	ssyncset.done $0x0  }
0xa0: {  	[sflag:s22] =	ssyncadd.s32 s4;
	_ =	sdelay $0x1  }
0xa1: {  	s23 =	simm.s32 $0x1B8B  }
0xa2: {  	_ =	swait.ge [sflag:s23], $0x1  }
0xa3: {  	[sflag:s23] =	ssyncset.done $0x0  }
0xa4: {  	s25 =	simm.s32 $0x1B8E;
	s24 =	sld [smem:$0x3FFE];
	[sflag:s23] =	ssyncadd.s32 $0xFFFFFFFF  }
0xa5: {  	s26 =	simm.s32 $execute0_lowered;
	[smem:$0x3FD2] =	sst s25  }
0xa6: {  	s5 =	sshll.u32 s26, $0x1;
	_ =	strace $0x80000046;
	[dreg:$0x1] =	wrdreg $0xFFFFFFFF  }
0xa7: {  	s28 =	simm.s32 $_size_execute0_lowered;
	s3 =	sadd.s32 s3, s5;
	[dreg:$0x0] =	wrdreg $0x0  }
0xa8: {  	s5 =	sshll.u32 s28, $0x1;
	[dreg:$0x2] =	wrdreg s3  }
0xa9: {  	[dreg:$0x3] =	wrdreg s5  }
0xaa: {  	[dreg:$0x4] =	wrdreg $0xC0  }
0xab: {  	_ =	task [dreg:s7], $0x5FFFF  }
0xac: {  	[dreg:$0x1] =	wrdreg $0xFFFFFFFF  }
0xad: {  	[dreg:$0x0] =	wrdreg $0x60  }
0xae: {  	[dreg:$0x2] =	wrdreg s2  }
0xaf: {  	[dreg:$0x3] =	wrdreg s24  }
0xb0: {  	[dreg:$0x4] =	wrdreg $0x0  }
0xb1: {  	[dreg:$0x5] =	wrdreg $0x9  }
0xb2: {  	_ =	task.clear_ibuf [dreg:s7], $0x6FFFF;
	_ =	strace $0x90000046  }
0xb3: {  	s29 =	simm.s32 $0x9;
	_ =	strace $0x80000048  }
0xb4: {  	_ =	swait.ge [sflag:s29], $0x1  }
0xb5: {  	[sflag:s29] =	ssyncadd.s32 $0xFFFFFFFF  }
0xb6: {  	_ =	strace $0x90000048  }
0xb7: {  	_ =	sfence  }
0xb8: {  	s30 =	sld [smem:$0x0];
	_ =	sdelay $0x2  }
0xb9: {  	s31 =	sshll.u32 s1, $0xD;
	s1 =	sshrl.u32 s1, $0x2  }
0xba: {  	s3 =	sand.u32 $0x4000, s31;
	s1 =	sadd.s32 s1, s30  }
0xbb: {  	s0 =	sor.u32 s3, s0;
	s1 =	sshll.u32 s1, $0x11  }
0xbc: {  	s0 =	sor.u32 s1, s0  }
0xbd: {  	s0 =	sadd.s32 $0x8F2B, s0  }
0xbe: {  	[sflag:s0] =	ssyncadd.remote.s32 $0x1  }
0xbf: {  	_ =	sfence.sel $0xFFFF  }
0xc0: {  	[dreg:$0x0] =	wrdreg $0xFFFFFFFF;
	(pc) =	sbr.abs _section_cstart, $3  }
0xc1: {  	[dreg:$0x1] =	wrdreg $0xFFFFFFFF  }
0xc2: {  	_ =	task.clear_ibuf [dreg:s7], $0x2FFFF;
	_ =	strace $0x9FFFFFFF  }
0xc3: {  	(tm) =	ssettm $0x7FFFFFFF  }
tec
execute0_lowered:
.L_overlay_start_1:
0x0: {  	(tag) =	ssettag $0x1  }
0x1: {  	s1 =	rddreg [dreg:$0x0]  }
0x2: {  	s0 =	rddreg [dreg:$0x1]  }
0x3: {  	s2 =	rddreg [dreg:$0x2]  }
0x4: {  	s3 =	simm.s32 $0x0;
	s16 =	srdreg.scid;
	s4 =	stileid.u32  }
0x5: {  	s28 =	simm.s32 $0x2;
	s29 =	simm.s32 $0x14800;
	s30 =	simm.s32 $0x15780  }
0x6: {  	s31 =	simm.s32 $0x15800;
	[smem:$0x7FF] =	sst s3;
	s5 =	smul.u32 $0x4E000, s4  }
0x7: {  	s3 =	sand.u32 $0x1, s16;
	s7 =	sadd.s32 $0x5C00, s0;
	s15 =	smul.u32 $0x13800, s4  }
0x8: {  	s16 =	sadd.s32 $0x15C00, s0;
	s0 =	sadd.s32 $0x25C00, s0;
	s20 =	sshll.u32 s4, $0x6  }
0x9: {  	s9 =	sshll.u32 s4, $0xB;
	s22 =	sadd.s32 $0x138000, s2;
	s23 =	sadd.s32 $0x27000, s1  }
0xa: {  	p0 =	sne.s32 s4, $0x0;
	_ =	strace $0x80000047;
	[dreg:$0x6] =	wrdreg s22  }
0xb: {  	s6 =	ssub.s32 $0x2, s3;
	s21 =	sshll.u32 s3, $0xF;
	[dreg:$0x7] =	wrdreg s23  }
0xc: {  	s3 =	smul.u32 $0x138800, s3;
	s22 =	simm.s32 $0x14880;
	s23 =	simm.s32 $0x50  }
0xd: {  	s8 =	sshrl.u32 s6, $0x1;
	s5 =	sshrl.u32 s5, $0x2;
	s17 =	sshrl.u32 s15, $0x3  }
0xe: {  	s19 =	ssub.s32 s6, s8;
	s5 =	sadd.s32 s5, s2;
	s18 =	sadd.s32 s1, s17  }
0xf: {  	s6 =	sor.u32 $0x1C03, s20;
	s17 =	sadd.s32 s15, s3;
	[dreg:$0x4] =	wrdreg s5  }
0x10: {  	s3 =	sshrl.u32 s3, $0x3;
	s20 =	simm.s32 $0x3;
	[dreg:$0x5] =	wrdreg s18  }
0x11: {  	s5 =	sor.u32 s9, s21;
	s26 =	sshrl.u32 s17, $0x3;
	s3 =	sadd.s32 s0, s3  }
0x12: {  	s19 =	smax.u32 s19, $0x1;
	s21 =	simm.s32 $0x13880;
	s24 =	sadd.s32 s7, s5  }
0x13: {  	s25 =	sadd.s32 s16, s5;
	s12 =	sor.u32 $0x200, s5;
	s14 =	sor.u32 $0x400, s5  }
0x14: {  	s5 =	sor.u32 $0x600, s5;
	s17 =	sadd.s32 s0, s26;
	s18 =	sadd.s32 $0x27000, s3  }
0x15: {  	s26 =	simm.s32 $0x1;
	s0 =	simm.s32 $0x0;
	[dreg:$0x8] =	wrdreg s24  }
0x16: {  	[dreg:$0x9] =	wrdreg s25;
	s11 =	sadd.s32 s7, s12;
	s12 =	sadd.s32 s16, s12  }
0x17: {  	s13 =	sadd.s32 s7, s14;
	s14 =	sadd.s32 s16, s14;
	s15 =	sadd.s32 s7, s5  }
0x18: {  	s16 =	sadd.s32 s16, s5;
	s24 =	simm.s32 $0x15880;
	s25 =	simm.s32 $0x18080  }
.LBB2_1:
0x19: {  	s3 =	rddreg [dreg:$0x4]  }
0x1a: {  	s4 =	rddreg [dreg:$0x5];
	s3 =	sshrl.u32 s3, $0x3  }
0x1b: {  	[spmem:s3], [sflag:s6] =	dma.local [hbm:s4], $0x2700  }
0x1c: {  	_ =	swait.ge [sflag:s20], $0x2700  }
0x1d: {  	[sflag:s20] =	ssyncset.done $0x0;
	s4 =	rddreg [dreg:$0x6]  }
0x1e: {  	s5 =	rddreg [dreg:$0x7];
	[sflag:s20] =	ssyncadd.s32 $0xFFFFD900;
	s4 =	sshrl.u32 @!p0 s4, $0x3  }
0x1f: {  	[spmem:s4], [sflag:s6] =	dma.local @!p0 [hbm:s5], $0x100  }
0x20: {  	s5 =	simm.s32 @!p0 $0x3  }
0x21: {  	_ =	swait.ge @!p0 [sflag:s5], $0x100  }
0x22: {  	[sflag:s5] =	ssyncset.done @!p0 $0x0  }
0x23: {  	[sflag:s5] =	ssyncadd.s32 @!p0 $0xFFFFFF00  }
0x24: {  	[bflag:$0x0] =	sbarrier.arrive $0xFFFF  }
0x25: {  	s9 =	simm.s32 $0x0;
	s7 =	rddreg [dreg:$0x8]  }
0x26: {  	[tilespmem:s21], [sflag:$0x3] =	stream.linear.gather [hbm4b:s7+s9], $0x1000, $0x38;
	[tilespmem:$0x1A880] =	vst v63  }
0x27: {  	_ =	swait.ge [sflag:s20], $0x1000  }
0x28: {  	[sflag:s20] =	ssyncset.done $0x0  }
0x29: {  	s10 =	rddreg [dreg:$0x9];
	[sflag:s20] =	ssyncadd.s32 $0xFFFFF000  }
0x2a: {  	[tilespmem:s22], [sflag:$0x3] =	stream.linear.gather [hbm4b:s10+s9], $0x1000, $0x38;
	[tilespmem:$0x1A880] =	vst v63  }
0x2b: {  	_ =	swait.ge [sflag:s20], $0x1000  }
0x2c: {  	[sflag:s20] =	ssyncset.done $0x0  }
0x2d: {  	[sflag:s20] =	ssyncadd.s32 $0xFFFFF000  }
0x2e: {  	[tilespmem:s24], [sflag:$0x1] =	stream.indirect.gather [hbm4b:s1+s23], $0x80, s21, s23, $0xb8;
	[tilespmem:$0x1A880] =	vst v63  }
0x2f: {  	s7 =	simm.s32 $0x13900  }
0x30: {  	[tilespmem:s25], [sflag:$0x2] =	stream.indirect.gather [hbm4b:s1+s23], $0x80, s7, s23, $0xb8;
	[tilespmem:$0x1A880] =	vst v63  }
0x31: {  	_ =	swait.ge [sflag:s26], $0x2800  }
0x32: {  	[sflag:s26] =	ssyncset.done $0x0  }
0x33: {  	s8 =	simm.s32 $0x14880;
	[sflag:s26] =	ssyncadd.s32 $0xFFFFD800  }
0x34: {  	[spmem:s2] =	stream.indirect.scatter.add.f32 [tilespmem:s24], [sflag:$0x3], $0x80, s8, s23, $0xb8;
	[tilespmem:$0x1A880] =	vst v63  }
0x35: {  	_ =	swait.ge [sflag:s20], $0x2800  }
0x36: {  	[sflag:s20] =	ssyncset.done $0x0  }
0x37: {  	s9 =	simm.s32 $0x13980;
	[sflag:s20] =	ssyncadd.s32 $0xFFFFD800  }
0x38: {  	[tilespmem:s24], [sflag:$0x1] =	stream.indirect.gather [hbm4b:s1+s23], $0x80, s9, s23, $0xb8;
	[tilespmem:$0x1A880] =	vst v63  }
0x39: {  	_ =	swait.ge [sflag:s28], $0x2800  }
0x3a: {  	[sflag:s28] =	ssyncset.done $0x0  }
0x3b: {  	s10 =	simm.s32 $0x14900;
	[sflag:s28] =	ssyncadd.s32 $0xFFFFD800  }
0x3c: {  	[spmem:s2] =	stream.indirect.scatter.add.f32 [tilespmem:s25], [sflag:$0x3], $0x80, s10, s23, $0xb8;
	[tilespmem:$0x1A880] =	vst v63  }
0x3d: {  	_ =	swait.ge [sflag:s20], $0x2800  }
0x3e: {  	s5 =	simm.s32 $0x100;
	s7 =	simm.s32 $0x800;
	[sflag:s20] =	ssyncset.done $0x0  }
.LBB2_2:
0x3f: {  	s8 =	sadd.s32 $0x13900, s5  }
0x40: {  	[sflag:s20] =	ssyncadd.s32 $0xFFFFD800;
	s9 =	smov.u32 s7;
	s10 =	sadd.s32 $0x400, s7  }
0x41: {  	[tilespmem:s25], [sflag:$0x2] =	stream.indirect.gather [hbm4b:s1+s23], $0x80, s8, s23, $0xb8;
	[tilespmem:$0x1A880] =	vst v63  }
0x42: {  	p1 =	sne.s32 s7, $0x3800;
	_ =	swait.ge [sflag:s26], $0x2800  }
0x43: {  	[sflag:s26] =	ssyncset.done $0x0  }
0x44: {  	s7 =	sadd.s32 $0x14880, s5;
	[sflag:s26] =	ssyncadd.s32 $0xFFFFD800  }
0x45: {  	[spmem:s2] =	stream.indirect.scatter.add.f32 [tilespmem:s24], [sflag:$0x3], $0x80, s7, s23, $0xb8;
	[tilespmem:$0x1A880] =	vst v63  }
0x46: {  	_ =	swait.ge [sflag:s20], $0x2800  }
0x47: {  	[sflag:s20] =	ssyncset.done $0x0  }
0x48: {  	s7 =	sadd.s32 $0x13980, s5;
	[sflag:s20] =	ssyncadd.s32 $0xFFFFD800  }
0x49: {  	[tilespmem:s24], [sflag:$0x1] =	stream.indirect.gather [hbm4b:s1+s23], $0x80, s7, s23, $0xb8;
	[tilespmem:$0x1A880] =	vst v63  }
0x4a: {  	_ =	swait.ge [sflag:s28], $0x2800  }
.Ltmp0:
0x4b: {  	[sflag:s28] =	ssyncset.done $0x0;
	(pc) =	sbr.rel @p1 .LBB2_2-.Ltmp0, $4  }
0x4c: {  	s5 =	sadd.s32 $0x14900, s5;
	[sflag:s28] =	ssyncadd.s32 $0xFFFFD800  }
0x4d: {  	[spmem:s2] =	stream.indirect.scatter.add.f32 [tilespmem:s25], [sflag:$0x3], $0x80, s5, s23, $0xb8;
	[tilespmem:$0x1A880] =	vst v63  }
0x4e: {  	_ =	swait.ge [sflag:s20], $0x2800  }
0x4f: {  	s7 =	smov.u32 s10;
	s5 =	sshra.s32 s9, $0x2;
	[sflag:s20] =	ssyncset.done $0x0  }
0x50: {  	s7 =	sadd.s32 $0x13900, s5;
	[sflag:s20] =	ssyncadd.s32 $0xFFFFD800  }
0x51: {  	[tilespmem:s25], [sflag:$0x2] =	stream.indirect.gather [hbm4b:s1+s23], $0x80, s7, s23, $0xb8;
	[tilespmem:$0x1A880] =	vst v63  }
0x52: {  	_ =	swait.ge [sflag:s26], $0x2800  }
0x53: {  	[sflag:s26] =	ssyncset.done $0x0  }
0x54: {  	s10 =	sadd.s32 $0x14880, s5;
	[sflag:s26] =	ssyncadd.s32 $0xFFFFD800  }
0x55: {  	[spmem:s2] =	stream.indirect.scatter.add.f32 [tilespmem:s24], [sflag:$0x3], $0x80, s10, s23, $0xb8;
	[tilespmem:$0x1A880] =	vst v63  }
0x56: {  	_ =	swait.ge [sflag:s20], $0x2800  }
0x57: {  	[sflag:s20] =	ssyncset.done $0x0  }
0x58: {  	s8 =	sadd.s32 $0x13980, s5;
	[sflag:s20] =	ssyncadd.s32 $0xFFFFD800  }
0x59: {  	[tilespmem:s24], [sflag:$0x1] =	stream.indirect.gather [hbm4b:s1+s23], $0x80, s8, s23, $0xb8;
	[tilespmem:$0x1A880] =	vst v63  }
0x5a: {  	_ =	swait.ge [sflag:s28], $0x2800  }
0x5b: {  	[sflag:s28] =	ssyncset.done $0x0  }
0x5c: {  	s9 =	sadd.s32 $0x14900, s5;
	[sflag:s28] =	ssyncadd.s32 $0xFFFFD800  }
0x5d: {  	[spmem:s2] =	stream.indirect.scatter.add.f32 [tilespmem:s25], [sflag:$0x3], $0x80, s9, s23, $0xb8;
	[tilespmem:$0x1A880] =	vst v63  }
0x5e: {  	_ =	swait.ge [sflag:s20], $0x2800  }
0x5f: {  	[sflag:s20] =	ssyncset.done $0x0  }
0x60: {  	[sflag:s20] =	ssyncadd.s32 $0xFFFFD800  }
0x61: {  	[tilespmem:s25], [sflag:$0x2] =	stream.indirect.gather [hbm4b:s1+s23], $0x80, s29, s23, $0xb8;
	[tilespmem:$0x1A880] =	vst v63  }
0x62: {  	_ =	swait.ge [sflag:s26], $0x2800  }
0x63: {  	[sflag:s26] =	ssyncset.done $0x0  }
0x64: {  	[sflag:s26] =	ssyncadd.s32 $0xFFFFD800  }
0x65: {  	[spmem:s2] =	stream.indirect.scatter.add.f32 [tilespmem:s24], [sflag:$0x3], $0x80, s30, s23, $0xb8;
	[tilespmem:$0x1A880] =	vst v63  }
0x66: {  	_ =	swait.ge [sflag:s20], $0x2800  }
0x67: {  	[sflag:s20] =	ssyncset.done $0x0  }
0x68: {  	[sflag:s20] =	ssyncadd.s32 $0xFFFFD800  }
0x69: {  	_ =	swait.ge [sflag:s28], $0x2800  }
0x6a: {  	[sflag:s28] =	ssyncset.done $0x0  }
0x6b: {  	[sflag:s28] =	ssyncadd.s32 $0xFFFFD800  }
0x6c: {  	[spmem:s2] =	stream.indirect.scatter.add.f32 [tilespmem:s25], [sflag:$0x3], $0x80, s31, s23, $0xb8;
	[tilespmem:$0x1A880] =	vst v63  }
0x6d: {  	_ =	swait.ge [sflag:s20], $0x2800  }
0x6e: {  	[sflag:s20] =	ssyncset.done $0x0  }
0x6f: {  	s10 =	simm.s32 $0x0;
	[sflag:s20] =	ssyncadd.s32 $0xFFFFD800  }
0x70: {  	[tilespmem:s21], [sflag:$0x3] =	stream.linear.gather [hbm4b:s11+s10], $0x1000, $0x38;
	[tilespmem:$0x1A880] =	vst v63  }
0x71: {  	_ =	swait.ge [sflag:s20], $0x1000  }
0x72: {  	[sflag:s20] =	ssyncset.done $0x0  }
0x73: {  	[sflag:s20] =	ssyncadd.s32 $0xFFFFF000  }
0x74: {  	[tilespmem:s22], [sflag:$0x3] =	stream.linear.gather [hbm4b:s12+s10], $0x1000, $0x38;
	[tilespmem:$0x1A880] =	vst v63  }
0x75: {  	_ =	swait.ge [sflag:s20], $0x1000  }
0x76: {  	[sflag:s20] =	ssyncset.done $0x0  }
0x77: {  	[sflag:s20] =	ssyncadd.s32 $0xFFFFF000  }
0x78: {  	[tilespmem:s24], [sflag:$0x1] =	stream.indirect.gather [hbm4b:s1+s23], $0x80, s21, s23, $0xb8;
	[tilespmem:$0x1A880] =	vst v63  }
0x79: {  	s7 =	simm.s32 $0x13900  }
0x7a: {  	[tilespmem:s25], [sflag:$0x2] =	stream.indirect.gather [hbm4b:s1+s23], $0x80, s7, s23, $0xb8;
	[tilespmem:$0x1A880] =	vst v63  }
0x7b: {  	_ =	swait.ge [sflag:s26], $0x2800  }
0x7c: {  	[sflag:s26] =	ssyncset.done $0x0  }
0x7d: {  	s8 =	simm.s32 $0x14880;
	[sflag:s26] =	ssyncadd.s32 $0xFFFFD800  }
0x7e: {  	[spmem:s2] =	stream.indirect.scatter.add.f32 [tilespmem:s24], [sflag:$0x3], $0x80, s8, s23, $0xb8;
	[tilespmem:$0x1A880] =	vst v63  }
0x7f: {  	_ =	swait.ge [sflag:s20], $0x2800  }
0x80: {  	[sflag:s20] =	ssyncset.done $0x0  }
0x81: {  	s9 =	simm.s32 $0x13980;
	[sflag:s20] =	ssyncadd.s32 $0xFFFFD800  }
0x82: {  	[tilespmem:s24], [sflag:$0x1] =	stream.indirect.gather [hbm4b:s1+s23], $0x80, s9, s23, $0xb8;
	[tilespmem:$0x1A880] =	vst v63  }
0x83: {  	_ =	swait.ge [sflag:s28], $0x2800  }
0x84: {  	[sflag:s28] =	ssyncset.done $0x0  }
0x85: {  	s10 =	simm.s32 $0x14900;
	[sflag:s28] =	ssyncadd.s32 $0xFFFFD800  }
0x86: {  	[spmem:s2] =	stream.indirect.scatter.add.f32 [tilespmem:s25], [sflag:$0x3], $0x80, s10, s23, $0xb8;
	[tilespmem:$0x1A880] =	vst v63  }
0x87: {  	_ =	swait.ge [sflag:s20], $0x2800  }
0x88: {  	s5 =	simm.s32 $0x100;
	s7 =	simm.s32 $0x800;
	[sflag:s20] =	ssyncset.done $0x0  }
.LBB2_4:
0x89: {  	s8 =	sadd.s32 $0x13900, s5  }
0x8a: {  	[sflag:s20] =	ssyncadd.s32 $0xFFFFD800;
	s9 =	smov.u32 s7;
	s10 =	sadd.s32 $0x400, s7  }
0x8b: {  	[tilespmem:s25], [sflag:$0x2] =	stream.indirect.gather [hbm4b:s1+s23], $0x80, s8, s23, $0xb8;
	[tilespmem:$0x1A880] =	vst v63  }
0x8c: {  	p1 =	sne.s32 s7, $0x3800;
	_ =	swait.ge [sflag:s26], $0x2800  }
0x8d: {  	[sflag:s26] =	ssyncset.done $0x0  }
0x8e: {  	s7 =	sadd.s32 $0x14880, s5;
	[sflag:s26] =	ssyncadd.s32 $0xFFFFD800  }
0x8f: {  	[spmem:s2] =	stream.indirect.scatter.add.f32 [tilespmem:s24], [sflag:$0x3], $0x80, s7, s23, $0xb8;
	[tilespmem:$0x1A880] =	vst v63  }
0x90: {  	_ =	swait.ge [sflag:s20], $0x2800  }
0x91: {  	[sflag:s20] =	ssyncset.done $0x0  }
0x92: {  	s7 =	sadd.s32 $0x13980, s5;
	[sflag:s20] =	ssyncadd.s32 $0xFFFFD800  }
0x93: {  	[tilespmem:s24], [sflag:$0x1] =	stream.indirect.gather [hbm4b:s1+s23], $0x80, s7, s23, $0xb8;
	[tilespmem:$0x1A880] =	vst v63  }
0x94: {  	_ =	swait.ge [sflag:s28], $0x2800  }
.Ltmp1:
0x95: {  	[sflag:s28] =	ssyncset.done $0x0;
	(pc) =	sbr.rel @p1 .LBB2_4-.Ltmp1, $4  }
0x96: {  	s5 =	sadd.s32 $0x14900, s5;
	[sflag:s28] =	ssyncadd.s32 $0xFFFFD800  }
0x97: {  	[spmem:s2] =	stream.indirect.scatter.add.f32 [tilespmem:s25], [sflag:$0x3], $0x80, s5, s23, $0xb8;
	[tilespmem:$0x1A880] =	vst v63  }
0x98: {  	_ =	swait.ge [sflag:s20], $0x2800  }
0x99: {  	s7 =	smov.u32 s10;
	s5 =	sshra.s32 s9, $0x2;
	[sflag:s20] =	ssyncset.done $0x0  }
0x9a: {  	s7 =	sadd.s32 $0x13900, s5;
	[sflag:s20] =	ssyncadd.s32 $0xFFFFD800  }
0x9b: {  	[tilespmem:s25], [sflag:$0x2] =	stream.indirect.gather [hbm4b:s1+s23], $0x80, s7, s23, $0xb8;
	[tilespmem:$0x1A880] =	vst v63  }
0x9c: {  	_ =	swait.ge [sflag:s26], $0x2800  }
0x9d: {  	[sflag:s26] =	ssyncset.done $0x0  }
0x9e: {  	s10 =	sadd.s32 $0x14880, s5;
	[sflag:s26] =	ssyncadd.s32 $0xFFFFD800  }
0x9f: {  	[spmem:s2] =	stream.indirect.scatter.add.f32 [tilespmem:s24], [sflag:$0x3], $0x80, s10, s23, $0xb8;
	[tilespmem:$0x1A880] =	vst v63  }
0xa0: {  	_ =	swait.ge [sflag:s20], $0x2800  }
0xa1: {  	[sflag:s20] =	ssyncset.done $0x0  }
0xa2: {  	s8 =	sadd.s32 $0x13980, s5;
	[sflag:s20] =	ssyncadd.s32 $0xFFFFD800  }
0xa3: {  	[tilespmem:s24], [sflag:$0x1] =	stream.indirect.gather [hbm4b:s1+s23], $0x80, s8, s23, $0xb8;
	[tilespmem:$0x1A880] =	vst v63  }
0xa4: {  	_ =	swait.ge [sflag:s28], $0x2800  }
0xa5: {  	[sflag:s28] =	ssyncset.done $0x0  }
0xa6: {  	s9 =	sadd.s32 $0x14900, s5;
	[sflag:s28] =	ssyncadd.s32 $0xFFFFD800  }
0xa7: {  	[spmem:s2] =	stream.indirect.scatter.add.f32 [tilespmem:s25], [sflag:$0x3], $0x80, s9, s23, $0xb8;
	[tilespmem:$0x1A880] =	vst v63  }
0xa8: {  	_ =	swait.ge [sflag:s20], $0x2800  }
0xa9: {  	[sflag:s20] =	ssyncset.done $0x0  }
0xaa: {  	[sflag:s20] =	ssyncadd.s32 $0xFFFFD800  }
0xab: {  	[tilespmem:s25], [sflag:$0x2] =	stream.indirect.gather [hbm4b:s1+s23], $0x80, s29, s23, $0xb8;
	[tilespmem:$0x1A880] =	vst v63  }
0xac: {  	_ =	swait.ge [sflag:s26], $0x2800  }
0xad: {  	[sflag:s26] =	ssyncset.done $0x0  }
0xae: {  	[sflag:s26] =	ssyncadd.s32 $0xFFFFD800  }
0xaf: {  	[spmem:s2] =	stream.indirect.scatter.add.f32 [tilespmem:s24], [sflag:$0x3], $0x80, s30, s23, $0xb8;
	[tilespmem:$0x1A880] =	vst v63  }
0xb0: {  	_ =	swait.ge [sflag:s20], $0x2800  }
0xb1: {  	[sflag:s20] =	ssyncset.done $0x0  }
0xb2: {  	[sflag:s20] =	ssyncadd.s32 $0xFFFFD800  }
0xb3: {  	_ =	swait.ge [sflag:s28], $0x2800  }
0xb4: {  	[sflag:s28] =	ssyncset.done $0x0  }
0xb5: {  	[sflag:s28] =	ssyncadd.s32 $0xFFFFD800  }
0xb6: {  	[spmem:s2] =	stream.indirect.scatter.add.f32 [tilespmem:s25], [sflag:$0x3], $0x80, s31, s23, $0xb8;
	[tilespmem:$0x1A880] =	vst v63  }
0xb7: {  	_ =	swait.ge [sflag:s20], $0x2800  }
0xb8: {  	[sflag:s20] =	ssyncset.done $0x0  }
0xb9: {  	s10 =	simm.s32 $0x0;
	[sflag:s20] =	ssyncadd.s32 $0xFFFFD800  }
0xba: {  	[tilespmem:s21], [sflag:$0x3] =	stream.linear.gather [hbm4b:s13+s10], $0x1000, $0x38;
	[tilespmem:$0x1A880] =	vst v63  }
0xbb: {  	_ =	swait.ge [sflag:s20], $0x1000  }
0xbc: {  	[sflag:s20] =	ssyncset.done $0x0  }
0xbd: {  	[sflag:s20] =	ssyncadd.s32 $0xFFFFF000  }
0xbe: {  	[tilespmem:s22], [sflag:$0x3] =	stream.linear.gather [hbm4b:s14+s10], $0x1000, $0x38;
	[tilespmem:$0x1A880] =	vst v63  }
0xbf: {  	_ =	swait.ge [sflag:s20], $0x1000  }
0xc0: {  	[sflag:s20] =	ssyncset.done $0x0  }
0xc1: {  	[sflag:s20] =	ssyncadd.s32 $0xFFFFF000  }
0xc2: {  	[tilespmem:s24], [sflag:$0x1] =	stream.indirect.gather [hbm4b:s1+s23], $0x80, s21, s23, $0xb8;
	[tilespmem:$0x1A880] =	vst v63  }
0xc3: {  	s7 =	simm.s32 $0x13900  }
0xc4: {  	[tilespmem:s25], [sflag:$0x2] =	stream.indirect.gather [hbm4b:s1+s23], $0x80, s7, s23, $0xb8;
	[tilespmem:$0x1A880] =	vst v63  }
0xc5: {  	_ =	swait.ge [sflag:s26], $0x2800  }
0xc6: {  	[sflag:s26] =	ssyncset.done $0x0  }
0xc7: {  	s8 =	simm.s32 $0x14880;
	[sflag:s26] =	ssyncadd.s32 $0xFFFFD800  }
0xc8: {  	[spmem:s2] =	stream.indirect.scatter.add.f32 [tilespmem:s24], [sflag:$0x3], $0x80, s8, s23, $0xb8;
	[tilespmem:$0x1A880] =	vst v63  }
0xc9: {  	_ =	swait.ge [sflag:s20], $0x2800  }
0xca: {  	[sflag:s20] =	ssyncset.done $0x0  }
0xcb: {  	s9 =	simm.s32 $0x13980;
	[sflag:s20] =	ssyncadd.s32 $0xFFFFD800  }
0xcc: {  	[tilespmem:s24], [sflag:$0x1] =	stream.indirect.gather [hbm4b:s1+s23], $0x80, s9, s23, $0xb8;
	[tilespmem:$0x1A880] =	vst v63  }
0xcd: {  	_ =	swait.ge [sflag:s28], $0x2800  }
0xce: {  	[sflag:s28] =	ssyncset.done $0x0  }
0xcf: {  	s10 =	simm.s32 $0x14900;
	[sflag:s28] =	ssyncadd.s32 $0xFFFFD800  }
0xd0: {  	[spmem:s2] =	stream.indirect.scatter.add.f32 [tilespmem:s25], [sflag:$0x3], $0x80, s10, s23, $0xb8;
	[tilespmem:$0x1A880] =	vst v63  }
0xd1: {  	_ =	swait.ge [sflag:s20], $0x2800  }
0xd2: {  	s5 =	simm.s32 $0x100;
	s7 =	simm.s32 $0x800;
	[sflag:s20] =	ssyncset.done $0x0  }
.LBB2_6:
0xd3: {  	s8 =	sadd.s32 $0x13900, s5  }
0xd4: {  	[sflag:s20] =	ssyncadd.s32 $0xFFFFD800;
	s9 =	smov.u32 s7;
	s10 =	sadd.s32 $0x400, s7  }
0xd5: {  	[tilespmem:s25], [sflag:$0x2] =	stream.indirect.gather [hbm4b:s1+s23], $0x80, s8, s23, $0xb8;
	[tilespmem:$0x1A880] =	vst v63  }
0xd6: {  	p1 =	sne.s32 s7, $0x3800;
	_ =	swait.ge [sflag:s26], $0x2800  }
0xd7: {  	[sflag:s26] =	ssyncset.done $0x0  }
0xd8: {  	s7 =	sadd.s32 $0x14880, s5;
	[sflag:s26] =	ssyncadd.s32 $0xFFFFD800  }
0xd9: {  	[spmem:s2] =	stream.indirect.scatter.add.f32 [tilespmem:s24], [sflag:$0x3], $0x80, s7, s23, $0xb8;
	[tilespmem:$0x1A880] =	vst v63  }
0xda: {  	_ =	swait.ge [sflag:s20], $0x2800  }
0xdb: {  	[sflag:s20] =	ssyncset.done $0x0  }
0xdc: {  	s7 =	sadd.s32 $0x13980, s5;
	[sflag:s20] =	ssyncadd.s32 $0xFFFFD800  }
0xdd: {  	[tilespmem:s24], [sflag:$0x1] =	stream.indirect.gather [hbm4b:s1+s23], $0x80, s7, s23, $0xb8;
	[tilespmem:$0x1A880] =	vst v63  }
0xde: {  	_ =	swait.ge [sflag:s28], $0x2800  }
.Ltmp2:
0xdf: {  	[sflag:s28] =	ssyncset.done $0x0;
	(pc) =	sbr.rel @p1 .LBB2_6-.Ltmp2, $4  }
0xe0: {  	s5 =	sadd.s32 $0x14900, s5;
	[sflag:s28] =	ssyncadd.s32 $0xFFFFD800  }
0xe1: {  	[spmem:s2] =	stream.indirect.scatter.add.f32 [tilespmem:s25], [sflag:$0x3], $0x80, s5, s23, $0xb8;
	[tilespmem:$0x1A880] =	vst v63  }
0xe2: {  	_ =	swait.ge [sflag:s20], $0x2800  }
0xe3: {  	s7 =	smov.u32 s10;
	s5 =	sshra.s32 s9, $0x2;
	[sflag:s20] =	ssyncset.done $0x0  }
0xe4: {  	s7 =	sadd.s32 $0x13900, s5;
	[sflag:s20] =	ssyncadd.s32 $0xFFFFD800  }
0xe5: {  	[tilespmem:s25], [sflag:$0x2] =	stream.indirect.gather [hbm4b:s1+s23], $0x80, s7, s23, $0xb8;
	[tilespmem:$0x1A880] =	vst v63  }
0xe6: {  	_ =	swait.ge [sflag:s26], $0x2800  }
0xe7: {  	[sflag:s26] =	ssyncset.done $0x0  }
0xe8: {  	s10 =	sadd.s32 $0x14880, s5;
	[sflag:s26] =	ssyncadd.s32 $0xFFFFD800  }
0xe9: {  	[spmem:s2] =	stream.indirect.scatter.add.f32 [tilespmem:s24], [sflag:$0x3], $0x80, s10, s23, $0xb8;
	[tilespmem:$0x1A880] =	vst v63  }
0xea: {  	_ =	swait.ge [sflag:s20], $0x2800  }
0xeb: {  	[sflag:s20] =	ssyncset.done $0x0  }
0xec: {  	s8 =	sadd.s32 $0x13980, s5;
	[sflag:s20] =	ssyncadd.s32 $0xFFFFD800  }
0xed: {  	[tilespmem:s24], [sflag:$0x1] =	stream.indirect.gather [hbm4b:s1+s23], $0x80, s8, s23, $0xb8;
	[tilespmem:$0x1A880] =	vst v63  }
0xee: {  	_ =	swait.ge [sflag:s28], $0x2800  }
0xef: {  	[sflag:s28] =	ssyncset.done $0x0  }
0xf0: {  	s9 =	sadd.s32 $0x14900, s5;
	[sflag:s28] =	ssyncadd.s32 $0xFFFFD800  }
0xf1: {  	[spmem:s2] =	stream.indirect.scatter.add.f32 [tilespmem:s25], [sflag:$0x3], $0x80, s9, s23, $0xb8;
	[tilespmem:$0x1A880] =	vst v63  }
0xf2: {  	_ =	swait.ge [sflag:s20], $0x2800  }
0xf3: {  	[sflag:s20] =	ssyncset.done $0x0  }
0xf4: {  	[sflag:s20] =	ssyncadd.s32 $0xFFFFD800  }
0xf5: {  	[tilespmem:s25], [sflag:$0x2] =	stream.indirect.gather [hbm4b:s1+s23], $0x80, s29, s23, $0xb8;
	[tilespmem:$0x1A880] =	vst v63  }
0xf6: {  	_ =	swait.ge [sflag:s26], $0x2800  }
0xf7: {  	[sflag:s26] =	ssyncset.done $0x0  }
0xf8: {  	[sflag:s26] =	ssyncadd.s32 $0xFFFFD800  }
0xf9: {  	[spmem:s2] =	stream.indirect.scatter.add.f32 [tilespmem:s24], [sflag:$0x3], $0x80, s30, s23, $0xb8;
	[tilespmem:$0x1A880] =	vst v63  }
0xfa: {  	_ =	swait.ge [sflag:s20], $0x2800  }
0xfb: {  	[sflag:s20] =	ssyncset.done $0x0  }
0xfc: {  	[sflag:s20] =	ssyncadd.s32 $0xFFFFD800  }
0xfd: {  	_ =	swait.ge [sflag:s28], $0x2800  }
0xfe: {  	[sflag:s28] =	ssyncset.done $0x0  }
0xff: {  	[sflag:s28] =	ssyncadd.s32 $0xFFFFD800  }
0x100: {  	[spmem:s2] =	stream.indirect.scatter.add.f32 [tilespmem:s25], [sflag:$0x3], $0x80, s31, s23, $0xb8;
	[tilespmem:$0x1A880] =	vst v63  }
0x101: {  	_ =	swait.ge [sflag:s20], $0x2800  }
0x102: {  	[sflag:s20] =	ssyncset.done $0x0  }
0x103: {  	s10 =	simm.s32 $0x0;
	[sflag:s20] =	ssyncadd.s32 $0xFFFFD800  }
0x104: {  	[tilespmem:s21], [sflag:$0x3] =	stream.linear.gather [hbm4b:s15+s10], $0xE80, $0x38;
	[tilespmem:$0x1A880] =	vst v63  }
0x105: {  	_ =	swait.ge [sflag:s20], $0xE80  }
0x106: {  	[sflag:s20] =	ssyncset.done $0x0  }
0x107: {  	[sflag:s20] =	ssyncadd.s32 $0xFFFFF180  }
0x108: {  	[tilespmem:s22], [sflag:$0x3] =	stream.linear.gather [hbm4b:s16+s10], $0xE80, $0x38;
	[tilespmem:$0x1A880] =	vst v63  }
0x109: {  	_ =	swait.ge [sflag:s20], $0xE80  }
0x10a: {  	[sflag:s20] =	ssyncset.done $0x0  }
0x10b: {  	[sflag:s20] =	ssyncadd.s32 $0xFFFFF180  }
0x10c: {  	[tilespmem:s24], [sflag:$0x1] =	stream.indirect.gather [hbm4b:s1+s23], $0x80, s21, s23, $0xb8;
	[tilespmem:$0x1A880] =	vst v63  }
0x10d: {  	s7 =	simm.s32 $0x13900  }
0x10e: {  	[tilespmem:s25], [sflag:$0x2] =	stream.indirect.gather [hbm4b:s1+s23], $0x80, s7, s23, $0xb8;
	[tilespmem:$0x1A880] =	vst v63  }
0x10f: {  	_ =	swait.ge [sflag:s26], $0x2800  }
0x110: {  	[sflag:s26] =	ssyncset.done $0x0  }
0x111: {  	s8 =	simm.s32 $0x14880;
	[sflag:s26] =	ssyncadd.s32 $0xFFFFD800  }
0x112: {  	[spmem:s2] =	stream.indirect.scatter.add.f32 [tilespmem:s24], [sflag:$0x3], $0x80, s8, s23, $0xb8;
	[tilespmem:$0x1A880] =	vst v63  }
0x113: {  	_ =	swait.ge [sflag:s20], $0x2800  }
0x114: {  	[sflag:s20] =	ssyncset.done $0x0  }
0x115: {  	s9 =	simm.s32 $0x13980;
	[sflag:s20] =	ssyncadd.s32 $0xFFFFD800  }
0x116: {  	[tilespmem:s24], [sflag:$0x1] =	stream.indirect.gather [hbm4b:s1+s23], $0x80, s9, s23, $0xb8;
	[tilespmem:$0x1A880] =	vst v63  }
0x117: {  	_ =	swait.ge [sflag:s28], $0x2800  }
0x118: {  	[sflag:s28] =	ssyncset.done $0x0  }
0x119: {  	s10 =	simm.s32 $0x14900;
	[sflag:s28] =	ssyncadd.s32 $0xFFFFD800  }
0x11a: {  	[spmem:s2] =	stream.indirect.scatter.add.f32 [tilespmem:s25], [sflag:$0x3], $0x80, s10, s23, $0xb8;
	[tilespmem:$0x1A880] =	vst v63  }
0x11b: {  	_ =	swait.ge [sflag:s20], $0x2800  }
0x11c: {  	s5 =	simm.s32 $0x100;
	s7 =	simm.s32 $0x800;
	[sflag:s20] =	ssyncset.done $0x0  }
.LBB2_8:
0x11d: {  	s8 =	sadd.s32 $0x13900, s5  }
0x11e: {  	[sflag:s20] =	ssyncadd.s32 $0xFFFFD800;
	s9 =	smov.u32 s7;
	s10 =	sadd.s32 $0x400, s7  }
0x11f: {  	[tilespmem:s25], [sflag:$0x2] =	stream.indirect.gather [hbm4b:s1+s23], $0x80, s8, s23, $0xb8;
	[tilespmem:$0x1A880] =	vst v63  }
0x120: {  	p1 =	sne.s32 s7, $0x3400;
	_ =	swait.ge [sflag:s26], $0x2800  }
0x121: {  	[sflag:s26] =	ssyncset.done $0x0  }
0x122: {  	s7 =	sadd.s32 $0x14880, s5;
	[sflag:s26] =	ssyncadd.s32 $0xFFFFD800  }
0x123: {  	[spmem:s2] =	stream.indirect.scatter.add.f32 [tilespmem:s24], [sflag:$0x3], $0x80, s7, s23, $0xb8;
	[tilespmem:$0x1A880] =	vst v63  }
0x124: {  	_ =	swait.ge [sflag:s20], $0x2800  }
0x125: {  	[sflag:s20] =	ssyncset.done $0x0  }
0x126: {  	s7 =	sadd.s32 $0x13980, s5;
	[sflag:s20] =	ssyncadd.s32 $0xFFFFD800  }
0x127: {  	[tilespmem:s24], [sflag:$0x1] =	stream.indirect.gather [hbm4b:s1+s23], $0x80, s7, s23, $0xb8;
	[tilespmem:$0x1A880] =	vst v63  }
0x128: {  	_ =	swait.ge [sflag:s28], $0x2800  }
.Ltmp3:
0x129: {  	[sflag:s28] =	ssyncset.done $0x0;
	(pc) =	sbr.rel @p1 .LBB2_8-.Ltmp3, $4  }
0x12a: {  	s5 =	sadd.s32 $0x14900, s5;
	[sflag:s28] =	ssyncadd.s32 $0xFFFFD800  }
0x12b: {  	[spmem:s2] =	stream.indirect.scatter.add.f32 [tilespmem:s25], [sflag:$0x3], $0x80, s5, s23, $0xb8;
	[tilespmem:$0x1A880] =	vst v63  }
0x12c: {  	_ =	swait.ge [sflag:s20], $0x2800  }
0x12d: {  	s7 =	smov.u32 s10;
	s5 =	sshra.s32 s9, $0x2;
	[sflag:s20] =	ssyncset.done $0x0  }
0x12e: {  	s7 =	sadd.s32 $0x13900, s5;
	[sflag:s20] =	ssyncadd.s32 $0xFFFFD800  }
0x12f: {  	[tilespmem:s25], [sflag:$0x2] =	stream.indirect.gather [hbm4b:s1+s23], $0x80, s7, s23, $0xb8;
	[tilespmem:$0x1A880] =	vst v63  }
0x130: {  	_ =	swait.ge [sflag:s26], $0x2800  }
0x131: {  	[sflag:s26] =	ssyncset.done $0x0  }
0x132: {  	s10 =	sadd.s32 $0x14880, s5;
	[sflag:s26] =	ssyncadd.s32 $0xFFFFD800  }
0x133: {  	[spmem:s2] =	stream.indirect.scatter.add.f32 [tilespmem:s24], [sflag:$0x3], $0x80, s10, s23, $0xb8;
	[tilespmem:$0x1A880] =	vst v63  }
0x134: {  	_ =	swait.ge [sflag:s20], $0x2800  }
0x135: {  	[sflag:s20] =	ssyncset.done $0x0  }
0x136: {  	s8 =	sadd.s32 $0x13980, s5;
	[sflag:s20] =	ssyncadd.s32 $0xFFFFD800  }
0x137: {  	[tilespmem:s24], [sflag:$0x1] =	stream.indirect.gather [hbm4b:s1+s23], $0x80, s8, s23, $0xb8;
	[tilespmem:$0x1A880] =	vst v63  }
0x138: {  	_ =	swait.ge [sflag:s28], $0x2800  }
0x139: {  	[sflag:s28] =	ssyncset.done $0x0  }
0x13a: {  	s9 =	sadd.s32 $0x14900, s5;
	[sflag:s28] =	ssyncadd.s32 $0xFFFFD800  }
0x13b: {  	[spmem:s2] =	stream.indirect.scatter.add.f32 [tilespmem:s25], [sflag:$0x3], $0x80, s9, s23, $0xb8;
	[tilespmem:$0x1A880] =	vst v63  }
0x13c: {  	_ =	swait.ge [sflag:s20], $0x2800  }
0x13d: {  	[sflag:s20] =	ssyncset.done $0x0  }
0x13e: {  	[sflag:s20] =	ssyncadd.s32 $0xFFFFD800  }
0x13f: {  	_ =	swait.ge [sflag:s26], $0x2800  }
0x140: {  	[sflag:s26] =	ssyncset.done $0x0  }
0x141: {  	s10 =	simm.s32 $0x15680;
	[sflag:s26] =	ssyncadd.s32 $0xFFFFD800  }
0x142: {  	[spmem:s2] =	stream.indirect.scatter.add.f32 [tilespmem:s24], [sflag:$0x3], $0x80, s10, s23, $0xb8;
	[tilespmem:$0x1A880] =	vst v63  }
0x143: {  	_ =	swait.ge [sflag:s20], $0x2800  }
0x144: {  	[sflag:s20] =	ssyncset.done $0x0  }
0x145: {  	[sflag:s20] =	ssyncadd.s32 $0xFFFFD800  }
0x146: {  	[bflag:$0x0] =	sbarrier.arrive $0xFFFF  }
0x147: {  	[hbm:s17], [sflag:s6] =	dma.local [spmem:s3], $0x2700  }
0x148: {  	s0 =	sadd.s32 $0x1, s0;
	_ =	swait.ge [sflag:s20], $0x2700  }
0x149: {  	p1 =	sne.s32 s0, s19;
	[sflag:s20] =	ssyncset.done $0x0  }
.Ltmp4:
0x14a: {  	s3 =	simm.s32 @!p0 $0x3;
	[sflag:s20] =	ssyncadd.s32 $0xFFFFD900;
	(pc) =	sbr.rel @p1 .LBB2_1-.Ltmp4, $4  }
0x14b: {  	[hbm:s18], [sflag:s6] =	dma.local @!p0 [spmem:s4], $0x100  }
0x14c: {  	_ =	swait.ge @!p0 [sflag:s3], $0x100  }
0x14d: {  	[sflag:s3] =	ssyncset.done @!p0 $0x0  }
0x14e: {  	[sflag:s3] =	ssyncadd.s32 @!p0 $0xFFFFFF00  }
0x14f: {  	_ =	sfence.sel $0x180000  }
0x150: {  	[bflag:$0x0] =	sbarrier.arrive $0xFFFF  }
0x151: {  	_ =	strace $0x90000047  }
0x152: {  	[bflag:$0x2] =	sbarrier.arrive $0xFFFF  }
0x153: {  	s0 =	rddreg [dreg:$0x3]  }
0x154: {  	s0 =	sadd.s32 @!p0 $0x100000, s0  }
0x155: {  	[sflag:s0] =	ssyncadd.tile.s32 @!p0 $0x1;
	_ =	shalt  }
.Lfunc_end2:
_tile_overlayer_lowered:
.L_overlay_start_2:
0x156: {  	(tag) =	ssettag $0x2  }
0x157: {  	s0 =	rddreg [dreg:$0x0];
	s2 =	stileid.u32  }
0x158: {  	s1 =	rddreg [dreg:$0x1];
	p0 =	sne.s32 s2, $0x0  }
0x159: {  	s3 =	rddreg [dreg:$0x2];
	[bflag:$0x3] =	sbarrier.arrive $0xFFFF;
	s2 =	simm.s32 @!p0 $0x1C03  }
0x15a: {  	[timem:s3], [sflag:s2] =	dma.local @!p0 [hbm:s0], s1  }
0x15b: {  	s0 =	simm.s32 @!p0 $0x3  }
0x15c: {  	_ =	swait.ge @!p0 [sflag:s0], s1  }
0x15d: {  	s1 =	ssub.s32 @!p0 $0x0, s1;
	[sflag:s0] =	ssyncset.done @!p0 $0x0  }
0x15e: {  	[sflag:s0] =	ssyncadd.s32 @!p0 s1  }
0x15f: {  	[bflag:$0x3] =	sbarrier.arrive $0xFFFF  }
0x160: {  	_ =	shalt  }

// kernel: kernel.16.cloned.1.call-start
scs
__scs_entry_jumppad:
0x0: {  	(pc) =	sbr.rel $0x88, $3  }
0x1: {  	(tag) =	ssettag $0x0;
	lr =	simm.s32 $0x1  }
0x2: {  	[smem:$0x3F82] =	sst lr;
	_ =	strace $0xD0000000  }
0x3: {  	_ = 	snop  }
0x4: {  	_ = 	snop  }
0x5: {  	_ = 	snop  }
0x6: {  	_ = 	snop  }
0x7: {  	_ = 	snop  }
__scs_overlays_trampoline_lowered:
0x8: {  	[smem:$0x3F91] =	sst s0  }
0x9: {  	[smem:$0x3F92] =	sst s1  }
0xa: {  	[smem:$0x3F93] =	sst s2  }
0xb: {  	[smem:$0x3F94] =	sst s3  }
0xc: {  	[smem:$0x3F95] =	sst s4  }
0xd: {  	[smem:$0x3F96] =	sst s5  }
0xe: {  	[smem:$0x3F97] =	sst s6  }
0xf: {  	[smem:$0x3F98] =	sst s7  }
0x10: {  	[smem:$0x3F99] =	sst s8  }
0x11: {  	[smem:$0x3F9A] =	sst s9;
	s0 =	simm.s32 @!p0 $0x0  }
0x12: {  	s1 =	sld [smem:$0x3F80];
	s0 =	simm.s32 @p0 $0x1  }
0x13: {  	[smem:$0x3F9B] =	sst s0;
	s0 =	simm.s32 @!p1 $0x0  }
0x14: {  	s2 =	sld [smem:$0x3F7F];
	s0 =	simm.s32 @p1 $0x1  }
0x15: {  	[smem:$0x3F9C] =	sst s0;
	s0 =	simm.s32 @!p2 $0x0  }
0x16: {  	s3 =	sld [smem:$0x3FDB];
	s0 =	simm.s32 @p2 $0x1  }
0x17: {  	s4 =	simm.s32 $0x1BF5;
	[smem:$0x3F9E] =	sst s0  }
0x18: {  	s0 =	sld [smem:$0x3F81];
	_ =	swait.ge [sflag:s4], $0x0  }
0x19: {  	s7 =	sld [smem:$0x3F82]  }
0x1a: {  	s8 =	sadd.s32 $0xFFFFE003, lr  }
0x1b: {  	s9 =	sadd.s32 $0xFFFFFEF7, lr;
	s5 =	simm.s32 $0xFFFFFFFF;
	p2 =	slt.u32 s8, $0xFFFFF086  }
0x1c: {  	p1 =	slt.u32 s9, $0xF7A;
	s5 =	simm.s32 @!p2 $0x0  }
0x1d: {  	s5 =	simm.s32 @p1 $0x1;
	p0 =	seq.s32 s7, s2  }
0x1e: {  	s7 =	smul.u32 @!p0 $0xF7A, s2;
	p2 =	seq.s32 @!p0 s5, $0x0  }
0x1f: {  	s9 =	smul.u32 $0xF7A, s1;
	s8 =	simm.s32 @!p0 $0x1BF5;
	p2 =	por !p2, p0  }
0x20: {  	[sflag:s8] =	ssyncset.s32 @!p0 $0xFFFFF086;
	s6 =	sadd.s32 @!p0 s3, s7;
	s7 =	simm.s32 @!p0 $0x108  }
0x21: {  	s3 =	sadd.s32 s3, s9;
	s6 =	sadd.s32 @!p0 $0x88, s6;
	s7 =	simm.s32 @p2 $0x1082  }
0x22: {  	[simem:s7], [sflag:s8] =	dma.local @!p0 [hbm:s6], $0xF7A  }
0x23: {  	s9 =	sor.u32 $0xD0000000, s2;
	s6 =	simm.s32 $0x108;
	_ =	swait.ge @!p0 [sflag:s8], $0x0  }
0x24: {  	s3 =	sadd.s32 $0x88, s3;
	s6 =	simm.s32 @!p1 $0x1082;
	[sflag:s4] =	ssyncset.s32 $0xFFFFF086  }
0x25: {  	[simem:s6], [sflag:s4] =	dma.local [hbm:s3], $0xF7A  }
0x26: {  	[smem:$0x3F82] =	sst s1;
	(tag) =	ssettag s2;
	_ =	strace s9  }
0x27: {  	s1 =	sld [smem:$0x3F92]  }
0x28: {  	s2 =	sld [smem:$0x3F93]  }
0x29: {  	s4 =	sld [smem:$0x3F95]  }
0x2a: {  	p0 =	seq.s32 s5, $0x0;
	s5 =	sld [smem:$0x3F96]  }
0x2b: {  	s6 =	sld [smem:$0x3F97]  }
0x2c: {  	s7 =	sld [smem:$0x3F98]  }
0x2d: {  	s3 =	simm.s32 $0x108;
	s8 =	sld [smem:$0x3F99]  }
0x2e: {  	s3 =	simm.s32 @!p0 $0x1082;
	s9 =	sld [smem:$0x3F9A]  }
0x2f: {  	lr =	sadd.s32 s0, s3;
	s0 =	sld [smem:$0x3F91]  }
0x30: {  	s3 =	sld [smem:$0x3F94]  }
0x31: {  	[smem:$0x3F9D] =	sst s10  }
0x32: {  	s10 =	sld [smem:$0x3F9B];
	_ =	sdelay $0x3  }
0x33: {  	p0 =	seq.s32 s10, $0x1;
	s10 =	sld [smem:$0x3F9D];
	_ =	sdelay $0x3  }
0x34: {  	[smem:$0x3F9D] =	sst s10  }
0x35: {  	s10 =	sld [smem:$0x3F9C];
	_ =	sdelay $0x3  }
0x36: {  	p1 =	seq.s32 s10, $0x1;
	s10 =	sld [smem:$0x3F9D];
	_ =	sdelay $0x3  }
0x37: {  	[smem:$0x3F9D] =	sst s10  }
0x38: {  	s10 =	sld [smem:$0x3F9E]  }
0x39: {  	_ = 	snop;
	(pc) =	sbr.ind lr, $3  }
0x3a: {  	_ = 	snop  }
0x3b: {  	_ = 	snop  }
0x3c: {  	p2 =	seq.s32 s10, $0x1;
	s10 =	sld [smem:$0x3F9D]  }
0x3d: {  	_ =	shalt  }
0x3e: {  	_ =	shalt  }
0x3f: {  	_ =	shalt  }
0x40: {  	_ =	shalt  }
0x41: {  	_ =	shalt  }
0x42: {  	_ =	shalt  }
0x43: {  	_ =	shalt  }
0x44: {  	_ =	shalt  }
0x45: {  	_ =	shalt  }
0x46: {  	_ =	shalt  }
0x47: {  	_ =	shalt  }
0x48: {  	_ =	shalt  }
0x49: {  	_ =	shalt  }
0x4a: {  	_ =	shalt  }
0x4b: {  	_ =	shalt  }
0x4c: {  	_ =	shalt  }
0x4d: {  	_ =	shalt  }
0x4e: {  	_ =	shalt  }
0x4f: {  	_ =	shalt  }
0x50: {  	_ =	shalt  }
0x51: {  	_ =	shalt  }
0x52: {  	_ =	shalt  }
0x53: {  	_ =	shalt  }
0x54: {  	_ =	shalt  }
0x55: {  	_ =	shalt  }
0x56: {  	_ =	shalt  }
0x57: {  	_ =	shalt  }
0x58: {  	_ =	shalt  }
0x59: {  	_ =	shalt  }
0x5a: {  	_ =	shalt  }
0x5b: {  	_ =	shalt  }
0x5c: {  	_ =	shalt  }
0x5d: {  	_ =	shalt  }
0x5e: {  	_ =	shalt  }
0x5f: {  	_ =	shalt  }
0x60: {  	_ =	shalt  }
0x61: {  	_ =	shalt  }
0x62: {  	_ =	shalt  }
0x63: {  	_ =	shalt  }
0x64: {  	_ =	shalt  }
0x65: {  	_ =	shalt  }
0x66: {  	_ =	shalt  }
0x67: {  	_ =	shalt  }
0x68: {  	_ =	shalt  }
0x69: {  	_ =	shalt  }
0x6a: {  	_ =	shalt  }
0x6b: {  	_ =	shalt  }
0x6c: {  	_ =	shalt  }
0x6d: {  	_ =	shalt  }
0x6e: {  	_ =	shalt  }
0x6f: {  	_ =	shalt  }
0x70: {  	_ =	shalt  }
0x71: {  	_ =	shalt  }
0x72: {  	_ =	shalt  }
0x73: {  	_ =	shalt  }
0x74: {  	_ =	shalt  }
0x75: {  	_ =	shalt  }
0x76: {  	_ =	shalt  }
0x77: {  	_ =	shalt  }
0x78: {  	_ =	shalt  }
0x79: {  	_ =	shalt  }
0x7a: {  	_ =	shalt  }
0x7b: {  	_ =	shalt  }
0x7c: {  	_ =	shalt  }
0x7d: {  	_ =	shalt  }
0x7e: {  	_ =	shalt  }
0x7f: {  	_ =	shalt  }
0x80: {  	_ =	shalt  }
0x81: {  	_ =	shalt  }
0x82: {  	_ =	shalt  }
0x83: {  	_ =	shalt  }
0x84: {  	_ =	shalt  }
0x85: {  	_ =	shalt  }
0x86: {  	_ =	shalt  }
0x87: {  	_ =	shalt  }
.Lfunc_end0:
.L_simem_size_0:
called_computation.1_lowered:
.L_overlay_start_0:
0x88: {  	s2 =	sld [smem:$0x3FD9]  }
0x89: {  	s3 =	sld [smem:$0x3FFE];
	_ =	sdelay $0x1  }
0x8a: {  	s1 =	srdreg.scid  }
0x8b: {  	s0 =	sand.u32 $0x1, s1  }
0x8c: {  	s16 =	sshll.u32 s0, $0xA;
	s2 =	sadd.s32 s3, s2  }
0x8d: {  	s2 =	sadd.s32 s2, s16  }
0x8e: {  	[smem:$0x3FA9] =	sst s2  }
0x8f: {  	_ = 	snop  }
0x90: {  	(tm) =	ssettm $0x1  }
0x91: {  	s17 =	sld [smem:$0x3FFB];
	_ =	sdelay $0x3  }
0x92: {  	_ =	strace s17  }
0x93: {  	s2 =	sld [smem:$0x3FFC];
	_ =	sdelay $0x3  }
0x94: {  	_ =	strace s2  }
0x95: {  	s2 =	sld [smem:$0x3FFD];
	_ =	sdelay $0x3  }
0x96: {  	_ =	strace s2  }
0x97: {  	_ =	strace $0x8FFFFFFF  }
0x98: {  	s18 =	sld [smem:$0x3FDB];
	_ =	sdelay $0x1  }
0x99: {  	s19 =	simm.s32 $_scs_section_size  }
0x9a: {  	s4 =	simm.s32 $_size__tile_overlayer_lowered;
	s5 =	simm.s32 $_tile_overlayer_lowered  }
0x9b: {  	s22 =	simm.s32 $0x1BFF;
	s21 =	sshll.u32 s5, $0x1;
	s2 =	sadd.s32 s19, s18  }
0x9c: {  	s6 =	simm.s32 $0x0;
	s20 =	sshll.u32 s4, $0x1;
	s4 =	sadd.s32 s21, s2  }
0x9d: {  	[timem:s6], [sflag:s22] =	dma.local [hbm:s4], s20  }
0x9e: {  	_ =	swait.ge [sflag:s22], s20  }
0x9f: {  	s3 =	ssub.s32 $0x0, s20;
	[sflag:s22] =	ssyncset.done $0x0  }
0xa0: {  	[sflag:s22] =	ssyncadd.s32 s3;
	_ =	sdelay $0x1  }
0xa1: {  	s23 =	simm.s32 $0x1B8B  }
0xa2: {  	_ =	swait.ge [sflag:s23], $0x1  }
0xa3: {  	[sflag:s23] =	ssyncset.done $0x0  }
0xa4: {  	s25 =	simm.s32 $0x1B8E;
	s24 =	sld [smem:$0x3FFE];
	[sflag:s23] =	ssyncadd.s32 $0xFFFFFFFF  }
0xa5: {  	s26 =	simm.s32 $execute0_lowered;
	[smem:$0x3FD2] =	sst s25  }
0xa6: {  	s4 =	sshll.u32 s26, $0x1;
	_ =	strace $0x80000049;
	[dreg:$0x1] =	wrdreg $0xFFFFFFFF  }
0xa7: {  	s28 =	simm.s32 $_size_execute0_lowered;
	s2 =	sadd.s32 s2, s4;
	[dreg:$0x0] =	wrdreg $0x0  }
0xa8: {  	s4 =	sshll.u32 s28, $0x1;
	[dreg:$0x2] =	wrdreg s2  }
0xa9: {  	[dreg:$0x3] =	wrdreg s4  }
0xaa: {  	[dreg:$0x4] =	wrdreg $0xC0  }
0xab: {  	_ =	task [dreg:s6], $0x5FFFF  }
0xac: {  	[dreg:$0x1] =	wrdreg $0xFFFFFFFF  }
0xad: {  	[dreg:$0x0] =	wrdreg $0x60  }
0xae: {  	[dreg:$0x2] =	wrdreg s24  }
0xaf: {  	[dreg:$0x3] =	wrdreg $0x0  }
0xb0: {  	[dreg:$0x4] =	wrdreg $0x9  }
0xb1: {  	_ =	task.clear_ibuf [dreg:s6], $0x5FFFF;
	_ =	strace $0x90000049  }
0xb2: {  	s29 =	simm.s32 $0x9;
	_ =	strace $0x8000004B  }
0xb3: {  	_ =	swait.ge [sflag:s29], $0x1  }
0xb4: {  	[sflag:s29] =	ssyncadd.s32 $0xFFFFFFFF  }
0xb5: {  	_ =	strace $0x9000004B  }
0xb6: {  	_ =	sfence  }
0xb7: {  	s30 =	sld [smem:$0x0];
	_ =	sdelay $0x2  }
0xb8: {  	s31 =	sshll.u32 s1, $0xD;
	s1 =	sshrl.u32 s1, $0x2  }
0xb9: {  	s3 =	sand.u32 $0x4000, s31;
	s1 =	sadd.s32 s1, s30  }
0xba: {  	s0 =	sor.u32 s3, s0;
	s1 =	sshll.u32 s1, $0x11  }
0xbb: {  	s0 =	sor.u32 s1, s0  }
0xbc: {  	s0 =	sadd.s32 $0x8F2B, s0  }
0xbd: {  	[sflag:s0] =	ssyncadd.remote.s32 $0x1  }
0xbe: {  	_ =	sfence.sel $0xFFFF  }
0xbf: {  	[dreg:$0x0] =	wrdreg $0xFFFFFFFF;
	(pc) =	sbr.abs _section_cstart, $3  }
0xc0: {  	[dreg:$0x1] =	wrdreg $0xFFFFFFFF  }
0xc1: {  	_ =	task.clear_ibuf [dreg:s6], $0x2FFFF;
	_ =	strace $0x9FFFFFFF  }
0xc2: {  	(tm) =	ssettm $0x7FFFFFFF  }
0xc3: {  	_ =	shalt  }
tec
execute0_lowered:
.L_overlay_start_1:
0x0: {  	(tag) =	ssettag $0x1  }
0x1: {  	s0 =	rddreg [dreg:$0x0]  }
0x2: {  	s1 =	rddreg [dreg:$0x1];
	s2 =	simm.s32 $0x0  }
0x3: {  	s13 =	srdreg.scid;
	s4 =	stileid.u32;
	s28 =	simm.s32 $0x2  }
0x4: {  	s29 =	simm.s32 $0x14800;
	s30 =	simm.s32 $0x15780;
	s31 =	simm.s32 $0x15800  }
0x5: {  	[smem:$0x7FF] =	sst s2;
	s3 =	sadd.s32 $0x25C00, s0;
	s5 =	smul.u32 $0x4E000, s4  }
0x6: {  	s2 =	sand.u32 $0x1, s13;
	s7 =	sadd.s32 $0x5C00, s0;
	s15 =	smul.u32 $0x13800, s4  }
0x7: {  	s16 =	sadd.s32 $0x15C00, s0;
	s17 =	sadd.s32 $0x4CE00, s0;
	s20 =	sshll.u32 s4, $0x6  }
0x8: {  	s9 =	sshll.u32 s4, $0xB;
	s22 =	sadd.s32 $0x138000, s1;
	s0 =	sadd.s32 $0x4CC00, s0  }
0x9: {  	p0 =	sne.s32 s4, $0x0;
	_ =	strace $0x8000004A;
	[dreg:$0x5] =	wrdreg s22  }
0xa: {  	s6 =	ssub.s32 $0x2, s2;
	s21 =	sshll.u32 s2, $0xF;
	[dreg:$0x6] =	wrdreg s0  }
0xb: {  	s2 =	smul.u32 $0x138800, s2;
	s22 =	simm.s32 $0x14880;
	s8 =	sshrl.u32 s6, $0x1  }
0xc: {  	s5 =	sshrl.u32 s5, $0x2;
	s14 =	sshrl.u32 s15, $0x3;
	s23 =	sor.u32 s9, s21  }
0xd: {  	s21 =	simm.s32 $0x13880;
	s19 =	ssub.s32 s6, s8;
	s5 =	sadd.s32 s5, s1  }
0xe: {  	s18 =	sadd.s32 s3, s14;
	s6 =	sor.u32 $0x1C03, s20;
	s24 =	sadd.s32 s16, s23  }
0xf: {  	s25 =	sor.u32 $0x200, s23;
	s14 =	sor.u32 $0x400, s23;
	s0 =	sor.u32 $0x600, s23  }
0x10: {  	s26 =	sadd.s32 s15, s2;
	s2 =	sshrl.u32 s2, $0x3;
	[dreg:$0x3] =	wrdreg s5  }
0x11: {  	s20 =	simm.s32 $0x3;
	[dreg:$0x4] =	wrdreg s18;
	s5 =	sadd.s32 s7, s23  }
0x12: {  	[dreg:$0x8] =	wrdreg s24;
	s11 =	sadd.s32 s7, s25;
	s12 =	sadd.s32 s16, s25  }
0x13: {  	s13 =	sadd.s32 s7, s14;
	s14 =	sadd.s32 s16, s14;
	s15 =	sadd.s32 s7, s0  }
0x14: {  	s2 =	sadd.s32 s17, s2;
	s16 =	sadd.s32 s16, s0;
	s19 =	smax.u32 s19, $0x1  }
0x15: {  	s23 =	simm.s32 $0x50;
	s24 =	simm.s32 $0x15880;
	s25 =	simm.s32 $0x18080  }
0x16: {  	s0 =	simm.s32 $0x0;
	[dreg:$0x7] =	wrdreg s5;
	s5 =	sshrl.u32 s26, $0x3  }
0x17: {  	s18 =	sadd.s32 $0x27000, s2;
	s26 =	simm.s32 $0x1;
	s17 =	sadd.s32 s17, s5  }
.LBB2_1:
0x18: {  	s2 =	rddreg [dreg:$0x3]  }
0x19: {  	s4 =	rddreg [dreg:$0x4];
	s2 =	sshrl.u32 s2, $0x3  }
0x1a: {  	[spmem:s2], [sflag:s6] =	dma.local [hbm:s4], $0x2700  }
0x1b: {  	_ =	swait.ge [sflag:s20], $0x2700  }
0x1c: {  	[sflag:s20] =	ssyncset.done $0x0;
	s4 =	rddreg [dreg:$0x5]  }
0x1d: {  	s5 =	rddreg [dreg:$0x6];
	[sflag:s20] =	ssyncadd.s32 $0xFFFFD900;
	s4 =	sshrl.u32 @!p0 s4, $0x3  }
0x1e: {  	[spmem:s4], [sflag:s6] =	dma.local @!p0 [hbm:s5], $0x100  }
0x1f: {  	s5 =	simm.s32 @!p0 $0x3  }
0x20: {  	_ =	swait.ge @!p0 [sflag:s5], $0x100  }
0x21: {  	[sflag:s5] =	ssyncset.done @!p0 $0x0  }
0x22: {  	[sflag:s5] =	ssyncadd.s32 @!p0 $0xFFFFFF00  }
0x23: {  	[bflag:$0x0] =	sbarrier.arrive $0xFFFF  }
0x24: {  	s9 =	simm.s32 $0x0;
	s7 =	rddreg [dreg:$0x7]  }
0x25: {  	[tilespmem:s21], [sflag:$0x3] =	stream.linear.gather [hbm4b:s7+s9], $0x1000, $0x38;
	[tilespmem:$0x1A880] =	vst v63  }
0x26: {  	_ =	swait.ge [sflag:s20], $0x1000  }
0x27: {  	[sflag:s20] =	ssyncset.done $0x0  }
0x28: {  	s10 =	rddreg [dreg:$0x8];
	[sflag:s20] =	ssyncadd.s32 $0xFFFFF000  }
0x29: {  	[tilespmem:s22], [sflag:$0x3] =	stream.linear.gather [hbm4b:s10+s9], $0x1000, $0x38;
	[tilespmem:$0x1A880] =	vst v63  }
0x2a: {  	_ =	swait.ge [sflag:s20], $0x1000  }
0x2b: {  	[sflag:s20] =	ssyncset.done $0x0  }
0x2c: {  	[sflag:s20] =	ssyncadd.s32 $0xFFFFF000  }
0x2d: {  	[tilespmem:s24], [sflag:$0x1] =	stream.indirect.gather [hbm4b:s3+s23], $0x80, s21, s23, $0xb8;
	[tilespmem:$0x1A880] =	vst v63  }
0x2e: {  	s7 =	simm.s32 $0x13900  }
0x2f: {  	[tilespmem:s25], [sflag:$0x2] =	stream.indirect.gather [hbm4b:s3+s23], $0x80, s7, s23, $0xb8;
	[tilespmem:$0x1A880] =	vst v63  }
0x30: {  	_ =	swait.ge [sflag:s26], $0x2800  }
0x31: {  	[sflag:s26] =	ssyncset.done $0x0  }
0x32: {  	s8 =	simm.s32 $0x14880;
	[sflag:s26] =	ssyncadd.s32 $0xFFFFD800  }
0x33: {  	[spmem:s1] =	stream.indirect.scatter.add.f32 [tilespmem:s24], [sflag:$0x3], $0x80, s8, s23, $0xb8;
	[tilespmem:$0x1A880] =	vst v63  }
0x34: {  	_ =	swait.ge [sflag:s20], $0x2800  }
0x35: {  	[sflag:s20] =	ssyncset.done $0x0  }
0x36: {  	s9 =	simm.s32 $0x13980;
	[sflag:s20] =	ssyncadd.s32 $0xFFFFD800  }
0x37: {  	[tilespmem:s24], [sflag:$0x1] =	stream.indirect.gather [hbm4b:s3+s23], $0x80, s9, s23, $0xb8;
	[tilespmem:$0x1A880] =	vst v63  }
0x38: {  	_ =	swait.ge [sflag:s28], $0x2800  }
0x39: {  	[sflag:s28] =	ssyncset.done $0x0  }
0x3a: {  	s10 =	simm.s32 $0x14900;
	[sflag:s28] =	ssyncadd.s32 $0xFFFFD800  }
0x3b: {  	[spmem:s1] =	stream.indirect.scatter.add.f32 [tilespmem:s25], [sflag:$0x3], $0x80, s10, s23, $0xb8;
	[tilespmem:$0x1A880] =	vst v63  }
0x3c: {  	_ =	swait.ge [sflag:s20], $0x2800  }
0x3d: {  	s5 =	simm.s32 $0x100;
	s7 =	simm.s32 $0x800;
	[sflag:s20] =	ssyncset.done $0x0  }
.LBB2_2:
0x3e: {  	s8 =	sadd.s32 $0x13900, s5  }
0x3f: {  	[sflag:s20] =	ssyncadd.s32 $0xFFFFD800;
	s9 =	smov.u32 s7;
	s10 =	sadd.s32 $0x400, s7  }
0x40: {  	[tilespmem:s25], [sflag:$0x2] =	stream.indirect.gather [hbm4b:s3+s23], $0x80, s8, s23, $0xb8;
	[tilespmem:$0x1A880] =	vst v63  }
0x41: {  	p1 =	sne.s32 s7, $0x3800;
	_ =	swait.ge [sflag:s26], $0x2800  }
0x42: {  	[sflag:s26] =	ssyncset.done $0x0  }
0x43: {  	s7 =	sadd.s32 $0x14880, s5;
	[sflag:s26] =	ssyncadd.s32 $0xFFFFD800  }
0x44: {  	[spmem:s1] =	stream.indirect.scatter.add.f32 [tilespmem:s24], [sflag:$0x3], $0x80, s7, s23, $0xb8;
	[tilespmem:$0x1A880] =	vst v63  }
0x45: {  	_ =	swait.ge [sflag:s20], $0x2800  }
0x46: {  	[sflag:s20] =	ssyncset.done $0x0  }
0x47: {  	s7 =	sadd.s32 $0x13980, s5;
	[sflag:s20] =	ssyncadd.s32 $0xFFFFD800  }
0x48: {  	[tilespmem:s24], [sflag:$0x1] =	stream.indirect.gather [hbm4b:s3+s23], $0x80, s7, s23, $0xb8;
	[tilespmem:$0x1A880] =	vst v63  }
0x49: {  	_ =	swait.ge [sflag:s28], $0x2800  }
.Ltmp0:
0x4a: {  	[sflag:s28] =	ssyncset.done $0x0;
	(pc) =	sbr.rel @p1 .LBB2_2-.Ltmp0, $4  }
0x4b: {  	s5 =	sadd.s32 $0x14900, s5;
	[sflag:s28] =	ssyncadd.s32 $0xFFFFD800  }
0x4c: {  	[spmem:s1] =	stream.indirect.scatter.add.f32 [tilespmem:s25], [sflag:$0x3], $0x80, s5, s23, $0xb8;
	[tilespmem:$0x1A880] =	vst v63  }
0x4d: {  	_ =	swait.ge [sflag:s20], $0x2800  }
0x4e: {  	s7 =	smov.u32 s10;
	s5 =	sshra.s32 s9, $0x2;
	[sflag:s20] =	ssyncset.done $0x0  }
0x4f: {  	s7 =	sadd.s32 $0x13900, s5;
	[sflag:s20] =	ssyncadd.s32 $0xFFFFD800  }
0x50: {  	[tilespmem:s25], [sflag:$0x2] =	stream.indirect.gather [hbm4b:s3+s23], $0x80, s7, s23, $0xb8;
	[tilespmem:$0x1A880] =	vst v63  }
0x51: {  	_ =	swait.ge [sflag:s26], $0x2800  }
0x52: {  	[sflag:s26] =	ssyncset.done $0x0  }
0x53: {  	s10 =	sadd.s32 $0x14880, s5;
	[sflag:s26] =	ssyncadd.s32 $0xFFFFD800  }
0x54: {  	[spmem:s1] =	stream.indirect.scatter.add.f32 [tilespmem:s24], [sflag:$0x3], $0x80, s10, s23, $0xb8;
	[tilespmem:$0x1A880] =	vst v63  }
0x55: {  	_ =	swait.ge [sflag:s20], $0x2800  }
0x56: {  	[sflag:s20] =	ssyncset.done $0x0  }
0x57: {  	s8 =	sadd.s32 $0x13980, s5;
	[sflag:s20] =	ssyncadd.s32 $0xFFFFD800  }
0x58: {  	[tilespmem:s24], [sflag:$0x1] =	stream.indirect.gather [hbm4b:s3+s23], $0x80, s8, s23, $0xb8;
	[tilespmem:$0x1A880] =	vst v63  }
0x59: {  	_ =	swait.ge [sflag:s28], $0x2800  }
0x5a: {  	[sflag:s28] =	ssyncset.done $0x0  }
0x5b: {  	s9 =	sadd.s32 $0x14900, s5;
	[sflag:s28] =	ssyncadd.s32 $0xFFFFD800  }
0x5c: {  	[spmem:s1] =	stream.indirect.scatter.add.f32 [tilespmem:s25], [sflag:$0x3], $0x80, s9, s23, $0xb8;
	[tilespmem:$0x1A880] =	vst v63  }
0x5d: {  	_ =	swait.ge [sflag:s20], $0x2800  }
0x5e: {  	[sflag:s20] =	ssyncset.done $0x0  }
0x5f: {  	[sflag:s20] =	ssyncadd.s32 $0xFFFFD800  }
0x60: {  	[tilespmem:s25], [sflag:$0x2] =	stream.indirect.gather [hbm4b:s3+s23], $0x80, s29, s23, $0xb8;
	[tilespmem:$0x1A880] =	vst v63  }
0x61: {  	_ =	swait.ge [sflag:s26], $0x2800  }
0x62: {  	[sflag:s26] =	ssyncset.done $0x0  }
0x63: {  	[sflag:s26] =	ssyncadd.s32 $0xFFFFD800  }
0x64: {  	[spmem:s1] =	stream.indirect.scatter.add.f32 [tilespmem:s24], [sflag:$0x3], $0x80, s30, s23, $0xb8;
	[tilespmem:$0x1A880] =	vst v63  }
0x65: {  	_ =	swait.ge [sflag:s20], $0x2800  }
0x66: {  	[sflag:s20] =	ssyncset.done $0x0  }
0x67: {  	[sflag:s20] =	ssyncadd.s32 $0xFFFFD800  }
0x68: {  	_ =	swait.ge [sflag:s28], $0x2800  }
0x69: {  	[sflag:s28] =	ssyncset.done $0x0  }
0x6a: {  	[sflag:s28] =	ssyncadd.s32 $0xFFFFD800  }
0x6b: {  	[spmem:s1] =	stream.indirect.scatter.add.f32 [tilespmem:s25], [sflag:$0x3], $0x80, s31, s23, $0xb8;
	[tilespmem:$0x1A880] =	vst v63  }
0x6c: {  	_ =	swait.ge [sflag:s20], $0x2800  }
0x6d: {  	[sflag:s20] =	ssyncset.done $0x0  }
0x6e: {  	s10 =	simm.s32 $0x0;
	[sflag:s20] =	ssyncadd.s32 $0xFFFFD800  }
0x6f: {  	[tilespmem:s21], [sflag:$0x3] =	stream.linear.gather [hbm4b:s11+s10], $0x1000, $0x38;
	[tilespmem:$0x1A880] =	vst v63  }
0x70: {  	_ =	swait.ge [sflag:s20], $0x1000  }
0x71: {  	[sflag:s20] =	ssyncset.done $0x0  }
0x72: {  	[sflag:s20] =	ssyncadd.s32 $0xFFFFF000  }
0x73: {  	[tilespmem:s22], [sflag:$0x3] =	stream.linear.gather [hbm4b:s12+s10], $0x1000, $0x38;
	[tilespmem:$0x1A880] =	vst v63  }
0x74: {  	_ =	swait.ge [sflag:s20], $0x1000  }
0x75: {  	[sflag:s20] =	ssyncset.done $0x0  }
0x76: {  	[sflag:s20] =	ssyncadd.s32 $0xFFFFF000  }
0x77: {  	[tilespmem:s24], [sflag:$0x1] =	stream.indirect.gather [hbm4b:s3+s23], $0x80, s21, s23, $0xb8;
	[tilespmem:$0x1A880] =	vst v63  }
0x78: {  	s7 =	simm.s32 $0x13900  }
0x79: {  	[tilespmem:s25], [sflag:$0x2] =	stream.indirect.gather [hbm4b:s3+s23], $0x80, s7, s23, $0xb8;
	[tilespmem:$0x1A880] =	vst v63  }
0x7a: {  	_ =	swait.ge [sflag:s26], $0x2800  }
0x7b: {  	[sflag:s26] =	ssyncset.done $0x0  }
0x7c: {  	s8 =	simm.s32 $0x14880;
	[sflag:s26] =	ssyncadd.s32 $0xFFFFD800  }
0x7d: {  	[spmem:s1] =	stream.indirect.scatter.add.f32 [tilespmem:s24], [sflag:$0x3], $0x80, s8, s23, $0xb8;
	[tilespmem:$0x1A880] =	vst v63  }
0x7e: {  	_ =	swait.ge [sflag:s20], $0x2800  }
0x7f: {  	[sflag:s20] =	ssyncset.done $0x0  }
0x80: {  	s9 =	simm.s32 $0x13980;
	[sflag:s20] =	ssyncadd.s32 $0xFFFFD800  }
0x81: {  	[tilespmem:s24], [sflag:$0x1] =	stream.indirect.gather [hbm4b:s3+s23], $0x80, s9, s23, $0xb8;
	[tilespmem:$0x1A880] =	vst v63  }
0x82: {  	_ =	swait.ge [sflag:s28], $0x2800  }
0x83: {  	[sflag:s28] =	ssyncset.done $0x0  }
0x84: {  	s10 =	simm.s32 $0x14900;
	[sflag:s28] =	ssyncadd.s32 $0xFFFFD800  }
0x85: {  	[spmem:s1] =	stream.indirect.scatter.add.f32 [tilespmem:s25], [sflag:$0x3], $0x80, s10, s23, $0xb8;
	[tilespmem:$0x1A880] =	vst v63  }
0x86: {  	_ =	swait.ge [sflag:s20], $0x2800  }
0x87: {  	s5 =	simm.s32 $0x100;
	s7 =	simm.s32 $0x800;
	[sflag:s20] =	ssyncset.done $0x0  }
.LBB2_4:
0x88: {  	s8 =	sadd.s32 $0x13900, s5  }
0x89: {  	[sflag:s20] =	ssyncadd.s32 $0xFFFFD800;
	s9 =	smov.u32 s7;
	s10 =	sadd.s32 $0x400, s7  }
0x8a: {  	[tilespmem:s25], [sflag:$0x2] =	stream.indirect.gather [hbm4b:s3+s23], $0x80, s8, s23, $0xb8;
	[tilespmem:$0x1A880] =	vst v63  }
0x8b: {  	p1 =	sne.s32 s7, $0x3800;
	_ =	swait.ge [sflag:s26], $0x2800  }
0x8c: {  	[sflag:s26] =	ssyncset.done $0x0  }
0x8d: {  	s7 =	sadd.s32 $0x14880, s5;
	[sflag:s26] =	ssyncadd.s32 $0xFFFFD800  }
0x8e: {  	[spmem:s1] =	stream.indirect.scatter.add.f32 [tilespmem:s24], [sflag:$0x3], $0x80, s7, s23, $0xb8;
	[tilespmem:$0x1A880] =	vst v63  }
0x8f: {  	_ =	swait.ge [sflag:s20], $0x2800  }
0x90: {  	[sflag:s20] =	ssyncset.done $0x0  }
0x91: {  	s7 =	sadd.s32 $0x13980, s5;
	[sflag:s20] =	ssyncadd.s32 $0xFFFFD800  }
0x92: {  	[tilespmem:s24], [sflag:$0x1] =	stream.indirect.gather [hbm4b:s3+s23], $0x80, s7, s23, $0xb8;
	[tilespmem:$0x1A880] =	vst v63  }
0x93: {  	_ =	swait.ge [sflag:s28], $0x2800  }
.Ltmp1:
0x94: {  	[sflag:s28] =	ssyncset.done $0x0;
	(pc) =	sbr.rel @p1 .LBB2_4-.Ltmp1, $4  }
0x95: {  	s5 =	sadd.s32 $0x14900, s5;
	[sflag:s28] =	ssyncadd.s32 $0xFFFFD800  }
0x96: {  	[spmem:s1] =	stream.indirect.scatter.add.f32 [tilespmem:s25], [sflag:$0x3], $0x80, s5, s23, $0xb8;
	[tilespmem:$0x1A880] =	vst v63  }
0x97: {  	_ =	swait.ge [sflag:s20], $0x2800  }
0x98: {  	s7 =	smov.u32 s10;
	s5 =	sshra.s32 s9, $0x2;
	[sflag:s20] =	ssyncset.done $0x0  }
0x99: {  	s7 =	sadd.s32 $0x13900, s5;
	[sflag:s20] =	ssyncadd.s32 $0xFFFFD800  }
0x9a: {  	[tilespmem:s25], [sflag:$0x2] =	stream.indirect.gather [hbm4b:s3+s23], $0x80, s7, s23, $0xb8;
	[tilespmem:$0x1A880] =	vst v63  }
0x9b: {  	_ =	swait.ge [sflag:s26], $0x2800  }
0x9c: {  	[sflag:s26] =	ssyncset.done $0x0  }
0x9d: {  	s10 =	sadd.s32 $0x14880, s5;
	[sflag:s26] =	ssyncadd.s32 $0xFFFFD800  }
0x9e: {  	[spmem:s1] =	stream.indirect.scatter.add.f32 [tilespmem:s24], [sflag:$0x3], $0x80, s10, s23, $0xb8;
	[tilespmem:$0x1A880] =	vst v63  }
0x9f: {  	_ =	swait.ge [sflag:s20], $0x2800  }
0xa0: {  	[sflag:s20] =	ssyncset.done $0x0  }
0xa1: {  	s8 =	sadd.s32 $0x13980, s5;
	[sflag:s20] =	ssyncadd.s32 $0xFFFFD800  }
0xa2: {  	[tilespmem:s24], [sflag:$0x1] =	stream.indirect.gather [hbm4b:s3+s23], $0x80, s8, s23, $0xb8;
	[tilespmem:$0x1A880] =	vst v63  }
0xa3: {  	_ =	swait.ge [sflag:s28], $0x2800  }
0xa4: {  	[sflag:s28] =	ssyncset.done $0x0  }
0xa5: {  	s9 =	sadd.s32 $0x14900, s5;
	[sflag:s28] =	ssyncadd.s32 $0xFFFFD800  }
0xa6: {  	[spmem:s1] =	stream.indirect.scatter.add.f32 [tilespmem:s25], [sflag:$0x3], $0x80, s9, s23, $0xb8;
	[tilespmem:$0x1A880] =	vst v63  }
0xa7: {  	_ =	swait.ge [sflag:s20], $0x2800  }
0xa8: {  	[sflag:s20] =	ssyncset.done $0x0  }
0xa9: {  	[sflag:s20] =	ssyncadd.s32 $0xFFFFD800  }
0xaa: {  	[tilespmem:s25], [sflag:$0x2] =	stream.indirect.gather [hbm4b:s3+s23], $0x80, s29, s23, $0xb8;
	[tilespmem:$0x1A880] =	vst v63  }
0xab: {  	_ =	swait.ge [sflag:s26], $0x2800  }
0xac: {  	[sflag:s26] =	ssyncset.done $0x0  }
0xad: {  	[sflag:s26] =	ssyncadd.s32 $0xFFFFD800  }
0xae: {  	[spmem:s1] =	stream.indirect.scatter.add.f32 [tilespmem:s24], [sflag:$0x3], $0x80, s30, s23, $0xb8;
	[tilespmem:$0x1A880] =	vst v63  }
0xaf: {  	_ =	swait.ge [sflag:s20], $0x2800  }
0xb0: {  	[sflag:s20] =	ssyncset.done $0x0  }
0xb1: {  	[sflag:s20] =	ssyncadd.s32 $0xFFFFD800  }
0xb2: {  	_ =	swait.ge [sflag:s28], $0x2800  }
0xb3: {  	[sflag:s28] =	ssyncset.done $0x0  }
0xb4: {  	[sflag:s28] =	ssyncadd.s32 $0xFFFFD800  }
0xb5: {  	[spmem:s1] =	stream.indirect.scatter.add.f32 [tilespmem:s25], [sflag:$0x3], $0x80, s31, s23, $0xb8;
	[tilespmem:$0x1A880] =	vst v63  }
0xb6: {  	_ =	swait.ge [sflag:s20], $0x2800  }
0xb7: {  	[sflag:s20] =	ssyncset.done $0x0  }
0xb8: {  	s10 =	simm.s32 $0x0;
	[sflag:s20] =	ssyncadd.s32 $0xFFFFD800  }
0xb9: {  	[tilespmem:s21], [sflag:$0x3] =	stream.linear.gather [hbm4b:s13+s10], $0x1000, $0x38;
	[tilespmem:$0x1A880] =	vst v63  }
0xba: {  	_ =	swait.ge [sflag:s20], $0x1000  }
0xbb: {  	[sflag:s20] =	ssyncset.done $0x0  }
0xbc: {  	[sflag:s20] =	ssyncadd.s32 $0xFFFFF000  }
0xbd: {  	[tilespmem:s22], [sflag:$0x3] =	stream.linear.gather [hbm4b:s14+s10], $0x1000, $0x38;
	[tilespmem:$0x1A880] =	vst v63  }
0xbe: {  	_ =	swait.ge [sflag:s20], $0x1000  }
0xbf: {  	[sflag:s20] =	ssyncset.done $0x0  }
0xc0: {  	[sflag:s20] =	ssyncadd.s32 $0xFFFFF000  }
0xc1: {  	[tilespmem:s24], [sflag:$0x1] =	stream.indirect.gather [hbm4b:s3+s23], $0x80, s21, s23, $0xb8;
	[tilespmem:$0x1A880] =	vst v63  }
0xc2: {  	s7 =	simm.s32 $0x13900  }
0xc3: {  	[tilespmem:s25], [sflag:$0x2] =	stream.indirect.gather [hbm4b:s3+s23], $0x80, s7, s23, $0xb8;
	[tilespmem:$0x1A880] =	vst v63  }
0xc4: {  	_ =	swait.ge [sflag:s26], $0x2800  }
0xc5: {  	[sflag:s26] =	ssyncset.done $0x0  }
0xc6: {  	s8 =	simm.s32 $0x14880;
	[sflag:s26] =	ssyncadd.s32 $0xFFFFD800  }
0xc7: {  	[spmem:s1] =	stream.indirect.scatter.add.f32 [tilespmem:s24], [sflag:$0x3], $0x80, s8, s23, $0xb8;
	[tilespmem:$0x1A880] =	vst v63  }
0xc8: {  	_ =	swait.ge [sflag:s20], $0x2800  }
0xc9: {  	[sflag:s20] =	ssyncset.done $0x0  }
0xca: {  	s9 =	simm.s32 $0x13980;
	[sflag:s20] =	ssyncadd.s32 $0xFFFFD800  }
0xcb: {  	[tilespmem:s24], [sflag:$0x1] =	stream.indirect.gather [hbm4b:s3+s23], $0x80, s9, s23, $0xb8;
	[tilespmem:$0x1A880] =	vst v63  }
0xcc: {  	_ =	swait.ge [sflag:s28], $0x2800  }
0xcd: {  	[sflag:s28] =	ssyncset.done $0x0  }
0xce: {  	s10 =	simm.s32 $0x14900;
	[sflag:s28] =	ssyncadd.s32 $0xFFFFD800  }
0xcf: {  	[spmem:s1] =	stream.indirect.scatter.add.f32 [tilespmem:s25], [sflag:$0x3], $0x80, s10, s23, $0xb8;
	[tilespmem:$0x1A880] =	vst v63  }
0xd0: {  	_ =	swait.ge [sflag:s20], $0x2800  }
0xd1: {  	s5 =	simm.s32 $0x100;
	s7 =	simm.s32 $0x800;
	[sflag:s20] =	ssyncset.done $0x0  }
.LBB2_6:
0xd2: {  	s8 =	sadd.s32 $0x13900, s5  }
0xd3: {  	[sflag:s20] =	ssyncadd.s32 $0xFFFFD800;
	s9 =	smov.u32 s7;
	s10 =	sadd.s32 $0x400, s7  }
0xd4: {  	[tilespmem:s25], [sflag:$0x2] =	stream.indirect.gather [hbm4b:s3+s23], $0x80, s8, s23, $0xb8;
	[tilespmem:$0x1A880] =	vst v63  }
0xd5: {  	p1 =	sne.s32 s7, $0x3800;
	_ =	swait.ge [sflag:s26], $0x2800  }
0xd6: {  	[sflag:s26] =	ssyncset.done $0x0  }
0xd7: {  	s7 =	sadd.s32 $0x14880, s5;
	[sflag:s26] =	ssyncadd.s32 $0xFFFFD800  }
0xd8: {  	[spmem:s1] =	stream.indirect.scatter.add.f32 [tilespmem:s24], [sflag:$0x3], $0x80, s7, s23, $0xb8;
	[tilespmem:$0x1A880] =	vst v63  }
0xd9: {  	_ =	swait.ge [sflag:s20], $0x2800  }
0xda: {  	[sflag:s20] =	ssyncset.done $0x0  }
0xdb: {  	s7 =	sadd.s32 $0x13980, s5;
	[sflag:s20] =	ssyncadd.s32 $0xFFFFD800  }
0xdc: {  	[tilespmem:s24], [sflag:$0x1] =	stream.indirect.gather [hbm4b:s3+s23], $0x80, s7, s23, $0xb8;
	[tilespmem:$0x1A880] =	vst v63  }
0xdd: {  	_ =	swait.ge [sflag:s28], $0x2800  }
.Ltmp2:
0xde: {  	[sflag:s28] =	ssyncset.done $0x0;
	(pc) =	sbr.rel @p1 .LBB2_6-.Ltmp2, $4  }
0xdf: {  	s5 =	sadd.s32 $0x14900, s5;
	[sflag:s28] =	ssyncadd.s32 $0xFFFFD800  }
0xe0: {  	[spmem:s1] =	stream.indirect.scatter.add.f32 [tilespmem:s25], [sflag:$0x3], $0x80, s5, s23, $0xb8;
	[tilespmem:$0x1A880] =	vst v63  }
0xe1: {  	_ =	swait.ge [sflag:s20], $0x2800  }
0xe2: {  	s7 =	smov.u32 s10;
	s5 =	sshra.s32 s9, $0x2;
	[sflag:s20] =	ssyncset.done $0x0  }
0xe3: {  	s7 =	sadd.s32 $0x13900, s5;
	[sflag:s20] =	ssyncadd.s32 $0xFFFFD800  }
0xe4: {  	[tilespmem:s25], [sflag:$0x2] =	stream.indirect.gather [hbm4b:s3+s23], $0x80, s7, s23, $0xb8;
	[tilespmem:$0x1A880] =	vst v63  }
0xe5: {  	_ =	swait.ge [sflag:s26], $0x2800  }
0xe6: {  	[sflag:s26] =	ssyncset.done $0x0  }
0xe7: {  	s10 =	sadd.s32 $0x14880, s5;
	[sflag:s26] =	ssyncadd.s32 $0xFFFFD800  }
0xe8: {  	[spmem:s1] =	stream.indirect.scatter.add.f32 [tilespmem:s24], [sflag:$0x3], $0x80, s10, s23, $0xb8;
	[tilespmem:$0x1A880] =	vst v63  }
0xe9: {  	_ =	swait.ge [sflag:s20], $0x2800  }
0xea: {  	[sflag:s20] =	ssyncset.done $0x0  }
0xeb: {  	s8 =	sadd.s32 $0x13980, s5;
	[sflag:s20] =	ssyncadd.s32 $0xFFFFD800  }
0xec: {  	[tilespmem:s24], [sflag:$0x1] =	stream.indirect.gather [hbm4b:s3+s23], $0x80, s8, s23, $0xb8;
	[tilespmem:$0x1A880] =	vst v63  }
0xed: {  	_ =	swait.ge [sflag:s28], $0x2800  }
0xee: {  	[sflag:s28] =	ssyncset.done $0x0  }
0xef: {  	s9 =	sadd.s32 $0x14900, s5;
	[sflag:s28] =	ssyncadd.s32 $0xFFFFD800  }
0xf0: {  	[spmem:s1] =	stream.indirect.scatter.add.f32 [tilespmem:s25], [sflag:$0x3], $0x80, s9, s23, $0xb8;
	[tilespmem:$0x1A880] =	vst v63  }
0xf1: {  	_ =	swait.ge [sflag:s20], $0x2800  }
0xf2: {  	[sflag:s20] =	ssyncset.done $0x0  }
0xf3: {  	[sflag:s20] =	ssyncadd.s32 $0xFFFFD800  }
0xf4: {  	[tilespmem:s25], [sflag:$0x2] =	stream.indirect.gather [hbm4b:s3+s23], $0x80, s29, s23, $0xb8;
	[tilespmem:$0x1A880] =	vst v63  }
0xf5: {  	_ =	swait.ge [sflag:s26], $0x2800  }
0xf6: {  	[sflag:s26] =	ssyncset.done $0x0  }
0xf7: {  	[sflag:s26] =	ssyncadd.s32 $0xFFFFD800  }
0xf8: {  	[spmem:s1] =	stream.indirect.scatter.add.f32 [tilespmem:s24], [sflag:$0x3], $0x80, s30, s23, $0xb8;
	[tilespmem:$0x1A880] =	vst v63  }
0xf9: {  	_ =	swait.ge [sflag:s20], $0x2800  }
0xfa: {  	[sflag:s20] =	ssyncset.done $0x0  }
0xfb: {  	[sflag:s20] =	ssyncadd.s32 $0xFFFFD800  }
0xfc: {  	_ =	swait.ge [sflag:s28], $0x2800  }
0xfd: {  	[sflag:s28] =	ssyncset.done $0x0  }
0xfe: {  	[sflag:s28] =	ssyncadd.s32 $0xFFFFD800  }
0xff: {  	[spmem:s1] =	stream.indirect.scatter.add.f32 [tilespmem:s25], [sflag:$0x3], $0x80, s31, s23, $0xb8;
	[tilespmem:$0x1A880] =	vst v63  }
0x100: {  	_ =	swait.ge [sflag:s20], $0x2800  }
0x101: {  	[sflag:s20] =	ssyncset.done $0x0  }
0x102: {  	s10 =	simm.s32 $0x0;
	[sflag:s20] =	ssyncadd.s32 $0xFFFFD800  }
0x103: {  	[tilespmem:s21], [sflag:$0x3] =	stream.linear.gather [hbm4b:s15+s10], $0xE80, $0x38;
	[tilespmem:$0x1A880] =	vst v63  }
0x104: {  	_ =	swait.ge [sflag:s20], $0xE80  }
0x105: {  	[sflag:s20] =	ssyncset.done $0x0  }
0x106: {  	[sflag:s20] =	ssyncadd.s32 $0xFFFFF180  }
0x107: {  	[tilespmem:s22], [sflag:$0x3] =	stream.linear.gather [hbm4b:s16+s10], $0xE80, $0x38;
	[tilespmem:$0x1A880] =	vst v63  }
0x108: {  	_ =	swait.ge [sflag:s20], $0xE80  }
0x109: {  	[sflag:s20] =	ssyncset.done $0x0  }
0x10a: {  	[sflag:s20] =	ssyncadd.s32 $0xFFFFF180  }
0x10b: {  	[tilespmem:s24], [sflag:$0x1] =	stream.indirect.gather [hbm4b:s3+s23], $0x80, s21, s23, $0xb8;
	[tilespmem:$0x1A880] =	vst v63  }
0x10c: {  	s7 =	simm.s32 $0x13900  }
0x10d: {  	[tilespmem:s25], [sflag:$0x2] =	stream.indirect.gather [hbm4b:s3+s23], $0x80, s7, s23, $0xb8;
	[tilespmem:$0x1A880] =	vst v63  }
0x10e: {  	_ =	swait.ge [sflag:s26], $0x2800  }
0x10f: {  	[sflag:s26] =	ssyncset.done $0x0  }
0x110: {  	s8 =	simm.s32 $0x14880;
	[sflag:s26] =	ssyncadd.s32 $0xFFFFD800  }
0x111: {  	[spmem:s1] =	stream.indirect.scatter.add.f32 [tilespmem:s24], [sflag:$0x3], $0x80, s8, s23, $0xb8;
	[tilespmem:$0x1A880] =	vst v63  }
0x112: {  	_ =	swait.ge [sflag:s20], $0x2800  }
0x113: {  	[sflag:s20] =	ssyncset.done $0x0  }
0x114: {  	s9 =	simm.s32 $0x13980;
	[sflag:s20] =	ssyncadd.s32 $0xFFFFD800  }
0x115: {  	[tilespmem:s24], [sflag:$0x1] =	stream.indirect.gather [hbm4b:s3+s23], $0x80, s9, s23, $0xb8;
	[tilespmem:$0x1A880] =	vst v63  }
0x116: {  	_ =	swait.ge [sflag:s28], $0x2800  }
0x117: {  	[sflag:s28] =	ssyncset.done $0x0  }
0x118: {  	s10 =	simm.s32 $0x14900;
	[sflag:s28] =	ssyncadd.s32 $0xFFFFD800  }
0x119: {  	[spmem:s1] =	stream.indirect.scatter.add.f32 [tilespmem:s25], [sflag:$0x3], $0x80, s10, s23, $0xb8;
	[tilespmem:$0x1A880] =	vst v63  }
0x11a: {  	_ =	swait.ge [sflag:s20], $0x2800  }
0x11b: {  	s5 =	simm.s32 $0x100;
	s7 =	simm.s32 $0x800;
	[sflag:s20] =	ssyncset.done $0x0  }
.LBB2_8:
0x11c: {  	s8 =	sadd.s32 $0x13900, s5  }
0x11d: {  	[sflag:s20] =	ssyncadd.s32 $0xFFFFD800;
	s9 =	smov.u32 s7;
	s10 =	sadd.s32 $0x400, s7  }
0x11e: {  	[tilespmem:s25], [sflag:$0x2] =	stream.indirect.gather [hbm4b:s3+s23], $0x80, s8, s23, $0xb8;
	[tilespmem:$0x1A880] =	vst v63  }
0x11f: {  	p1 =	sne.s32 s7, $0x3400;
	_ =	swait.ge [sflag:s26], $0x2800  }
0x120: {  	[sflag:s26] =	ssyncset.done $0x0  }
0x121: {  	s7 =	sadd.s32 $0x14880, s5;
	[sflag:s26] =	ssyncadd.s32 $0xFFFFD800  }
0x122: {  	[spmem:s1] =	stream.indirect.scatter.add.f32 [tilespmem:s24], [sflag:$0x3], $0x80, s7, s23, $0xb8;
	[tilespmem:$0x1A880] =	vst v63  }
0x123: {  	_ =	swait.ge [sflag:s20], $0x2800  }
0x124: {  	[sflag:s20] =	ssyncset.done $0x0  }
0x125: {  	s7 =	sadd.s32 $0x13980, s5;
	[sflag:s20] =	ssyncadd.s32 $0xFFFFD800  }
0x126: {  	[tilespmem:s24], [sflag:$0x1] =	stream.indirect.gather [hbm4b:s3+s23], $0x80, s7, s23, $0xb8;
	[tilespmem:$0x1A880] =	vst v63  }
0x127: {  	_ =	swait.ge [sflag:s28], $0x2800  }
.Ltmp3:
0x128: {  	[sflag:s28] =	ssyncset.done $0x0;
	(pc) =	sbr.rel @p1 .LBB2_8-.Ltmp3, $4  }
0x129: {  	s5 =	sadd.s32 $0x14900, s5;
	[sflag:s28] =	ssyncadd.s32 $0xFFFFD800  }
0x12a: {  	[spmem:s1] =	stream.indirect.scatter.add.f32 [tilespmem:s25], [sflag:$0x3], $0x80, s5, s23, $0xb8;
	[tilespmem:$0x1A880] =	vst v63  }
0x12b: {  	_ =	swait.ge [sflag:s20], $0x2800  }
0x12c: {  	s7 =	smov.u32 s10;
	s5 =	sshra.s32 s9, $0x2;
	[sflag:s20] =	ssyncset.done $0x0  }
0x12d: {  	s7 =	sadd.s32 $0x13900, s5;
	[sflag:s20] =	ssyncadd.s32 $0xFFFFD800  }
0x12e: {  	[tilespmem:s25], [sflag:$0x2] =	stream.indirect.gather [hbm4b:s3+s23], $0x80, s7, s23, $0xb8;
	[tilespmem:$0x1A880] =	vst v63  }
0x12f: {  	_ =	swait.ge [sflag:s26], $0x2800  }
0x130: {  	[sflag:s26] =	ssyncset.done $0x0  }
0x131: {  	s10 =	sadd.s32 $0x14880, s5;
	[sflag:s26] =	ssyncadd.s32 $0xFFFFD800  }
0x132: {  	[spmem:s1] =	stream.indirect.scatter.add.f32 [tilespmem:s24], [sflag:$0x3], $0x80, s10, s23, $0xb8;
	[tilespmem:$0x1A880] =	vst v63  }
0x133: {  	_ =	swait.ge [sflag:s20], $0x2800  }
0x134: {  	[sflag:s20] =	ssyncset.done $0x0  }
0x135: {  	s8 =	sadd.s32 $0x13980, s5;
	[sflag:s20] =	ssyncadd.s32 $0xFFFFD800  }
0x136: {  	[tilespmem:s24], [sflag:$0x1] =	stream.indirect.gather [hbm4b:s3+s23], $0x80, s8, s23, $0xb8;
	[tilespmem:$0x1A880] =	vst v63  }
0x137: {  	_ =	swait.ge [sflag:s28], $0x2800  }
0x138: {  	[sflag:s28] =	ssyncset.done $0x0  }
0x139: {  	s9 =	sadd.s32 $0x14900, s5;
	[sflag:s28] =	ssyncadd.s32 $0xFFFFD800  }
0x13a: {  	[spmem:s1] =	stream.indirect.scatter.add.f32 [tilespmem:s25], [sflag:$0x3], $0x80, s9, s23, $0xb8;
	[tilespmem:$0x1A880] =	vst v63  }
0x13b: {  	_ =	swait.ge [sflag:s20], $0x2800  }
0x13c: {  	[sflag:s20] =	ssyncset.done $0x0  }
0x13d: {  	[sflag:s20] =	ssyncadd.s32 $0xFFFFD800  }
0x13e: {  	_ =	swait.ge [sflag:s26], $0x2800  }
0x13f: {  	[sflag:s26] =	ssyncset.done $0x0  }
0x140: {  	s10 =	simm.s32 $0x15680;
	[sflag:s26] =	ssyncadd.s32 $0xFFFFD800  }
0x141: {  	[spmem:s1] =	stream.indirect.scatter.add.f32 [tilespmem:s24], [sflag:$0x3], $0x80, s10, s23, $0xb8;
	[tilespmem:$0x1A880] =	vst v63  }
0x142: {  	_ =	swait.ge [sflag:s20], $0x2800  }
0x143: {  	[sflag:s20] =	ssyncset.done $0x0  }
0x144: {  	[sflag:s20] =	ssyncadd.s32 $0xFFFFD800  }
0x145: {  	[bflag:$0x0] =	sbarrier.arrive $0xFFFF  }
0x146: {  	[hbm:s17], [sflag:s6] =	dma.local [spmem:s2], $0x2700  }
0x147: {  	s0 =	sadd.s32 $0x1, s0;
	_ =	swait.ge [sflag:s20], $0x2700  }
0x148: {  	p1 =	sne.s32 s0, s19;
	[sflag:s20] =	ssyncset.done $0x0  }
.Ltmp4:
0x149: {  	s2 =	simm.s32 @!p0 $0x3;
	[sflag:s20] =	ssyncadd.s32 $0xFFFFD900;
	(pc) =	sbr.rel @p1 .LBB2_1-.Ltmp4, $4  }
0x14a: {  	[hbm:s18], [sflag:s6] =	dma.local @!p0 [spmem:s4], $0x100  }
0x14b: {  	_ =	swait.ge @!p0 [sflag:s2], $0x100  }
0x14c: {  	[sflag:s2] =	ssyncset.done @!p0 $0x0  }
0x14d: {  	[sflag:s2] =	ssyncadd.s32 @!p0 $0xFFFFFF00  }
0x14e: {  	_ =	sfence.sel $0x180000  }
0x14f: {  	[bflag:$0x0] =	sbarrier.arrive $0xFFFF  }
0x150: {  	_ =	strace $0x9000004A  }
0x151: {  	[bflag:$0x2] =	sbarrier.arrive $0xFFFF  }
0x152: {  	s0 =	rddreg [dreg:$0x2]  }
0x153: {  	s0 =	sadd.s32 @!p0 $0x100000, s0  }
0x154: {  	[sflag:s0] =	ssyncadd.tile.s32 @!p0 $0x1;
	_ =	shalt  }
.Lfunc_end2:
_tile_overlayer_lowered:
.L_overlay_start_2:
0x155: {  	(tag) =	ssettag $0x2  }
0x156: {  	s0 =	rddreg [dreg:$0x0];
	s2 =	stileid.u32  }
0x157: {  	s1 =	rddreg [dreg:$0x1];
	p0 =	sne.s32 s2, $0x0  }
0x158: {  	s3 =	rddreg [dreg:$0x2];
	[bflag:$0x3] =	sbarrier.arrive $0xFFFF;
	s2 =	simm.s32 @!p0 $0x1C03  }
0x159: {  	[timem:s3], [sflag:s2] =	dma.local @!p0 [hbm:s0], s1  }
0x15a: {  	s0 =	simm.s32 @!p0 $0x3  }
0x15b: {  	_ =	swait.ge @!p0 [sflag:s0], s1  }
0x15c: {  	s1 =	ssub.s32 @!p0 $0x0, s1;
	[sflag:s0] =	ssyncset.done @!p0 $0x0  }
0x15d: {  	[sflag:s0] =	ssyncadd.s32 @!p0 s1  }
0x15e: {  	[bflag:$0x3] =	sbarrier.arrive $0xFFFF  }
0x15f: {  	_ =	shalt  }

// kernel: kernel.19.cloned.1.call-start
scs
__scs_entry_jumppad:
0x0: {  	(pc) =	sbr.rel $0x88, $3  }
0x1: {  	(tag) =	ssettag $0x0;
	lr =	simm.s32 $0x1  }
0x2: {  	[smem:$0x3F82] =	sst lr;
	_ =	strace $0xD0000000  }
0x3: {  	_ = 	snop  }
0x4: {  	_ = 	snop  }
0x5: {  	_ = 	snop  }
0x6: {  	_ = 	snop  }
0x7: {  	_ = 	snop  }
__scs_overlays_trampoline_lowered:
0x8: {  	[smem:$0x3F91] =	sst s0  }
0x9: {  	[smem:$0x3F92] =	sst s1  }
0xa: {  	[smem:$0x3F93] =	sst s2  }
0xb: {  	[smem:$0x3F94] =	sst s3  }
0xc: {  	[smem:$0x3F95] =	sst s4  }
0xd: {  	[smem:$0x3F96] =	sst s5  }
0xe: {  	[smem:$0x3F97] =	sst s6  }
0xf: {  	[smem:$0x3F98] =	sst s7  }
0x10: {  	[smem:$0x3F99] =	sst s8  }
0x11: {  	[smem:$0x3F9A] =	sst s9;
	s0 =	simm.s32 @!p0 $0x0  }
0x12: {  	s1 =	sld [smem:$0x3F80];
	s0 =	simm.s32 @p0 $0x1  }
0x13: {  	[smem:$0x3F9B] =	sst s0;
	s0 =	simm.s32 @!p1 $0x0  }
0x14: {  	s2 =	sld [smem:$0x3F7F];
	s0 =	simm.s32 @p1 $0x1  }
0x15: {  	[smem:$0x3F9C] =	sst s0;
	s0 =	simm.s32 @!p2 $0x0  }
0x16: {  	s3 =	sld [smem:$0x3FDB];
	s0 =	simm.s32 @p2 $0x1  }
0x17: {  	s4 =	simm.s32 $0x1BF5;
	[smem:$0x3F9E] =	sst s0  }
0x18: {  	s0 =	sld [smem:$0x3F81];
	_ =	swait.ge [sflag:s4], $0x0  }
0x19: {  	s7 =	sld [smem:$0x3F82]  }
0x1a: {  	s8 =	sadd.s32 $0xFFFFE003, lr  }
0x1b: {  	s9 =	sadd.s32 $0xFFFFFEF7, lr;
	s5 =	simm.s32 $0xFFFFFFFF;
	p2 =	slt.u32 s8, $0xFFFFF086  }
0x1c: {  	p1 =	slt.u32 s9, $0xF7A;
	s5 =	simm.s32 @!p2 $0x0  }
0x1d: {  	s5 =	simm.s32 @p1 $0x1;
	p0 =	seq.s32 s7, s2  }
0x1e: {  	s7 =	smul.u32 @!p0 $0xF7A, s2;
	p2 =	seq.s32 @!p0 s5, $0x0  }
0x1f: {  	s9 =	smul.u32 $0xF7A, s1;
	s8 =	simm.s32 @!p0 $0x1BF5;
	p2 =	por !p2, p0  }
0x20: {  	[sflag:s8] =	ssyncset.s32 @!p0 $0xFFFFF086;
	s6 =	sadd.s32 @!p0 s3, s7;
	s7 =	simm.s32 @!p0 $0x108  }
0x21: {  	s3 =	sadd.s32 s3, s9;
	s6 =	sadd.s32 @!p0 $0x88, s6;
	s7 =	simm.s32 @p2 $0x1082  }
0x22: {  	[simem:s7], [sflag:s8] =	dma.local @!p0 [hbm:s6], $0xF7A  }
0x23: {  	s9 =	sor.u32 $0xD0000000, s2;
	s6 =	simm.s32 $0x108;
	_ =	swait.ge @!p0 [sflag:s8], $0x0  }
0x24: {  	s3 =	sadd.s32 $0x88, s3;
	s6 =	simm.s32 @!p1 $0x1082;
	[sflag:s4] =	ssyncset.s32 $0xFFFFF086  }
0x25: {  	[simem:s6], [sflag:s4] =	dma.local [hbm:s3], $0xF7A  }
0x26: {  	[smem:$0x3F82] =	sst s1;
	(tag) =	ssettag s2;
	_ =	strace s9  }
0x27: {  	s1 =	sld [smem:$0x3F92]  }
0x28: {  	s2 =	sld [smem:$0x3F93]  }
0x29: {  	s4 =	sld [smem:$0x3F95]  }
0x2a: {  	p0 =	seq.s32 s5, $0x0;
	s5 =	sld [smem:$0x3F96]  }
0x2b: {  	s6 =	sld [smem:$0x3F97]  }
0x2c: {  	s7 =	sld [smem:$0x3F98]  }
0x2d: {  	s3 =	simm.s32 $0x108;
	s8 =	sld [smem:$0x3F99]  }
0x2e: {  	s3 =	simm.s32 @!p0 $0x1082;
	s9 =	sld [smem:$0x3F9A]  }
0x2f: {  	lr =	sadd.s32 s0, s3;
	s0 =	sld [smem:$0x3F91]  }
0x30: {  	s3 =	sld [smem:$0x3F94]  }
0x31: {  	[smem:$0x3F9D] =	sst s10  }
0x32: {  	s10 =	sld [smem:$0x3F9B];
	_ =	sdelay $0x3  }
0x33: {  	p0 =	seq.s32 s10, $0x1;
	s10 =	sld [smem:$0x3F9D];
	_ =	sdelay $0x3  }
0x34: {  	[smem:$0x3F9D] =	sst s10  }
0x35: {  	s10 =	sld [smem:$0x3F9C];
	_ =	sdelay $0x3  }
0x36: {  	p1 =	seq.s32 s10, $0x1;
	s10 =	sld [smem:$0x3F9D];
	_ =	sdelay $0x3  }
0x37: {  	[smem:$0x3F9D] =	sst s10  }
0x38: {  	s10 =	sld [smem:$0x3F9E]  }
0x39: {  	_ = 	snop;
	(pc) =	sbr.ind lr, $3  }
0x3a: {  	_ = 	snop  }
0x3b: {  	_ = 	snop  }
0x3c: {  	p2 =	seq.s32 s10, $0x1;
	s10 =	sld [smem:$0x3F9D]  }
0x3d: {  	_ =	shalt  }
0x3e: {  	_ =	shalt  }
0x3f: {  	_ =	shalt  }
0x40: {  	_ =	shalt  }
0x41: {  	_ =	shalt  }
0x42: {  	_ =	shalt  }
0x43: {  	_ =	shalt  }
0x44: {  	_ =	shalt  }
0x45: {  	_ =	shalt  }
0x46: {  	_ =	shalt  }
0x47: {  	_ =	shalt  }
0x48: {  	_ =	shalt  }
0x49: {  	_ =	shalt  }
0x4a: {  	_ =	shalt  }
0x4b: {  	_ =	shalt  }
0x4c: {  	_ =	shalt  }
0x4d: {  	_ =	shalt  }
0x4e: {  	_ =	shalt  }
0x4f: {  	_ =	shalt  }
0x50: {  	_ =	shalt  }
0x51: {  	_ =	shalt  }
0x52: {  	_ =	shalt  }
0x53: {  	_ =	shalt  }
0x54: {  	_ =	shalt  }
0x55: {  	_ =	shalt  }
0x56: {  	_ =	shalt  }
0x57: {  	_ =	shalt  }
0x58: {  	_ =	shalt  }
0x59: {  	_ =	shalt  }
0x5a: {  	_ =	shalt  }
0x5b: {  	_ =	shalt  }
0x5c: {  	_ =	shalt  }
0x5d: {  	_ =	shalt  }
0x5e: {  	_ =	shalt  }
0x5f: {  	_ =	shalt  }
0x60: {  	_ =	shalt  }
0x61: {  	_ =	shalt  }
0x62: {  	_ =	shalt  }
0x63: {  	_ =	shalt  }
0x64: {  	_ =	shalt  }
0x65: {  	_ =	shalt  }
0x66: {  	_ =	shalt  }
0x67: {  	_ =	shalt  }
0x68: {  	_ =	shalt  }
0x69: {  	_ =	shalt  }
0x6a: {  	_ =	shalt  }
0x6b: {  	_ =	shalt  }
0x6c: {  	_ =	shalt  }
0x6d: {  	_ =	shalt  }
0x6e: {  	_ =	shalt  }
0x6f: {  	_ =	shalt  }
0x70: {  	_ =	shalt  }
0x71: {  	_ =	shalt  }
0x72: {  	_ =	shalt  }
0x73: {  	_ =	shalt  }
0x74: {  	_ =	shalt  }
0x75: {  	_ =	shalt  }
0x76: {  	_ =	shalt  }
0x77: {  	_ =	shalt  }
0x78: {  	_ =	shalt  }
0x79: {  	_ =	shalt  }
0x7a: {  	_ =	shalt  }
0x7b: {  	_ =	shalt  }
0x7c: {  	_ =	shalt  }
0x7d: {  	_ =	shalt  }
0x7e: {  	_ =	shalt  }
0x7f: {  	_ =	shalt  }
0x80: {  	_ =	shalt  }
0x81: {  	_ =	shalt  }
0x82: {  	_ =	shalt  }
0x83: {  	_ =	shalt  }
0x84: {  	_ =	shalt  }
0x85: {  	_ =	shalt  }
0x86: {  	_ =	shalt  }
0x87: {  	_ =	shalt  }
.Lfunc_end0:
.L_simem_size_0:
called_computation.2_lowered:
.L_overlay_start_0:
0x88: {  	s2 =	sld [smem:$0x3FD9]  }
0x89: {  	s3 =	sld [smem:$0x3FFE];
	_ =	sdelay $0x1  }
0x8a: {  	s1 =	srdreg.scid  }
0x8b: {  	s0 =	sand.u32 $0x1, s1  }
0x8c: {  	s16 =	sshll.u32 s0, $0xA;
	s2 =	sadd.s32 s3, s2  }
0x8d: {  	s2 =	sadd.s32 s2, s16  }
0x8e: {  	[smem:$0x3FA9] =	sst s2  }
0x8f: {  	_ = 	snop  }
0x90: {  	(tm) =	ssettm $0x1  }
0x91: {  	s17 =	sld [smem:$0x3FFB];
	_ =	sdelay $0x3  }
0x92: {  	_ =	strace s17  }
0x93: {  	s2 =	sld [smem:$0x3FFC];
	_ =	sdelay $0x3  }
0x94: {  	_ =	strace s2  }
0x95: {  	s2 =	sld [smem:$0x3FFD];
	_ =	sdelay $0x3  }
0x96: {  	_ =	strace s2  }
0x97: {  	_ =	strace $0x8FFFFFFF  }
0x98: {  	s18 =	sld [smem:$0x3FDB];
	_ =	sdelay $0x1  }
0x99: {  	s19 =	simm.s32 $_scs_section_size  }
0x9a: {  	s4 =	simm.s32 $_size__tile_overlayer_lowered;
	s5 =	simm.s32 $_tile_overlayer_lowered  }
0x9b: {  	s22 =	simm.s32 $0x1BFF;
	s21 =	sshll.u32 s5, $0x1;
	s2 =	sadd.s32 s19, s18  }
0x9c: {  	s6 =	simm.s32 $0x0;
	s20 =	sshll.u32 s4, $0x1;
	s4 =	sadd.s32 s21, s2  }
0x9d: {  	[timem:s6], [sflag:s22] =	dma.local [hbm:s4], s20  }
0x9e: {  	_ =	swait.ge [sflag:s22], s20  }
0x9f: {  	s3 =	ssub.s32 $0x0, s20;
	[sflag:s22] =	ssyncset.done $0x0  }
0xa0: {  	[sflag:s22] =	ssyncadd.s32 s3;
	_ =	sdelay $0x1  }
0xa1: {  	s23 =	simm.s32 $0x1B8B  }
0xa2: {  	_ =	swait.ge [sflag:s23], $0x1  }
0xa3: {  	[sflag:s23] =	ssyncset.done $0x0  }
0xa4: {  	s25 =	simm.s32 $0x1B8E;
	s24 =	sld [smem:$0x3FFE];
	[sflag:s23] =	ssyncadd.s32 $0xFFFFFFFF  }
0xa5: {  	s26 =	simm.s32 $execute0_lowered;
	[smem:$0x3FD2] =	sst s25  }
0xa6: {  	s4 =	sshll.u32 s26, $0x1;
	_ =	strace $0x8000004C;
	[dreg:$0x1] =	wrdreg $0xFFFFFFFF  }
0xa7: {  	s28 =	simm.s32 $_size_execute0_lowered;
	s2 =	sadd.s32 s2, s4;
	[dreg:$0x0] =	wrdreg $0x0  }
0xa8: {  	s4 =	sshll.u32 s28, $0x1;
	[dreg:$0x2] =	wrdreg s2  }
0xa9: {  	[dreg:$0x3] =	wrdreg s4  }
0xaa: {  	[dreg:$0x4] =	wrdreg $0xC0  }
0xab: {  	_ =	task [dreg:s6], $0x5FFFF  }
0xac: {  	[dreg:$0x1] =	wrdreg $0xFFFFFFFF  }
0xad: {  	[dreg:$0x0] =	wrdreg $0x60  }
0xae: {  	[dreg:$0x2] =	wrdreg s24  }
0xaf: {  	[dreg:$0x3] =	wrdreg $0x0  }
0xb0: {  	[dreg:$0x4] =	wrdreg $0x9  }
0xb1: {  	_ =	task.clear_ibuf [dreg:s6], $0x5FFFF;
	_ =	strace $0x9000004C  }
0xb2: {  	s29 =	simm.s32 $0x9;
	_ =	strace $0x8000004E  }
0xb3: {  	_ =	swait.ge [sflag:s29], $0x1  }
0xb4: {  	[sflag:s29] =	ssyncadd.s32 $0xFFFFFFFF  }
0xb5: {  	_ =	strace $0x9000004E  }
0xb6: {  	_ =	sfence  }
0xb7: {  	s30 =	sld [smem:$0x0];
	_ =	sdelay $0x2  }
0xb8: {  	s31 =	sshll.u32 s1, $0xD;
	s1 =	sshrl.u32 s1, $0x2  }
0xb9: {  	s3 =	sand.u32 $0x4000, s31;
	s1 =	sadd.s32 s1, s30  }
0xba: {  	s0 =	sor.u32 s3, s0;
	s1 =	sshll.u32 s1, $0x11  }
0xbb: {  	s0 =	sor.u32 s1, s0  }
0xbc: {  	s0 =	sadd.s32 $0x8F2B, s0  }
0xbd: {  	[sflag:s0] =	ssyncadd.remote.s32 $0x1  }
0xbe: {  	_ =	sfence.sel $0xFFFF  }
0xbf: {  	[dreg:$0x0] =	wrdreg $0xFFFFFFFF;
	(pc) =	sbr.abs _section_cstart, $3  }
0xc0: {  	[dreg:$0x1] =	wrdreg $0xFFFFFFFF  }
0xc1: {  	_ =	task.clear_ibuf [dreg:s6], $0x2FFFF;
	_ =	strace $0x9FFFFFFF  }
0xc2: {  	(tm) =	ssettm $0x7FFFFFFF  }
0xc3: {  	_ =	shalt  }
tec
execute0_lowered:
.L_overlay_start_1:
0x0: {  	(tag) =	ssettag $0x1  }
0x1: {  	s0 =	rddreg [dreg:$0x0]  }
0x2: {  	s1 =	rddreg [dreg:$0x1];
	s2 =	simm.s32 $0x0  }
0x3: {  	s13 =	srdreg.scid;
	s4 =	stileid.u32;
	s28 =	simm.s32 $0x2  }
0x4: {  	s29 =	simm.s32 $0x14800;
	s30 =	simm.s32 $0x15780;
	s31 =	simm.s32 $0x15800  }
0x5: {  	[smem:$0x7FF] =	sst s2;
	s3 =	sadd.s32 $0x25C00, s0;
	s5 =	smul.u32 $0x4E000, s4  }
0x6: {  	s2 =	sand.u32 $0x1, s13;
	s7 =	sadd.s32 $0x5C00, s0;
	s15 =	smul.u32 $0x13800, s4  }
0x7: {  	s16 =	sadd.s32 $0x15C00, s0;
	s17 =	sadd.s32 $0x4CE00, s0;
	s20 =	sshll.u32 s4, $0x6  }
0x8: {  	s9 =	sshll.u32 s4, $0xB;
	s22 =	sadd.s32 $0x138000, s1;
	s0 =	sadd.s32 $0x4CC00, s0  }
0x9: {  	p0 =	sne.s32 s4, $0x0;
	_ =	strace $0x8000004D;
	[dreg:$0x5] =	wrdreg s22  }
0xa: {  	s6 =	ssub.s32 $0x2, s2;
	s21 =	sshll.u32 s2, $0xF;
	[dreg:$0x6] =	wrdreg s0  }
0xb: {  	s2 =	smul.u32 $0x138800, s2;
	s22 =	simm.s32 $0x14880;
	s8 =	sshrl.u32 s6, $0x1  }
0xc: {  	s5 =	sshrl.u32 s5, $0x2;
	s14 =	sshrl.u32 s15, $0x3;
	s23 =	sor.u32 s9, s21  }
0xd: {  	s21 =	simm.s32 $0x13880;
	s19 =	ssub.s32 s6, s8;
	s5 =	sadd.s32 s5, s1  }
0xe: {  	s18 =	sadd.s32 s3, s14;
	s6 =	sor.u32 $0x1C03, s20;
	s24 =	sadd.s32 s16, s23  }
0xf: {  	s25 =	sor.u32 $0x200, s23;
	s14 =	sor.u32 $0x400, s23;
	s0 =	sor.u32 $0x600, s23  }
0x10: {  	s26 =	sadd.s32 s15, s2;
	s2 =	sshrl.u32 s2, $0x3;
	[dreg:$0x3] =	wrdreg s5  }
0x11: {  	s20 =	simm.s32 $0x3;
	[dreg:$0x4] =	wrdreg s18;
	s5 =	sadd.s32 s7, s23  }
0x12: {  	[dreg:$0x8] =	wrdreg s24;
	s11 =	sadd.s32 s7, s25;
	s12 =	sadd.s32 s16, s25  }
0x13: {  	s13 =	sadd.s32 s7, s14;
	s14 =	sadd.s32 s16, s14;
	s15 =	sadd.s32 s7, s0  }
0x14: {  	s2 =	sadd.s32 s17, s2;
	s16 =	sadd.s32 s16, s0;
	s19 =	smax.u32 s19, $0x1  }
0x15: {  	s23 =	simm.s32 $0x50;
	s24 =	simm.s32 $0x15880;
	s25 =	simm.s32 $0x18080  }
0x16: {  	s0 =	simm.s32 $0x0;
	[dreg:$0x7] =	wrdreg s5;
	s5 =	sshrl.u32 s26, $0x3  }
0x17: {  	s18 =	sadd.s32 $0x27000, s2;
	s26 =	simm.s32 $0x1;
	s17 =	sadd.s32 s17, s5  }
.LBB2_1:
0x18: {  	s2 =	rddreg [dreg:$0x3]  }
0x19: {  	s4 =	rddreg [dreg:$0x4];
	s2 =	sshrl.u32 s2, $0x3  }
0x1a: {  	[spmem:s2], [sflag:s6] =	dma.local [hbm:s4], $0x2700  }
0x1b: {  	_ =	swait.ge [sflag:s20], $0x2700  }
0x1c: {  	[sflag:s20] =	ssyncset.done $0x0;
	s4 =	rddreg [dreg:$0x5]  }
0x1d: {  	s5 =	rddreg [dreg:$0x6];
	[sflag:s20] =	ssyncadd.s32 $0xFFFFD900;
	s4 =	sshrl.u32 @!p0 s4, $0x3  }
0x1e: {  	[spmem:s4], [sflag:s6] =	dma.local @!p0 [hbm:s5], $0x100  }
0x1f: {  	s5 =	simm.s32 @!p0 $0x3  }
0x20: {  	_ =	swait.ge @!p0 [sflag:s5], $0x100  }
0x21: {  	[sflag:s5] =	ssyncset.done @!p0 $0x0  }
0x22: {  	[sflag:s5] =	ssyncadd.s32 @!p0 $0xFFFFFF00  }
0x23: {  	[bflag:$0x0] =	sbarrier.arrive $0xFFFF  }
0x24: {  	s9 =	simm.s32 $0x0;
	s7 =	rddreg [dreg:$0x7]  }
0x25: {  	[tilespmem:s21], [sflag:$0x3] =	stream.linear.gather [hbm4b:s7+s9], $0x1000, $0x38;
	[tilespmem:$0x1A880] =	vst v63  }
0x26: {  	_ =	swait.ge [sflag:s20], $0x1000  }
0x27: {  	[sflag:s20] =	ssyncset.done $0x0  }
0x28: {  	s10 =	rddreg [dreg:$0x8];
	[sflag:s20] =	ssyncadd.s32 $0xFFFFF000  }
0x29: {  	[tilespmem:s22], [sflag:$0x3] =	stream.linear.gather [hbm4b:s10+s9], $0x1000, $0x38;
	[tilespmem:$0x1A880] =	vst v63  }
0x2a: {  	_ =	swait.ge [sflag:s20], $0x1000  }
0x2b: {  	[sflag:s20] =	ssyncset.done $0x0  }
0x2c: {  	[sflag:s20] =	ssyncadd.s32 $0xFFFFF000  }
0x2d: {  	[tilespmem:s24], [sflag:$0x1] =	stream.indirect.gather [hbm4b:s3+s23], $0x80, s21, s23, $0xb8;
	[tilespmem:$0x1A880] =	vst v63  }
0x2e: {  	s7 =	simm.s32 $0x13900  }
0x2f: {  	[tilespmem:s25], [sflag:$0x2] =	stream.indirect.gather [hbm4b:s3+s23], $0x80, s7, s23, $0xb8;
	[tilespmem:$0x1A880] =	vst v63  }
0x30: {  	_ =	swait.ge [sflag:s26], $0x2800  }
0x31: {  	[sflag:s26] =	ssyncset.done $0x0  }
0x32: {  	s8 =	simm.s32 $0x14880;
	[sflag:s26] =	ssyncadd.s32 $0xFFFFD800  }
0x33: {  	[spmem:s1] =	stream.indirect.scatter.add.f32 [tilespmem:s24], [sflag:$0x3], $0x80, s8, s23, $0xb8;
	[tilespmem:$0x1A880] =	vst v63  }
0x34: {  	_ =	swait.ge [sflag:s20], $0x2800  }
0x35: {  	[sflag:s20] =	ssyncset.done $0x0  }
0x36: {  	s9 =	simm.s32 $0x13980;
	[sflag:s20] =	ssyncadd.s32 $0xFFFFD800  }
0x37: {  	[tilespmem:s24], [sflag:$0x1] =	stream.indirect.gather [hbm4b:s3+s23], $0x80, s9, s23, $0xb8;
	[tilespmem:$0x1A880] =	vst v63  }
0x38: {  	_ =	swait.ge [sflag:s28], $0x2800  }
0x39: {  	[sflag:s28] =	ssyncset.done $0x0  }
0x3a: {  	s10 =	simm.s32 $0x14900;
	[sflag:s28] =	ssyncadd.s32 $0xFFFFD800  }
0x3b: {  	[spmem:s1] =	stream.indirect.scatter.add.f32 [tilespmem:s25], [sflag:$0x3], $0x80, s10, s23, $0xb8;
	[tilespmem:$0x1A880] =	vst v63  }
0x3c: {  	_ =	swait.ge [sflag:s20], $0x2800  }
0x3d: {  	s5 =	simm.s32 $0x100;
	s7 =	simm.s32 $0x800;
	[sflag:s20] =	ssyncset.done $0x0  }
.LBB2_2:
0x3e: {  	s8 =	sadd.s32 $0x13900, s5  }
0x3f: {  	[sflag:s20] =	ssyncadd.s32 $0xFFFFD800;
	s9 =	smov.u32 s7;
	s10 =	sadd.s32 $0x400, s7  }
0x40: {  	[tilespmem:s25], [sflag:$0x2] =	stream.indirect.gather [hbm4b:s3+s23], $0x80, s8, s23, $0xb8;
	[tilespmem:$0x1A880] =	vst v63  }
0x41: {  	p1 =	sne.s32 s7, $0x3800;
	_ =	swait.ge [sflag:s26], $0x2800  }
0x42: {  	[sflag:s26] =	ssyncset.done $0x0  }
0x43: {  	s7 =	sadd.s32 $0x14880, s5;
	[sflag:s26] =	ssyncadd.s32 $0xFFFFD800  }
0x44: {  	[spmem:s1] =	stream.indirect.scatter.add.f32 [tilespmem:s24], [sflag:$0x3], $0x80, s7, s23, $0xb8;
	[tilespmem:$0x1A880] =	vst v63  }
0x45: {  	_ =	swait.ge [sflag:s20], $0x2800  }
0x46: {  	[sflag:s20] =	ssyncset.done $0x0  }
0x47: {  	s7 =	sadd.s32 $0x13980, s5;
	[sflag:s20] =	ssyncadd.s32 $0xFFFFD800  }
0x48: {  	[tilespmem:s24], [sflag:$0x1] =	stream.indirect.gather [hbm4b:s3+s23], $0x80, s7, s23, $0xb8;
	[tilespmem:$0x1A880] =	vst v63  }
0x49: {  	_ =	swait.ge [sflag:s28], $0x2800  }
.Ltmp0:
0x4a: {  	[sflag:s28] =	ssyncset.done $0x0;
	(pc) =	sbr.rel @p1 .LBB2_2-.Ltmp0, $4  }
0x4b: {  	s5 =	sadd.s32 $0x14900, s5;
	[sflag:s28] =	ssyncadd.s32 $0xFFFFD800  }
0x4c: {  	[spmem:s1] =	stream.indirect.scatter.add.f32 [tilespmem:s25], [sflag:$0x3], $0x80, s5, s23, $0xb8;
	[tilespmem:$0x1A880] =	vst v63  }
0x4d: {  	_ =	swait.ge [sflag:s20], $0x2800  }
0x4e: {  	s7 =	smov.u32 s10;
	s5 =	sshra.s32 s9, $0x2;
	[sflag:s20] =	ssyncset.done $0x0  }
0x4f: {  	s7 =	sadd.s32 $0x13900, s5;
	[sflag:s20] =	ssyncadd.s32 $0xFFFFD800  }
0x50: {  	[tilespmem:s25], [sflag:$0x2] =	stream.indirect.gather [hbm4b:s3+s23], $0x80, s7, s23, $0xb8;
	[tilespmem:$0x1A880] =	vst v63  }
0x51: {  	_ =	swait.ge [sflag:s26], $0x2800  }
0x52: {  	[sflag:s26] =	ssyncset.done $0x0  }
0x53: {  	s10 =	sadd.s32 $0x14880, s5;
	[sflag:s26] =	ssyncadd.s32 $0xFFFFD800  }
0x54: {  	[spmem:s1] =	stream.indirect.scatter.add.f32 [tilespmem:s24], [sflag:$0x3], $0x80, s10, s23, $0xb8;
	[tilespmem:$0x1A880] =	vst v63  }
0x55: {  	_ =	swait.ge [sflag:s20], $0x2800  }
0x56: {  	[sflag:s20] =	ssyncset.done $0x0  }
0x57: {  	s8 =	sadd.s32 $0x13980, s5;
	[sflag:s20] =	ssyncadd.s32 $0xFFFFD800  }
0x58: {  	[tilespmem:s24], [sflag:$0x1] =	stream.indirect.gather [hbm4b:s3+s23], $0x80, s8, s23, $0xb8;
	[tilespmem:$0x1A880] =	vst v63  }
0x59: {  	_ =	swait.ge [sflag:s28], $0x2800  }
0x5a: {  	[sflag:s28] =	ssyncset.done $0x0  }
0x5b: {  	s9 =	sadd.s32 $0x14900, s5;
	[sflag:s28] =	ssyncadd.s32 $0xFFFFD800  }
0x5c: {  	[spmem:s1] =	stream.indirect.scatter.add.f32 [tilespmem:s25], [sflag:$0x3], $0x80, s9, s23, $0xb8;
	[tilespmem:$0x1A880] =	vst v63  }
0x5d: {  	_ =	swait.ge [sflag:s20], $0x2800  }
0x5e: {  	[sflag:s20] =	ssyncset.done $0x0  }
0x5f: {  	[sflag:s20] =	ssyncadd.s32 $0xFFFFD800  }
0x60: {  	[tilespmem:s25], [sflag:$0x2] =	stream.indirect.gather [hbm4b:s3+s23], $0x80, s29, s23, $0xb8;
	[tilespmem:$0x1A880] =	vst v63  }
0x61: {  	_ =	swait.ge [sflag:s26], $0x2800  }
0x62: {  	[sflag:s26] =	ssyncset.done $0x0  }
0x63: {  	[sflag:s26] =	ssyncadd.s32 $0xFFFFD800  }
0x64: {  	[spmem:s1] =	stream.indirect.scatter.add.f32 [tilespmem:s24], [sflag:$0x3], $0x80, s30, s23, $0xb8;
	[tilespmem:$0x1A880] =	vst v63  }
0x65: {  	_ =	swait.ge [sflag:s20], $0x2800  }
0x66: {  	[sflag:s20] =	ssyncset.done $0x0  }
0x67: {  	[sflag:s20] =	ssyncadd.s32 $0xFFFFD800  }
0x68: {  	_ =	swait.ge [sflag:s28], $0x2800  }
0x69: {  	[sflag:s28] =	ssyncset.done $0x0  }
0x6a: {  	[sflag:s28] =	ssyncadd.s32 $0xFFFFD800  }
0x6b: {  	[spmem:s1] =	stream.indirect.scatter.add.f32 [tilespmem:s25], [sflag:$0x3], $0x80, s31, s23, $0xb8;
	[tilespmem:$0x1A880] =	vst v63  }
0x6c: {  	_ =	swait.ge [sflag:s20], $0x2800  }
0x6d: {  	[sflag:s20] =	ssyncset.done $0x0  }
0x6e: {  	s10 =	simm.s32 $0x0;
	[sflag:s20] =	ssyncadd.s32 $0xFFFFD800  }
0x6f: {  	[tilespmem:s21], [sflag:$0x3] =	stream.linear.gather [hbm4b:s11+s10], $0x1000, $0x38;
	[tilespmem:$0x1A880] =	vst v63  }
0x70: {  	_ =	swait.ge [sflag:s20], $0x1000  }
0x71: {  	[sflag:s20] =	ssyncset.done $0x0  }
0x72: {  	[sflag:s20] =	ssyncadd.s32 $0xFFFFF000  }
0x73: {  	[tilespmem:s22], [sflag:$0x3] =	stream.linear.gather [hbm4b:s12+s10], $0x1000, $0x38;
	[tilespmem:$0x1A880] =	vst v63  }
0x74: {  	_ =	swait.ge [sflag:s20], $0x1000  }
0x75: {  	[sflag:s20] =	ssyncset.done $0x0  }
0x76: {  	[sflag:s20] =	ssyncadd.s32 $0xFFFFF000  }
0x77: {  	[tilespmem:s24], [sflag:$0x1] =	stream.indirect.gather [hbm4b:s3+s23], $0x80, s21, s23, $0xb8;
	[tilespmem:$0x1A880] =	vst v63  }
0x78: {  	s7 =	simm.s32 $0x13900  }
0x79: {  	[tilespmem:s25], [sflag:$0x2] =	stream.indirect.gather [hbm4b:s3+s23], $0x80, s7, s23, $0xb8;
	[tilespmem:$0x1A880] =	vst v63  }
0x7a: {  	_ =	swait.ge [sflag:s26], $0x2800  }
0x7b: {  	[sflag:s26] =	ssyncset.done $0x0  }
0x7c: {  	s8 =	simm.s32 $0x14880;
	[sflag:s26] =	ssyncadd.s32 $0xFFFFD800  }
0x7d: {  	[spmem:s1] =	stream.indirect.scatter.add.f32 [tilespmem:s24], [sflag:$0x3], $0x80, s8, s23, $0xb8;
	[tilespmem:$0x1A880] =	vst v63  }
0x7e: {  	_ =	swait.ge [sflag:s20], $0x2800  }
0x7f: {  	[sflag:s20] =	ssyncset.done $0x0  }
0x80: {  	s9 =	simm.s32 $0x13980;
	[sflag:s20] =	ssyncadd.s32 $0xFFFFD800  }
0x81: {  	[tilespmem:s24], [sflag:$0x1] =	stream.indirect.gather [hbm4b:s3+s23], $0x80, s9, s23, $0xb8;
	[tilespmem:$0x1A880] =	vst v63  }
0x82: {  	_ =	swait.ge [sflag:s28], $0x2800  }
0x83: {  	[sflag:s28] =	ssyncset.done $0x0  }
0x84: {  	s10 =	simm.s32 $0x14900;
	[sflag:s28] =	ssyncadd.s32 $0xFFFFD800  }
0x85: {  	[spmem:s1] =	stream.indirect.scatter.add.f32 [tilespmem:s25], [sflag:$0x3], $0x80, s10, s23, $0xb8;
	[tilespmem:$0x1A880] =	vst v63  }
0x86: {  	_ =	swait.ge [sflag:s20], $0x2800  }
0x87: {  	s5 =	simm.s32 $0x100;
	s7 =	simm.s32 $0x800;
	[sflag:s20] =	ssyncset.done $0x0  }
.LBB2_4:
0x88: {  	s8 =	sadd.s32 $0x13900, s5  }
0x89: {  	[sflag:s20] =	ssyncadd.s32 $0xFFFFD800;
	s9 =	smov.u32 s7;
	s10 =	sadd.s32 $0x400, s7  }
0x8a: {  	[tilespmem:s25], [sflag:$0x2] =	stream.indirect.gather [hbm4b:s3+s23], $0x80, s8, s23, $0xb8;
	[tilespmem:$0x1A880] =	vst v63  }
0x8b: {  	p1 =	sne.s32 s7, $0x3800;
	_ =	swait.ge [sflag:s26], $0x2800  }
0x8c: {  	[sflag:s26] =	ssyncset.done $0x0  }
0x8d: {  	s7 =	sadd.s32 $0x14880, s5;
	[sflag:s26] =	ssyncadd.s32 $0xFFFFD800  }
0x8e: {  	[spmem:s1] =	stream.indirect.scatter.add.f32 [tilespmem:s24], [sflag:$0x3], $0x80, s7, s23, $0xb8;
	[tilespmem:$0x1A880] =	vst v63  }
0x8f: {  	_ =	swait.ge [sflag:s20], $0x2800  }
0x90: {  	[sflag:s20] =	ssyncset.done $0x0  }
0x91: {  	s7 =	sadd.s32 $0x13980, s5;
	[sflag:s20] =	ssyncadd.s32 $0xFFFFD800  }
0x92: {  	[tilespmem:s24], [sflag:$0x1] =	stream.indirect.gather [hbm4b:s3+s23], $0x80, s7, s23, $0xb8;
	[tilespmem:$0x1A880] =	vst v63  }
0x93: {  	_ =	swait.ge [sflag:s28], $0x2800  }
.Ltmp1:
0x94: {  	[sflag:s28] =	ssyncset.done $0x0;
	(pc) =	sbr.rel @p1 .LBB2_4-.Ltmp1, $4  }
0x95: {  	s5 =	sadd.s32 $0x14900, s5;
	[sflag:s28] =	ssyncadd.s32 $0xFFFFD800  }
0x96: {  	[spmem:s1] =	stream.indirect.scatter.add.f32 [tilespmem:s25], [sflag:$0x3], $0x80, s5, s23, $0xb8;
	[tilespmem:$0x1A880] =	vst v63  }
0x97: {  	_ =	swait.ge [sflag:s20], $0x2800  }
0x98: {  	s7 =	smov.u32 s10;
	s5 =	sshra.s32 s9, $0x2;
	[sflag:s20] =	ssyncset.done $0x0  }
0x99: {  	s7 =	sadd.s32 $0x13900, s5;
	[sflag:s20] =	ssyncadd.s32 $0xFFFFD800  }
0x9a: {  	[tilespmem:s25], [sflag:$0x2] =	stream.indirect.gather [hbm4b:s3+s23], $0x80, s7, s23, $0xb8;
	[tilespmem:$0x1A880] =	vst v63  }
0x9b: {  	_ =	swait.ge [sflag:s26], $0x2800  }
0x9c: {  	[sflag:s26] =	ssyncset.done $0x0  }
0x9d: {  	s10 =	sadd.s32 $0x14880, s5;
	[sflag:s26] =	ssyncadd.s32 $0xFFFFD800  }
0x9e: {  	[spmem:s1] =	stream.indirect.scatter.add.f32 [tilespmem:s24], [sflag:$0x3], $0x80, s10, s23, $0xb8;
	[tilespmem:$0x1A880] =	vst v63  }
0x9f: {  	_ =	swait.ge [sflag:s20], $0x2800  }
0xa0: {  	[sflag:s20] =	ssyncset.done $0x0  }
0xa1: {  	s8 =	sadd.s32 $0x13980, s5;
	[sflag:s20] =	ssyncadd.s32 $0xFFFFD800  }
0xa2: {  	[tilespmem:s24], [sflag:$0x1] =	stream.indirect.gather [hbm4b:s3+s23], $0x80, s8, s23, $0xb8;
	[tilespmem:$0x1A880] =	vst v63  }
0xa3: {  	_ =	swait.ge [sflag:s28], $0x2800  }
0xa4: {  	[sflag:s28] =	ssyncset.done $0x0  }
0xa5: {  	s9 =	sadd.s32 $0x14900, s5;
	[sflag:s28] =	ssyncadd.s32 $0xFFFFD800  }
0xa6: {  	[spmem:s1] =	stream.indirect.scatter.add.f32 [tilespmem:s25], [sflag:$0x3], $0x80, s9, s23, $0xb8;
	[tilespmem:$0x1A880] =	vst v63  }
0xa7: {  	_ =	swait.ge [sflag:s20], $0x2800  }
0xa8: {  	[sflag:s20] =	ssyncset.done $0x0  }
0xa9: {  	[sflag:s20] =	ssyncadd.s32 $0xFFFFD800  }
0xaa: {  	[tilespmem:s25], [sflag:$0x2] =	stream.indirect.gather [hbm4b:s3+s23], $0x80, s29, s23, $0xb8;
	[tilespmem:$0x1A880] =	vst v63  }
0xab: {  	_ =	swait.ge [sflag:s26], $0x2800  }
0xac: {  	[sflag:s26] =	ssyncset.done $0x0  }
0xad: {  	[sflag:s26] =	ssyncadd.s32 $0xFFFFD800  }
0xae: {  	[spmem:s1] =	stream.indirect.scatter.add.f32 [tilespmem:s24], [sflag:$0x3], $0x80, s30, s23, $0xb8;
	[tilespmem:$0x1A880] =	vst v63  }
0xaf: {  	_ =	swait.ge [sflag:s20], $0x2800  }
0xb0: {  	[sflag:s20] =	ssyncset.done $0x0  }
0xb1: {  	[sflag:s20] =	ssyncadd.s32 $0xFFFFD800  }
0xb2: {  	_ =	swait.ge [sflag:s28], $0x2800  }
0xb3: {  	[sflag:s28] =	ssyncset.done $0x0  }
0xb4: {  	[sflag:s28] =	ssyncadd.s32 $0xFFFFD800  }
0xb5: {  	[spmem:s1] =	stream.indirect.scatter.add.f32 [tilespmem:s25], [sflag:$0x3], $0x80, s31, s23, $0xb8;
	[tilespmem:$0x1A880] =	vst v63  }
0xb6: {  	_ =	swait.ge [sflag:s20], $0x2800  }
0xb7: {  	[sflag:s20] =	ssyncset.done $0x0  }
0xb8: {  	s10 =	simm.s32 $0x0;
	[sflag:s20] =	ssyncadd.s32 $0xFFFFD800  }
0xb9: {  	[tilespmem:s21], [sflag:$0x3] =	stream.linear.gather [hbm4b:s13+s10], $0x1000, $0x38;
	[tilespmem:$0x1A880] =	vst v63  }
0xba: {  	_ =	swait.ge [sflag:s20], $0x1000  }
0xbb: {  	[sflag:s20] =	ssyncset.done $0x0  }
0xbc: {  	[sflag:s20] =	ssyncadd.s32 $0xFFFFF000  }
0xbd: {  	[tilespmem:s22], [sflag:$0x3] =	stream.linear.gather [hbm4b:s14+s10], $0x1000, $0x38;
	[tilespmem:$0x1A880] =	vst v63  }
0xbe: {  	_ =	swait.ge [sflag:s20], $0x1000  }
0xbf: {  	[sflag:s20] =	ssyncset.done $0x0  }
0xc0: {  	[sflag:s20] =	ssyncadd.s32 $0xFFFFF000  }
0xc1: {  	[tilespmem:s24], [sflag:$0x1] =	stream.indirect.gather [hbm4b:s3+s23], $0x80, s21, s23, $0xb8;
	[tilespmem:$0x1A880] =	vst v63  }
0xc2: {  	s7 =	simm.s32 $0x13900  }
0xc3: {  	[tilespmem:s25], [sflag:$0x2] =	stream.indirect.gather [hbm4b:s3+s23], $0x80, s7, s23, $0xb8;
	[tilespmem:$0x1A880] =	vst v63  }
0xc4: {  	_ =	swait.ge [sflag:s26], $0x2800  }
0xc5: {  	[sflag:s26] =	ssyncset.done $0x0  }
0xc6: {  	s8 =	simm.s32 $0x14880;
	[sflag:s26] =	ssyncadd.s32 $0xFFFFD800  }
0xc7: {  	[spmem:s1] =	stream.indirect.scatter.add.f32 [tilespmem:s24], [sflag:$0x3], $0x80, s8, s23, $0xb8;
	[tilespmem:$0x1A880] =	vst v63  }
0xc8: {  	_ =	swait.ge [sflag:s20], $0x2800  }
0xc9: {  	[sflag:s20] =	ssyncset.done $0x0  }
0xca: {  	s9 =	simm.s32 $0x13980;
	[sflag:s20] =	ssyncadd.s32 $0xFFFFD800  }
0xcb: {  	[tilespmem:s24], [sflag:$0x1] =	stream.indirect.gather [hbm4b:s3+s23], $0x80, s9, s23, $0xb8;
	[tilespmem:$0x1A880] =	vst v63  }
0xcc: {  	_ =	swait.ge [sflag:s28], $0x2800  }
0xcd: {  	[sflag:s28] =	ssyncset.done $0x0  }
0xce: {  	s10 =	simm.s32 $0x14900;
	[sflag:s28] =	ssyncadd.s32 $0xFFFFD800  }
0xcf: {  	[spmem:s1] =	stream.indirect.scatter.add.f32 [tilespmem:s25], [sflag:$0x3], $0x80, s10, s23, $0xb8;
	[tilespmem:$0x1A880] =	vst v63  }
0xd0: {  	_ =	swait.ge [sflag:s20], $0x2800  }
0xd1: {  	s5 =	simm.s32 $0x100;
	s7 =	simm.s32 $0x800;
	[sflag:s20] =	ssyncset.done $0x0  }
.LBB2_6:
0xd2: {  	s8 =	sadd.s32 $0x13900, s5  }
0xd3: {  	[sflag:s20] =	ssyncadd.s32 $0xFFFFD800;
	s9 =	smov.u32 s7;
	s10 =	sadd.s32 $0x400, s7  }
0xd4: {  	[tilespmem:s25], [sflag:$0x2] =	stream.indirect.gather [hbm4b:s3+s23], $0x80, s8, s23, $0xb8;
	[tilespmem:$0x1A880] =	vst v63  }
0xd5: {  	p1 =	sne.s32 s7, $0x3800;
	_ =	swait.ge [sflag:s26], $0x2800  }
0xd6: {  	[sflag:s26] =	ssyncset.done $0x0  }
0xd7: {  	s7 =	sadd.s32 $0x14880, s5;
	[sflag:s26] =	ssyncadd.s32 $0xFFFFD800  }
0xd8: {  	[spmem:s1] =	stream.indirect.scatter.add.f32 [tilespmem:s24], [sflag:$0x3], $0x80, s7, s23, $0xb8;
	[tilespmem:$0x1A880] =	vst v63  }
0xd9: {  	_ =	swait.ge [sflag:s20], $0x2800  }
0xda: {  	[sflag:s20] =	ssyncset.done $0x0  }
0xdb: {  	s7 =	sadd.s32 $0x13980, s5;
	[sflag:s20] =	ssyncadd.s32 $0xFFFFD800  }
0xdc: {  	[tilespmem:s24], [sflag:$0x1] =	stream.indirect.gather [hbm4b:s3+s23], $0x80, s7, s23, $0xb8;
	[tilespmem:$0x1A880] =	vst v63  }
0xdd: {  	_ =	swait.ge [sflag:s28], $0x2800  }
.Ltmp2:
0xde: {  	[sflag:s28] =	ssyncset.done $0x0;
	(pc) =	sbr.rel @p1 .LBB2_6-.Ltmp2, $4  }
0xdf: {  	s5 =	sadd.s32 $0x14900, s5;
	[sflag:s28] =	ssyncadd.s32 $0xFFFFD800  }
0xe0: {  	[spmem:s1] =	stream.indirect.scatter.add.f32 [tilespmem:s25], [sflag:$0x3], $0x80, s5, s23, $0xb8;
	[tilespmem:$0x1A880] =	vst v63  }
0xe1: {  	_ =	swait.ge [sflag:s20], $0x2800  }
0xe2: {  	s7 =	smov.u32 s10;
	s5 =	sshra.s32 s9, $0x2;
	[sflag:s20] =	ssyncset.done $0x0  }
0xe3: {  	s7 =	sadd.s32 $0x13900, s5;
	[sflag:s20] =	ssyncadd.s32 $0xFFFFD800  }
0xe4: {  	[tilespmem:s25], [sflag:$0x2] =	stream.indirect.gather [hbm4b:s3+s23], $0x80, s7, s23, $0xb8;
	[tilespmem:$0x1A880] =	vst v63  }
0xe5: {  	_ =	swait.ge [sflag:s26], $0x2800  }
0xe6: {  	[sflag:s26] =	ssyncset.done $0x0  }
0xe7: {  	s10 =	sadd.s32 $0x14880, s5;
	[sflag:s26] =	ssyncadd.s32 $0xFFFFD800  }
0xe8: {  	[spmem:s1] =	stream.indirect.scatter.add.f32 [tilespmem:s24], [sflag:$0x3], $0x80, s10, s23, $0xb8;
	[tilespmem:$0x1A880] =	vst v63  }
0xe9: {  	_ =	swait.ge [sflag:s20], $0x2800  }
0xea: {  	[sflag:s20] =	ssyncset.done $0x0  }
0xeb: {  	s8 =	sadd.s32 $0x13980, s5;
	[sflag:s20] =	ssyncadd.s32 $0xFFFFD800  }
0xec: {  	[tilespmem:s24], [sflag:$0x1] =	stream.indirect.gather [hbm4b:s3+s23], $0x80, s8, s23, $0xb8;
	[tilespmem:$0x1A880] =	vst v63  }
0xed: {  	_ =	swait.ge [sflag:s28], $0x2800  }
0xee: {  	[sflag:s28] =	ssyncset.done $0x0  }
0xef: {  	s9 =	sadd.s32 $0x14900, s5;
	[sflag:s28] =	ssyncadd.s32 $0xFFFFD800  }
0xf0: {  	[spmem:s1] =	stream.indirect.scatter.add.f32 [tilespmem:s25], [sflag:$0x3], $0x80, s9, s23, $0xb8;
	[tilespmem:$0x1A880] =	vst v63  }
0xf1: {  	_ =	swait.ge [sflag:s20], $0x2800  }
0xf2: {  	[sflag:s20] =	ssyncset.done $0x0  }
0xf3: {  	[sflag:s20] =	ssyncadd.s32 $0xFFFFD800  }
0xf4: {  	[tilespmem:s25], [sflag:$0x2] =	stream.indirect.gather [hbm4b:s3+s23], $0x80, s29, s23, $0xb8;
	[tilespmem:$0x1A880] =	vst v63  }
0xf5: {  	_ =	swait.ge [sflag:s26], $0x2800  }
0xf6: {  	[sflag:s26] =	ssyncset.done $0x0  }
0xf7: {  	[sflag:s26] =	ssyncadd.s32 $0xFFFFD800  }
0xf8: {  	[spmem:s1] =	stream.indirect.scatter.add.f32 [tilespmem:s24], [sflag:$0x3], $0x80, s30, s23, $0xb8;
	[tilespmem:$0x1A880] =	vst v63  }
0xf9: {  	_ =	swait.ge [sflag:s20], $0x2800  }
0xfa: {  	[sflag:s20] =	ssyncset.done $0x0  }
0xfb: {  	[sflag:s20] =	ssyncadd.s32 $0xFFFFD800  }
0xfc: {  	_ =	swait.ge [sflag:s28], $0x2800  }
0xfd: {  	[sflag:s28] =	ssyncset.done $0x0  }
0xfe: {  	[sflag:s28] =	ssyncadd.s32 $0xFFFFD800  }
0xff: {  	[spmem:s1] =	stream.indirect.scatter.add.f32 [tilespmem:s25], [sflag:$0x3], $0x80, s31, s23, $0xb8;
	[tilespmem:$0x1A880] =	vst v63  }
0x100: {  	_ =	swait.ge [sflag:s20], $0x2800  }
0x101: {  	[sflag:s20] =	ssyncset.done $0x0  }
0x102: {  	s10 =	simm.s32 $0x0;
	[sflag:s20] =	ssyncadd.s32 $0xFFFFD800  }
0x103: {  	[tilespmem:s21], [sflag:$0x3] =	stream.linear.gather [hbm4b:s15+s10], $0xE80, $0x38;
	[tilespmem:$0x1A880] =	vst v63  }
0x104: {  	_ =	swait.ge [sflag:s20], $0xE80  }
0x105: {  	[sflag:s20] =	ssyncset.done $0x0  }
0x106: {  	[sflag:s20] =	ssyncadd.s32 $0xFFFFF180  }
0x107: {  	[tilespmem:s22], [sflag:$0x3] =	stream.linear.gather [hbm4b:s16+s10], $0xE80, $0x38;
	[tilespmem:$0x1A880] =	vst v63  }
0x108: {  	_ =	swait.ge [sflag:s20], $0xE80  }
0x109: {  	[sflag:s20] =	ssyncset.done $0x0  }
0x10a: {  	[sflag:s20] =	ssyncadd.s32 $0xFFFFF180  }
0x10b: {  	[tilespmem:s24], [sflag:$0x1] =	stream.indirect.gather [hbm4b:s3+s23], $0x80, s21, s23, $0xb8;
	[tilespmem:$0x1A880] =	vst v63  }
0x10c: {  	s7 =	simm.s32 $0x13900  }
0x10d: {  	[tilespmem:s25], [sflag:$0x2] =	stream.indirect.gather [hbm4b:s3+s23], $0x80, s7, s23, $0xb8;
	[tilespmem:$0x1A880] =	vst v63  }
0x10e: {  	_ =	swait.ge [sflag:s26], $0x2800  }
0x10f: {  	[sflag:s26] =	ssyncset.done $0x0  }
0x110: {  	s8 =	simm.s32 $0x14880;
	[sflag:s26] =	ssyncadd.s32 $0xFFFFD800  }
0x111: {  	[spmem:s1] =	stream.indirect.scatter.add.f32 [tilespmem:s24], [sflag:$0x3], $0x80, s8, s23, $0xb8;
	[tilespmem:$0x1A880] =	vst v63  }
0x112: {  	_ =	swait.ge [sflag:s20], $0x2800  }
0x113: {  	[sflag:s20] =	ssyncset.done $0x0  }
0x114: {  	s9 =	simm.s32 $0x13980;
	[sflag:s20] =	ssyncadd.s32 $0xFFFFD800  }
0x115: {  	[tilespmem:s24], [sflag:$0x1] =	stream.indirect.gather [hbm4b:s3+s23], $0x80, s9, s23, $0xb8;
	[tilespmem:$0x1A880] =	vst v63  }
0x116: {  	_ =	swait.ge [sflag:s28], $0x2800  }
0x117: {  	[sflag:s28] =	ssyncset.done $0x0  }
0x118: {  	s10 =	simm.s32 $0x14900;
	[sflag:s28] =	ssyncadd.s32 $0xFFFFD800  }
0x119: {  	[spmem:s1] =	stream.indirect.scatter.add.f32 [tilespmem:s25], [sflag:$0x3], $0x80, s10, s23, $0xb8;
	[tilespmem:$0x1A880] =	vst v63  }
0x11a: {  	_ =	swait.ge [sflag:s20], $0x2800  }
0x11b: {  	s5 =	simm.s32 $0x100;
	s7 =	simm.s32 $0x800;
	[sflag:s20] =	ssyncset.done $0x0  }
.LBB2_8:
0x11c: {  	s8 =	sadd.s32 $0x13900, s5  }
0x11d: {  	[sflag:s20] =	ssyncadd.s32 $0xFFFFD800;
	s9 =	smov.u32 s7;
	s10 =	sadd.s32 $0x400, s7  }
0x11e: {  	[tilespmem:s25], [sflag:$0x2] =	stream.indirect.gather [hbm4b:s3+s23], $0x80, s8, s23, $0xb8;
	[tilespmem:$0x1A880] =	vst v63  }
0x11f: {  	p1 =	sne.s32 s7, $0x3400;
	_ =	swait.ge [sflag:s26], $0x2800  }
0x120: {  	[sflag:s26] =	ssyncset.done $0x0  }
0x121: {  	s7 =	sadd.s32 $0x14880, s5;
	[sflag:s26] =	ssyncadd.s32 $0xFFFFD800  }
0x122: {  	[spmem:s1] =	stream.indirect.scatter.add.f32 [tilespmem:s24], [sflag:$0x3], $0x80, s7, s23, $0xb8;
	[tilespmem:$0x1A880] =	vst v63  }
0x123: {  	_ =	swait.ge [sflag:s20], $0x2800  }
0x124: {  	[sflag:s20] =	ssyncset.done $0x0  }
0x125: {  	s7 =	sadd.s32 $0x13980, s5;
	[sflag:s20] =	ssyncadd.s32 $0xFFFFD800  }
0x126: {  	[tilespmem:s24], [sflag:$0x1] =	stream.indirect.gather [hbm4b:s3+s23], $0x80, s7, s23, $0xb8;
	[tilespmem:$0x1A880] =	vst v63  }
0x127: {  	_ =	swait.ge [sflag:s28], $0x2800  }
.Ltmp3:
0x128: {  	[sflag:s28] =	ssyncset.done $0x0;
	(pc) =	sbr.rel @p1 .LBB2_8-.Ltmp3, $4  }
0x129: {  	s5 =	sadd.s32 $0x14900, s5;
	[sflag:s28] =	ssyncadd.s32 $0xFFFFD800  }
0x12a: {  	[spmem:s1] =	stream.indirect.scatter.add.f32 [tilespmem:s25], [sflag:$0x3], $0x80, s5, s23, $0xb8;
	[tilespmem:$0x1A880] =	vst v63  }
0x12b: {  	_ =	swait.ge [sflag:s20], $0x2800  }
0x12c: {  	s7 =	smov.u32 s10;
	s5 =	sshra.s32 s9, $0x2;
	[sflag:s20] =	ssyncset.done $0x0  }
0x12d: {  	s7 =	sadd.s32 $0x13900, s5;
	[sflag:s20] =	ssyncadd.s32 $0xFFFFD800  }
0x12e: {  	[tilespmem:s25], [sflag:$0x2] =	stream.indirect.gather [hbm4b:s3+s23], $0x80, s7, s23, $0xb8;
	[tilespmem:$0x1A880] =	vst v63  }
0x12f: {  	_ =	swait.ge [sflag:s26], $0x2800  }
0x130: {  	[sflag:s26] =	ssyncset.done $0x0  }
0x131: {  	s10 =	sadd.s32 $0x14880, s5;
	[sflag:s26] =	ssyncadd.s32 $0xFFFFD800  }
0x132: {  	[spmem:s1] =	stream.indirect.scatter.add.f32 [tilespmem:s24], [sflag:$0x3], $0x80, s10, s23, $0xb8;
	[tilespmem:$0x1A880] =	vst v63  }
0x133: {  	_ =	swait.ge [sflag:s20], $0x2800  }
0x134: {  	[sflag:s20] =	ssyncset.done $0x0  }
0x135: {  	s8 =	sadd.s32 $0x13980, s5;
	[sflag:s20] =	ssyncadd.s32 $0xFFFFD800  }
0x136: {  	[tilespmem:s24], [sflag:$0x1] =	stream.indirect.gather [hbm4b:s3+s23], $0x80, s8, s23, $0xb8;
	[tilespmem:$0x1A880] =	vst v63  }
0x137: {  	_ =	swait.ge [sflag:s28], $0x2800  }
0x138: {  	[sflag:s28] =	ssyncset.done $0x0  }
0x139: {  	s9 =	sadd.s32 $0x14900, s5;
	[sflag:s28] =	ssyncadd.s32 $0xFFFFD800  }
0x13a: {  	[spmem:s1] =	stream.indirect.scatter.add.f32 [tilespmem:s25], [sflag:$0x3], $0x80, s9, s23, $0xb8;
	[tilespmem:$0x1A880] =	vst v63  }
0x13b: {  	_ =	swait.ge [sflag:s20], $0x2800  }
0x13c: {  	[sflag:s20] =	ssyncset.done $0x0  }
0x13d: {  	[sflag:s20] =	ssyncadd.s32 $0xFFFFD800  }
0x13e: {  	_ =	swait.ge [sflag:s26], $0x2800  }
0x13f: {  	[sflag:s26] =	ssyncset.done $0x0  }
0x140: {  	s10 =	simm.s32 $0x15680;
	[sflag:s26] =	ssyncadd.s32 $0xFFFFD800  }
0x141: {  	[spmem:s1] =	stream.indirect.scatter.add.f32 [tilespmem:s24], [sflag:$0x3], $0x80, s10, s23, $0xb8;
	[tilespmem:$0x1A880] =	vst v63  }
0x142: {  	_ =	swait.ge [sflag:s20], $0x2800  }
0x143: {  	[sflag:s20] =	ssyncset.done $0x0  }
0x144: {  	[sflag:s20] =	ssyncadd.s32 $0xFFFFD800  }
0x145: {  	[bflag:$0x0] =	sbarrier.arrive $0xFFFF  }
0x146: {  	[hbm:s17], [sflag:s6] =	dma.local [spmem:s2], $0x2700  }
0x147: {  	s0 =	sadd.s32 $0x1, s0;
	_ =	swait.ge [sflag:s20], $0x2700  }
0x148: {  	p1 =	sne.s32 s0, s19;
	[sflag:s20] =	ssyncset.done $0x0  }
.Ltmp4:
0x149: {  	s2 =	simm.s32 @!p0 $0x3;
	[sflag:s20] =	ssyncadd.s32 $0xFFFFD900;
	(pc) =	sbr.rel @p1 .LBB2_1-.Ltmp4, $4  }
0x14a: {  	[hbm:s18], [sflag:s6] =	dma.local @!p0 [spmem:s4], $0x100  }
0x14b: {  	_ =	swait.ge @!p0 [sflag:s2], $0x100  }
0x14c: {  	[sflag:s2] =	ssyncset.done @!p0 $0x0  }
0x14d: {  	[sflag:s2] =	ssyncadd.s32 @!p0 $0xFFFFFF00  }
0x14e: {  	_ =	sfence.sel $0x180000  }
0x14f: {  	[bflag:$0x0] =	sbarrier.arrive $0xFFFF  }
0x150: {  	_ =	strace $0x9000004D  }
0x151: {  	[bflag:$0x2] =	sbarrier.arrive $0xFFFF  }
0x152: {  	s0 =	rddreg [dreg:$0x2]  }
0x153: {  	s0 =	sadd.s32 @!p0 $0x100000, s0  }
0x154: {  	[sflag:s0] =	ssyncadd.tile.s32 @!p0 $0x1;
	_ =	shalt  }
.Lfunc_end2:
_tile_overlayer_lowered:
.L_overlay_start_2:
0x155: {  	(tag) =	ssettag $0x2  }
0x156: {  	s0 =	rddreg [dreg:$0x0];
	s2 =	stileid.u32  }
0x157: {  	s1 =	rddreg [dreg:$0x1];
	p0 =	sne.s32 s2, $0x0  }
0x158: {  	s3 =	rddreg [dreg:$0x2];
	[bflag:$0x3] =	sbarrier.arrive $0xFFFF;
	s2 =	simm.s32 @!p0 $0x1C03  }
0x159: {  	[timem:s3], [sflag:s2] =	dma.local @!p0 [hbm:s0], s1  }
0x15a: {  	s0 =	simm.s32 @!p0 $0x3  }
0x15b: {  	_ =	swait.ge @!p0 [sflag:s0], s1  }
0x15c: {  	s1 =	ssub.s32 @!p0 $0x0, s1;
	[sflag:s0] =	ssyncset.done @!p0 $0x0  }
0x15d: {  	[sflag:s0] =	ssyncadd.s32 @!p0 s1  }
0x15e: {  	[bflag:$0x3] =	sbarrier.arrive $0xFFFF  }
0x15f: {  	_ =	shalt  }

</sc_bundles>
